<compile_context>
chip_gen: v7x
topology: tpu7x:2x2x1
jax: 0.10.2.dev20260603
libtpu: 0.0.44.dev20260713+nightly
codegen_flags: <defaults>
</compile_context>

<pallas_src>
import functools

import jax
import jax.numpy as jnp
from jax import lax
from jax.experimental import pallas as pl
from jax.experimental.pallas import tpu as pltpu
from jax.experimental.pallas import tpu_sc as plsc

SEQ = 8192
D = 4096
L = 16
NC = 2
NS = 16
NW = NC * NS
ROWS_PER_TILE = SEQ // NW
NVEC = ROWS_PER_TILE // L
C_S = 8
NBLK = SEQ // C_S
B = 3
P = 1
W = 8


def _sc_body(mask_hbm, src_hbm, out_hbm, mask_v, pub_v, sums_v, bufs,
             shared, rd, wr):
    cc = lax.axis_index("c")
    ss = lax.axis_index("s")
    wid = cc * NS + ss
    base = wid * ROWS_PER_TILE

    pltpu.sync_copy(mask_hbm.at[pl.ds(ss * ROWS_PER_TILE, ROWS_PER_TILE)],
                    mask_v.at[pl.ds(0, ROWS_PER_TILE)])
    pltpu.sync_copy(
        mask_hbm.at[pl.ds((NS + ss) * ROWS_PER_TILE, ROWS_PER_TILE)],
        mask_v.at[pl.ds(ROWS_PER_TILE, ROWS_PER_TILE)])

    for p in range(2):
        acc = jnp.zeros((L,), jnp.int32)
        for j in range(NVEC):
            acc = acc + mask_v[pl.ds(p * ROWS_PER_TILE + j * L, L)]
        pub_v[pl.ds(p * L, L)] = jnp.broadcast_to(jnp.sum(acc), (L,))
    pltpu.sync_copy(pub_v.at[pl.ds(0, L)], shared.at[pl.ds(ss * L, L)])
    pltpu.sync_copy(pub_v.at[pl.ds(L, L)],
                    shared.at[pl.ds((NS + ss) * L, L)])
    plsc.subcore_barrier()
    pltpu.sync_copy(shared, sums_v)

    acc = jnp.zeros((L,), jnp.int32)
    for j in range(NW):
        rv = sums_v[pl.ds(j * L, L)]
        acc = acc + jnp.where(j < wid, rv, jnp.zeros((L,), jnp.int32))
    off = acc[0]

    chunk0 = mask_v[pl.ds(cc * ROWS_PER_TILE, L)]
    r0 = jnp.maximum(off + chunk0[0] - 1, 0)
    b0 = lax.shift_right_logical(r0, 3)

    def read_block(c):
        return pltpu.make_async_copy(
            src_hbm.at[pl.ds(jnp.minimum(c, NBLK - 1) * C_S, C_S)],
            bufs.at[lax.rem(c, B)],
            rd,
        )

    def row_write(i, slot, row):
        return pltpu.make_async_copy(
            bufs.at[slot, row], out_hbm.at[base + i], wr
        )

    for c in range(P + 1):
        read_block(b0 + c).start()
    read_block(b0).wait()

    def group_body(g, carry, first):
        cs_run, c_cur, slot = carry
        chunk = mask_v[pl.ds(cc * ROWS_PER_TILE + g * L, L)]
        csvec = plsc.cumsum(chunk)
        svec = jnp.maximum(csvec + (cs_run - 1), 0)
        for k in range(L):
            s = svec[k]
            c_new = lax.shift_right_logical(s, 3)
            crossed = c_new != c_cur

            @pl.when(crossed)
            def _(c_new=c_new):
                read_block(0).wait()
                read_block(c_new + P).start()

            slot = jnp.where(
                crossed, jnp.where(slot == B - 1, 0, slot + 1), slot)
            row_write(g * L + k, slot,
                      jnp.bitwise_and(s, C_S - 1)).start()
            if not (first and k < W):
                row_write(0, 0, 0).wait()
            c_cur = c_new
        return (cs_run + csvec[L - 1], c_cur, slot)

    carry = group_body(0, (off, b0, lax.rem(b0, B)), first=True)
    lax.fori_loop(1, NVEC, lambda g, c: group_body(g, c, first=False), carry)

    for _ in range(W):
        row_write(0, 0, 0).wait()
    for _ in range(P):
        read_block(0).wait()


_sc_gather = functools.partial(
    pl.kernel,
    out_type=jax.ShapeDtypeStruct((SEQ, D), jnp.float32),
    mesh=plsc.VectorSubcoreMesh(core_axis_name="c", subcore_axis_name="s"),
    compiler_params=pltpu.CompilerParams(needs_layout_passes=False),
    scratch_types=[
        pltpu.VMEM((2 * ROWS_PER_TILE,), jnp.int32),
        pltpu.VMEM((2 * L,), jnp.int32),
        pltpu.VMEM((NW * L,), jnp.int32),
        pltpu.VMEM((B, C_S, D), jnp.float32),
        pltpu.VMEM_SHARED((NW * L,), jnp.int32),
        pltpu.SemaphoreType.DMA,
        pltpu.SemaphoreType.DMA,
    ],
)(_sc_body)


def kernel(mask_1d, inputs_embeds_row, source):
    del inputs_embeds_row
    return _sc_gather(mask_1d.astype(jnp.int32), source)

# --- scband reference (transcript-rebuilt; emitter-appended) ---
"""Pipeline reference for scband-op1-to6-pipeline-4269197492501 (READ-ONLY COPY).

The authoritative reference and input builder live on the scoring server;
editing this copy changes nothing except your own understanding.
"""

import jax, jax.numpy as jnp
import numpy as np

SEQ_LEN = 8192
D_MODEL = 4096
MAX_VAL = 8191


def setup_inputs(seed: int = 0) -> dict:
    key = jax.random.key(seed)
    k1, k2, k3 = jax.random.split(key, 3)
    mask_1d = jax.random.randint(k1, (SEQ_LEN,), 0, 2, dtype=jnp.int32)
    inputs_embeds_row = jax.random.normal(k2, (SEQ_LEN, D_MODEL), dtype=jnp.float32)
    source = jax.random.normal(k3, (SEQ_LEN, D_MODEL), dtype=jnp.float32)
    return {"mask_1d": mask_1d, "inputs_embeds_row": inputs_embeds_row, "source": source}


def reference(mask_1d, inputs_embeds_row, source):
    # Op1: cast mask to integer
    mask_i = mask_1d.astype(jnp.int32)
    # Op2+Op3: cumsum along dim 0, then subtract 1
    source_idx = jnp.cumsum(mask_i, axis=0) - 1
    # Op4: clamp to [0, max_val]
    source_idx = jnp.clip(source_idx, 0, MAX_VAL)
    # Op5: unsqueeze(-1) + expand_as(inputs_embeds_row)
    source_idx_2d = jnp.broadcast_to(source_idx[:, None], inputs_embeds_row.shape)
    # Op6: torch.gather(source, 0, source_idx_2d) -> per-element dim-0 gather
    gathered_rows = jnp.take_along_axis(source, source_idx_2d, axis=0)
    return gathered_rows

if __name__ == "__main__":
    import jax
    _d = setup_inputs()
    print(jax.jit(kernel)(*tuple(_d.values())))

</pallas_src>

<mosaic_0001>
#map = affine_map<(d0, d1) -> (0)>
#map1 = affine_map<(d0, d1) -> (0, 0)>
module attributes {stable_mosaic.version = 14 : i64} {
  func.func @_sc_body(%arg0: i32, %arg1: i32, %arg2: memref<8192xi32, #tpu.memory_space<hbm>>, %arg3: memref<8192x4096xf32, #tpu.memory_space<hbm>>, %arg4: memref<8192x4096xf32, #tpu.memory_space<hbm>>, %arg5: memref<512xi32, #tpu.memory_space<vmem>>, %arg6: memref<32xi32, #tpu.memory_space<vmem>>, %arg7: memref<512xi32, #tpu.memory_space<vmem>>, %arg8: memref<3x8x4096xf32, #tpu.memory_space<vmem>>, %arg9: memref<512xi32, #tpu.memory_space<vmem_shared>>, %arg10: memref<!tpu.dma_semaphore, #tpu.memory_space<semaphore_mem>>, %arg11: memref<!tpu.dma_semaphore, #tpu.memory_space<semaphore_mem>>) attributes {dimension_semantics = [#tpu.dimension_semantics<core_parallel>, #tpu.dimension_semantics<subcore_parallel>], iteration_bounds = array<i64: 2, 16>, scalar_prefetch = 0 : i64, scratch_operands = 7 : i64, tpu.core_type = #tpu.core_type<sc_vector_subcore>, window_params = [{transform_indices = #map}, {transform_indices = #map1}, {transform_indices = #map1}]} {
    %mul3A = arith.constant 16 : i32
    %mul3A_0 = arith.muli %arg0, %mul3A : i32
    %add3A = arith.addi %mul3A_0, %arg1 : i32
    %mul3A_1 = arith.constant 256 : i32
    %mul3A_2 = arith.muli %add3A, %mul3A_1 : i32
    %mul3A_3 = arith.constant 256 : i32
    %mul3A_4 = arith.muli %arg1, %mul3A_3 : i32
    "tpu.region"() ({
      %run_scoped3A = tpu.sem_alloc : memref<!tpu.dma_semaphore, #tpu.memory_space<semaphore_mem>>
      %dma_start3A_1236 = arith.constant 0 : i32
      %dma_start3A_1237 = tpu.memref_slice %arg5[%dma_start3A_1236] : memref<512xi32, #tpu.memory_space<vmem>> -> memref<256xi32, #tpu.memory_space<vmem>>
      %dma_start3A_1238 = tpu.memref_slice %arg2[%mul3A_4] : memref<8192xi32, #tpu.memory_space<hbm>> -> memref<256xi32, #tpu.memory_space<hbm>>
      %dma_start3A_1239 = arith.constant 0 : i32
      %dma_start3A_1240 = tpu.memref_slice %arg5[%dma_start3A_1239] : memref<512xi32, #tpu.memory_space<vmem>> -> memref<256xi32, #tpu.memory_space<vmem>>
      %dma_start3A_1241 = tpu.memref_slice %arg2[%mul3A_4] : memref<8192xi32, #tpu.memory_space<hbm>> -> memref<256xi32, #tpu.memory_space<hbm>>
      tpu.enqueue_dma source(%dma_start3A_1241 : memref<256xi32, #tpu.memory_space<hbm>>) target(%dma_start3A_1240 : memref<256xi32, #tpu.memory_space<vmem>>) target_semaphore(%run_scoped3A : memref<!tpu.dma_semaphore, #tpu.memory_space<semaphore_mem>>)
      %dma_wait3A_1242 = arith.constant 0 : i32
      %dma_wait3A_1243 = tpu.memref_slice %arg5[%dma_wait3A_1242] : memref<512xi32, #tpu.memory_space<vmem>> -> memref<256xi32, #tpu.memory_space<vmem>>
      %dma_wait3A_1244 = tpu.memref_slice %arg2[%mul3A_4] : memref<8192xi32, #tpu.memory_space<hbm>> -> memref<256xi32, #tpu.memory_space<hbm>>
      %dma_wait3A_1245 = arith.constant 0 : i32
      %dma_wait3A_1246 = tpu.memref_slice %arg5[%dma_wait3A_1245] : memref<512xi32, #tpu.memory_space<vmem>> -> memref<256xi32, #tpu.memory_space<vmem>>
      %dma_wait3A_1247 = tpu.memref_slice %arg2[%mul3A_4] : memref<8192xi32, #tpu.memory_space<hbm>> -> memref<256xi32, #tpu.memory_space<hbm>>
      tpu.wait_dma2 semaphore(%run_scoped3A : memref<!tpu.dma_semaphore, #tpu.memory_space<semaphore_mem>>) src(%dma_wait3A_1247 : memref<256xi32, #tpu.memory_space<hbm>>) dst(%dma_wait3A_1246 : memref<256xi32, #tpu.memory_space<vmem>>)
      tpu.yield
    }) : () -> ()
    %add3A_5 = arith.constant 16 : i32
    %add3A_6 = arith.addi %add3A_5, %arg1 : i32
    %mul3A_7 = arith.constant 256 : i32
    %mul3A_8 = arith.muli %add3A_6, %mul3A_7 : i32
    "tpu.region"() ({
      %run_scoped3A = tpu.sem_alloc : memref<!tpu.dma_semaphore, #tpu.memory_space<semaphore_mem>>
      %dma_start3A_1236 = arith.constant 256 : i32
      %dma_start3A_1237 = tpu.memref_slice %arg5[%dma_start3A_1236] : memref<512xi32, #tpu.memory_space<vmem>> -> memref<256xi32, #tpu.memory_space<vmem>>
      %dma_start3A_1238 = tpu.memref_slice %arg2[%mul3A_8] : memref<8192xi32, #tpu.memory_space<hbm>> -> memref<256xi32, #tpu.memory_space<hbm>>
      %dma_start3A_1239 = arith.constant 256 : i32
      %dma_start3A_1240 = tpu.memref_slice %arg5[%dma_start3A_1239] : memref<512xi32, #tpu.memory_space<vmem>> -> memref<256xi32, #tpu.memory_space<vmem>>
      %dma_start3A_1241 = tpu.memref_slice %arg2[%mul3A_8] : memref<8192xi32, #tpu.memory_space<hbm>> -> memref<256xi32, #tpu.memory_space<hbm>>
      tpu.enqueue_dma source(%dma_start3A_1241 : memref<256xi32, #tpu.memory_space<hbm>>) target(%dma_start3A_1240 : memref<256xi32, #tpu.memory_space<vmem>>) target_semaphore(%run_scoped3A : memref<!tpu.dma_semaphore, #tpu.memory_space<semaphore_mem>>)
      %dma_wait3A_1242 = arith.constant 256 : i32
      %dma_wait3A_1243 = tpu.memref_slice %arg5[%dma_wait3A_1242] : memref<512xi32, #tpu.memory_space<vmem>> -> memref<256xi32, #tpu.memory_space<vmem>>
      %dma_wait3A_1244 = tpu.memref_slice %arg2[%mul3A_8] : memref<8192xi32, #tpu.memory_space<hbm>> -> memref<256xi32, #tpu.memory_space<hbm>>
      %dma_wait3A_1245 = arith.constant 256 : i32
      %dma_wait3A_1246 = tpu.memref_slice %arg5[%dma_wait3A_1245] : memref<512xi32, #tpu.memory_space<vmem>> -> memref<256xi32, #tpu.memory_space<vmem>>
      %dma_wait3A_1247 = tpu.memref_slice %arg2[%mul3A_8] : memref<8192xi32, #tpu.memory_space<hbm>> -> memref<256xi32, #tpu.memory_space<hbm>>
      tpu.wait_dma2 semaphore(%run_scoped3A : memref<!tpu.dma_semaphore, #tpu.memory_space<semaphore_mem>>) src(%dma_wait3A_1247 : memref<256xi32, #tpu.memory_space<hbm>>) dst(%dma_wait3A_1246 : memref<256xi32, #tpu.memory_space<vmem>>)
      tpu.yield
    }) : () -> ()
    %broadcast_in_dim3A = arith.constant 0 : i32
    %broadcast_in_dim3A_9 = vector.broadcast %broadcast_in_dim3A : i32 to vector<16xi32>
    %get3A = arith.constant 0 : index
    %get3A_10 = tpu.vector_load %arg5[%get3A] {strides = array<i32>} : memref<512xi32, #tpu.memory_space<vmem>>, vector<16xi32>,
    %add3A_11 = arith.addi %broadcast_in_dim3A_9, %get3A_10 : vector<16xi32>
    %get3A_12 = arith.constant 16 : index
    %get3A_13 = tpu.vector_load %arg5[%get3A_12] {strides = array<i32>} : memref<512xi32, #tpu.memory_space<vmem>>, vector<16xi32>,
    %add3A_14 = arith.addi %add3A_11, %get3A_13 : vector<16xi32>
    %get3A_15 = arith.constant 32 : index
    %get3A_16 = tpu.vector_load %arg5[%get3A_15] {strides = array<i32>} : memref<512xi32, #tpu.memory_space<vmem>>, vector<16xi32>,
    %add3A_17 = arith.addi %add3A_14, %get3A_16 : vector<16xi32>
    %get3A_18 = arith.constant 48 : index
    %get3A_19 = tpu.vector_load %arg5[%get3A_18] {strides = array<i32>} : memref<512xi32, #tpu.memory_space<vmem>>, vector<16xi32>,
    %add3A_20 = arith.addi %add3A_17, %get3A_19 : vector<16xi32>
    %get3A_21 = arith.constant 64 : index
    %get3A_22 = tpu.vector_load %arg5[%get3A_21] {strides = array<i32>} : memref<512xi32, #tpu.memory_space<vmem>>, vector<16xi32>,
    %add3A_23 = arith.addi %add3A_20, %get3A_22 : vector<16xi32>
    %get3A_24 = arith.constant 80 : index
    %get3A_25 = tpu.vector_load %arg5[%get3A_24] {strides = array<i32>} : memref<512xi32, #tpu.memory_space<vmem>>, vector<16xi32>,
    %add3A_26 = arith.addi %add3A_23, %get3A_25 : vector<16xi32>
    %get3A_27 = arith.constant 96 : index
    %get3A_28 = tpu.vector_load %arg5[%get3A_27] {strides = array<i32>} : memref<512xi32, #tpu.memory_space<vmem>>, vector<16xi32>,
    %add3A_29 = arith.addi %add3A_26, %get3A_28 : vector<16xi32>
    %get3A_30 = arith.constant 112 : index
    %get3A_31 = tpu.vector_load %arg5[%get3A_30] {strides = array<i32>} : memref<512xi32, #tpu.memory_space<vmem>>, vector<16xi32>,
    %add3A_32 = arith.addi %add3A_29, %get3A_31 : vector<16xi32>
    %get3A_33 = arith.constant 128 : index
    %get3A_34 = tpu.vector_load %arg5[%get3A_33] {strides = array<i32>} : memref<512xi32, #tpu.memory_space<vmem>>, vector<16xi32>,
    %add3A_35 = arith.addi %add3A_32, %get3A_34 : vector<16xi32>
    %get3A_36 = arith.constant 144 : index
    %get3A_37 = tpu.vector_load %arg5[%get3A_36] {strides = array<i32>} : memref<512xi32, #tpu.memory_space<vmem>>, vector<16xi32>,
    %add3A_38 = arith.addi %add3A_35, %get3A_37 : vector<16xi32>
    %get3A_39 = arith.constant 160 : index
    %get3A_40 = tpu.vector_load %arg5[%get3A_39] {strides = array<i32>} : memref<512xi32, #tpu.memory_space<vmem>>, vector<16xi32>,
    %add3A_41 = arith.addi %add3A_38, %get3A_40 : vector<16xi32>
    %get3A_42 = arith.constant 176 : index
    %get3A_43 = tpu.vector_load %arg5[%get3A_42] {strides = array<i32>} : memref<512xi32, #tpu.memory_space<vmem>>, vector<16xi32>,
    %add3A_44 = arith.addi %add3A_41, %get3A_43 : vector<16xi32>
    %get3A_45 = arith.constant 192 : index
    %get3A_46 = tpu.vector_load %arg5[%get3A_45] {strides = array<i32>} : memref<512xi32, #tpu.memory_space<vmem>>, vector<16xi32>,
    %add3A_47 = arith.addi %add3A_44, %get3A_46 : vector<16xi32>
    %get3A_48 = arith.constant 208 : index
    %get3A_49 = tpu.vector_load %arg5[%get3A_48] {strides = array<i32>} : memref<512xi32, #tpu.memory_space<vmem>>, vector<16xi32>,
    %add3A_50 = arith.addi %add3A_47, %get3A_49 : vector<16xi32>
    %get3A_51 = arith.constant 224 : index
    %get3A_52 = tpu.vector_load %arg5[%get3A_51] {strides = array<i32>} : memref<512xi32, #tpu.memory_space<vmem>>, vector<16xi32>,
    %add3A_53 = arith.addi %add3A_50, %get3A_52 : vector<16xi32>
    %get3A_54 = arith.constant 240 : index
    %get3A_55 = tpu.vector_load %arg5[%get3A_54] {strides = array<i32>} : memref<512xi32, #tpu.memory_space<vmem>>, vector<16xi32>,
    %add3A_56 = arith.addi %add3A_53, %get3A_55 : vector<16xi32>
    %reduce_sum3A = arith.constant true
    %reduce_sum3A_57 = vector.broadcast %reduce_sum3A : i1 to vector<16xi1>
    %reduce_sum3A_58 = tpu.scan <sum>, %add3A_56 masked %reduce_sum3A_57 : vector<16xi32>, vector<16xi1> -> vector<16xi32>
    %reduce_sum3A_59 = vector.extract %reduce_sum3A_58[15] : i32 from vector<16xi32>
    %broadcast_in_dim3A_60 = vector.broadcast %reduce_sum3A_59 : i32 to vector<16xi32>
    %swap3A = arith.constant 0 : index
    %swap3A_61 = tpu.vector_load %arg6[%swap3A] {strides = array<i32>} : memref<32xi32, #tpu.memory_space<vmem>>, vector<16xi32>,
    tpu.vector_store %arg6[%swap3A], %broadcast_in_dim3A_60 {strides = array<i32>} : memref<32xi32, #tpu.memory_space<vmem>>, vector<16xi32>,
    %broadcast_in_dim3A_62 = arith.constant 0 : i32
    %broadcast_in_dim3A_63 = vector.broadcast %broadcast_in_dim3A_62 : i32 to vector<16xi32>
    %get3A_64 = arith.constant 256 : index
    %get3A_65 = tpu.vector_load %arg5[%get3A_64] {strides = array<i32>} : memref<512xi32, #tpu.memory_space<vmem>>, vector<16xi32>,
    %add3A_66 = arith.addi %broadcast_in_dim3A_63, %get3A_65 : vector<16xi32>
    %get3A_67 = arith.constant 272 : index
    %get3A_68 = tpu.vector_load %arg5[%get3A_67] {strides = array<i32>} : memref<512xi32, #tpu.memory_space<vmem>>, vector<16xi32>,
    %add3A_69 = arith.addi %add3A_66, %get3A_68 : vector<16xi32>
    %get3A_70 = arith.constant 288 : index
    %get3A_71 = tpu.vector_load %arg5[%get3A_70] {strides = array<i32>} : memref<512xi32, #tpu.memory_space<vmem>>, vector<16xi32>,
    %add3A_72 = arith.addi %add3A_69, %get3A_71 : vector<16xi32>
    %get3A_73 = arith.constant 304 : index
    %get3A_74 = tpu.vector_load %arg5[%get3A_73] {strides = array<i32>} : memref<512xi32, #tpu.memory_space<vmem>>, vector<16xi32>,
    %add3A_75 = arith.addi %add3A_72, %get3A_74 : vector<16xi32>
    %get3A_76 = arith.constant 320 : index
    %get3A_77 = tpu.vector_load %arg5[%get3A_76] {strides = array<i32>} : memref<512xi32, #tpu.memory_space<vmem>>, vector<16xi32>,
    %add3A_78 = arith.addi %add3A_75, %get3A_77 : vector<16xi32>
    %get3A_79 = arith.constant 336 : index
    %get3A_80 = tpu.vector_load %arg5[%get3A_79] {strides = array<i32>} : memref<512xi32, #tpu.memory_space<vmem>>, vector<16xi32>,
    %add3A_81 = arith.addi %add3A_78, %get3A_80 : vector<16xi32>
    %get3A_82 = arith.constant 352 : index
    %get3A_83 = tpu.vector_load %arg5[%get3A_82] {strides = array<i32>} : memref<512xi32, #tpu.memory_space<vmem>>, vector<16xi32>,
    %add3A_84 = arith.addi %add3A_81, %get3A_83 : vector<16xi32>
    %get3A_85 = arith.constant 368 : index
    %get3A_86 = tpu.vector_load %arg5[%get3A_85] {strides = array<i32>} : memref<512xi32, #tpu.memory_space<vmem>>, vector<16xi32>,
    %add3A_87 = arith.addi %add3A_84, %get3A_86 : vector<16xi32>
    %get3A_88 = arith.constant 384 : index
    %get3A_89 = tpu.vector_load %arg5[%get3A_88] {strides = array<i32>} : memref<512xi32, #tpu.memory_space<vmem>>, vector<16xi32>,
    %add3A_90 = arith.addi %add3A_87, %get3A_89 : vector<16xi32>
    %get3A_91 = arith.constant 400 : index
    %get3A_92 = tpu.vector_load %arg5[%get3A_91] {strides = array<i32>} : memref<512xi32, #tpu.memory_space<vmem>>, vector<16xi32>,
    %add3A_93 = arith.addi %add3A_90, %get3A_92 : vector<16xi32>
    %get3A_94 = arith.constant 416 : index
    %get3A_95 = tpu.vector_load %arg5[%get3A_94] {strides = array<i32>} : memref<512xi32, #tpu.memory_space<vmem>>, vector<16xi32>,
    %add3A_96 = arith.addi %add3A_93, %get3A_95 : vector<16xi32>
    %get3A_97 = arith.constant 432 : index
    %get3A_98 = tpu.vector_load %arg5[%get3A_97] {strides = array<i32>} : memref<512xi32, #tpu.memory_space<vmem>>, vector<16xi32>,
    %add3A_99 = arith.addi %add3A_96, %get3A_98 : vector<16xi32>
    %get3A_100 = arith.constant 448 : index
    %get3A_101 = tpu.vector_load %arg5[%get3A_100] {strides = array<i32>} : memref<512xi32, #tpu.memory_space<vmem>>, vector<16xi32>,
    %add3A_102 = arith.addi %add3A_99, %get3A_101 : vector<16xi32>
    %get3A_103 = arith.constant 464 : index
    %get3A_104 = tpu.vector_load %arg5[%get3A_103] {strides = array<i32>} : memref<512xi32, #tpu.memory_space<vmem>>, vector<16xi32>,
    %add3A_105 = arith.addi %add3A_102, %get3A_104 : vector<16xi32>
    %get3A_106 = arith.constant 480 : index
    %get3A_107 = tpu.vector_load %arg5[%get3A_106] {strides = array<i32>} : memref<512xi32, #tpu.memory_space<vmem>>, vector<16xi32>,
    %add3A_108 = arith.addi %add3A_105, %get3A_107 : vector<16xi32>
    %get3A_109 = arith.constant 496 : index
    %get3A_110 = tpu.vector_load %arg5[%get3A_109] {strides = array<i32>} : memref<512xi32, #tpu.memory_space<vmem>>, vector<16xi32>,
    %add3A_111 = arith.addi %add3A_108, %get3A_110 : vector<16xi32>
    %reduce_sum3A_112 = arith.constant true
    %reduce_sum3A_113 = vector.broadcast %reduce_sum3A_112 : i1 to vector<16xi1>
    %reduce_sum3A_114 = tpu.scan <sum>, %add3A_111 masked %reduce_sum3A_113 : vector<16xi32>, vector<16xi1> -> vector<16xi32>
    %reduce_sum3A_115 = vector.extract %reduce_sum3A_114[15] : i32 from vector<16xi32>
    %broadcast_in_dim3A_116 = vector.broadcast %reduce_sum3A_115 : i32 to vector<16xi32>
    %swap3A_117 = arith.constant 16 : index
    %swap3A_118 = tpu.vector_load %arg6[%swap3A_117] {strides = array<i32>} : memref<32xi32, #tpu.memory_space<vmem>>, vector<16xi32>,
    tpu.vector_store %arg6[%swap3A_117], %broadcast_in_dim3A_116 {strides = array<i32>} : memref<32xi32, #tpu.memory_space<vmem>>, vector<16xi32>,
    %mul3A_119 = arith.constant 16 : i32
    %mul3A_120 = arith.muli %arg1, %mul3A_119 : i32
    "tpu.region"() ({
      %run_scoped3A = tpu.sem_alloc : memref<!tpu.dma_semaphore, #tpu.memory_space<semaphore_mem>>
      %dma_start3A_1236 = arith.constant 0 : i32
      %dma_start3A_1237 = tpu.memref_slice %arg6[%dma_start3A_1236] : memref<32xi32, #tpu.memory_space<vmem>> -> memref<16xi32, #tpu.memory_space<vmem>>
      %dma_start3A_1238 = tpu.memref_slice %arg9[%mul3A_120] : memref<512xi32, #tpu.memory_space<vmem_shared>> -> memref<16xi32, #tpu.memory_space<vmem_shared>>
      %dma_start3A_1239 = tpu.memref_slice %arg9[%mul3A_120] : memref<512xi32, #tpu.memory_space<vmem_shared>> -> memref<16xi32, #tpu.memory_space<vmem_shared>>
      %dma_start3A_1240 = arith.constant 0 : i32
      %dma_start3A_1241 = tpu.memref_slice %arg6[%dma_start3A_1240] : memref<32xi32, #tpu.memory_space<vmem>> -> memref<16xi32, #tpu.memory_space<vmem>>
      tpu.enqueue_dma source(%dma_start3A_1241 : memref<16xi32, #tpu.memory_space<vmem>>) target(%dma_start3A_1239 : memref<16xi32, #tpu.memory_space<vmem_shared>>) target_semaphore(%run_scoped3A : memref<!tpu.dma_semaphore, #tpu.memory_space<semaphore_mem>>)
      %dma_wait3A_1242 = arith.constant 0 : i32
      %dma_wait3A_1243 = tpu.memref_slice %arg6[%dma_wait3A_1242] : memref<32xi32, #tpu.memory_space<vmem>> -> memref<16xi32, #tpu.memory_space<vmem>>
      %dma_wait3A_1244 = tpu.memref_slice %arg9[%mul3A_120] : memref<512xi32, #tpu.memory_space<vmem_shared>> -> memref<16xi32, #tpu.memory_space<vmem_shared>>
      %dma_wait3A_1245 = tpu.memref_slice %arg9[%mul3A_120] : memref<512xi32, #tpu.memory_space<vmem_shared>> -> memref<16xi32, #tpu.memory_space<vmem_shared>>
      %dma_wait3A_1246 = arith.constant 0 : i32
      %dma_wait3A_1247 = tpu.memref_slice %arg6[%dma_wait3A_1246] : memref<32xi32, #tpu.memory_space<vmem>> -> memref<16xi32, #tpu.memory_space<vmem>>
      tpu.wait_dma2 semaphore(%run_scoped3A : memref<!tpu.dma_semaphore, #tpu.memory_space<semaphore_mem>>) src(%dma_wait3A_1247 : memref<16xi32, #tpu.memory_space<vmem>>) dst(%dma_wait3A_1245 : memref<16xi32, #tpu.memory_space<vmem_shared>>)
      tpu.yield
    }) : () -> ()
    %add3A_121 = arith.constant 16 : i32
    %add3A_122 = arith.addi %add3A_121, %arg1 : i32
    %mul3A_123 = arith.constant 16 : i32
    %mul3A_124 = arith.muli %add3A_122, %mul3A_123 : i32
    "tpu.region"() ({
      %run_scoped3A = tpu.sem_alloc : memref<!tpu.dma_semaphore, #tpu.memory_space<semaphore_mem>>
      %dma_start3A_1236 = arith.constant 16 : i32
      %dma_start3A_1237 = tpu.memref_slice %arg6[%dma_start3A_1236] : memref<32xi32, #tpu.memory_space<vmem>> -> memref<16xi32, #tpu.memory_space<vmem>>
      %dma_start3A_1238 = tpu.memref_slice %arg9[%mul3A_124] : memref<512xi32, #tpu.memory_space<vmem_shared>> -> memref<16xi32, #tpu.memory_space<vmem_shared>>
      %dma_start3A_1239 = tpu.memref_slice %arg9[%mul3A_124] : memref<512xi32, #tpu.memory_space<vmem_shared>> -> memref<16xi32, #tpu.memory_space<vmem_shared>>
      %dma_start3A_1240 = arith.constant 16 : i32
      %dma_start3A_1241 = tpu.memref_slice %arg6[%dma_start3A_1240] : memref<32xi32, #tpu.memory_space<vmem>> -> memref<16xi32, #tpu.memory_space<vmem>>
      tpu.enqueue_dma source(%dma_start3A_1241 : memref<16xi32, #tpu.memory_space<vmem>>) target(%dma_start3A_1239 : memref<16xi32, #tpu.memory_space<vmem_shared>>) target_semaphore(%run_scoped3A : memref<!tpu.dma_semaphore, #tpu.memory_space<semaphore_mem>>)
      %dma_wait3A_1242 = arith.constant 16 : i32
      %dma_wait3A_1243 = tpu.memref_slice %arg6[%dma_wait3A_1242] : memref<32xi32, #tpu.memory_space<vmem>> -> memref<16xi32, #tpu.memory_space<vmem>>
      %dma_wait3A_1244 = tpu.memref_slice %arg9[%mul3A_124] : memref<512xi32, #tpu.memory_space<vmem_shared>> -> memref<16xi32, #tpu.memory_space<vmem_shared>>
      %dma_wait3A_1245 = tpu.memref_slice %arg9[%mul3A_124] : memref<512xi32, #tpu.memory_space<vmem_shared>> -> memref<16xi32, #tpu.memory_space<vmem_shared>>
      %dma_wait3A_1246 = arith.constant 16 : i32
      %dma_wait3A_1247 = tpu.memref_slice %arg6[%dma_wait3A_1246] : memref<32xi32, #tpu.memory_space<vmem>> -> memref<16xi32, #tpu.memory_space<vmem>>
      tpu.wait_dma2 semaphore(%run_scoped3A : memref<!tpu.dma_semaphore, #tpu.memory_space<semaphore_mem>>) src(%dma_wait3A_1247 : memref<16xi32, #tpu.memory_space<vmem>>) dst(%dma_wait3A_1245 : memref<16xi32, #tpu.memory_space<vmem_shared>>)
      tpu.yield
    }) : () -> ()
    %barrier3A = arith.constant 0 : index
    tpu.barrier barrier_id(%barrier3A)
    "tpu.region"() ({
      %run_scoped3A = tpu.sem_alloc : memref<!tpu.dma_semaphore, #tpu.memory_space<semaphore_mem>>
      tpu.enqueue_dma source(%arg9 : memref<512xi32, #tpu.memory_space<vmem_shared>>) target(%arg7 : memref<512xi32, #tpu.memory_space<vmem>>) target_semaphore(%run_scoped3A : memref<!tpu.dma_semaphore, #tpu.memory_space<semaphore_mem>>)
      tpu.wait_dma2 semaphore(%run_scoped3A : memref<!tpu.dma_semaphore, #tpu.memory_space<semaphore_mem>>) src(%arg9 : memref<512xi32, #tpu.memory_space<vmem_shared>>) dst(%arg7 : memref<512xi32, #tpu.memory_space<vmem>>)
      tpu.yield
    }) : () -> ()
    %broadcast_in_dim3A_125 = arith.constant 0 : i32
    %broadcast_in_dim3A_126 = vector.broadcast %broadcast_in_dim3A_125 : i32 to vector<16xi32>
    %get3A_127 = arith.constant 0 : index
    %get3A_128 = tpu.vector_load %arg7[%get3A_127] {strides = array<i32>} : memref<512xi32, #tpu.memory_space<vmem>>, vector<16xi32>,
    %gt3A = arith.constant 0 : i32
    %gt3A_129 = arith.cmpi sgt, %add3A, %gt3A : i32
    %broadcast_in_dim3A_130 = arith.constant 0 : i32
    %broadcast_in_dim3A_131 = vector.broadcast %broadcast_in_dim3A_130 : i32 to vector<16xi32>
    %select_n3A = arith.select %gt3A_129, %get3A_128, %broadcast_in_dim3A_131 : vector<16xi32>
    %add3A_132 = arith.addi %broadcast_in_dim3A_126, %select_n3A : vector<16xi32>
    %get3A_133 = arith.constant 16 : index
    %get3A_134 = tpu.vector_load %arg7[%get3A_133] {strides = array<i32>} : memref<512xi32, #tpu.memory_space<vmem>>, vector<16xi32>,
    %gt3A_135 = arith.constant 1 : i32
    %gt3A_136 = arith.cmpi sgt, %add3A, %gt3A_135 : i32
    %broadcast_in_dim3A_137 = arith.constant 0 : i32
    %broadcast_in_dim3A_138 = vector.broadcast %broadcast_in_dim3A_137 : i32 to vector<16xi32>
    %select_n3A_139 = arith.select %gt3A_136, %get3A_134, %broadcast_in_dim3A_138 : vector<16xi32>
    %add3A_140 = arith.addi %add3A_132, %select_n3A_139 : vector<16xi32>
    %get3A_141 = arith.constant 32 : index
    %get3A_142 = tpu.vector_load %arg7[%get3A_141] {strides = array<i32>} : memref<512xi32, #tpu.memory_space<vmem>>, vector<16xi32>,
    %gt3A_143 = arith.constant 2 : i32
    %gt3A_144 = arith.cmpi sgt, %add3A, %gt3A_143 : i32
    %broadcast_in_dim3A_145 = arith.constant 0 : i32
    %broadcast_in_dim3A_146 = vector.broadcast %broadcast_in_dim3A_145 : i32 to vector<16xi32>
    %select_n3A_147 = arith.select %gt3A_144, %get3A_142, %broadcast_in_dim3A_146 : vector<16xi32>
    %add3A_148 = arith.addi %add3A_140, %select_n3A_147 : vector<16xi32>
    %get3A_149 = arith.constant 48 : index
    %get3A_150 = tpu.vector_load %arg7[%get3A_149] {strides = array<i32>} : memref<512xi32, #tpu.memory_space<vmem>>, vector<16xi32>,
    %gt3A_151 = arith.constant 3 : i32
    %gt3A_152 = arith.cmpi sgt, %add3A, %gt3A_151 : i32
    %broadcast_in_dim3A_153 = arith.constant 0 : i32
    %broadcast_in_dim3A_154 = vector.broadcast %broadcast_in_dim3A_153 : i32 to vector<16xi32>
    %select_n3A_155 = arith.select %gt3A_152, %get3A_150, %broadcast_in_dim3A_154 : vector<16xi32>
    %add3A_156 = arith.addi %add3A_148, %select_n3A_155 : vector<16xi32>
    %get3A_157 = arith.constant 64 : index
    %get3A_158 = tpu.vector_load %arg7[%get3A_157] {strides = array<i32>} : memref<512xi32, #tpu.memory_space<vmem>>, vector<16xi32>,
    %gt3A_159 = arith.constant 4 : i32
    %gt3A_160 = arith.cmpi sgt, %add3A, %gt3A_159 : i32
    %broadcast_in_dim3A_161 = arith.constant 0 : i32
    %broadcast_in_dim3A_162 = vector.broadcast %broadcast_in_dim3A_161 : i32 to vector<16xi32>
    %select_n3A_163 = arith.select %gt3A_160, %get3A_158, %broadcast_in_dim3A_162 : vector<16xi32>
    %add3A_164 = arith.addi %add3A_156, %select_n3A_163 : vector<16xi32>
    %get3A_165 = arith.constant 80 : index
    %get3A_166 = tpu.vector_load %arg7[%get3A_165] {strides = array<i32>} : memref<512xi32, #tpu.memory_space<vmem>>, vector<16xi32>,
    %gt3A_167 = arith.constant 5 : i32
    %gt3A_168 = arith.cmpi sgt, %add3A, %gt3A_167 : i32
    %broadcast_in_dim3A_169 = arith.constant 0 : i32
    %broadcast_in_dim3A_170 = vector.broadcast %broadcast_in_dim3A_169 : i32 to vector<16xi32>
    %select_n3A_171 = arith.select %gt3A_168, %get3A_166, %broadcast_in_dim3A_170 : vector<16xi32>
    %add3A_172 = arith.addi %add3A_164, %select_n3A_171 : vector<16xi32>
    %get3A_173 = arith.constant 96 : index
    %get3A_174 = tpu.vector_load %arg7[%get3A_173] {strides = array<i32>} : memref<512xi32, #tpu.memory_space<vmem>>, vector<16xi32>,
    %gt3A_175 = arith.constant 6 : i32
    %gt3A_176 = arith.cmpi sgt, %add3A, %gt3A_175 : i32
    %broadcast_in_dim3A_177 = arith.constant 0 : i32
    %broadcast_in_dim3A_178 = vector.broadcast %broadcast_in_dim3A_177 : i32 to vector<16xi32>
    %select_n3A_179 = arith.select %gt3A_176, %get3A_174, %broadcast_in_dim3A_178 : vector<16xi32>
    %add3A_180 = arith.addi %add3A_172, %select_n3A_179 : vector<16xi32>
    %get3A_181 = arith.constant 112 : index
    %get3A_182 = tpu.vector_load %arg7[%get3A_181] {strides = array<i32>} : memref<512xi32, #tpu.memory_space<vmem>>, vector<16xi32>,
    %gt3A_183 = arith.constant 7 : i32
    %gt3A_184 = arith.cmpi sgt, %add3A, %gt3A_183 : i32
    %broadcast_in_dim3A_185 = arith.constant 0 : i32
    %broadcast_in_dim3A_186 = vector.broadcast %broadcast_in_dim3A_185 : i32 to vector<16xi32>
    %select_n3A_187 = arith.select %gt3A_184, %get3A_182, %broadcast_in_dim3A_186 : vector<16xi32>
    %add3A_188 = arith.addi %add3A_180, %select_n3A_187 : vector<16xi32>
    %get3A_189 = arith.constant 128 : index
    %get3A_190 = tpu.vector_load %arg7[%get3A_189] {strides = array<i32>} : memref<512xi32, #tpu.memory_space<vmem>>, vector<16xi32>,
    %gt3A_191 = arith.constant 8 : i32
    %gt3A_192 = arith.cmpi sgt, %add3A, %gt3A_191 : i32
    %broadcast_in_dim3A_193 = arith.constant 0 : i32
    %broadcast_in_dim3A_194 = vector.broadcast %broadcast_in_dim3A_193 : i32 to vector<16xi32>
    %select_n3A_195 = arith.select %gt3A_192, %get3A_190, %broadcast_in_dim3A_194 : vector<16xi32>
    %add3A_196 = arith.addi %add3A_188, %select_n3A_195 : vector<16xi32>
    %get3A_197 = arith.constant 144 : index
    %get3A_198 = tpu.vector_load %arg7[%get3A_197] {strides = array<i32>} : memref<512xi32, #tpu.memory_space<vmem>>, vector<16xi32>,
    %gt3A_199 = arith.constant 9 : i32
    %gt3A_200 = arith.cmpi sgt, %add3A, %gt3A_199 : i32
    %broadcast_in_dim3A_201 = arith.constant 0 : i32
    %broadcast_in_dim3A_202 = vector.broadcast %broadcast_in_dim3A_201 : i32 to vector<16xi32>
    %select_n3A_203 = arith.select %gt3A_200, %get3A_198, %broadcast_in_dim3A_202 : vector<16xi32>
    %add3A_204 = arith.addi %add3A_196, %select_n3A_203 : vector<16xi32>
    %get3A_205 = arith.constant 160 : index
    %get3A_206 = tpu.vector_load %arg7[%get3A_205] {strides = array<i32>} : memref<512xi32, #tpu.memory_space<vmem>>, vector<16xi32>,
    %gt3A_207 = arith.constant 10 : i32
    %gt3A_208 = arith.cmpi sgt, %add3A, %gt3A_207 : i32
    %broadcast_in_dim3A_209 = arith.constant 0 : i32
    %broadcast_in_dim3A_210 = vector.broadcast %broadcast_in_dim3A_209 : i32 to vector<16xi32>
    %select_n3A_211 = arith.select %gt3A_208, %get3A_206, %broadcast_in_dim3A_210 : vector<16xi32>
    %add3A_212 = arith.addi %add3A_204, %select_n3A_211 : vector<16xi32>
    %get3A_213 = arith.constant 176 : index
    %get3A_214 = tpu.vector_load %arg7[%get3A_213] {strides = array<i32>} : memref<512xi32, #tpu.memory_space<vmem>>, vector<16xi32>,
    %gt3A_215 = arith.constant 11 : i32
    %gt3A_216 = arith.cmpi sgt, %add3A, %gt3A_215 : i32
    %broadcast_in_dim3A_217 = arith.constant 0 : i32
    %broadcast_in_dim3A_218 = vector.broadcast %broadcast_in_dim3A_217 : i32 to vector<16xi32>
    %select_n3A_219 = arith.select %gt3A_216, %get3A_214, %broadcast_in_dim3A_218 : vector<16xi32>
    %add3A_220 = arith.addi %add3A_212, %select_n3A_219 : vector<16xi32>
    %get3A_221 = arith.constant 192 : index
    %get3A_222 = tpu.vector_load %arg7[%get3A_221] {strides = array<i32>} : memref<512xi32, #tpu.memory_space<vmem>>, vector<16xi32>,
    %gt3A_223 = arith.constant 12 : i32
    %gt3A_224 = arith.cmpi sgt, %add3A, %gt3A_223 : i32
    %broadcast_in_dim3A_225 = arith.constant 0 : i32
    %broadcast_in_dim3A_226 = vector.broadcast %broadcast_in_dim3A_225 : i32 to vector<16xi32>
    %select_n3A_227 = arith.select %gt3A_224, %get3A_222, %broadcast_in_dim3A_226 : vector<16xi32>
    %add3A_228 = arith.addi %add3A_220, %select_n3A_227 : vector<16xi32>
    %get3A_229 = arith.constant 208 : index
    %get3A_230 = tpu.vector_load %arg7[%get3A_229] {strides = array<i32>} : memref<512xi32, #tpu.memory_space<vmem>>, vector<16xi32>,
    %gt3A_231 = arith.constant 13 : i32
    %gt3A_232 = arith.cmpi sgt, %add3A, %gt3A_231 : i32
    %broadcast_in_dim3A_233 = arith.constant 0 : i32
    %broadcast_in_dim3A_234 = vector.broadcast %broadcast_in_dim3A_233 : i32 to vector<16xi32>
    %select_n3A_235 = arith.select %gt3A_232, %get3A_230, %broadcast_in_dim3A_234 : vector<16xi32>
    %add3A_236 = arith.addi %add3A_228, %select_n3A_235 : vector<16xi32>
    %get3A_237 = arith.constant 224 : index
    %get3A_238 = tpu.vector_load %arg7[%get3A_237] {strides = array<i32>} : memref<512xi32, #tpu.memory_space<vmem>>, vector<16xi32>,
    %gt3A_239 = arith.constant 14 : i32
    %gt3A_240 = arith.cmpi sgt, %add3A, %gt3A_239 : i32
    %broadcast_in_dim3A_241 = arith.constant 0 : i32
    %broadcast_in_dim3A_242 = vector.broadcast %broadcast_in_dim3A_241 : i32 to vector<16xi32>
    %select_n3A_243 = arith.select %gt3A_240, %get3A_238, %broadcast_in_dim3A_242 : vector<16xi32>
    %add3A_244 = arith.addi %add3A_236, %select_n3A_243 : vector<16xi32>
    %get3A_245 = arith.constant 240 : index
    %get3A_246 = tpu.vector_load %arg7[%get3A_245] {strides = array<i32>} : memref<512xi32, #tpu.memory_space<vmem>>, vector<16xi32>,
    %gt3A_247 = arith.constant 15 : i32
    %gt3A_248 = arith.cmpi sgt, %add3A, %gt3A_247 : i32
    %broadcast_in_dim3A_249 = arith.constant 0 : i32
    %broadcast_in_dim3A_250 = vector.broadcast %broadcast_in_dim3A_249 : i32 to vector<16xi32>
    %select_n3A_251 = arith.select %gt3A_248, %get3A_246, %broadcast_in_dim3A_250 : vector<16xi32>
    %add3A_252 = arith.addi %add3A_244, %select_n3A_251 : vector<16xi32>
    %get3A_253 = arith.constant 256 : index
    %get3A_254 = tpu.vector_load %arg7[%get3A_253] {strides = array<i32>} : memref<512xi32, #tpu.memory_space<vmem>>, vector<16xi32>,
    %gt3A_255 = arith.constant 16 : i32
    %gt3A_256 = arith.cmpi sgt, %add3A, %gt3A_255 : i32
    %broadcast_in_dim3A_257 = arith.constant 0 : i32
    %broadcast_in_dim3A_258 = vector.broadcast %broadcast_in_dim3A_257 : i32 to vector<16xi32>
    %select_n3A_259 = arith.select %gt3A_256, %get3A_254, %broadcast_in_dim3A_258 : vector<16xi32>
    %add3A_260 = arith.addi %add3A_252, %select_n3A_259 : vector<16xi32>
    %get3A_261 = arith.constant 272 : index
    %get3A_262 = tpu.vector_load %arg7[%get3A_261] {strides = array<i32>} : memref<512xi32, #tpu.memory_space<vmem>>, vector<16xi32>,
    %gt3A_263 = arith.constant 17 : i32
    %gt3A_264 = arith.cmpi sgt, %add3A, %gt3A_263 : i32
    %broadcast_in_dim3A_265 = arith.constant 0 : i32
    %broadcast_in_dim3A_266 = vector.broadcast %broadcast_in_dim3A_265 : i32 to vector<16xi32>
    %select_n3A_267 = arith.select %gt3A_264, %get3A_262, %broadcast_in_dim3A_266 : vector<16xi32>
    %add3A_268 = arith.addi %add3A_260, %select_n3A_267 : vector<16xi32>
    %get3A_269 = arith.constant 288 : index
    %get3A_270 = tpu.vector_load %arg7[%get3A_269] {strides = array<i32>} : memref<512xi32, #tpu.memory_space<vmem>>, vector<16xi32>,
    %gt3A_271 = arith.constant 18 : i32
    %gt3A_272 = arith.cmpi sgt, %add3A, %gt3A_271 : i32
    %broadcast_in_dim3A_273 = arith.constant 0 : i32
    %broadcast_in_dim3A_274 = vector.broadcast %broadcast_in_dim3A_273 : i32 to vector<16xi32>
    %select_n3A_275 = arith.select %gt3A_272, %get3A_270, %broadcast_in_dim3A_274 : vector<16xi32>
    %add3A_276 = arith.addi %add3A_268, %select_n3A_275 : vector<16xi32>
    %get3A_277 = arith.constant 304 : index
    %get3A_278 = tpu.vector_load %arg7[%get3A_277] {strides = array<i32>} : memref<512xi32, #tpu.memory_space<vmem>>, vector<16xi32>,
    %gt3A_279 = arith.constant 19 : i32
    %gt3A_280 = arith.cmpi sgt, %add3A, %gt3A_279 : i32
    %broadcast_in_dim3A_281 = arith.constant 0 : i32
    %broadcast_in_dim3A_282 = vector.broadcast %broadcast_in_dim3A_281 : i32 to vector<16xi32>
    %select_n3A_283 = arith.select %gt3A_280, %get3A_278, %broadcast_in_dim3A_282 : vector<16xi32>
    %add3A_284 = arith.addi %add3A_276, %select_n3A_283 : vector<16xi32>
    %get3A_285 = arith.constant 320 : index
    %get3A_286 = tpu.vector_load %arg7[%get3A_285] {strides = array<i32>} : memref<512xi32, #tpu.memory_space<vmem>>, vector<16xi32>,
    %gt3A_287 = arith.constant 20 : i32
    %gt3A_288 = arith.cmpi sgt, %add3A, %gt3A_287 : i32
    %broadcast_in_dim3A_289 = arith.constant 0 : i32
    %broadcast_in_dim3A_290 = vector.broadcast %broadcast_in_dim3A_289 : i32 to vector<16xi32>
    %select_n3A_291 = arith.select %gt3A_288, %get3A_286, %broadcast_in_dim3A_290 : vector<16xi32>
    %add3A_292 = arith.addi %add3A_284, %select_n3A_291 : vector<16xi32>
    %get3A_293 = arith.constant 336 : index
    %get3A_294 = tpu.vector_load %arg7[%get3A_293] {strides = array<i32>} : memref<512xi32, #tpu.memory_space<vmem>>, vector<16xi32>,
    %gt3A_295 = arith.constant 21 : i32
    %gt3A_296 = arith.cmpi sgt, %add3A, %gt3A_295 : i32
    %broadcast_in_dim3A_297 = arith.constant 0 : i32
    %broadcast_in_dim3A_298 = vector.broadcast %broadcast_in_dim3A_297 : i32 to vector<16xi32>
    %select_n3A_299 = arith.select %gt3A_296, %get3A_294, %broadcast_in_dim3A_298 : vector<16xi32>
    %add3A_300 = arith.addi %add3A_292, %select_n3A_299 : vector<16xi32>
    %get3A_301 = arith.constant 352 : index
    %get3A_302 = tpu.vector_load %arg7[%get3A_301] {strides = array<i32>} : memref<512xi32, #tpu.memory_space<vmem>>, vector<16xi32>,
    %gt3A_303 = arith.constant 22 : i32
    %gt3A_304 = arith.cmpi sgt, %add3A, %gt3A_303 : i32
    %broadcast_in_dim3A_305 = arith.constant 0 : i32
    %broadcast_in_dim3A_306 = vector.broadcast %broadcast_in_dim3A_305 : i32 to vector<16xi32>
    %select_n3A_307 = arith.select %gt3A_304, %get3A_302, %broadcast_in_dim3A_306 : vector<16xi32>
    %add3A_308 = arith.addi %add3A_300, %select_n3A_307 : vector<16xi32>
    %get3A_309 = arith.constant 368 : index
    %get3A_310 = tpu.vector_load %arg7[%get3A_309] {strides = array<i32>} : memref<512xi32, #tpu.memory_space<vmem>>, vector<16xi32>,
    %gt3A_311 = arith.constant 23 : i32
    %gt3A_312 = arith.cmpi sgt, %add3A, %gt3A_311 : i32
    %broadcast_in_dim3A_313 = arith.constant 0 : i32
    %broadcast_in_dim3A_314 = vector.broadcast %broadcast_in_dim3A_313 : i32 to vector<16xi32>
    %select_n3A_315 = arith.select %gt3A_312, %get3A_310, %broadcast_in_dim3A_314 : vector<16xi32>
    %add3A_316 = arith.addi %add3A_308, %select_n3A_315 : vector<16xi32>
    %get3A_317 = arith.constant 384 : index
    %get3A_318 = tpu.vector_load %arg7[%get3A_317] {strides = array<i32>} : memref<512xi32, #tpu.memory_space<vmem>>, vector<16xi32>,
    %gt3A_319 = arith.constant 24 : i32
    %gt3A_320 = arith.cmpi sgt, %add3A, %gt3A_319 : i32
    %broadcast_in_dim3A_321 = arith.constant 0 : i32
    %broadcast_in_dim3A_322 = vector.broadcast %broadcast_in_dim3A_321 : i32 to vector<16xi32>
    %select_n3A_323 = arith.select %gt3A_320, %get3A_318, %broadcast_in_dim3A_322 : vector<16xi32>
    %add3A_324 = arith.addi %add3A_316, %select_n3A_323 : vector<16xi32>
    %get3A_325 = arith.constant 400 : index
    %get3A_326 = tpu.vector_load %arg7[%get3A_325] {strides = array<i32>} : memref<512xi32, #tpu.memory_space<vmem>>, vector<16xi32>,
    %gt3A_327 = arith.constant 25 : i32
    %gt3A_328 = arith.cmpi sgt, %add3A, %gt3A_327 : i32
    %broadcast_in_dim3A_329 = arith.constant 0 : i32
    %broadcast_in_dim3A_330 = vector.broadcast %broadcast_in_dim3A_329 : i32 to vector<16xi32>
    %select_n3A_331 = arith.select %gt3A_328, %get3A_326, %broadcast_in_dim3A_330 : vector<16xi32>
    %add3A_332 = arith.addi %add3A_324, %select_n3A_331 : vector<16xi32>
    %get3A_333 = arith.constant 416 : index
    %get3A_334 = tpu.vector_load %arg7[%get3A_333] {strides = array<i32>} : memref<512xi32, #tpu.memory_space<vmem>>, vector<16xi32>,
    %gt3A_335 = arith.constant 26 : i32
    %gt3A_336 = arith.cmpi sgt, %add3A, %gt3A_335 : i32
    %broadcast_in_dim3A_337 = arith.constant 0 : i32
    %broadcast_in_dim3A_338 = vector.broadcast %broadcast_in_dim3A_337 : i32 to vector<16xi32>
    %select_n3A_339 = arith.select %gt3A_336, %get3A_334, %broadcast_in_dim3A_338 : vector<16xi32>
    %add3A_340 = arith.addi %add3A_332, %select_n3A_339 : vector<16xi32>
    %get3A_341 = arith.constant 432 : index
    %get3A_342 = tpu.vector_load %arg7[%get3A_341] {strides = array<i32>} : memref<512xi32, #tpu.memory_space<vmem>>, vector<16xi32>,
    %gt3A_343 = arith.constant 27 : i32
    %gt3A_344 = arith.cmpi sgt, %add3A, %gt3A_343 : i32
    %broadcast_in_dim3A_345 = arith.constant 0 : i32
    %broadcast_in_dim3A_346 = vector.broadcast %broadcast_in_dim3A_345 : i32 to vector<16xi32>
    %select_n3A_347 = arith.select %gt3A_344, %get3A_342, %broadcast_in_dim3A_346 : vector<16xi32>
    %add3A_348 = arith.addi %add3A_340, %select_n3A_347 : vector<16xi32>
    %get3A_349 = arith.constant 448 : index
    %get3A_350 = tpu.vector_load %arg7[%get3A_349] {strides = array<i32>} : memref<512xi32, #tpu.memory_space<vmem>>, vector<16xi32>,
    %gt3A_351 = arith.constant 28 : i32
    %gt3A_352 = arith.cmpi sgt, %add3A, %gt3A_351 : i32
    %broadcast_in_dim3A_353 = arith.constant 0 : i32
    %broadcast_in_dim3A_354 = vector.broadcast %broadcast_in_dim3A_353 : i32 to vector<16xi32>
    %select_n3A_355 = arith.select %gt3A_352, %get3A_350, %broadcast_in_dim3A_354 : vector<16xi32>
    %add3A_356 = arith.addi %add3A_348, %select_n3A_355 : vector<16xi32>
    %get3A_357 = arith.constant 464 : index
    %get3A_358 = tpu.vector_load %arg7[%get3A_357] {strides = array<i32>} : memref<512xi32, #tpu.memory_space<vmem>>, vector<16xi32>,
    %gt3A_359 = arith.constant 29 : i32
    %gt3A_360 = arith.cmpi sgt, %add3A, %gt3A_359 : i32
    %broadcast_in_dim3A_361 = arith.constant 0 : i32
    %broadcast_in_dim3A_362 = vector.broadcast %broadcast_in_dim3A_361 : i32 to vector<16xi32>
    %select_n3A_363 = arith.select %gt3A_360, %get3A_358, %broadcast_in_dim3A_362 : vector<16xi32>
    %add3A_364 = arith.addi %add3A_356, %select_n3A_363 : vector<16xi32>
    %get3A_365 = arith.constant 480 : index
    %get3A_366 = tpu.vector_load %arg7[%get3A_365] {strides = array<i32>} : memref<512xi32, #tpu.memory_space<vmem>>, vector<16xi32>,
    %gt3A_367 = arith.constant 30 : i32
    %gt3A_368 = arith.cmpi sgt, %add3A, %gt3A_367 : i32
    %broadcast_in_dim3A_369 = arith.constant 0 : i32
    %broadcast_in_dim3A_370 = vector.broadcast %broadcast_in_dim3A_369 : i32 to vector<16xi32>
    %select_n3A_371 = arith.select %gt3A_368, %get3A_366, %broadcast_in_dim3A_370 : vector<16xi32>
    %add3A_372 = arith.addi %add3A_364, %select_n3A_371 : vector<16xi32>
    %get3A_373 = arith.constant 496 : index
    %get3A_374 = tpu.vector_load %arg7[%get3A_373] {strides = array<i32>} : memref<512xi32, #tpu.memory_space<vmem>>, vector<16xi32>,
    %gt3A_375 = arith.constant 31 : i32
    %gt3A_376 = arith.cmpi sgt, %add3A, %gt3A_375 : i32
    %broadcast_in_dim3A_377 = arith.constant 0 : i32
    %broadcast_in_dim3A_378 = vector.broadcast %broadcast_in_dim3A_377 : i32 to vector<16xi32>
    %select_n3A_379 = arith.select %gt3A_376, %get3A_374, %broadcast_in_dim3A_378 : vector<16xi32>
    %add3A_380 = arith.addi %add3A_372, %select_n3A_379 : vector<16xi32>
    %slice3A = vector.extract_strided_slice %add3A_380 {offsets = [0], sizes = [1], strides = [1]} : vector<16xi32> to vector<1xi32>
    %squeeze3A = vector.extract %slice3A[0] : i32 from vector<1xi32>
    %mul3A_381 = arith.constant 256 : i32
    %mul3A_382 = arith.muli %arg0, %mul3A_381 : i32
    %get3A_383 = arith.index_cast %mul3A_382 : i32 to index
    %get3A_384 = tpu.vector_load %arg5[%get3A_383] {strides = array<i32>} : memref<512xi32, #tpu.memory_space<vmem>>, vector<16xi32>,
    %slice3A_385 = vector.extract_strided_slice %get3A_384 {offsets = [0], sizes = [1], strides = [1]} : vector<16xi32> to vector<1xi32>
    %squeeze3A_386 = vector.extract %slice3A_385[0] : i32 from vector<1xi32>
    %add3A_387 = arith.addi %squeeze3A, %squeeze3A_386 : i32
    %sub3A = arith.constant 1 : i32
    %sub3A_388 = arith.subi %add3A_387, %sub3A : i32
    %max3A = arith.constant 0 : i32
    %max3A_389 = arith.maxsi %sub3A_388, %max3A : i32
    %shift_right_logical3A = arith.constant 3 : i32
    %shift_right_logical3A_390 = arith.shrui %max3A_389, %shift_right_logical3A : i32
    %add3A_391 = arith.constant 0 : i32
    %add3A_392 = arith.addi %shift_right_logical3A_390, %add3A_391 : i32
    %min3A = arith.constant 1023 : i32
    %min3A_393 = arith.minsi %add3A_392, %min3A : i32
    %mul3A_394 = arith.constant 8 : i32
    %mul3A_395 = arith.muli %min3A_393, %mul3A_394 : i32
    %rem3A = arith.constant 3 : i32
    %rem3A_396 = arith.remsi %add3A_392, %rem3A : i32
    %dma_start3A = arith.constant 0 : i32
    %dma_start3A_397 = arith.constant 0 : i32
    %dma_start3A_398 = tpu.memref_slice %arg8[%rem3A_396, %dma_start3A, %dma_start3A_397] : memref<3x8x4096xf32, #tpu.memory_space<vmem>> -> memref<1x8x4096xf32, #tpu.memory_space<vmem>>
    %dma_start3A_399 = tpu.memref_squeeze %dma_start3A_398 : memref<1x8x4096xf32, #tpu.memory_space<vmem>> -> memref<8x4096xf32, #tpu.memory_space<vmem>>
    %dma_start3A_400 = arith.constant 0 : i32
    %dma_start3A_401 = tpu.memref_slice %arg3[%mul3A_395, %dma_start3A_400] : memref<8192x4096xf32, #tpu.memory_space<hbm>> -> memref<8x4096xf32, #tpu.memory_space<hbm>>
    %dma_start3A_402 = arith.constant 0 : i32
    %dma_start3A_403 = arith.constant 0 : i32
    %dma_start3A_404 = tpu.memref_slice %arg8[%rem3A_396, %dma_start3A_402, %dma_start3A_403] : memref<3x8x4096xf32, #tpu.memory_space<vmem>> -> memref<1x8x4096xf32, #tpu.memory_space<vmem>>
    %dma_start3A_405 = tpu.memref_squeeze %dma_start3A_404 : memref<1x8x4096xf32, #tpu.memory_space<vmem>> -> memref<8x4096xf32, #tpu.memory_space<vmem>>
    %dma_start3A_406 = arith.constant 0 : i32
    %dma_start3A_407 = tpu.memref_slice %arg3[%mul3A_395, %dma_start3A_406] : memref<8192x4096xf32, #tpu.memory_space<hbm>> -> memref<8x4096xf32, #tpu.memory_space<hbm>>
    tpu.enqueue_dma source(%dma_start3A_407 : memref<8x4096xf32, #tpu.memory_space<hbm>>) target(%dma_start3A_405 : memref<8x4096xf32, #tpu.memory_space<vmem>>) target_semaphore(%arg10 : memref<!tpu.dma_semaphore, #tpu.memory_space<semaphore_mem>>)
    %add3A_408 = arith.constant 1 : i32
    %add3A_409 = arith.addi %shift_right_logical3A_390, %add3A_408 : i32
    %min3A_410 = arith.constant 1023 : i32
    %min3A_411 = arith.minsi %add3A_409, %min3A_410 : i32
    %mul3A_412 = arith.constant 8 : i32
    %mul3A_413 = arith.muli %min3A_411, %mul3A_412 : i32
    %rem3A_414 = arith.constant 3 : i32
    %rem3A_415 = arith.remsi %add3A_409, %rem3A_414 : i32
    %dma_start3A_416 = arith.constant 0 : i32
    %dma_start3A_417 = arith.constant 0 : i32
    %dma_start3A_418 = tpu.memref_slice %arg8[%rem3A_415, %dma_start3A_416, %dma_start3A_417] : memref<3x8x4096xf32, #tpu.memory_space<vmem>> -> memref<1x8x4096xf32, #tpu.memory_space<vmem>>
    %dma_start3A_419 = tpu.memref_squeeze %dma_start3A_418 : memref<1x8x4096xf32, #tpu.memory_space<vmem>> -> memref<8x4096xf32, #tpu.memory_space<vmem>>
    %dma_start3A_420 = arith.constant 0 : i32
    %dma_start3A_421 = tpu.memref_slice %arg3[%mul3A_413, %dma_start3A_420] : memref<8192x4096xf32, #tpu.memory_space<hbm>> -> memref<8x4096xf32, #tpu.memory_space<hbm>>
    %dma_start3A_422 = arith.constant 0 : i32
    %dma_start3A_423 = arith.constant 0 : i32
    %dma_start3A_424 = tpu.memref_slice %arg8[%rem3A_415, %dma_start3A_422, %dma_start3A_423] : memref<3x8x4096xf32, #tpu.memory_space<vmem>> -> memref<1x8x4096xf32, #tpu.memory_space<vmem>>
    %dma_start3A_425 = tpu.memref_squeeze %dma_start3A_424 : memref<1x8x4096xf32, #tpu.memory_space<vmem>> -> memref<8x4096xf32, #tpu.memory_space<vmem>>
    %dma_start3A_426 = arith.constant 0 : i32
    %dma_start3A_427 = tpu.memref_slice %arg3[%mul3A_413, %dma_start3A_426] : memref<8192x4096xf32, #tpu.memory_space<hbm>> -> memref<8x4096xf32, #tpu.memory_space<hbm>>
    tpu.enqueue_dma source(%dma_start3A_427 : memref<8x4096xf32, #tpu.memory_space<hbm>>) target(%dma_start3A_425 : memref<8x4096xf32, #tpu.memory_space<vmem>>) target_semaphore(%arg10 : memref<!tpu.dma_semaphore, #tpu.memory_space<semaphore_mem>>)
    %min3A_428 = arith.constant 1023 : i32
    %min3A_429 = arith.minsi %shift_right_logical3A_390, %min3A_428 : i32
    %mul3A_430 = arith.constant 8 : i32
    %mul3A_431 = arith.muli %min3A_429, %mul3A_430 : i32
    %rem3A_432 = arith.constant 3 : i32
    %rem3A_433 = arith.remsi %shift_right_logical3A_390, %rem3A_432 : i32
    %dma_wait3A = arith.constant 0 : i32
    %dma_wait3A_434 = arith.constant 0 : i32
    %dma_wait3A_435 = tpu.memref_slice %arg8[%rem3A_433, %dma_wait3A, %dma_wait3A_434] : memref<3x8x4096xf32, #tpu.memory_space<vmem>> -> memref<1x8x4096xf32, #tpu.memory_space<vmem>>
    %dma_wait3A_436 = tpu.memref_squeeze %dma_wait3A_435 : memref<1x8x4096xf32, #tpu.memory_space<vmem>> -> memref<8x4096xf32, #tpu.memory_space<vmem>>
    %dma_wait3A_437 = arith.constant 0 : i32
    %dma_wait3A_438 = tpu.memref_slice %arg3[%mul3A_431, %dma_wait3A_437] : memref<8192x4096xf32, #tpu.memory_space<hbm>> -> memref<8x4096xf32, #tpu.memory_space<hbm>>
    %dma_wait3A_439 = arith.constant 0 : i32
    %dma_wait3A_440 = arith.constant 0 : i32
    %dma_wait3A_441 = tpu.memref_slice %arg8[%rem3A_433, %dma_wait3A_439, %dma_wait3A_440] : memref<3x8x4096xf32, #tpu.memory_space<vmem>> -> memref<1x8x4096xf32, #tpu.memory_space<vmem>>
    %dma_wait3A_442 = tpu.memref_squeeze %dma_wait3A_441 : memref<1x8x4096xf32, #tpu.memory_space<vmem>> -> memref<8x4096xf32, #tpu.memory_space<vmem>>
    %dma_wait3A_443 = arith.constant 0 : i32
    %dma_wait3A_444 = tpu.memref_slice %arg3[%mul3A_431, %dma_wait3A_443] : memref<8192x4096xf32, #tpu.memory_space<hbm>> -> memref<8x4096xf32, #tpu.memory_space<hbm>>
    tpu.wait_dma2 semaphore(%arg10 : memref<!tpu.dma_semaphore, #tpu.memory_space<semaphore_mem>>) src(%dma_wait3A_444 : memref<8x4096xf32, #tpu.memory_space<hbm>>) dst(%dma_wait3A_442 : memref<8x4096xf32, #tpu.memory_space<vmem>>)
    %rem3A_445 = arith.constant 3 : i32
    %rem3A_446 = arith.remsi %shift_right_logical3A_390, %rem3A_445 : i32
    %mul3A_447 = arith.constant 256 : i32
    %mul3A_448 = arith.muli %arg0, %mul3A_447 : i32
    %add3A_449 = arith.constant 0 : i32
    %add3A_450 = arith.addi %mul3A_448, %add3A_449 : i32
    %get3A_451 = arith.index_cast %add3A_450 : i32 to index
    %get3A_452 = tpu.vector_load %arg5[%get3A_451] {strides = array<i32>} : memref<512xi32, #tpu.memory_space<vmem>>, vector<16xi32>,
    %broadcast_in_dim3A_453 = arith.constant true
    %broadcast_in_dim3A_454 = vector.broadcast %broadcast_in_dim3A_453 : i1 to vector<16xi1>
    %masked_cumsum3A = tpu.scan <sum>, %get3A_452 masked %broadcast_in_dim3A_454 : vector<16xi32>, vector<16xi1> -> vector<16xi32>
    %sub3A_455 = arith.constant 1 : i32
    %sub3A_456 = arith.subi %squeeze3A, %sub3A_455 : i32
    %add3A_457 = vector.broadcast %sub3A_456 : i32 to vector<16xi32>
    %add3A_458 = arith.addi %masked_cumsum3A, %add3A_457 : vector<16xi32>
    %max3A_459 = arith.constant 0 : i32
    %max3A_460 = vector.broadcast %max3A_459 : i32 to vector<16xi32>
    %max3A_461 = arith.maxsi %add3A_458, %max3A_460 : vector<16xi32>
    %slice3A_462 = vector.extract_strided_slice %max3A_461 {offsets = [0], sizes = [1], strides = [1]} : vector<16xi32> to vector<1xi32>
    %squeeze3A_463 = vector.extract %slice3A_462[0] : i32 from vector<1xi32>
    %shift_right_logical3A_464 = arith.constant 3 : i32
    %shift_right_logical3A_465 = arith.shrui %squeeze3A_463, %shift_right_logical3A_464 : i32
    %ne3A = arith.cmpi ne, %shift_right_logical3A_465, %shift_right_logical3A_390 : i32
    %convert_element_type3A = arith.extui %ne3A : i1 to i32
    %cond3A = arith.constant 0 : i32
    %cond3A_466 = arith.cmpi ne, %convert_element_type3A, %cond3A : i32
    scf.if %cond3A_466 {
      %min3A_1236 = arith.constant 0 : i32
      %min3A_1237 = arith.constant 1023 : i32
      %min3A_1238 = arith.minsi %min3A_1236, %min3A_1237 : i32
      %mul3A_1239 = arith.constant 8 : i32
      %mul3A_1240 = arith.muli %min3A_1238, %mul3A_1239 : i32
      %rem3A_1241 = arith.constant 0 : i32
      %rem3A_1242 = arith.constant 3 : i32
      %rem3A_1243 = arith.remsi %rem3A_1241, %rem3A_1242 : i32
      %dma_wait3A_1244 = arith.constant 0 : i32
      %dma_wait3A_1245 = arith.constant 0 : i32
      %dma_wait3A_1246 = tpu.memref_slice %arg8[%rem3A_1243, %dma_wait3A_1244, %dma_wait3A_1245] : memref<3x8x4096xf32, #tpu.memory_space<vmem>> -> memref<1x8x4096xf32, #tpu.memory_space<vmem>>
      %dma_wait3A_1247 = tpu.memref_squeeze %dma_wait3A_1246 : memref<1x8x4096xf32, #tpu.memory_space<vmem>> -> memref<8x4096xf32, #tpu.memory_space<vmem>>
      %dma_wait3A_1248 = arith.constant 0 : i32
      %dma_wait3A_1249 = tpu.memref_slice %arg3[%mul3A_1240, %dma_wait3A_1248] : memref<8192x4096xf32, #tpu.memory_space<hbm>> -> memref<8x4096xf32, #tpu.memory_space<hbm>>
      %dma_wait3A_1250 = arith.constant 0 : i32
      %dma_wait3A_1251 = arith.constant 0 : i32
      %dma_wait3A_1252 = tpu.memref_slice %arg8[%rem3A_1243, %dma_wait3A_1250, %dma_wait3A_1251] : memref<3x8x4096xf32, #tpu.memory_space<vmem>> -> memref<1x8x4096xf32, #tpu.memory_space<vmem>>
      %dma_wait3A_1253 = tpu.memref_squeeze %dma_wait3A_1252 : memref<1x8x4096xf32, #tpu.memory_space<vmem>> -> memref<8x4096xf32, #tpu.memory_space<vmem>>
      %dma_wait3A_1254 = arith.constant 0 : i32
      %dma_wait3A_1255 = tpu.memref_slice %arg3[%mul3A_1240, %dma_wait3A_1254] : memref<8192x4096xf32, #tpu.memory_space<hbm>> -> memref<8x4096xf32, #tpu.memory_space<hbm>>
      tpu.wait_dma2 semaphore(%arg10 : memref<!tpu.dma_semaphore, #tpu.memory_space<semaphore_mem>>) src(%dma_wait3A_1255 : memref<8x4096xf32, #tpu.memory_space<hbm>>) dst(%dma_wait3A_1253 : memref<8x4096xf32, #tpu.memory_space<vmem>>)
      %add3A_1256 = arith.constant 1 : i32
      %add3A_1257 = arith.addi %shift_right_logical3A_465, %add3A_1256 : i32
      %min3A_1258 = arith.constant 1023 : i32
      %min3A_1259 = arith.minsi %add3A_1257, %min3A_1258 : i32
      %mul3A_1260 = arith.constant 8 : i32
      %mul3A_1261 = arith.muli %min3A_1259, %mul3A_1260 : i32
      %rem3A_1262 = arith.constant 3 : i32
      %rem3A_1263 = arith.remsi %add3A_1257, %rem3A_1262 : i32
      %dma_start3A_1264 = arith.constant 0 : i32
      %dma_start3A_1265 = arith.constant 0 : i32
      %dma_start3A_1266 = tpu.memref_slice %arg8[%rem3A_1263, %dma_start3A_1264, %dma_start3A_1265] : memref<3x8x4096xf32, #tpu.memory_space<vmem>> -> memref<1x8x4096xf32, #tpu.memory_space<vmem>>
      %dma_start3A_1267 = tpu.memref_squeeze %dma_start3A_1266 : memref<1x8x4096xf32, #tpu.memory_space<vmem>> -> memref<8x4096xf32, #tpu.memory_space<vmem>>
      %dma_start3A_1268 = arith.constant 0 : i32
      %dma_start3A_1269 = tpu.memref_slice %arg3[%mul3A_1261, %dma_start3A_1268] : memref<8192x4096xf32, #tpu.memory_space<hbm>> -> memref<8x4096xf32, #tpu.memory_space<hbm>>
      %dma_start3A_1270 = arith.constant 0 : i32
      %dma_start3A_1271 = arith.constant 0 : i32
      %dma_start3A_1272 = tpu.memref_slice %arg8[%rem3A_1263, %dma_start3A_1270, %dma_start3A_1271] : memref<3x8x4096xf32, #tpu.memory_space<vmem>> -> memref<1x8x4096xf32, #tpu.memory_space<vmem>>
      %dma_start3A_1273 = tpu.memref_squeeze %dma_start3A_1272 : memref<1x8x4096xf32, #tpu.memory_space<vmem>> -> memref<8x4096xf32, #tpu.memory_space<vmem>>
      %dma_start3A_1274 = arith.constant 0 : i32
      %dma_start3A_1275 = tpu.memref_slice %arg3[%mul3A_1261, %dma_start3A_1274] : memref<8192x4096xf32, #tpu.memory_space<hbm>> -> memref<8x4096xf32, #tpu.memory_space<hbm>>
      tpu.enqueue_dma source(%dma_start3A_1275 : memref<8x4096xf32, #tpu.memory_space<hbm>>) target(%dma_start3A_1273 : memref<8x4096xf32, #tpu.memory_space<vmem>>) target_semaphore(%arg10 : memref<!tpu.dma_semaphore, #tpu.memory_space<semaphore_mem>>)
    } else {
    }
    %eq3A = arith.constant 2 : i32
    %eq3A_467 = arith.cmpi eq, %rem3A_446, %eq3A : i32
    %add3A_468 = arith.constant 1 : i32
    %add3A_469 = arith.addi %rem3A_446, %add3A_468 : i32
    %jit3A = arith.constant 0 : i32
    %select_n3A_470 = arith.select %eq3A_467, %jit3A, %add3A_469 : i32
    %select_n3A_471 = arith.select %ne3A, %select_n3A_470, %rem3A_446 : i32
    %and3A = arith.constant 7 : i32
    %and3A_472 = arith.andi %squeeze3A_463, %and3A : i32
    %add3A_473 = arith.constant 0 : i32
    %add3A_474 = arith.addi %mul3A_2, %add3A_473 : i32
    %dma_start3A_475 = arith.constant 0 : i32
    %dma_start3A_476 = tpu.memref_slice %arg8[%select_n3A_471, %and3A_472, %dma_start3A_475] : memref<3x8x4096xf32, #tpu.memory_space<vmem>> -> memref<1x1x4096xf32, #tpu.memory_space<vmem>>
    %dma_start3A_477 = tpu.memref_squeeze %dma_start3A_476 : memref<1x1x4096xf32, #tpu.memory_space<vmem>> -> memref<4096xf32, #tpu.memory_space<vmem>>
    %dma_start3A_478 = arith.constant 0 : i32
    %dma_start3A_479 = tpu.memref_slice %arg4[%add3A_474, %dma_start3A_478] : memref<8192x4096xf32, #tpu.memory_space<hbm>> -> memref<1x4096xf32, #tpu.memory_space<hbm>>
    %dma_start3A_480 = tpu.memref_squeeze %dma_start3A_479 : memref<1x4096xf32, #tpu.memory_space<hbm>> -> memref<4096xf32, #tpu.memory_space<hbm>>
    %dma_start3A_481 = arith.constant 0 : i32
    %dma_start3A_482 = tpu.memref_slice %arg4[%add3A_474, %dma_start3A_481] : memref<8192x4096xf32, #tpu.memory_space<hbm>> -> memref<1x4096xf32, #tpu.memory_space<hbm>>
    %dma_start3A_483 = tpu.memref_squeeze %dma_start3A_482 : memref<1x4096xf32, #tpu.memory_space<hbm>> -> memref<4096xf32, #tpu.memory_space<hbm>>
    %dma_start3A_484 = arith.constant 0 : i32
    %dma_start3A_485 = tpu.memref_slice %arg8[%select_n3A_471, %and3A_472, %dma_start3A_484] : memref<3x8x4096xf32, #tpu.memory_space<vmem>> -> memref<1x1x4096xf32, #tpu.memory_space<vmem>>
    %dma_start3A_486 = tpu.memref_squeeze %dma_start3A_485 : memref<1x1x4096xf32, #tpu.memory_space<vmem>> -> memref<4096xf32, #tpu.memory_space<vmem>>
    tpu.enqueue_dma source(%dma_start3A_486 : memref<4096xf32, #tpu.memory_space<vmem>>) target(%dma_start3A_483 : memref<4096xf32, #tpu.memory_space<hbm>>) target_semaphore(%arg11 : memref<!tpu.dma_semaphore, #tpu.memory_space<semaphore_mem>>)
    %slice3A_487 = vector.extract_strided_slice %max3A_461 {offsets = [1], sizes = [1], strides = [1]} : vector<16xi32> to vector<1xi32>
    %squeeze3A_488 = vector.extract %slice3A_487[0] : i32 from vector<1xi32>
    %shift_right_logical3A_489 = arith.constant 3 : i32
    %shift_right_logical3A_490 = arith.shrui %squeeze3A_488, %shift_right_logical3A_489 : i32
    %ne3A_491 = arith.cmpi ne, %shift_right_logical3A_490, %shift_right_logical3A_465 : i32
    %convert_element_type3A_492 = arith.extui %ne3A_491 : i1 to i32
    %cond3A_493 = arith.constant 0 : i32
    %cond3A_494 = arith.cmpi ne, %convert_element_type3A_492, %cond3A_493 : i32
    scf.if %cond3A_494 {
      %min3A_1236 = arith.constant 0 : i32
      %min3A_1237 = arith.constant 1023 : i32
      %min3A_1238 = arith.minsi %min3A_1236, %min3A_1237 : i32
      %mul3A_1239 = arith.constant 8 : i32
      %mul3A_1240 = arith.muli %min3A_1238, %mul3A_1239 : i32
      %rem3A_1241 = arith.constant 0 : i32
      %rem3A_1242 = arith.constant 3 : i32
      %rem3A_1243 = arith.remsi %rem3A_1241, %rem3A_1242 : i32
      %dma_wait3A_1244 = arith.constant 0 : i32
      %dma_wait3A_1245 = arith.constant 0 : i32
      %dma_wait3A_1246 = tpu.memref_slice %arg8[%rem3A_1243, %dma_wait3A_1244, %dma_wait3A_1245] : memref<3x8x4096xf32, #tpu.memory_space<vmem>> -> memref<1x8x4096xf32, #tpu.memory_space<vmem>>
      %dma_wait3A_1247 = tpu.memref_squeeze %dma_wait3A_1246 : memref<1x8x4096xf32, #tpu.memory_space<vmem>> -> memref<8x4096xf32, #tpu.memory_space<vmem>>
      %dma_wait3A_1248 = arith.constant 0 : i32
      %dma_wait3A_1249 = tpu.memref_slice %arg3[%mul3A_1240, %dma_wait3A_1248] : memref<8192x4096xf32, #tpu.memory_space<hbm>> -> memref<8x4096xf32, #tpu.memory_space<hbm>>
      %dma_wait3A_1250 = arith.constant 0 : i32
      %dma_wait3A_1251 = arith.constant 0 : i32
      %dma_wait3A_1252 = tpu.memref_slice %arg8[%rem3A_1243, %dma_wait3A_1250, %dma_wait3A_1251] : memref<3x8x4096xf32, #tpu.memory_space<vmem>> -> memref<1x8x4096xf32, #tpu.memory_space<vmem>>
      %dma_wait3A_1253 = tpu.memref_squeeze %dma_wait3A_1252 : memref<1x8x4096xf32, #tpu.memory_space<vmem>> -> memref<8x4096xf32, #tpu.memory_space<vmem>>
      %dma_wait3A_1254 = arith.constant 0 : i32
      %dma_wait3A_1255 = tpu.memref_slice %arg3[%mul3A_1240, %dma_wait3A_1254] : memref<8192x4096xf32, #tpu.memory_space<hbm>> -> memref<8x4096xf32, #tpu.memory_space<hbm>>
      tpu.wait_dma2 semaphore(%arg10 : memref<!tpu.dma_semaphore, #tpu.memory_space<semaphore_mem>>) src(%dma_wait3A_1255 : memref<8x4096xf32, #tpu.memory_space<hbm>>) dst(%dma_wait3A_1253 : memref<8x4096xf32, #tpu.memory_space<vmem>>)
      %add3A_1256 = arith.constant 1 : i32
      %add3A_1257 = arith.addi %shift_right_logical3A_490, %add3A_1256 : i32
      %min3A_1258 = arith.constant 1023 : i32
      %min3A_1259 = arith.minsi %add3A_1257, %min3A_1258 : i32
      %mul3A_1260 = arith.constant 8 : i32
      %mul3A_1261 = arith.muli %min3A_1259, %mul3A_1260 : i32
      %rem3A_1262 = arith.constant 3 : i32
      %rem3A_1263 = arith.remsi %add3A_1257, %rem3A_1262 : i32
      %dma_start3A_1264 = arith.constant 0 : i32
      %dma_start3A_1265 = arith.constant 0 : i32
      %dma_start3A_1266 = tpu.memref_slice %arg8[%rem3A_1263, %dma_start3A_1264, %dma_start3A_1265] : memref<3x8x4096xf32, #tpu.memory_space<vmem>> -> memref<1x8x4096xf32, #tpu.memory_space<vmem>>
      %dma_start3A_1267 = tpu.memref_squeeze %dma_start3A_1266 : memref<1x8x4096xf32, #tpu.memory_space<vmem>> -> memref<8x4096xf32, #tpu.memory_space<vmem>>
      %dma_start3A_1268 = arith.constant 0 : i32
      %dma_start3A_1269 = tpu.memref_slice %arg3[%mul3A_1261, %dma_start3A_1268] : memref<8192x4096xf32, #tpu.memory_space<hbm>> -> memref<8x4096xf32, #tpu.memory_space<hbm>>
      %dma_start3A_1270 = arith.constant 0 : i32
      %dma_start3A_1271 = arith.constant 0 : i32
      %dma_start3A_1272 = tpu.memref_slice %arg8[%rem3A_1263, %dma_start3A_1270, %dma_start3A_1271] : memref<3x8x4096xf32, #tpu.memory_space<vmem>> -> memref<1x8x4096xf32, #tpu.memory_space<vmem>>
      %dma_start3A_1273 = tpu.memref_squeeze %dma_start3A_1272 : memref<1x8x4096xf32, #tpu.memory_space<vmem>> -> memref<8x4096xf32, #tpu.memory_space<vmem>>
      %dma_start3A_1274 = arith.constant 0 : i32
      %dma_start3A_1275 = tpu.memref_slice %arg3[%mul3A_1261, %dma_start3A_1274] : memref<8192x4096xf32, #tpu.memory_space<hbm>> -> memref<8x4096xf32, #tpu.memory_space<hbm>>
      tpu.enqueue_dma source(%dma_start3A_1275 : memref<8x4096xf32, #tpu.memory_space<hbm>>) target(%dma_start3A_1273 : memref<8x4096xf32, #tpu.memory_space<vmem>>) target_semaphore(%arg10 : memref<!tpu.dma_semaphore, #tpu.memory_space<semaphore_mem>>)
    } else {
    }
    %eq3A_495 = arith.constant 2 : i32
    %eq3A_496 = arith.cmpi eq, %select_n3A_471, %eq3A_495 : i32
    %add3A_497 = arith.constant 1 : i32
    %add3A_498 = arith.addi %select_n3A_471, %add3A_497 : i32
    %jit3A_499 = arith.constant 0 : i32
    %select_n3A_500 = arith.select %eq3A_496, %jit3A_499, %add3A_498 : i32
    %select_n3A_501 = arith.select %ne3A_491, %select_n3A_500, %select_n3A_471 : i32
    %and3A_502 = arith.constant 7 : i32
    %and3A_503 = arith.andi %squeeze3A_488, %and3A_502 : i32
    %add3A_504 = arith.constant 1 : i32
    %add3A_505 = arith.addi %mul3A_2, %add3A_504 : i32
    %dma_start3A_506 = arith.constant 0 : i32
    %dma_start3A_507 = tpu.memref_slice %arg8[%select_n3A_501, %and3A_503, %dma_start3A_506] : memref<3x8x4096xf32, #tpu.memory_space<vmem>> -> memref<1x1x4096xf32, #tpu.memory_space<vmem>>
    %dma_start3A_508 = tpu.memref_squeeze %dma_start3A_507 : memref<1x1x4096xf32, #tpu.memory_space<vmem>> -> memref<4096xf32, #tpu.memory_space<vmem>>
    %dma_start3A_509 = arith.constant 0 : i32
    %dma_start3A_510 = tpu.memref_slice %arg4[%add3A_505, %dma_start3A_509] : memref<8192x4096xf32, #tpu.memory_space<hbm>> -> memref<1x4096xf32, #tpu.memory_space<hbm>>
    %dma_start3A_511 = tpu.memref_squeeze %dma_start3A_510 : memref<1x4096xf32, #tpu.memory_space<hbm>> -> memref<4096xf32, #tpu.memory_space<hbm>>
    %dma_start3A_512 = arith.constant 0 : i32
    %dma_start3A_513 = tpu.memref_slice %arg4[%add3A_505, %dma_start3A_512] : memref<8192x4096xf32, #tpu.memory_space<hbm>> -> memref<1x4096xf32, #tpu.memory_space<hbm>>
    %dma_start3A_514 = tpu.memref_squeeze %dma_start3A_513 : memref<1x4096xf32, #tpu.memory_space<hbm>> -> memref<4096xf32, #tpu.memory_space<hbm>>
    %dma_start3A_515 = arith.constant 0 : i32
    %dma_start3A_516 = tpu.memref_slice %arg8[%select_n3A_501, %and3A_503, %dma_start3A_515] : memref<3x8x4096xf32, #tpu.memory_space<vmem>> -> memref<1x1x4096xf32, #tpu.memory_space<vmem>>
    %dma_start3A_517 = tpu.memref_squeeze %dma_start3A_516 : memref<1x1x4096xf32, #tpu.memory_space<vmem>> -> memref<4096xf32, #tpu.memory_space<vmem>>
    tpu.enqueue_dma source(%dma_start3A_517 : memref<4096xf32, #tpu.memory_space<vmem>>) target(%dma_start3A_514 : memref<4096xf32, #tpu.memory_space<hbm>>) target_semaphore(%arg11 : memref<!tpu.dma_semaphore, #tpu.memory_space<semaphore_mem>>)
    %slice3A_518 = vector.extract_strided_slice %max3A_461 {offsets = [2], sizes = [1], strides = [1]} : vector<16xi32> to vector<1xi32>
    %squeeze3A_519 = vector.extract %slice3A_518[0] : i32 from vector<1xi32>
    %shift_right_logical3A_520 = arith.constant 3 : i32
    %shift_right_logical3A_521 = arith.shrui %squeeze3A_519, %shift_right_logical3A_520 : i32
    %ne3A_522 = arith.cmpi ne, %shift_right_logical3A_521, %shift_right_logical3A_490 : i32
    %convert_element_type3A_523 = arith.extui %ne3A_522 : i1 to i32
    %cond3A_524 = arith.constant 0 : i32
    %cond3A_525 = arith.cmpi ne, %convert_element_type3A_523, %cond3A_524 : i32
    scf.if %cond3A_525 {
      %min3A_1236 = arith.constant 0 : i32
      %min3A_1237 = arith.constant 1023 : i32
      %min3A_1238 = arith.minsi %min3A_1236, %min3A_1237 : i32
      %mul3A_1239 = arith.constant 8 : i32
      %mul3A_1240 = arith.muli %min3A_1238, %mul3A_1239 : i32
      %rem3A_1241 = arith.constant 0 : i32
      %rem3A_1242 = arith.constant 3 : i32
      %rem3A_1243 = arith.remsi %rem3A_1241, %rem3A_1242 : i32
      %dma_wait3A_1244 = arith.constant 0 : i32
      %dma_wait3A_1245 = arith.constant 0 : i32
      %dma_wait3A_1246 = tpu.memref_slice %arg8[%rem3A_1243, %dma_wait3A_1244, %dma_wait3A_1245] : memref<3x8x4096xf32, #tpu.memory_space<vmem>> -> memref<1x8x4096xf32, #tpu.memory_space<vmem>>
      %dma_wait3A_1247 = tpu.memref_squeeze %dma_wait3A_1246 : memref<1x8x4096xf32, #tpu.memory_space<vmem>> -> memref<8x4096xf32, #tpu.memory_space<vmem>>
      %dma_wait3A_1248 = arith.constant 0 : i32
      %dma_wait3A_1249 = tpu.memref_slice %arg3[%mul3A_1240, %dma_wait3A_1248] : memref<8192x4096xf32, #tpu.memory_space<hbm>> -> memref<8x4096xf32, #tpu.memory_space<hbm>>
      %dma_wait3A_1250 = arith.constant 0 : i32
      %dma_wait3A_1251 = arith.constant 0 : i32
      %dma_wait3A_1252 = tpu.memref_slice %arg8[%rem3A_1243, %dma_wait3A_1250, %dma_wait3A_1251] : memref<3x8x4096xf32, #tpu.memory_space<vmem>> -> memref<1x8x4096xf32, #tpu.memory_space<vmem>>
      %dma_wait3A_1253 = tpu.memref_squeeze %dma_wait3A_1252 : memref<1x8x4096xf32, #tpu.memory_space<vmem>> -> memref<8x4096xf32, #tpu.memory_space<vmem>>
      %dma_wait3A_1254 = arith.constant 0 : i32
      %dma_wait3A_1255 = tpu.memref_slice %arg3[%mul3A_1240, %dma_wait3A_1254] : memref<8192x4096xf32, #tpu.memory_space<hbm>> -> memref<8x4096xf32, #tpu.memory_space<hbm>>
      tpu.wait_dma2 semaphore(%arg10 : memref<!tpu.dma_semaphore, #tpu.memory_space<semaphore_mem>>) src(%dma_wait3A_1255 : memref<8x4096xf32, #tpu.memory_space<hbm>>) dst(%dma_wait3A_1253 : memref<8x4096xf32, #tpu.memory_space<vmem>>)
      %add3A_1256 = arith.constant 1 : i32
      %add3A_1257 = arith.addi %shift_right_logical3A_521, %add3A_1256 : i32
      %min3A_1258 = arith.constant 1023 : i32
      %min3A_1259 = arith.minsi %add3A_1257, %min3A_1258 : i32
      %mul3A_1260 = arith.constant 8 : i32
      %mul3A_1261 = arith.muli %min3A_1259, %mul3A_1260 : i32
      %rem3A_1262 = arith.constant 3 : i32
      %rem3A_1263 = arith.remsi %add3A_1257, %rem3A_1262 : i32
      %dma_start3A_1264 = arith.constant 0 : i32
      %dma_start3A_1265 = arith.constant 0 : i32
      %dma_start3A_1266 = tpu.memref_slice %arg8[%rem3A_1263, %dma_start3A_1264, %dma_start3A_1265] : memref<3x8x4096xf32, #tpu.memory_space<vmem>> -> memref<1x8x4096xf32, #tpu.memory_space<vmem>>
      %dma_start3A_1267 = tpu.memref_squeeze %dma_start3A_1266 : memref<1x8x4096xf32, #tpu.memory_space<vmem>> -> memref<8x4096xf32, #tpu.memory_space<vmem>>
      %dma_start3A_1268 = arith.constant 0 : i32
      %dma_start3A_1269 = tpu.memref_slice %arg3[%mul3A_1261, %dma_start3A_1268] : memref<8192x4096xf32, #tpu.memory_space<hbm>> -> memref<8x4096xf32, #tpu.memory_space<hbm>>
      %dma_start3A_1270 = arith.constant 0 : i32
      %dma_start3A_1271 = arith.constant 0 : i32
      %dma_start3A_1272 = tpu.memref_slice %arg8[%rem3A_1263, %dma_start3A_1270, %dma_start3A_1271] : memref<3x8x4096xf32, #tpu.memory_space<vmem>> -> memref<1x8x4096xf32, #tpu.memory_space<vmem>>
      %dma_start3A_1273 = tpu.memref_squeeze %dma_start3A_1272 : memref<1x8x4096xf32, #tpu.memory_space<vmem>> -> memref<8x4096xf32, #tpu.memory_space<vmem>>
      %dma_start3A_1274 = arith.constant 0 : i32
      %dma_start3A_1275 = tpu.memref_slice %arg3[%mul3A_1261, %dma_start3A_1274] : memref<8192x4096xf32, #tpu.memory_space<hbm>> -> memref<8x4096xf32, #tpu.memory_space<hbm>>
      tpu.enqueue_dma source(%dma_start3A_1275 : memref<8x4096xf32, #tpu.memory_space<hbm>>) target(%dma_start3A_1273 : memref<8x4096xf32, #tpu.memory_space<vmem>>) target_semaphore(%arg10 : memref<!tpu.dma_semaphore, #tpu.memory_space<semaphore_mem>>)
    } else {
    }
    %eq3A_526 = arith.constant 2 : i32
    %eq3A_527 = arith.cmpi eq, %select_n3A_501, %eq3A_526 : i32
    %add3A_528 = arith.constant 1 : i32
    %add3A_529 = arith.addi %select_n3A_501, %add3A_528 : i32
    %jit3A_530 = arith.constant 0 : i32
    %select_n3A_531 = arith.select %eq3A_527, %jit3A_530, %add3A_529 : i32
    %select_n3A_532 = arith.select %ne3A_522, %select_n3A_531, %select_n3A_501 : i32
    %and3A_533 = arith.constant 7 : i32
    %and3A_534 = arith.andi %squeeze3A_519, %and3A_533 : i32
    %add3A_535 = arith.constant 2 : i32
    %add3A_536 = arith.addi %mul3A_2, %add3A_535 : i32
    %dma_start3A_537 = arith.constant 0 : i32
    %dma_start3A_538 = tpu.memref_slice %arg8[%select_n3A_532, %and3A_534, %dma_start3A_537] : memref<3x8x4096xf32, #tpu.memory_space<vmem>> -> memref<1x1x4096xf32, #tpu.memory_space<vmem>>
    %dma_start3A_539 = tpu.memref_squeeze %dma_start3A_538 : memref<1x1x4096xf32, #tpu.memory_space<vmem>> -> memref<4096xf32, #tpu.memory_space<vmem>>
    %dma_start3A_540 = arith.constant 0 : i32
    %dma_start3A_541 = tpu.memref_slice %arg4[%add3A_536, %dma_start3A_540] : memref<8192x4096xf32, #tpu.memory_space<hbm>> -> memref<1x4096xf32, #tpu.memory_space<hbm>>
    %dma_start3A_542 = tpu.memref_squeeze %dma_start3A_541 : memref<1x4096xf32, #tpu.memory_space<hbm>> -> memref<4096xf32, #tpu.memory_space<hbm>>
    %dma_start3A_543 = arith.constant 0 : i32
    %dma_start3A_544 = tpu.memref_slice %arg4[%add3A_536, %dma_start3A_543] : memref<8192x4096xf32, #tpu.memory_space<hbm>> -> memref<1x4096xf32, #tpu.memory_space<hbm>>
    %dma_start3A_545 = tpu.memref_squeeze %dma_start3A_544 : memref<1x4096xf32, #tpu.memory_space<hbm>> -> memref<4096xf32, #tpu.memory_space<hbm>>
    %dma_start3A_546 = arith.constant 0 : i32
    %dma_start3A_547 = tpu.memref_slice %arg8[%select_n3A_532, %and3A_534, %dma_start3A_546] : memref<3x8x4096xf32, #tpu.memory_space<vmem>> -> memref<1x1x4096xf32, #tpu.memory_space<vmem>>
    %dma_start3A_548 = tpu.memref_squeeze %dma_start3A_547 : memref<1x1x4096xf32, #tpu.memory_space<vmem>> -> memref<4096xf32, #tpu.memory_space<vmem>>
    tpu.enqueue_dma source(%dma_start3A_548 : memref<4096xf32, #tpu.memory_space<vmem>>) target(%dma_start3A_545 : memref<4096xf32, #tpu.memory_space<hbm>>) target_semaphore(%arg11 : memref<!tpu.dma_semaphore, #tpu.memory_space<semaphore_mem>>)
    %slice3A_549 = vector.extract_strided_slice %max3A_461 {offsets = [3], sizes = [1], strides = [1]} : vector<16xi32> to vector<1xi32>
    %squeeze3A_550 = vector.extract %slice3A_549[0] : i32 from vector<1xi32>
    %shift_right_logical3A_551 = arith.constant 3 : i32
    %shift_right_logical3A_552 = arith.shrui %squeeze3A_550, %shift_right_logical3A_551 : i32
    %ne3A_553 = arith.cmpi ne, %shift_right_logical3A_552, %shift_right_logical3A_521 : i32
    %convert_element_type3A_554 = arith.extui %ne3A_553 : i1 to i32
    %cond3A_555 = arith.constant 0 : i32
    %cond3A_556 = arith.cmpi ne, %convert_element_type3A_554, %cond3A_555 : i32
    scf.if %cond3A_556 {
      %min3A_1236 = arith.constant 0 : i32
      %min3A_1237 = arith.constant 1023 : i32
      %min3A_1238 = arith.minsi %min3A_1236, %min3A_1237 : i32
      %mul3A_1239 = arith.constant 8 : i32
      %mul3A_1240 = arith.muli %min3A_1238, %mul3A_1239 : i32
      %rem3A_1241 = arith.constant 0 : i32
      %rem3A_1242 = arith.constant 3 : i32
      %rem3A_1243 = arith.remsi %rem3A_1241, %rem3A_1242 : i32
      %dma_wait3A_1244 = arith.constant 0 : i32
      %dma_wait3A_1245 = arith.constant 0 : i32
      %dma_wait3A_1246 = tpu.memref_slice %arg8[%rem3A_1243, %dma_wait3A_1244, %dma_wait3A_1245] : memref<3x8x4096xf32, #tpu.memory_space<vmem>> -> memref<1x8x4096xf32, #tpu.memory_space<vmem>>
      %dma_wait3A_1247 = tpu.memref_squeeze %dma_wait3A_1246 : memref<1x8x4096xf32, #tpu.memory_space<vmem>> -> memref<8x4096xf32, #tpu.memory_space<vmem>>
      %dma_wait3A_1248 = arith.constant 0 : i32
      %dma_wait3A_1249 = tpu.memref_slice %arg3[%mul3A_1240, %dma_wait3A_1248] : memref<8192x4096xf32, #tpu.memory_space<hbm>> -> memref<8x4096xf32, #tpu.memory_space<hbm>>
      %dma_wait3A_1250 = arith.constant 0 : i32
      %dma_wait3A_1251 = arith.constant 0 : i32
      %dma_wait3A_1252 = tpu.memref_slice %arg8[%rem3A_1243, %dma_wait3A_1250, %dma_wait3A_1251] : memref<3x8x4096xf32, #tpu.memory_space<vmem>> -> memref<1x8x4096xf32, #tpu.memory_space<vmem>>
      %dma_wait3A_1253 = tpu.memref_squeeze %dma_wait3A_1252 : memref<1x8x4096xf32, #tpu.memory_space<vmem>> -> memref<8x4096xf32, #tpu.memory_space<vmem>>
      %dma_wait3A_1254 = arith.constant 0 : i32
      %dma_wait3A_1255 = tpu.memref_slice %arg3[%mul3A_1240, %dma_wait3A_1254] : memref<8192x4096xf32, #tpu.memory_space<hbm>> -> memref<8x4096xf32, #tpu.memory_space<hbm>>
      tpu.wait_dma2 semaphore(%arg10 : memref<!tpu.dma_semaphore, #tpu.memory_space<semaphore_mem>>) src(%dma_wait3A_1255 : memref<8x4096xf32, #tpu.memory_space<hbm>>) dst(%dma_wait3A_1253 : memref<8x4096xf32, #tpu.memory_space<vmem>>)
      %add3A_1256 = arith.constant 1 : i32
      %add3A_1257 = arith.addi %shift_right_logical3A_552, %add3A_1256 : i32
      %min3A_1258 = arith.constant 1023 : i32
      %min3A_1259 = arith.minsi %add3A_1257, %min3A_1258 : i32
      %mul3A_1260 = arith.constant 8 : i32
      %mul3A_1261 = arith.muli %min3A_1259, %mul3A_1260 : i32
      %rem3A_1262 = arith.constant 3 : i32
      %rem3A_1263 = arith.remsi %add3A_1257, %rem3A_1262 : i32
      %dma_start3A_1264 = arith.constant 0 : i32
      %dma_start3A_1265 = arith.constant 0 : i32
      %dma_start3A_1266 = tpu.memref_slice %arg8[%rem3A_1263, %dma_start3A_1264, %dma_start3A_1265] : memref<3x8x4096xf32, #tpu.memory_space<vmem>> -> memref<1x8x4096xf32, #tpu.memory_space<vmem>>
      %dma_start3A_1267 = tpu.memref_squeeze %dma_start3A_1266 : memref<1x8x4096xf32, #tpu.memory_space<vmem>> -> memref<8x4096xf32, #tpu.memory_space<vmem>>
      %dma_start3A_1268 = arith.constant 0 : i32
      %dma_start3A_1269 = tpu.memref_slice %arg3[%mul3A_1261, %dma_start3A_1268] : memref<8192x4096xf32, #tpu.memory_space<hbm>> -> memref<8x4096xf32, #tpu.memory_space<hbm>>
      %dma_start3A_1270 = arith.constant 0 : i32
      %dma_start3A_1271 = arith.constant 0 : i32
      %dma_start3A_1272 = tpu.memref_slice %arg8[%rem3A_1263, %dma_start3A_1270, %dma_start3A_1271] : memref<3x8x4096xf32, #tpu.memory_space<vmem>> -> memref<1x8x4096xf32, #tpu.memory_space<vmem>>
      %dma_start3A_1273 = tpu.memref_squeeze %dma_start3A_1272 : memref<1x8x4096xf32, #tpu.memory_space<vmem>> -> memref<8x4096xf32, #tpu.memory_space<vmem>>
      %dma_start3A_1274 = arith.constant 0 : i32
      %dma_start3A_1275 = tpu.memref_slice %arg3[%mul3A_1261, %dma_start3A_1274] : memref<8192x4096xf32, #tpu.memory_space<hbm>> -> memref<8x4096xf32, #tpu.memory_space<hbm>>
      tpu.enqueue_dma source(%dma_start3A_1275 : memref<8x4096xf32, #tpu.memory_space<hbm>>) target(%dma_start3A_1273 : memref<8x4096xf32, #tpu.memory_space<vmem>>) target_semaphore(%arg10 : memref<!tpu.dma_semaphore, #tpu.memory_space<semaphore_mem>>)
    } else {
    }
    %eq3A_557 = arith.constant 2 : i32
    %eq3A_558 = arith.cmpi eq, %select_n3A_532, %eq3A_557 : i32
    %add3A_559 = arith.constant 1 : i32
    %add3A_560 = arith.addi %select_n3A_532, %add3A_559 : i32
    %jit3A_561 = arith.constant 0 : i32
    %select_n3A_562 = arith.select %eq3A_558, %jit3A_561, %add3A_560 : i32
    %select_n3A_563 = arith.select %ne3A_553, %select_n3A_562, %select_n3A_532 : i32
    %and3A_564 = arith.constant 7 : i32
    %and3A_565 = arith.andi %squeeze3A_550, %and3A_564 : i32
    %add3A_566 = arith.constant 3 : i32
    %add3A_567 = arith.addi %mul3A_2, %add3A_566 : i32
    %dma_start3A_568 = arith.constant 0 : i32
    %dma_start3A_569 = tpu.memref_slice %arg8[%select_n3A_563, %and3A_565, %dma_start3A_568] : memref<3x8x4096xf32, #tpu.memory_space<vmem>> -> memref<1x1x4096xf32, #tpu.memory_space<vmem>>
    %dma_start3A_570 = tpu.memref_squeeze %dma_start3A_569 : memref<1x1x4096xf32, #tpu.memory_space<vmem>> -> memref<4096xf32, #tpu.memory_space<vmem>>
    %dma_start3A_571 = arith.constant 0 : i32
    %dma_start3A_572 = tpu.memref_slice %arg4[%add3A_567, %dma_start3A_571] : memref<8192x4096xf32, #tpu.memory_space<hbm>> -> memref<1x4096xf32, #tpu.memory_space<hbm>>
    %dma_start3A_573 = tpu.memref_squeeze %dma_start3A_572 : memref<1x4096xf32, #tpu.memory_space<hbm>> -> memref<4096xf32, #tpu.memory_space<hbm>>
    %dma_start3A_574 = arith.constant 0 : i32
    %dma_start3A_575 = tpu.memref_slice %arg4[%add3A_567, %dma_start3A_574] : memref<8192x4096xf32, #tpu.memory_space<hbm>> -> memref<1x4096xf32, #tpu.memory_space<hbm>>
    %dma_start3A_576 = tpu.memref_squeeze %dma_start3A_575 : memref<1x4096xf32, #tpu.memory_space<hbm>> -> memref<4096xf32, #tpu.memory_space<hbm>>
    %dma_start3A_577 = arith.constant 0 : i32
    %dma_start3A_578 = tpu.memref_slice %arg8[%select_n3A_563, %and3A_565, %dma_start3A_577] : memref<3x8x4096xf32, #tpu.memory_space<vmem>> -> memref<1x1x4096xf32, #tpu.memory_space<vmem>>
    %dma_start3A_579 = tpu.memref_squeeze %dma_start3A_578 : memref<1x1x4096xf32, #tpu.memory_space<vmem>> -> memref<4096xf32, #tpu.memory_space<vmem>>
    tpu.enqueue_dma source(%dma_start3A_579 : memref<4096xf32, #tpu.memory_space<vmem>>) target(%dma_start3A_576 : memref<4096xf32, #tpu.memory_space<hbm>>) target_semaphore(%arg11 : memref<!tpu.dma_semaphore, #tpu.memory_space<semaphore_mem>>)
    %slice3A_580 = vector.extract_strided_slice %max3A_461 {offsets = [4], sizes = [1], strides = [1]} : vector<16xi32> to vector<1xi32>
    %squeeze3A_581 = vector.extract %slice3A_580[0] : i32 from vector<1xi32>
    %shift_right_logical3A_582 = arith.constant 3 : i32
    %shift_right_logical3A_583 = arith.shrui %squeeze3A_581, %shift_right_logical3A_582 : i32
    %ne3A_584 = arith.cmpi ne, %shift_right_logical3A_583, %shift_right_logical3A_552 : i32
    %convert_element_type3A_585 = arith.extui %ne3A_584 : i1 to i32
    %cond3A_586 = arith.constant 0 : i32
    %cond3A_587 = arith.cmpi ne, %convert_element_type3A_585, %cond3A_586 : i32
    scf.if %cond3A_587 {
      %min3A_1236 = arith.constant 0 : i32
      %min3A_1237 = arith.constant 1023 : i32
      %min3A_1238 = arith.minsi %min3A_1236, %min3A_1237 : i32
      %mul3A_1239 = arith.constant 8 : i32
      %mul3A_1240 = arith.muli %min3A_1238, %mul3A_1239 : i32
      %rem3A_1241 = arith.constant 0 : i32
      %rem3A_1242 = arith.constant 3 : i32
      %rem3A_1243 = arith.remsi %rem3A_1241, %rem3A_1242 : i32
      %dma_wait3A_1244 = arith.constant 0 : i32
      %dma_wait3A_1245 = arith.constant 0 : i32
      %dma_wait3A_1246 = tpu.memref_slice %arg8[%rem3A_1243, %dma_wait3A_1244, %dma_wait3A_1245] : memref<3x8x4096xf32, #tpu.memory_space<vmem>> -> memref<1x8x4096xf32, #tpu.memory_space<vmem>>
      %dma_wait3A_1247 = tpu.memref_squeeze %dma_wait3A_1246 : memref<1x8x4096xf32, #tpu.memory_space<vmem>> -> memref<8x4096xf32, #tpu.memory_space<vmem>>
      %dma_wait3A_1248 = arith.constant 0 : i32
      %dma_wait3A_1249 = tpu.memref_slice %arg3[%mul3A_1240, %dma_wait3A_1248] : memref<8192x4096xf32, #tpu.memory_space<hbm>> -> memref<8x4096xf32, #tpu.memory_space<hbm>>
      %dma_wait3A_1250 = arith.constant 0 : i32
      %dma_wait3A_1251 = arith.constant 0 : i32
      %dma_wait3A_1252 = tpu.memref_slice %arg8[%rem3A_1243, %dma_wait3A_1250, %dma_wait3A_1251] : memref<3x8x4096xf32, #tpu.memory_space<vmem>> -> memref<1x8x4096xf32, #tpu.memory_space<vmem>>
      %dma_wait3A_1253 = tpu.memref_squeeze %dma_wait3A_1252 : memref<1x8x4096xf32, #tpu.memory_space<vmem>> -> memref<8x4096xf32, #tpu.memory_space<vmem>>
      %dma_wait3A_1254 = arith.constant 0 : i32
      %dma_wait3A_1255 = tpu.memref_slice %arg3[%mul3A_1240, %dma_wait3A_1254] : memref<8192x4096xf32, #tpu.memory_space<hbm>> -> memref<8x4096xf32, #tpu.memory_space<hbm>>
      tpu.wait_dma2 semaphore(%arg10 : memref<!tpu.dma_semaphore, #tpu.memory_space<semaphore_mem>>) src(%dma_wait3A_1255 : memref<8x4096xf32, #tpu.memory_space<hbm>>) dst(%dma_wait3A_1253 : memref<8x4096xf32, #tpu.memory_space<vmem>>)
      %add3A_1256 = arith.constant 1 : i32
      %add3A_1257 = arith.addi %shift_right_logical3A_583, %add3A_1256 : i32
      %min3A_1258 = arith.constant 1023 : i32
      %min3A_1259 = arith.minsi %add3A_1257, %min3A_1258 : i32
      %mul3A_1260 = arith.constant 8 : i32
      %mul3A_1261 = arith.muli %min3A_1259, %mul3A_1260 : i32
      %rem3A_1262 = arith.constant 3 : i32
      %rem3A_1263 = arith.remsi %add3A_1257, %rem3A_1262 : i32
      %dma_start3A_1264 = arith.constant 0 : i32
      %dma_start3A_1265 = arith.constant 0 : i32
      %dma_start3A_1266 = tpu.memref_slice %arg8[%rem3A_1263, %dma_start3A_1264, %dma_start3A_1265] : memref<3x8x4096xf32, #tpu.memory_space<vmem>> -> memref<1x8x4096xf32, #tpu.memory_space<vmem>>
      %dma_start3A_1267 = tpu.memref_squeeze %dma_start3A_1266 : memref<1x8x4096xf32, #tpu.memory_space<vmem>> -> memref<8x4096xf32, #tpu.memory_space<vmem>>
      %dma_start3A_1268 = arith.constant 0 : i32
      %dma_start3A_1269 = tpu.memref_slice %arg3[%mul3A_1261, %dma_start3A_1268] : memref<8192x4096xf32, #tpu.memory_space<hbm>> -> memref<8x4096xf32, #tpu.memory_space<hbm>>
      %dma_start3A_1270 = arith.constant 0 : i32
      %dma_start3A_1271 = arith.constant 0 : i32
      %dma_start3A_1272 = tpu.memref_slice %arg8[%rem3A_1263, %dma_start3A_1270, %dma_start3A_1271] : memref<3x8x4096xf32, #tpu.memory_space<vmem>> -> memref<1x8x4096xf32, #tpu.memory_space<vmem>>
      %dma_start3A_1273 = tpu.memref_squeeze %dma_start3A_1272 : memref<1x8x4096xf32, #tpu.memory_space<vmem>> -> memref<8x4096xf32, #tpu.memory_space<vmem>>
      %dma_start3A_1274 = arith.constant 0 : i32
      %dma_start3A_1275 = tpu.memref_slice %arg3[%mul3A_1261, %dma_start3A_1274] : memref<8192x4096xf32, #tpu.memory_space<hbm>> -> memref<8x4096xf32, #tpu.memory_space<hbm>>
      tpu.enqueue_dma source(%dma_start3A_1275 : memref<8x4096xf32, #tpu.memory_space<hbm>>) target(%dma_start3A_1273 : memref<8x4096xf32, #tpu.memory_space<vmem>>) target_semaphore(%arg10 : memref<!tpu.dma_semaphore, #tpu.memory_space<semaphore_mem>>)
    } else {
    }
    %eq3A_588 = arith.constant 2 : i32
    %eq3A_589 = arith.cmpi eq, %select_n3A_563, %eq3A_588 : i32
    %add3A_590 = arith.constant 1 : i32
    %add3A_591 = arith.addi %select_n3A_563, %add3A_590 : i32
    %jit3A_592 = arith.constant 0 : i32
    %select_n3A_593 = arith.select %eq3A_589, %jit3A_592, %add3A_591 : i32
    %select_n3A_594 = arith.select %ne3A_584, %select_n3A_593, %select_n3A_563 : i32
    %and3A_595 = arith.constant 7 : i32
    %and3A_596 = arith.andi %squeeze3A_581, %and3A_595 : i32
    %add3A_597 = arith.constant 4 : i32
    %add3A_598 = arith.addi %mul3A_2, %add3A_597 : i32
    %dma_start3A_599 = arith.constant 0 : i32
    %dma_start3A_600 = tpu.memref_slice %arg8[%select_n3A_594, %and3A_596, %dma_start3A_599] : memref<3x8x4096xf32, #tpu.memory_space<vmem>> -> memref<1x1x4096xf32, #tpu.memory_space<vmem>>
    %dma_start3A_601 = tpu.memref_squeeze %dma_start3A_600 : memref<1x1x4096xf32, #tpu.memory_space<vmem>> -> memref<4096xf32, #tpu.memory_space<vmem>>
    %dma_start3A_602 = arith.constant 0 : i32
    %dma_start3A_603 = tpu.memref_slice %arg4[%add3A_598, %dma_start3A_602] : memref<8192x4096xf32, #tpu.memory_space<hbm>> -> memref<1x4096xf32, #tpu.memory_space<hbm>>
    %dma_start3A_604 = tpu.memref_squeeze %dma_start3A_603 : memref<1x4096xf32, #tpu.memory_space<hbm>> -> memref<4096xf32, #tpu.memory_space<hbm>>
    %dma_start3A_605 = arith.constant 0 : i32
    %dma_start3A_606 = tpu.memref_slice %arg4[%add3A_598, %dma_start3A_605] : memref<8192x4096xf32, #tpu.memory_space<hbm>> -> memref<1x4096xf32, #tpu.memory_space<hbm>>
    %dma_start3A_607 = tpu.memref_squeeze %dma_start3A_606 : memref<1x4096xf32, #tpu.memory_space<hbm>> -> memref<4096xf32, #tpu.memory_space<hbm>>
    %dma_start3A_608 = arith.constant 0 : i32
    %dma_start3A_609 = tpu.memref_slice %arg8[%select_n3A_594, %and3A_596, %dma_start3A_608] : memref<3x8x4096xf32, #tpu.memory_space<vmem>> -> memref<1x1x4096xf32, #tpu.memory_space<vmem>>
    %dma_start3A_610 = tpu.memref_squeeze %dma_start3A_609 : memref<1x1x4096xf32, #tpu.memory_space<vmem>> -> memref<4096xf32, #tpu.memory_space<vmem>>
    tpu.enqueue_dma source(%dma_start3A_610 : memref<4096xf32, #tpu.memory_space<vmem>>) target(%dma_start3A_607 : memref<4096xf32, #tpu.memory_space<hbm>>) target_semaphore(%arg11 : memref<!tpu.dma_semaphore, #tpu.memory_space<semaphore_mem>>)
    %slice3A_611 = vector.extract_strided_slice %max3A_461 {offsets = [5], sizes = [1], strides = [1]} : vector<16xi32> to vector<1xi32>
    %squeeze3A_612 = vector.extract %slice3A_611[0] : i32 from vector<1xi32>
    %shift_right_logical3A_613 = arith.constant 3 : i32
    %shift_right_logical3A_614 = arith.shrui %squeeze3A_612, %shift_right_logical3A_613 : i32
    %ne3A_615 = arith.cmpi ne, %shift_right_logical3A_614, %shift_right_logical3A_583 : i32
    %convert_element_type3A_616 = arith.extui %ne3A_615 : i1 to i32
    %cond3A_617 = arith.constant 0 : i32
    %cond3A_618 = arith.cmpi ne, %convert_element_type3A_616, %cond3A_617 : i32
    scf.if %cond3A_618 {
      %min3A_1236 = arith.constant 0 : i32
      %min3A_1237 = arith.constant 1023 : i32
      %min3A_1238 = arith.minsi %min3A_1236, %min3A_1237 : i32
      %mul3A_1239 = arith.constant 8 : i32
      %mul3A_1240 = arith.muli %min3A_1238, %mul3A_1239 : i32
      %rem3A_1241 = arith.constant 0 : i32
      %rem3A_1242 = arith.constant 3 : i32
      %rem3A_1243 = arith.remsi %rem3A_1241, %rem3A_1242 : i32
      %dma_wait3A_1244 = arith.constant 0 : i32
      %dma_wait3A_1245 = arith.constant 0 : i32
      %dma_wait3A_1246 = tpu.memref_slice %arg8[%rem3A_1243, %dma_wait3A_1244, %dma_wait3A_1245] : memref<3x8x4096xf32, #tpu.memory_space<vmem>> -> memref<1x8x4096xf32, #tpu.memory_space<vmem>>
      %dma_wait3A_1247 = tpu.memref_squeeze %dma_wait3A_1246 : memref<1x8x4096xf32, #tpu.memory_space<vmem>> -> memref<8x4096xf32, #tpu.memory_space<vmem>>
      %dma_wait3A_1248 = arith.constant 0 : i32
      %dma_wait3A_1249 = tpu.memref_slice %arg3[%mul3A_1240, %dma_wait3A_1248] : memref<8192x4096xf32, #tpu.memory_space<hbm>> -> memref<8x4096xf32, #tpu.memory_space<hbm>>
      %dma_wait3A_1250 = arith.constant 0 : i32
      %dma_wait3A_1251 = arith.constant 0 : i32
      %dma_wait3A_1252 = tpu.memref_slice %arg8[%rem3A_1243, %dma_wait3A_1250, %dma_wait3A_1251] : memref<3x8x4096xf32, #tpu.memory_space<vmem>> -> memref<1x8x4096xf32, #tpu.memory_space<vmem>>
      %dma_wait3A_1253 = tpu.memref_squeeze %dma_wait3A_1252 : memref<1x8x4096xf32, #tpu.memory_space<vmem>> -> memref<8x4096xf32, #tpu.memory_space<vmem>>
      %dma_wait3A_1254 = arith.constant 0 : i32
      %dma_wait3A_1255 = tpu.memref_slice %arg3[%mul3A_1240, %dma_wait3A_1254] : memref<8192x4096xf32, #tpu.memory_space<hbm>> -> memref<8x4096xf32, #tpu.memory_space<hbm>>
      tpu.wait_dma2 semaphore(%arg10 : memref<!tpu.dma_semaphore, #tpu.memory_space<semaphore_mem>>) src(%dma_wait3A_1255 : memref<8x4096xf32, #tpu.memory_space<hbm>>) dst(%dma_wait3A_1253 : memref<8x4096xf32, #tpu.memory_space<vmem>>)
      %add3A_1256 = arith.constant 1 : i32
      %add3A_1257 = arith.addi %shift_right_logical3A_614, %add3A_1256 : i32
      %min3A_1258 = arith.constant 1023 : i32
      %min3A_1259 = arith.minsi %add3A_1257, %min3A_1258 : i32
      %mul3A_1260 = arith.constant 8 : i32
      %mul3A_1261 = arith.muli %min3A_1259, %mul3A_1260 : i32
      %rem3A_1262 = arith.constant 3 : i32
      %rem3A_1263 = arith.remsi %add3A_1257, %rem3A_1262 : i32
      %dma_start3A_1264 = arith.constant 0 : i32
      %dma_start3A_1265 = arith.constant 0 : i32
      %dma_start3A_1266 = tpu.memref_slice %arg8[%rem3A_1263, %dma_start3A_1264, %dma_start3A_1265] : memref<3x8x4096xf32, #tpu.memory_space<vmem>> -> memref<1x8x4096xf32, #tpu.memory_space<vmem>>
      %dma_start3A_1267 = tpu.memref_squeeze %dma_start3A_1266 : memref<1x8x4096xf32, #tpu.memory_space<vmem>> -> memref<8x4096xf32, #tpu.memory_space<vmem>>
      %dma_start3A_1268 = arith.constant 0 : i32
      %dma_start3A_1269 = tpu.memref_slice %arg3[%mul3A_1261, %dma_start3A_1268] : memref<8192x4096xf32, #tpu.memory_space<hbm>> -> memref<8x4096xf32, #tpu.memory_space<hbm>>
      %dma_start3A_1270 = arith.constant 0 : i32
      %dma_start3A_1271 = arith.constant 0 : i32
      %dma_start3A_1272 = tpu.memref_slice %arg8[%rem3A_1263, %dma_start3A_1270, %dma_start3A_1271] : memref<3x8x4096xf32, #tpu.memory_space<vmem>> -> memref<1x8x4096xf32, #tpu.memory_space<vmem>>
      %dma_start3A_1273 = tpu.memref_squeeze %dma_start3A_1272 : memref<1x8x4096xf32, #tpu.memory_space<vmem>> -> memref<8x4096xf32, #tpu.memory_space<vmem>>
      %dma_start3A_1274 = arith.constant 0 : i32
      %dma_start3A_1275 = tpu.memref_slice %arg3[%mul3A_1261, %dma_start3A_1274] : memref<8192x4096xf32, #tpu.memory_space<hbm>> -> memref<8x4096xf32, #tpu.memory_space<hbm>>
      tpu.enqueue_dma source(%dma_start3A_1275 : memref<8x4096xf32, #tpu.memory_space<hbm>>) target(%dma_start3A_1273 : memref<8x4096xf32, #tpu.memory_space<vmem>>) target_semaphore(%arg10 : memref<!tpu.dma_semaphore, #tpu.memory_space<semaphore_mem>>)
    } else {
    }
    %eq3A_619 = arith.constant 2 : i32
    %eq3A_620 = arith.cmpi eq, %select_n3A_594, %eq3A_619 : i32
    %add3A_621 = arith.constant 1 : i32
    %add3A_622 = arith.addi %select_n3A_594, %add3A_621 : i32
    %jit3A_623 = arith.constant 0 : i32
    %select_n3A_624 = arith.select %eq3A_620, %jit3A_623, %add3A_622 : i32
    %select_n3A_625 = arith.select %ne3A_615, %select_n3A_624, %select_n3A_594 : i32
    %and3A_626 = arith.constant 7 : i32
    %and3A_627 = arith.andi %squeeze3A_612, %and3A_626 : i32
    %add3A_628 = arith.constant 5 : i32
    %add3A_629 = arith.addi %mul3A_2, %add3A_628 : i32
    %dma_start3A_630 = arith.constant 0 : i32
    %dma_start3A_631 = tpu.memref_slice %arg8[%select_n3A_625, %and3A_627, %dma_start3A_630] : memref<3x8x4096xf32, #tpu.memory_space<vmem>> -> memref<1x1x4096xf32, #tpu.memory_space<vmem>>
    %dma_start3A_632 = tpu.memref_squeeze %dma_start3A_631 : memref<1x1x4096xf32, #tpu.memory_space<vmem>> -> memref<4096xf32, #tpu.memory_space<vmem>>
    %dma_start3A_633 = arith.constant 0 : i32
    %dma_start3A_634 = tpu.memref_slice %arg4[%add3A_629, %dma_start3A_633] : memref<8192x4096xf32, #tpu.memory_space<hbm>> -> memref<1x4096xf32, #tpu.memory_space<hbm>>
    %dma_start3A_635 = tpu.memref_squeeze %dma_start3A_634 : memref<1x4096xf32, #tpu.memory_space<hbm>> -> memref<4096xf32, #tpu.memory_space<hbm>>
    %dma_start3A_636 = arith.constant 0 : i32
    %dma_start3A_637 = tpu.memref_slice %arg4[%add3A_629, %dma_start3A_636] : memref<8192x4096xf32, #tpu.memory_space<hbm>> -> memref<1x4096xf32, #tpu.memory_space<hbm>>
    %dma_start3A_638 = tpu.memref_squeeze %dma_start3A_637 : memref<1x4096xf32, #tpu.memory_space<hbm>> -> memref<4096xf32, #tpu.memory_space<hbm>>
    %dma_start3A_639 = arith.constant 0 : i32
    %dma_start3A_640 = tpu.memref_slice %arg8[%select_n3A_625, %and3A_627, %dma_start3A_639] : memref<3x8x4096xf32, #tpu.memory_space<vmem>> -> memref<1x1x4096xf32, #tpu.memory_space<vmem>>
    %dma_start3A_641 = tpu.memref_squeeze %dma_start3A_640 : memref<1x1x4096xf32, #tpu.memory_space<vmem>> -> memref<4096xf32, #tpu.memory_space<vmem>>
    tpu.enqueue_dma source(%dma_start3A_641 : memref<4096xf32, #tpu.memory_space<vmem>>) target(%dma_start3A_638 : memref<4096xf32, #tpu.memory_space<hbm>>) target_semaphore(%arg11 : memref<!tpu.dma_semaphore, #tpu.memory_space<semaphore_mem>>)
    %slice3A_642 = vector.extract_strided_slice %max3A_461 {offsets = [6], sizes = [1], strides = [1]} : vector<16xi32> to vector<1xi32>
    %squeeze3A_643 = vector.extract %slice3A_642[0] : i32 from vector<1xi32>
    %shift_right_logical3A_644 = arith.constant 3 : i32
    %shift_right_logical3A_645 = arith.shrui %squeeze3A_643, %shift_right_logical3A_644 : i32
    %ne3A_646 = arith.cmpi ne, %shift_right_logical3A_645, %shift_right_logical3A_614 : i32
    %convert_element_type3A_647 = arith.extui %ne3A_646 : i1 to i32
    %cond3A_648 = arith.constant 0 : i32
    %cond3A_649 = arith.cmpi ne, %convert_element_type3A_647, %cond3A_648 : i32
    scf.if %cond3A_649 {
      %min3A_1236 = arith.constant 0 : i32
      %min3A_1237 = arith.constant 1023 : i32
      %min3A_1238 = arith.minsi %min3A_1236, %min3A_1237 : i32
      %mul3A_1239 = arith.constant 8 : i32
      %mul3A_1240 = arith.muli %min3A_1238, %mul3A_1239 : i32
      %rem3A_1241 = arith.constant 0 : i32
      %rem3A_1242 = arith.constant 3 : i32
      %rem3A_1243 = arith.remsi %rem3A_1241, %rem3A_1242 : i32
      %dma_wait3A_1244 = arith.constant 0 : i32
      %dma_wait3A_1245 = arith.constant 0 : i32
      %dma_wait3A_1246 = tpu.memref_slice %arg8[%rem3A_1243, %dma_wait3A_1244, %dma_wait3A_1245] : memref<3x8x4096xf32, #tpu.memory_space<vmem>> -> memref<1x8x4096xf32, #tpu.memory_space<vmem>>
      %dma_wait3A_1247 = tpu.memref_squeeze %dma_wait3A_1246 : memref<1x8x4096xf32, #tpu.memory_space<vmem>> -> memref<8x4096xf32, #tpu.memory_space<vmem>>
      %dma_wait3A_1248 = arith.constant 0 : i32
      %dma_wait3A_1249 = tpu.memref_slice %arg3[%mul3A_1240, %dma_wait3A_1248] : memref<8192x4096xf32, #tpu.memory_space<hbm>> -> memref<8x4096xf32, #tpu.memory_space<hbm>>
      %dma_wait3A_1250 = arith.constant 0 : i32
      %dma_wait3A_1251 = arith.constant 0 : i32
      %dma_wait3A_1252 = tpu.memref_slice %arg8[%rem3A_1243, %dma_wait3A_1250, %dma_wait3A_1251] : memref<3x8x4096xf32, #tpu.memory_space<vmem>> -> memref<1x8x4096xf32, #tpu.memory_space<vmem>>
      %dma_wait3A_1253 = tpu.memref_squeeze %dma_wait3A_1252 : memref<1x8x4096xf32, #tpu.memory_space<vmem>> -> memref<8x4096xf32, #tpu.memory_space<vmem>>
      %dma_wait3A_1254 = arith.constant 0 : i32
      %dma_wait3A_1255 = tpu.memref_slice %arg3[%mul3A_1240, %dma_wait3A_1254] : memref<8192x4096xf32, #tpu.memory_space<hbm>> -> memref<8x4096xf32, #tpu.memory_space<hbm>>
      tpu.wait_dma2 semaphore(%arg10 : memref<!tpu.dma_semaphore, #tpu.memory_space<semaphore_mem>>) src(%dma_wait3A_1255 : memref<8x4096xf32, #tpu.memory_space<hbm>>) dst(%dma_wait3A_1253 : memref<8x4096xf32, #tpu.memory_space<vmem>>)
      %add3A_1256 = arith.constant 1 : i32
      %add3A_1257 = arith.addi %shift_right_logical3A_645, %add3A_1256 : i32
      %min3A_1258 = arith.constant 1023 : i32
      %min3A_1259 = arith.minsi %add3A_1257, %min3A_1258 : i32
      %mul3A_1260 = arith.constant 8 : i32
      %mul3A_1261 = arith.muli %min3A_1259, %mul3A_1260 : i32
      %rem3A_1262 = arith.constant 3 : i32
      %rem3A_1263 = arith.remsi %add3A_1257, %rem3A_1262 : i32
      %dma_start3A_1264 = arith.constant 0 : i32
      %dma_start3A_1265 = arith.constant 0 : i32
      %dma_start3A_1266 = tpu.memref_slice %arg8[%rem3A_1263, %dma_start3A_1264, %dma_start3A_1265] : memref<3x8x4096xf32, #tpu.memory_space<vmem>> -> memref<1x8x4096xf32, #tpu.memory_space<vmem>>
      %dma_start3A_1267 = tpu.memref_squeeze %dma_start3A_1266 : memref<1x8x4096xf32, #tpu.memory_space<vmem>> -> memref<8x4096xf32, #tpu.memory_space<vmem>>
      %dma_start3A_1268 = arith.constant 0 : i32
      %dma_start3A_1269 = tpu.memref_slice %arg3[%mul3A_1261, %dma_start3A_1268] : memref<8192x4096xf32, #tpu.memory_space<hbm>> -> memref<8x4096xf32, #tpu.memory_space<hbm>>
      %dma_start3A_1270 = arith.constant 0 : i32
      %dma_start3A_1271 = arith.constant 0 : i32
      %dma_start3A_1272 = tpu.memref_slice %arg8[%rem3A_1263, %dma_start3A_1270, %dma_start3A_1271] : memref<3x8x4096xf32, #tpu.memory_space<vmem>> -> memref<1x8x4096xf32, #tpu.memory_space<vmem>>
      %dma_start3A_1273 = tpu.memref_squeeze %dma_start3A_1272 : memref<1x8x4096xf32, #tpu.memory_space<vmem>> -> memref<8x4096xf32, #tpu.memory_space<vmem>>
      %dma_start3A_1274 = arith.constant 0 : i32
      %dma_start3A_1275 = tpu.memref_slice %arg3[%mul3A_1261, %dma_start3A_1274] : memref<8192x4096xf32, #tpu.memory_space<hbm>> -> memref<8x4096xf32, #tpu.memory_space<hbm>>
      tpu.enqueue_dma source(%dma_start3A_1275 : memref<8x4096xf32, #tpu.memory_space<hbm>>) target(%dma_start3A_1273 : memref<8x4096xf32, #tpu.memory_space<vmem>>) target_semaphore(%arg10 : memref<!tpu.dma_semaphore, #tpu.memory_space<semaphore_mem>>)
    } else {
    }
    %eq3A_650 = arith.constant 2 : i32
    %eq3A_651 = arith.cmpi eq, %select_n3A_625, %eq3A_650 : i32
    %add3A_652 = arith.constant 1 : i32
    %add3A_653 = arith.addi %select_n3A_625, %add3A_652 : i32
    %jit3A_654 = arith.constant 0 : i32
    %select_n3A_655 = arith.select %eq3A_651, %jit3A_654, %add3A_653 : i32
    %select_n3A_656 = arith.select %ne3A_646, %select_n3A_655, %select_n3A_625 : i32
    %and3A_657 = arith.constant 7 : i32
    %and3A_658 = arith.andi %squeeze3A_643, %and3A_657 : i32
    %add3A_659 = arith.constant 6 : i32
    %add3A_660 = arith.addi %mul3A_2, %add3A_659 : i32
    %dma_start3A_661 = arith.constant 0 : i32
    %dma_start3A_662 = tpu.memref_slice %arg8[%select_n3A_656, %and3A_658, %dma_start3A_661] : memref<3x8x4096xf32, #tpu.memory_space<vmem>> -> memref<1x1x4096xf32, #tpu.memory_space<vmem>>
    %dma_start3A_663 = tpu.memref_squeeze %dma_start3A_662 : memref<1x1x4096xf32, #tpu.memory_space<vmem>> -> memref<4096xf32, #tpu.memory_space<vmem>>
    %dma_start3A_664 = arith.constant 0 : i32
    %dma_start3A_665 = tpu.memref_slice %arg4[%add3A_660, %dma_start3A_664] : memref<8192x4096xf32, #tpu.memory_space<hbm>> -> memref<1x4096xf32, #tpu.memory_space<hbm>>
    %dma_start3A_666 = tpu.memref_squeeze %dma_start3A_665 : memref<1x4096xf32, #tpu.memory_space<hbm>> -> memref<4096xf32, #tpu.memory_space<hbm>>
    %dma_start3A_667 = arith.constant 0 : i32
    %dma_start3A_668 = tpu.memref_slice %arg4[%add3A_660, %dma_start3A_667] : memref<8192x4096xf32, #tpu.memory_space<hbm>> -> memref<1x4096xf32, #tpu.memory_space<hbm>>
    %dma_start3A_669 = tpu.memref_squeeze %dma_start3A_668 : memref<1x4096xf32, #tpu.memory_space<hbm>> -> memref<4096xf32, #tpu.memory_space<hbm>>
    %dma_start3A_670 = arith.constant 0 : i32
    %dma_start3A_671 = tpu.memref_slice %arg8[%select_n3A_656, %and3A_658, %dma_start3A_670] : memref<3x8x4096xf32, #tpu.memory_space<vmem>> -> memref<1x1x4096xf32, #tpu.memory_space<vmem>>
    %dma_start3A_672 = tpu.memref_squeeze %dma_start3A_671 : memref<1x1x4096xf32, #tpu.memory_space<vmem>> -> memref<4096xf32, #tpu.memory_space<vmem>>
    tpu.enqueue_dma source(%dma_start3A_672 : memref<4096xf32, #tpu.memory_space<vmem>>) target(%dma_start3A_669 : memref<4096xf32, #tpu.memory_space<hbm>>) target_semaphore(%arg11 : memref<!tpu.dma_semaphore, #tpu.memory_space<semaphore_mem>>)
    %slice3A_673 = vector.extract_strided_slice %max3A_461 {offsets = [7], sizes = [1], strides = [1]} : vector<16xi32> to vector<1xi32>
    %squeeze3A_674 = vector.extract %slice3A_673[0] : i32 from vector<1xi32>
    %shift_right_logical3A_675 = arith.constant 3 : i32
    %shift_right_logical3A_676 = arith.shrui %squeeze3A_674, %shift_right_logical3A_675 : i32
    %ne3A_677 = arith.cmpi ne, %shift_right_logical3A_676, %shift_right_logical3A_645 : i32
    %convert_element_type3A_678 = arith.extui %ne3A_677 : i1 to i32
    %cond3A_679 = arith.constant 0 : i32
    %cond3A_680 = arith.cmpi ne, %convert_element_type3A_678, %cond3A_679 : i32
    scf.if %cond3A_680 {
      %min3A_1236 = arith.constant 0 : i32
      %min3A_1237 = arith.constant 1023 : i32
      %min3A_1238 = arith.minsi %min3A_1236, %min3A_1237 : i32
      %mul3A_1239 = arith.constant 8 : i32
      %mul3A_1240 = arith.muli %min3A_1238, %mul3A_1239 : i32
      %rem3A_1241 = arith.constant 0 : i32
      %rem3A_1242 = arith.constant 3 : i32
      %rem3A_1243 = arith.remsi %rem3A_1241, %rem3A_1242 : i32
      %dma_wait3A_1244 = arith.constant 0 : i32
      %dma_wait3A_1245 = arith.constant 0 : i32
      %dma_wait3A_1246 = tpu.memref_slice %arg8[%rem3A_1243, %dma_wait3A_1244, %dma_wait3A_1245] : memref<3x8x4096xf32, #tpu.memory_space<vmem>> -> memref<1x8x4096xf32, #tpu.memory_space<vmem>>
      %dma_wait3A_1247 = tpu.memref_squeeze %dma_wait3A_1246 : memref<1x8x4096xf32, #tpu.memory_space<vmem>> -> memref<8x4096xf32, #tpu.memory_space<vmem>>
      %dma_wait3A_1248 = arith.constant 0 : i32
      %dma_wait3A_1249 = tpu.memref_slice %arg3[%mul3A_1240, %dma_wait3A_1248] : memref<8192x4096xf32, #tpu.memory_space<hbm>> -> memref<8x4096xf32, #tpu.memory_space<hbm>>
      %dma_wait3A_1250 = arith.constant 0 : i32
      %dma_wait3A_1251 = arith.constant 0 : i32
      %dma_wait3A_1252 = tpu.memref_slice %arg8[%rem3A_1243, %dma_wait3A_1250, %dma_wait3A_1251] : memref<3x8x4096xf32, #tpu.memory_space<vmem>> -> memref<1x8x4096xf32, #tpu.memory_space<vmem>>
      %dma_wait3A_1253 = tpu.memref_squeeze %dma_wait3A_1252 : memref<1x8x4096xf32, #tpu.memory_space<vmem>> -> memref<8x4096xf32, #tpu.memory_space<vmem>>
      %dma_wait3A_1254 = arith.constant 0 : i32
      %dma_wait3A_1255 = tpu.memref_slice %arg3[%mul3A_1240, %dma_wait3A_1254] : memref<8192x4096xf32, #tpu.memory_space<hbm>> -> memref<8x4096xf32, #tpu.memory_space<hbm>>
      tpu.wait_dma2 semaphore(%arg10 : memref<!tpu.dma_semaphore, #tpu.memory_space<semaphore_mem>>) src(%dma_wait3A_1255 : memref<8x4096xf32, #tpu.memory_space<hbm>>) dst(%dma_wait3A_1253 : memref<8x4096xf32, #tpu.memory_space<vmem>>)
      %add3A_1256 = arith.constant 1 : i32
      %add3A_1257 = arith.addi %shift_right_logical3A_676, %add3A_1256 : i32
      %min3A_1258 = arith.constant 1023 : i32
      %min3A_1259 = arith.minsi %add3A_1257, %min3A_1258 : i32
      %mul3A_1260 = arith.constant 8 : i32
      %mul3A_1261 = arith.muli %min3A_1259, %mul3A_1260 : i32
      %rem3A_1262 = arith.constant 3 : i32
      %rem3A_1263 = arith.remsi %add3A_1257, %rem3A_1262 : i32
      %dma_start3A_1264 = arith.constant 0 : i32
      %dma_start3A_1265 = arith.constant 0 : i32
      %dma_start3A_1266 = tpu.memref_slice %arg8[%rem3A_1263, %dma_start3A_1264, %dma_start3A_1265] : memref<3x8x4096xf32, #tpu.memory_space<vmem>> -> memref<1x8x4096xf32, #tpu.memory_space<vmem>>
      %dma_start3A_1267 = tpu.memref_squeeze %dma_start3A_1266 : memref<1x8x4096xf32, #tpu.memory_space<vmem>> -> memref<8x4096xf32, #tpu.memory_space<vmem>>
      %dma_start3A_1268 = arith.constant 0 : i32
      %dma_start3A_1269 = tpu.memref_slice %arg3[%mul3A_1261, %dma_start3A_1268] : memref<8192x4096xf32, #tpu.memory_space<hbm>> -> memref<8x4096xf32, #tpu.memory_space<hbm>>
      %dma_start3A_1270 = arith.constant 0 : i32
      %dma_start3A_1271 = arith.constant 0 : i32
      %dma_start3A_1272 = tpu.memref_slice %arg8[%rem3A_1263, %dma_start3A_1270, %dma_start3A_1271] : memref<3x8x4096xf32, #tpu.memory_space<vmem>> -> memref<1x8x4096xf32, #tpu.memory_space<vmem>>
      %dma_start3A_1273 = tpu.memref_squeeze %dma_start3A_1272 : memref<1x8x4096xf32, #tpu.memory_space<vmem>> -> memref<8x4096xf32, #tpu.memory_space<vmem>>
      %dma_start3A_1274 = arith.constant 0 : i32
      %dma_start3A_1275 = tpu.memref_slice %arg3[%mul3A_1261, %dma_start3A_1274] : memref<8192x4096xf32, #tpu.memory_space<hbm>> -> memref<8x4096xf32, #tpu.memory_space<hbm>>
      tpu.enqueue_dma source(%dma_start3A_1275 : memref<8x4096xf32, #tpu.memory_space<hbm>>) target(%dma_start3A_1273 : memref<8x4096xf32, #tpu.memory_space<vmem>>) target_semaphore(%arg10 : memref<!tpu.dma_semaphore, #tpu.memory_space<semaphore_mem>>)
    } else {
    }
    %eq3A_681 = arith.constant 2 : i32
    %eq3A_682 = arith.cmpi eq, %select_n3A_656, %eq3A_681 : i32
    %add3A_683 = arith.constant 1 : i32
    %add3A_684 = arith.addi %select_n3A_656, %add3A_683 : i32
    %jit3A_685 = arith.constant 0 : i32
    %select_n3A_686 = arith.select %eq3A_682, %jit3A_685, %add3A_684 : i32
    %select_n3A_687 = arith.select %ne3A_677, %select_n3A_686, %select_n3A_656 : i32
    %and3A_688 = arith.constant 7 : i32
    %and3A_689 = arith.andi %squeeze3A_674, %and3A_688 : i32
    %add3A_690 = arith.constant 7 : i32
    %add3A_691 = arith.addi %mul3A_2, %add3A_690 : i32
    %dma_start3A_692 = arith.constant 0 : i32
    %dma_start3A_693 = tpu.memref_slice %arg8[%select_n3A_687, %and3A_689, %dma_start3A_692] : memref<3x8x4096xf32, #tpu.memory_space<vmem>> -> memref<1x1x4096xf32, #tpu.memory_space<vmem>>
    %dma_start3A_694 = tpu.memref_squeeze %dma_start3A_693 : memref<1x1x4096xf32, #tpu.memory_space<vmem>> -> memref<4096xf32, #tpu.memory_space<vmem>>
    %dma_start3A_695 = arith.constant 0 : i32
    %dma_start3A_696 = tpu.memref_slice %arg4[%add3A_691, %dma_start3A_695] : memref<8192x4096xf32, #tpu.memory_space<hbm>> -> memref<1x4096xf32, #tpu.memory_space<hbm>>
    %dma_start3A_697 = tpu.memref_squeeze %dma_start3A_696 : memref<1x4096xf32, #tpu.memory_space<hbm>> -> memref<4096xf32, #tpu.memory_space<hbm>>
    %dma_start3A_698 = arith.constant 0 : i32
    %dma_start3A_699 = tpu.memref_slice %arg4[%add3A_691, %dma_start3A_698] : memref<8192x4096xf32, #tpu.memory_space<hbm>> -> memref<1x4096xf32, #tpu.memory_space<hbm>>
    %dma_start3A_700 = tpu.memref_squeeze %dma_start3A_699 : memref<1x4096xf32, #tpu.memory_space<hbm>> -> memref<4096xf32, #tpu.memory_space<hbm>>
    %dma_start3A_701 = arith.constant 0 : i32
    %dma_start3A_702 = tpu.memref_slice %arg8[%select_n3A_687, %and3A_689, %dma_start3A_701] : memref<3x8x4096xf32, #tpu.memory_space<vmem>> -> memref<1x1x4096xf32, #tpu.memory_space<vmem>>
    %dma_start3A_703 = tpu.memref_squeeze %dma_start3A_702 : memref<1x1x4096xf32, #tpu.memory_space<vmem>> -> memref<4096xf32, #tpu.memory_space<vmem>>
    tpu.enqueue_dma source(%dma_start3A_703 : memref<4096xf32, #tpu.memory_space<vmem>>) target(%dma_start3A_700 : memref<4096xf32, #tpu.memory_space<hbm>>) target_semaphore(%arg11 : memref<!tpu.dma_semaphore, #tpu.memory_space<semaphore_mem>>)
    %slice3A_704 = vector.extract_strided_slice %max3A_461 {offsets = [8], sizes = [1], strides = [1]} : vector<16xi32> to vector<1xi32>
    %squeeze3A_705 = vector.extract %slice3A_704[0] : i32 from vector<1xi32>
    %shift_right_logical3A_706 = arith.constant 3 : i32
    %shift_right_logical3A_707 = arith.shrui %squeeze3A_705, %shift_right_logical3A_706 : i32
    %ne3A_708 = arith.cmpi ne, %shift_right_logical3A_707, %shift_right_logical3A_676 : i32
    %convert_element_type3A_709 = arith.extui %ne3A_708 : i1 to i32
    %cond3A_710 = arith.constant 0 : i32
    %cond3A_711 = arith.cmpi ne, %convert_element_type3A_709, %cond3A_710 : i32
    scf.if %cond3A_711 {
      %min3A_1236 = arith.constant 0 : i32
      %min3A_1237 = arith.constant 1023 : i32
      %min3A_1238 = arith.minsi %min3A_1236, %min3A_1237 : i32
      %mul3A_1239 = arith.constant 8 : i32
      %mul3A_1240 = arith.muli %min3A_1238, %mul3A_1239 : i32
      %rem3A_1241 = arith.constant 0 : i32
      %rem3A_1242 = arith.constant 3 : i32
      %rem3A_1243 = arith.remsi %rem3A_1241, %rem3A_1242 : i32
      %dma_wait3A_1244 = arith.constant 0 : i32
      %dma_wait3A_1245 = arith.constant 0 : i32
      %dma_wait3A_1246 = tpu.memref_slice %arg8[%rem3A_1243, %dma_wait3A_1244, %dma_wait3A_1245] : memref<3x8x4096xf32, #tpu.memory_space<vmem>> -> memref<1x8x4096xf32, #tpu.memory_space<vmem>>
      %dma_wait3A_1247 = tpu.memref_squeeze %dma_wait3A_1246 : memref<1x8x4096xf32, #tpu.memory_space<vmem>> -> memref<8x4096xf32, #tpu.memory_space<vmem>>
      %dma_wait3A_1248 = arith.constant 0 : i32
      %dma_wait3A_1249 = tpu.memref_slice %arg3[%mul3A_1240, %dma_wait3A_1248] : memref<8192x4096xf32, #tpu.memory_space<hbm>> -> memref<8x4096xf32, #tpu.memory_space<hbm>>
      %dma_wait3A_1250 = arith.constant 0 : i32
      %dma_wait3A_1251 = arith.constant 0 : i32
      %dma_wait3A_1252 = tpu.memref_slice %arg8[%rem3A_1243, %dma_wait3A_1250, %dma_wait3A_1251] : memref<3x8x4096xf32, #tpu.memory_space<vmem>> -> memref<1x8x4096xf32, #tpu.memory_space<vmem>>
      %dma_wait3A_1253 = tpu.memref_squeeze %dma_wait3A_1252 : memref<1x8x4096xf32, #tpu.memory_space<vmem>> -> memref<8x4096xf32, #tpu.memory_space<vmem>>
      %dma_wait3A_1254 = arith.constant 0 : i32
      %dma_wait3A_1255 = tpu.memref_slice %arg3[%mul3A_1240, %dma_wait3A_1254] : memref<8192x4096xf32, #tpu.memory_space<hbm>> -> memref<8x4096xf32, #tpu.memory_space<hbm>>
      tpu.wait_dma2 semaphore(%arg10 : memref<!tpu.dma_semaphore, #tpu.memory_space<semaphore_mem>>) src(%dma_wait3A_1255 : memref<8x4096xf32, #tpu.memory_space<hbm>>) dst(%dma_wait3A_1253 : memref<8x4096xf32, #tpu.memory_space<vmem>>)
      %add3A_1256 = arith.constant 1 : i32
      %add3A_1257 = arith.addi %shift_right_logical3A_707, %add3A_1256 : i32
      %min3A_1258 = arith.constant 1023 : i32
      %min3A_1259 = arith.minsi %add3A_1257, %min3A_1258 : i32
      %mul3A_1260 = arith.constant 8 : i32
      %mul3A_1261 = arith.muli %min3A_1259, %mul3A_1260 : i32
      %rem3A_1262 = arith.constant 3 : i32
      %rem3A_1263 = arith.remsi %add3A_1257, %rem3A_1262 : i32
      %dma_start3A_1264 = arith.constant 0 : i32
      %dma_start3A_1265 = arith.constant 0 : i32
      %dma_start3A_1266 = tpu.memref_slice %arg8[%rem3A_1263, %dma_start3A_1264, %dma_start3A_1265] : memref<3x8x4096xf32, #tpu.memory_space<vmem>> -> memref<1x8x4096xf32, #tpu.memory_space<vmem>>
      %dma_start3A_1267 = tpu.memref_squeeze %dma_start3A_1266 : memref<1x8x4096xf32, #tpu.memory_space<vmem>> -> memref<8x4096xf32, #tpu.memory_space<vmem>>
      %dma_start3A_1268 = arith.constant 0 : i32
      %dma_start3A_1269 = tpu.memref_slice %arg3[%mul3A_1261, %dma_start3A_1268] : memref<8192x4096xf32, #tpu.memory_space<hbm>> -> memref<8x4096xf32, #tpu.memory_space<hbm>>
      %dma_start3A_1270 = arith.constant 0 : i32
      %dma_start3A_1271 = arith.constant 0 : i32
      %dma_start3A_1272 = tpu.memref_slice %arg8[%rem3A_1263, %dma_start3A_1270, %dma_start3A_1271] : memref<3x8x4096xf32, #tpu.memory_space<vmem>> -> memref<1x8x4096xf32, #tpu.memory_space<vmem>>
      %dma_start3A_1273 = tpu.memref_squeeze %dma_start3A_1272 : memref<1x8x4096xf32, #tpu.memory_space<vmem>> -> memref<8x4096xf32, #tpu.memory_space<vmem>>
      %dma_start3A_1274 = arith.constant 0 : i32
      %dma_start3A_1275 = tpu.memref_slice %arg3[%mul3A_1261, %dma_start3A_1274] : memref<8192x4096xf32, #tpu.memory_space<hbm>> -> memref<8x4096xf32, #tpu.memory_space<hbm>>
      tpu.enqueue_dma source(%dma_start3A_1275 : memref<8x4096xf32, #tpu.memory_space<hbm>>) target(%dma_start3A_1273 : memref<8x4096xf32, #tpu.memory_space<vmem>>) target_semaphore(%arg10 : memref<!tpu.dma_semaphore, #tpu.memory_space<semaphore_mem>>)
    } else {
    }
    %eq3A_712 = arith.constant 2 : i32
    %eq3A_713 = arith.cmpi eq, %select_n3A_687, %eq3A_712 : i32
    %add3A_714 = arith.constant 1 : i32
    %add3A_715 = arith.addi %select_n3A_687, %add3A_714 : i32
    %jit3A_716 = arith.constant 0 : i32
    %select_n3A_717 = arith.select %eq3A_713, %jit3A_716, %add3A_715 : i32
    %select_n3A_718 = arith.select %ne3A_708, %select_n3A_717, %select_n3A_687 : i32
    %and3A_719 = arith.constant 7 : i32
    %and3A_720 = arith.andi %squeeze3A_705, %and3A_719 : i32
    %add3A_721 = arith.constant 8 : i32
    %add3A_722 = arith.addi %mul3A_2, %add3A_721 : i32
    %dma_start3A_723 = arith.constant 0 : i32
    %dma_start3A_724 = tpu.memref_slice %arg8[%select_n3A_718, %and3A_720, %dma_start3A_723] : memref<3x8x4096xf32, #tpu.memory_space<vmem>> -> memref<1x1x4096xf32, #tpu.memory_space<vmem>>
    %dma_start3A_725 = tpu.memref_squeeze %dma_start3A_724 : memref<1x1x4096xf32, #tpu.memory_space<vmem>> -> memref<4096xf32, #tpu.memory_space<vmem>>
    %dma_start3A_726 = arith.constant 0 : i32
    %dma_start3A_727 = tpu.memref_slice %arg4[%add3A_722, %dma_start3A_726] : memref<8192x4096xf32, #tpu.memory_space<hbm>> -> memref<1x4096xf32, #tpu.memory_space<hbm>>
    %dma_start3A_728 = tpu.memref_squeeze %dma_start3A_727 : memref<1x4096xf32, #tpu.memory_space<hbm>> -> memref<4096xf32, #tpu.memory_space<hbm>>
    %dma_start3A_729 = arith.constant 0 : i32
    %dma_start3A_730 = tpu.memref_slice %arg4[%add3A_722, %dma_start3A_729] : memref<8192x4096xf32, #tpu.memory_space<hbm>> -> memref<1x4096xf32, #tpu.memory_space<hbm>>
    %dma_start3A_731 = tpu.memref_squeeze %dma_start3A_730 : memref<1x4096xf32, #tpu.memory_space<hbm>> -> memref<4096xf32, #tpu.memory_space<hbm>>
    %dma_start3A_732 = arith.constant 0 : i32
    %dma_start3A_733 = tpu.memref_slice %arg8[%select_n3A_718, %and3A_720, %dma_start3A_732] : memref<3x8x4096xf32, #tpu.memory_space<vmem>> -> memref<1x1x4096xf32, #tpu.memory_space<vmem>>
    %dma_start3A_734 = tpu.memref_squeeze %dma_start3A_733 : memref<1x1x4096xf32, #tpu.memory_space<vmem>> -> memref<4096xf32, #tpu.memory_space<vmem>>
    tpu.enqueue_dma source(%dma_start3A_734 : memref<4096xf32, #tpu.memory_space<vmem>>) target(%dma_start3A_731 : memref<4096xf32, #tpu.memory_space<hbm>>) target_semaphore(%arg11 : memref<!tpu.dma_semaphore, #tpu.memory_space<semaphore_mem>>)
    %add3A_735 = arith.constant 0 : i32
    %add3A_736 = arith.addi %mul3A_2, %add3A_735 : i32
    %dma_wait3A_737 = arith.constant 0 : i32
    %dma_wait3A_738 = arith.constant 0 : i32
    %dma_wait3A_739 = arith.constant 0 : i32
    %dma_wait3A_740 = tpu.memref_slice %arg8[%dma_wait3A_737, %dma_wait3A_738, %dma_wait3A_739] : memref<3x8x4096xf32, #tpu.memory_space<vmem>> -> memref<1x1x4096xf32, #tpu.memory_space<vmem>>
    %dma_wait3A_741 = tpu.memref_squeeze %dma_wait3A_740 : memref<1x1x4096xf32, #tpu.memory_space<vmem>> -> memref<4096xf32, #tpu.memory_space<vmem>>
    %dma_wait3A_742 = arith.constant 0 : i32
    %dma_wait3A_743 = tpu.memref_slice %arg4[%add3A_736, %dma_wait3A_742] : memref<8192x4096xf32, #tpu.memory_space<hbm>> -> memref<1x4096xf32, #tpu.memory_space<hbm>>
    %dma_wait3A_744 = tpu.memref_squeeze %dma_wait3A_743 : memref<1x4096xf32, #tpu.memory_space<hbm>> -> memref<4096xf32, #tpu.memory_space<hbm>>
    %dma_wait3A_745 = arith.constant 0 : i32
    %dma_wait3A_746 = tpu.memref_slice %arg4[%add3A_736, %dma_wait3A_745] : memref<8192x4096xf32, #tpu.memory_space<hbm>> -> memref<1x4096xf32, #tpu.memory_space<hbm>>
    %dma_wait3A_747 = tpu.memref_squeeze %dma_wait3A_746 : memref<1x4096xf32, #tpu.memory_space<hbm>> -> memref<4096xf32, #tpu.memory_space<hbm>>
    %dma_wait3A_748 = arith.constant 0 : i32
    %dma_wait3A_749 = tpu.memref_slice %arg8[%dma_wait3A_737, %dma_wait3A_738, %dma_wait3A_748] : memref<3x8x4096xf32, #tpu.memory_space<vmem>> -> memref<1x1x4096xf32, #tpu.memory_space<vmem>>
    %dma_wait3A_750 = tpu.memref_squeeze %dma_wait3A_749 : memref<1x1x4096xf32, #tpu.memory_space<vmem>> -> memref<4096xf32, #tpu.memory_space<vmem>>
    tpu.wait_dma2 semaphore(%arg11 : memref<!tpu.dma_semaphore, #tpu.memory_space<semaphore_mem>>) src(%dma_wait3A_750 : memref<4096xf32, #tpu.memory_space<vmem>>) dst(%dma_wait3A_747 : memref<4096xf32, #tpu.memory_space<hbm>>)
    %slice3A_751 = vector.extract_strided_slice %max3A_461 {offsets = [9], sizes = [1], strides = [1]} : vector<16xi32> to vector<1xi32>
    %squeeze3A_752 = vector.extract %slice3A_751[0] : i32 from vector<1xi32>
    %shift_right_logical3A_753 = arith.constant 3 : i32
    %shift_right_logical3A_754 = arith.shrui %squeeze3A_752, %shift_right_logical3A_753 : i32
    %ne3A_755 = arith.cmpi ne, %shift_right_logical3A_754, %shift_right_logical3A_707 : i32
    %convert_element_type3A_756 = arith.extui %ne3A_755 : i1 to i32
    %cond3A_757 = arith.constant 0 : i32
    %cond3A_758 = arith.cmpi ne, %convert_element_type3A_756, %cond3A_757 : i32
    scf.if %cond3A_758 {
      %min3A_1236 = arith.constant 0 : i32
      %min3A_1237 = arith.constant 1023 : i32
      %min3A_1238 = arith.minsi %min3A_1236, %min3A_1237 : i32
      %mul3A_1239 = arith.constant 8 : i32
      %mul3A_1240 = arith.muli %min3A_1238, %mul3A_1239 : i32
      %rem3A_1241 = arith.constant 0 : i32
      %rem3A_1242 = arith.constant 3 : i32
      %rem3A_1243 = arith.remsi %rem3A_1241, %rem3A_1242 : i32
      %dma_wait3A_1244 = arith.constant 0 : i32
      %dma_wait3A_1245 = arith.constant 0 : i32
      %dma_wait3A_1246 = tpu.memref_slice %arg8[%rem3A_1243, %dma_wait3A_1244, %dma_wait3A_1245] : memref<3x8x4096xf32, #tpu.memory_space<vmem>> -> memref<1x8x4096xf32, #tpu.memory_space<vmem>>
      %dma_wait3A_1247 = tpu.memref_squeeze %dma_wait3A_1246 : memref<1x8x4096xf32, #tpu.memory_space<vmem>> -> memref<8x4096xf32, #tpu.memory_space<vmem>>
      %dma_wait3A_1248 = arith.constant 0 : i32
      %dma_wait3A_1249 = tpu.memref_slice %arg3[%mul3A_1240, %dma_wait3A_1248] : memref<8192x4096xf32, #tpu.memory_space<hbm>> -> memref<8x4096xf32, #tpu.memory_space<hbm>>
      %dma_wait3A_1250 = arith.constant 0 : i32
      %dma_wait3A_1251 = arith.constant 0 : i32
      %dma_wait3A_1252 = tpu.memref_slice %arg8[%rem3A_1243, %dma_wait3A_1250, %dma_wait3A_1251] : memref<3x8x4096xf32, #tpu.memory_space<vmem>> -> memref<1x8x4096xf32, #tpu.memory_space<vmem>>
      %dma_wait3A_1253 = tpu.memref_squeeze %dma_wait3A_1252 : memref<1x8x4096xf32, #tpu.memory_space<vmem>> -> memref<8x4096xf32, #tpu.memory_space<vmem>>
      %dma_wait3A_1254 = arith.constant 0 : i32
      %dma_wait3A_1255 = tpu.memref_slice %arg3[%mul3A_1240, %dma_wait3A_1254] : memref<8192x4096xf32, #tpu.memory_space<hbm>> -> memref<8x4096xf32, #tpu.memory_space<hbm>>
      tpu.wait_dma2 semaphore(%arg10 : memref<!tpu.dma_semaphore, #tpu.memory_space<semaphore_mem>>) src(%dma_wait3A_1255 : memref<8x4096xf32, #tpu.memory_space<hbm>>) dst(%dma_wait3A_1253 : memref<8x4096xf32, #tpu.memory_space<vmem>>)
      %add3A_1256 = arith.constant 1 : i32
      %add3A_1257 = arith.addi %shift_right_logical3A_754, %add3A_1256 : i32
      %min3A_1258 = arith.constant 1023 : i32
      %min3A_1259 = arith.minsi %add3A_1257, %min3A_1258 : i32
      %mul3A_1260 = arith.constant 8 : i32
      %mul3A_1261 = arith.muli %min3A_1259, %mul3A_1260 : i32
      %rem3A_1262 = arith.constant 3 : i32
      %rem3A_1263 = arith.remsi %add3A_1257, %rem3A_1262 : i32
      %dma_start3A_1264 = arith.constant 0 : i32
      %dma_start3A_1265 = arith.constant 0 : i32
      %dma_start3A_1266 = tpu.memref_slice %arg8[%rem3A_1263, %dma_start3A_1264, %dma_start3A_1265] : memref<3x8x4096xf32, #tpu.memory_space<vmem>> -> memref<1x8x4096xf32, #tpu.memory_space<vmem>>
      %dma_start3A_1267 = tpu.memref_squeeze %dma_start3A_1266 : memref<1x8x4096xf32, #tpu.memory_space<vmem>> -> memref<8x4096xf32, #tpu.memory_space<vmem>>
      %dma_start3A_1268 = arith.constant 0 : i32
      %dma_start3A_1269 = tpu.memref_slice %arg3[%mul3A_1261, %dma_start3A_1268] : memref<8192x4096xf32, #tpu.memory_space<hbm>> -> memref<8x4096xf32, #tpu.memory_space<hbm>>
      %dma_start3A_1270 = arith.constant 0 : i32
      %dma_start3A_1271 = arith.constant 0 : i32
      %dma_start3A_1272 = tpu.memref_slice %arg8[%rem3A_1263, %dma_start3A_1270, %dma_start3A_1271] : memref<3x8x4096xf32, #tpu.memory_space<vmem>> -> memref<1x8x4096xf32, #tpu.memory_space<vmem>>
      %dma_start3A_1273 = tpu.memref_squeeze %dma_start3A_1272 : memref<1x8x4096xf32, #tpu.memory_space<vmem>> -> memref<8x4096xf32, #tpu.memory_space<vmem>>
      %dma_start3A_1274 = arith.constant 0 : i32
      %dma_start3A_1275 = tpu.memref_slice %arg3[%mul3A_1261, %dma_start3A_1274] : memref<8192x4096xf32, #tpu.memory_space<hbm>> -> memref<8x4096xf32, #tpu.memory_space<hbm>>
      tpu.enqueue_dma source(%dma_start3A_1275 : memref<8x4096xf32, #tpu.memory_space<hbm>>) target(%dma_start3A_1273 : memref<8x4096xf32, #tpu.memory_space<vmem>>) target_semaphore(%arg10 : memref<!tpu.dma_semaphore, #tpu.memory_space<semaphore_mem>>)
    } else {
    }
    %eq3A_759 = arith.constant 2 : i32
    %eq3A_760 = arith.cmpi eq, %select_n3A_718, %eq3A_759 : i32
    %add3A_761 = arith.constant 1 : i32
    %add3A_762 = arith.addi %select_n3A_718, %add3A_761 : i32
    %jit3A_763 = arith.constant 0 : i32
    %select_n3A_764 = arith.select %eq3A_760, %jit3A_763, %add3A_762 : i32
    %select_n3A_765 = arith.select %ne3A_755, %select_n3A_764, %select_n3A_718 : i32
    %and3A_766 = arith.constant 7 : i32
    %and3A_767 = arith.andi %squeeze3A_752, %and3A_766 : i32
    %add3A_768 = arith.constant 9 : i32
    %add3A_769 = arith.addi %mul3A_2, %add3A_768 : i32
    %dma_start3A_770 = arith.constant 0 : i32
    %dma_start3A_771 = tpu.memref_slice %arg8[%select_n3A_765, %and3A_767, %dma_start3A_770] : memref<3x8x4096xf32, #tpu.memory_space<vmem>> -> memref<1x1x4096xf32, #tpu.memory_space<vmem>>
    %dma_start3A_772 = tpu.memref_squeeze %dma_start3A_771 : memref<1x1x4096xf32, #tpu.memory_space<vmem>> -> memref<4096xf32, #tpu.memory_space<vmem>>
    %dma_start3A_773 = arith.constant 0 : i32
    %dma_start3A_774 = tpu.memref_slice %arg4[%add3A_769, %dma_start3A_773] : memref<8192x4096xf32, #tpu.memory_space<hbm>> -> memref<1x4096xf32, #tpu.memory_space<hbm>>
    %dma_start3A_775 = tpu.memref_squeeze %dma_start3A_774 : memref<1x4096xf32, #tpu.memory_space<hbm>> -> memref<4096xf32, #tpu.memory_space<hbm>>
    %dma_start3A_776 = arith.constant 0 : i32
    %dma_start3A_777 = tpu.memref_slice %arg4[%add3A_769, %dma_start3A_776] : memref<8192x4096xf32, #tpu.memory_space<hbm>> -> memref<1x4096xf32, #tpu.memory_space<hbm>>
    %dma_start3A_778 = tpu.memref_squeeze %dma_start3A_777 : memref<1x4096xf32, #tpu.memory_space<hbm>> -> memref<4096xf32, #tpu.memory_space<hbm>>
    %dma_start3A_779 = arith.constant 0 : i32
    %dma_start3A_780 = tpu.memref_slice %arg8[%select_n3A_765, %and3A_767, %dma_start3A_779] : memref<3x8x4096xf32, #tpu.memory_space<vmem>> -> memref<1x1x4096xf32, #tpu.memory_space<vmem>>
    %dma_start3A_781 = tpu.memref_squeeze %dma_start3A_780 : memref<1x1x4096xf32, #tpu.memory_space<vmem>> -> memref<4096xf32, #tpu.memory_space<vmem>>
    tpu.enqueue_dma source(%dma_start3A_781 : memref<4096xf32, #tpu.memory_space<vmem>>) target(%dma_start3A_778 : memref<4096xf32, #tpu.memory_space<hbm>>) target_semaphore(%arg11 : memref<!tpu.dma_semaphore, #tpu.memory_space<semaphore_mem>>)
    %add3A_782 = arith.constant 0 : i32
    %add3A_783 = arith.addi %mul3A_2, %add3A_782 : i32
    %dma_wait3A_784 = arith.constant 0 : i32
    %dma_wait3A_785 = arith.constant 0 : i32
    %dma_wait3A_786 = arith.constant 0 : i32
    %dma_wait3A_787 = tpu.memref_slice %arg8[%dma_wait3A_784, %dma_wait3A_785, %dma_wait3A_786] : memref<3x8x4096xf32, #tpu.memory_space<vmem>> -> memref<1x1x4096xf32, #tpu.memory_space<vmem>>
    %dma_wait3A_788 = tpu.memref_squeeze %dma_wait3A_787 : memref<1x1x4096xf32, #tpu.memory_space<vmem>> -> memref<4096xf32, #tpu.memory_space<vmem>>
    %dma_wait3A_789 = arith.constant 0 : i32
    %dma_wait3A_790 = tpu.memref_slice %arg4[%add3A_783, %dma_wait3A_789] : memref<8192x4096xf32, #tpu.memory_space<hbm>> -> memref<1x4096xf32, #tpu.memory_space<hbm>>
    %dma_wait3A_791 = tpu.memref_squeeze %dma_wait3A_790 : memref<1x4096xf32, #tpu.memory_space<hbm>> -> memref<4096xf32, #tpu.memory_space<hbm>>
    %dma_wait3A_792 = arith.constant 0 : i32
    %dma_wait3A_793 = tpu.memref_slice %arg4[%add3A_783, %dma_wait3A_792] : memref<8192x4096xf32, #tpu.memory_space<hbm>> -> memref<1x4096xf32, #tpu.memory_space<hbm>>
    %dma_wait3A_794 = tpu.memref_squeeze %dma_wait3A_793 : memref<1x4096xf32, #tpu.memory_space<hbm>> -> memref<4096xf32, #tpu.memory_space<hbm>>
    %dma_wait3A_795 = arith.constant 0 : i32
    %dma_wait3A_796 = tpu.memref_slice %arg8[%dma_wait3A_784, %dma_wait3A_785, %dma_wait3A_795] : memref<3x8x4096xf32, #tpu.memory_space<vmem>> -> memref<1x1x4096xf32, #tpu.memory_space<vmem>>
    %dma_wait3A_797 = tpu.memref_squeeze %dma_wait3A_796 : memref<1x1x4096xf32, #tpu.memory_space<vmem>> -> memref<4096xf32, #tpu.memory_space<vmem>>
    tpu.wait_dma2 semaphore(%arg11 : memref<!tpu.dma_semaphore, #tpu.memory_space<semaphore_mem>>) src(%dma_wait3A_797 : memref<4096xf32, #tpu.memory_space<vmem>>) dst(%dma_wait3A_794 : memref<4096xf32, #tpu.memory_space<hbm>>)
    %slice3A_798 = vector.extract_strided_slice %max3A_461 {offsets = [10], sizes = [1], strides = [1]} : vector<16xi32> to vector<1xi32>
    %squeeze3A_799 = vector.extract %slice3A_798[0] : i32 from vector<1xi32>
    %shift_right_logical3A_800 = arith.constant 3 : i32
    %shift_right_logical3A_801 = arith.shrui %squeeze3A_799, %shift_right_logical3A_800 : i32
    %ne3A_802 = arith.cmpi ne, %shift_right_logical3A_801, %shift_right_logical3A_754 : i32
    %convert_element_type3A_803 = arith.extui %ne3A_802 : i1 to i32
    %cond3A_804 = arith.constant 0 : i32
    %cond3A_805 = arith.cmpi ne, %convert_element_type3A_803, %cond3A_804 : i32
    scf.if %cond3A_805 {
      %min3A_1236 = arith.constant 0 : i32
      %min3A_1237 = arith.constant 1023 : i32
      %min3A_1238 = arith.minsi %min3A_1236, %min3A_1237 : i32
      %mul3A_1239 = arith.constant 8 : i32
      %mul3A_1240 = arith.muli %min3A_1238, %mul3A_1239 : i32
      %rem3A_1241 = arith.constant 0 : i32
      %rem3A_1242 = arith.constant 3 : i32
      %rem3A_1243 = arith.remsi %rem3A_1241, %rem3A_1242 : i32
      %dma_wait3A_1244 = arith.constant 0 : i32
      %dma_wait3A_1245 = arith.constant 0 : i32
      %dma_wait3A_1246 = tpu.memref_slice %arg8[%rem3A_1243, %dma_wait3A_1244, %dma_wait3A_1245] : memref<3x8x4096xf32, #tpu.memory_space<vmem>> -> memref<1x8x4096xf32, #tpu.memory_space<vmem>>
      %dma_wait3A_1247 = tpu.memref_squeeze %dma_wait3A_1246 : memref<1x8x4096xf32, #tpu.memory_space<vmem>> -> memref<8x4096xf32, #tpu.memory_space<vmem>>
      %dma_wait3A_1248 = arith.constant 0 : i32
      %dma_wait3A_1249 = tpu.memref_slice %arg3[%mul3A_1240, %dma_wait3A_1248] : memref<8192x4096xf32, #tpu.memory_space<hbm>> -> memref<8x4096xf32, #tpu.memory_space<hbm>>
      %dma_wait3A_1250 = arith.constant 0 : i32
      %dma_wait3A_1251 = arith.constant 0 : i32
      %dma_wait3A_1252 = tpu.memref_slice %arg8[%rem3A_1243, %dma_wait3A_1250, %dma_wait3A_1251] : memref<3x8x4096xf32, #tpu.memory_space<vmem>> -> memref<1x8x4096xf32, #tpu.memory_space<vmem>>
      %dma_wait3A_1253 = tpu.memref_squeeze %dma_wait3A_1252 : memref<1x8x4096xf32, #tpu.memory_space<vmem>> -> memref<8x4096xf32, #tpu.memory_space<vmem>>
      %dma_wait3A_1254 = arith.constant 0 : i32
      %dma_wait3A_1255 = tpu.memref_slice %arg3[%mul3A_1240, %dma_wait3A_1254] : memref<8192x4096xf32, #tpu.memory_space<hbm>> -> memref<8x4096xf32, #tpu.memory_space<hbm>>
      tpu.wait_dma2 semaphore(%arg10 : memref<!tpu.dma_semaphore, #tpu.memory_space<semaphore_mem>>) src(%dma_wait3A_1255 : memref<8x4096xf32, #tpu.memory_space<hbm>>) dst(%dma_wait3A_1253 : memref<8x4096xf32, #tpu.memory_space<vmem>>)
      %add3A_1256 = arith.constant 1 : i32
      %add3A_1257 = arith.addi %shift_right_logical3A_801, %add3A_1256 : i32
      %min3A_1258 = arith.constant 1023 : i32
      %min3A_1259 = arith.minsi %add3A_1257, %min3A_1258 : i32
      %mul3A_1260 = arith.constant 8 : i32
      %mul3A_1261 = arith.muli %min3A_1259, %mul3A_1260 : i32
      %rem3A_1262 = arith.constant 3 : i32
      %rem3A_1263 = arith.remsi %add3A_1257, %rem3A_1262 : i32
      %dma_start3A_1264 = arith.constant 0 : i32
      %dma_start3A_1265 = arith.constant 0 : i32
      %dma_start3A_1266 = tpu.memref_slice %arg8[%rem3A_1263, %dma_start3A_1264, %dma_start3A_1265] : memref<3x8x4096xf32, #tpu.memory_space<vmem>> -> memref<1x8x4096xf32, #tpu.memory_space<vmem>>
      %dma_start3A_1267 = tpu.memref_squeeze %dma_start3A_1266 : memref<1x8x4096xf32, #tpu.memory_space<vmem>> -> memref<8x4096xf32, #tpu.memory_space<vmem>>
      %dma_start3A_1268 = arith.constant 0 : i32
      %dma_start3A_1269 = tpu.memref_slice %arg3[%mul3A_1261, %dma_start3A_1268] : memref<8192x4096xf32, #tpu.memory_space<hbm>> -> memref<8x4096xf32, #tpu.memory_space<hbm>>
      %dma_start3A_1270 = arith.constant 0 : i32
      %dma_start3A_1271 = arith.constant 0 : i32
      %dma_start3A_1272 = tpu.memref_slice %arg8[%rem3A_1263, %dma_start3A_1270, %dma_start3A_1271] : memref<3x8x4096xf32, #tpu.memory_space<vmem>> -> memref<1x8x4096xf32, #tpu.memory_space<vmem>>
      %dma_start3A_1273 = tpu.memref_squeeze %dma_start3A_1272 : memref<1x8x4096xf32, #tpu.memory_space<vmem>> -> memref<8x4096xf32, #tpu.memory_space<vmem>>
      %dma_start3A_1274 = arith.constant 0 : i32
      %dma_start3A_1275 = tpu.memref_slice %arg3[%mul3A_1261, %dma_start3A_1274] : memref<8192x4096xf32, #tpu.memory_space<hbm>> -> memref<8x4096xf32, #tpu.memory_space<hbm>>
      tpu.enqueue_dma source(%dma_start3A_1275 : memref<8x4096xf32, #tpu.memory_space<hbm>>) target(%dma_start3A_1273 : memref<8x4096xf32, #tpu.memory_space<vmem>>) target_semaphore(%arg10 : memref<!tpu.dma_semaphore, #tpu.memory_space<semaphore_mem>>)
    } else {
    }
    %eq3A_806 = arith.constant 2 : i32
    %eq3A_807 = arith.cmpi eq, %select_n3A_765, %eq3A_806 : i32
    %add3A_808 = arith.constant 1 : i32
    %add3A_809 = arith.addi %select_n3A_765, %add3A_808 : i32
    %jit3A_810 = arith.constant 0 : i32
    %select_n3A_811 = arith.select %eq3A_807, %jit3A_810, %add3A_809 : i32
    %select_n3A_812 = arith.select %ne3A_802, %select_n3A_811, %select_n3A_765 : i32
    %and3A_813 = arith.constant 7 : i32
    %and3A_814 = arith.andi %squeeze3A_799, %and3A_813 : i32
    %add3A_815 = arith.constant 10 : i32
    %add3A_816 = arith.addi %mul3A_2, %add3A_815 : i32
    %dma_start3A_817 = arith.constant 0 : i32
    %dma_start3A_818 = tpu.memref_slice %arg8[%select_n3A_812, %and3A_814, %dma_start3A_817] : memref<3x8x4096xf32, #tpu.memory_space<vmem>> -> memref<1x1x4096xf32, #tpu.memory_space<vmem>>
    %dma_start3A_819 = tpu.memref_squeeze %dma_start3A_818 : memref<1x1x4096xf32, #tpu.memory_space<vmem>> -> memref<4096xf32, #tpu.memory_space<vmem>>
    %dma_start3A_820 = arith.constant 0 : i32
    %dma_start3A_821 = tpu.memref_slice %arg4[%add3A_816, %dma_start3A_820] : memref<8192x4096xf32, #tpu.memory_space<hbm>> -> memref<1x4096xf32, #tpu.memory_space<hbm>>
    %dma_start3A_822 = tpu.memref_squeeze %dma_start3A_821 : memref<1x4096xf32, #tpu.memory_space<hbm>> -> memref<4096xf32, #tpu.memory_space<hbm>>
    %dma_start3A_823 = arith.constant 0 : i32
    %dma_start3A_824 = tpu.memref_slice %arg4[%add3A_816, %dma_start3A_823] : memref<8192x4096xf32, #tpu.memory_space<hbm>> -> memref<1x4096xf32, #tpu.memory_space<hbm>>
    %dma_start3A_825 = tpu.memref_squeeze %dma_start3A_824 : memref<1x4096xf32, #tpu.memory_space<hbm>> -> memref<4096xf32, #tpu.memory_space<hbm>>
    %dma_start3A_826 = arith.constant 0 : i32
    %dma_start3A_827 = tpu.memref_slice %arg8[%select_n3A_812, %and3A_814, %dma_start3A_826] : memref<3x8x4096xf32, #tpu.memory_space<vmem>> -> memref<1x1x4096xf32, #tpu.memory_space<vmem>>
    %dma_start3A_828 = tpu.memref_squeeze %dma_start3A_827 : memref<1x1x4096xf32, #tpu.memory_space<vmem>> -> memref<4096xf32, #tpu.memory_space<vmem>>
    tpu.enqueue_dma source(%dma_start3A_828 : memref<4096xf32, #tpu.memory_space<vmem>>) target(%dma_start3A_825 : memref<4096xf32, #tpu.memory_space<hbm>>) target_semaphore(%arg11 : memref<!tpu.dma_semaphore, #tpu.memory_space<semaphore_mem>>)
    %add3A_829 = arith.constant 0 : i32
    %add3A_830 = arith.addi %mul3A_2, %add3A_829 : i32
    %dma_wait3A_831 = arith.constant 0 : i32
    %dma_wait3A_832 = arith.constant 0 : i32
    %dma_wait3A_833 = arith.constant 0 : i32
    %dma_wait3A_834 = tpu.memref_slice %arg8[%dma_wait3A_831, %dma_wait3A_832, %dma_wait3A_833] : memref<3x8x4096xf32, #tpu.memory_space<vmem>> -> memref<1x1x4096xf32, #tpu.memory_space<vmem>>
    %dma_wait3A_835 = tpu.memref_squeeze %dma_wait3A_834 : memref<1x1x4096xf32, #tpu.memory_space<vmem>> -> memref<4096xf32, #tpu.memory_space<vmem>>
    %dma_wait3A_836 = arith.constant 0 : i32
    %dma_wait3A_837 = tpu.memref_slice %arg4[%add3A_830, %dma_wait3A_836] : memref<8192x4096xf32, #tpu.memory_space<hbm>> -> memref<1x4096xf32, #tpu.memory_space<hbm>>
    %dma_wait3A_838 = tpu.memref_squeeze %dma_wait3A_837 : memref<1x4096xf32, #tpu.memory_space<hbm>> -> memref<4096xf32, #tpu.memory_space<hbm>>
    %dma_wait3A_839 = arith.constant 0 : i32
    %dma_wait3A_840 = tpu.memref_slice %arg4[%add3A_830, %dma_wait3A_839] : memref<8192x4096xf32, #tpu.memory_space<hbm>> -> memref<1x4096xf32, #tpu.memory_space<hbm>>
    %dma_wait3A_841 = tpu.memref_squeeze %dma_wait3A_840 : memref<1x4096xf32, #tpu.memory_space<hbm>> -> memref<4096xf32, #tpu.memory_space<hbm>>
    %dma_wait3A_842 = arith.constant 0 : i32
    %dma_wait3A_843 = tpu.memref_slice %arg8[%dma_wait3A_831, %dma_wait3A_832, %dma_wait3A_842] : memref<3x8x4096xf32, #tpu.memory_space<vmem>> -> memref<1x1x4096xf32, #tpu.memory_space<vmem>>
    %dma_wait3A_844 = tpu.memref_squeeze %dma_wait3A_843 : memref<1x1x4096xf32, #tpu.memory_space<vmem>> -> memref<4096xf32, #tpu.memory_space<vmem>>
    tpu.wait_dma2 semaphore(%arg11 : memref<!tpu.dma_semaphore, #tpu.memory_space<semaphore_mem>>) src(%dma_wait3A_844 : memref<4096xf32, #tpu.memory_space<vmem>>) dst(%dma_wait3A_841 : memref<4096xf32, #tpu.memory_space<hbm>>)
    %slice3A_845 = vector.extract_strided_slice %max3A_461 {offsets = [11], sizes = [1], strides = [1]} : vector<16xi32> to vector<1xi32>
    %squeeze3A_846 = vector.extract %slice3A_845[0] : i32 from vector<1xi32>
    %shift_right_logical3A_847 = arith.constant 3 : i32
    %shift_right_logical3A_848 = arith.shrui %squeeze3A_846, %shift_right_logical3A_847 : i32
    %ne3A_849 = arith.cmpi ne, %shift_right_logical3A_848, %shift_right_logical3A_801 : i32
    %convert_element_type3A_850 = arith.extui %ne3A_849 : i1 to i32
    %cond3A_851 = arith.constant 0 : i32
    %cond3A_852 = arith.cmpi ne, %convert_element_type3A_850, %cond3A_851 : i32
    scf.if %cond3A_852 {
      %min3A_1236 = arith.constant 0 : i32
      %min3A_1237 = arith.constant 1023 : i32
      %min3A_1238 = arith.minsi %min3A_1236, %min3A_1237 : i32
      %mul3A_1239 = arith.constant 8 : i32
      %mul3A_1240 = arith.muli %min3A_1238, %mul3A_1239 : i32
      %rem3A_1241 = arith.constant 0 : i32
      %rem3A_1242 = arith.constant 3 : i32
      %rem3A_1243 = arith.remsi %rem3A_1241, %rem3A_1242 : i32
      %dma_wait3A_1244 = arith.constant 0 : i32
      %dma_wait3A_1245 = arith.constant 0 : i32
      %dma_wait3A_1246 = tpu.memref_slice %arg8[%rem3A_1243, %dma_wait3A_1244, %dma_wait3A_1245] : memref<3x8x4096xf32, #tpu.memory_space<vmem>> -> memref<1x8x4096xf32, #tpu.memory_space<vmem>>
      %dma_wait3A_1247 = tpu.memref_squeeze %dma_wait3A_1246 : memref<1x8x4096xf32, #tpu.memory_space<vmem>> -> memref<8x4096xf32, #tpu.memory_space<vmem>>
      %dma_wait3A_1248 = arith.constant 0 : i32
      %dma_wait3A_1249 = tpu.memref_slice %arg3[%mul3A_1240, %dma_wait3A_1248] : memref<8192x4096xf32, #tpu.memory_space<hbm>> -> memref<8x4096xf32, #tpu.memory_space<hbm>>
      %dma_wait3A_1250 = arith.constant 0 : i32
      %dma_wait3A_1251 = arith.constant 0 : i32
      %dma_wait3A_1252 = tpu.memref_slice %arg8[%rem3A_1243, %dma_wait3A_1250, %dma_wait3A_1251] : memref<3x8x4096xf32, #tpu.memory_space<vmem>> -> memref<1x8x4096xf32, #tpu.memory_space<vmem>>
      %dma_wait3A_1253 = tpu.memref_squeeze %dma_wait3A_1252 : memref<1x8x4096xf32, #tpu.memory_space<vmem>> -> memref<8x4096xf32, #tpu.memory_space<vmem>>
      %dma_wait3A_1254 = arith.constant 0 : i32
      %dma_wait3A_1255 = tpu.memref_slice %arg3[%mul3A_1240, %dma_wait3A_1254] : memref<8192x4096xf32, #tpu.memory_space<hbm>> -> memref<8x4096xf32, #tpu.memory_space<hbm>>
      tpu.wait_dma2 semaphore(%arg10 : memref<!tpu.dma_semaphore, #tpu.memory_space<semaphore_mem>>) src(%dma_wait3A_1255 : memref<8x4096xf32, #tpu.memory_space<hbm>>) dst(%dma_wait3A_1253 : memref<8x4096xf32, #tpu.memory_space<vmem>>)
      %add3A_1256 = arith.constant 1 : i32
      %add3A_1257 = arith.addi %shift_right_logical3A_848, %add3A_1256 : i32
      %min3A_1258 = arith.constant 1023 : i32
      %min3A_1259 = arith.minsi %add3A_1257, %min3A_1258 : i32
      %mul3A_1260 = arith.constant 8 : i32
      %mul3A_1261 = arith.muli %min3A_1259, %mul3A_1260 : i32
      %rem3A_1262 = arith.constant 3 : i32
      %rem3A_1263 = arith.remsi %add3A_1257, %rem3A_1262 : i32
      %dma_start3A_1264 = arith.constant 0 : i32
      %dma_start3A_1265 = arith.constant 0 : i32
      %dma_start3A_1266 = tpu.memref_slice %arg8[%rem3A_1263, %dma_start3A_1264, %dma_start3A_1265] : memref<3x8x4096xf32, #tpu.memory_space<vmem>> -> memref<1x8x4096xf32, #tpu.memory_space<vmem>>
      %dma_start3A_1267 = tpu.memref_squeeze %dma_start3A_1266 : memref<1x8x4096xf32, #tpu.memory_space<vmem>> -> memref<8x4096xf32, #tpu.memory_space<vmem>>
      %dma_start3A_1268 = arith.constant 0 : i32
      %dma_start3A_1269 = tpu.memref_slice %arg3[%mul3A_1261, %dma_start3A_1268] : memref<8192x4096xf32, #tpu.memory_space<hbm>> -> memref<8x4096xf32, #tpu.memory_space<hbm>>
      %dma_start3A_1270 = arith.constant 0 : i32
      %dma_start3A_1271 = arith.constant 0 : i32
      %dma_start3A_1272 = tpu.memref_slice %arg8[%rem3A_1263, %dma_start3A_1270, %dma_start3A_1271] : memref<3x8x4096xf32, #tpu.memory_space<vmem>> -> memref<1x8x4096xf32, #tpu.memory_space<vmem>>
      %dma_start3A_1273 = tpu.memref_squeeze %dma_start3A_1272 : memref<1x8x4096xf32, #tpu.memory_space<vmem>> -> memref<8x4096xf32, #tpu.memory_space<vmem>>
      %dma_start3A_1274 = arith.constant 0 : i32
      %dma_start3A_1275 = tpu.memref_slice %arg3[%mul3A_1261, %dma_start3A_1274] : memref<8192x4096xf32, #tpu.memory_space<hbm>> -> memref<8x4096xf32, #tpu.memory_space<hbm>>
      tpu.enqueue_dma source(%dma_start3A_1275 : memref<8x4096xf32, #tpu.memory_space<hbm>>) target(%dma_start3A_1273 : memref<8x4096xf32, #tpu.memory_space<vmem>>) target_semaphore(%arg10 : memref<!tpu.dma_semaphore, #tpu.memory_space<semaphore_mem>>)
    } else {
    }
    %eq3A_853 = arith.constant 2 : i32
    %eq3A_854 = arith.cmpi eq, %select_n3A_812, %eq3A_853 : i32
    %add3A_855 = arith.constant 1 : i32
    %add3A_856 = arith.addi %select_n3A_812, %add3A_855 : i32
    %jit3A_857 = arith.constant 0 : i32
    %select_n3A_858 = arith.select %eq3A_854, %jit3A_857, %add3A_856 : i32
    %select_n3A_859 = arith.select %ne3A_849, %select_n3A_858, %select_n3A_812 : i32
    %and3A_860 = arith.constant 7 : i32
    %and3A_861 = arith.andi %squeeze3A_846, %and3A_860 : i32
    %add3A_862 = arith.constant 11 : i32
    %add3A_863 = arith.addi %mul3A_2, %add3A_862 : i32
    %dma_start3A_864 = arith.constant 0 : i32
    %dma_start3A_865 = tpu.memref_slice %arg8[%select_n3A_859, %and3A_861, %dma_start3A_864] : memref<3x8x4096xf32, #tpu.memory_space<vmem>> -> memref<1x1x4096xf32, #tpu.memory_space<vmem>>
    %dma_start3A_866 = tpu.memref_squeeze %dma_start3A_865 : memref<1x1x4096xf32, #tpu.memory_space<vmem>> -> memref<4096xf32, #tpu.memory_space<vmem>>
    %dma_start3A_867 = arith.constant 0 : i32
    %dma_start3A_868 = tpu.memref_slice %arg4[%add3A_863, %dma_start3A_867] : memref<8192x4096xf32, #tpu.memory_space<hbm>> -> memref<1x4096xf32, #tpu.memory_space<hbm>>
    %dma_start3A_869 = tpu.memref_squeeze %dma_start3A_868 : memref<1x4096xf32, #tpu.memory_space<hbm>> -> memref<4096xf32, #tpu.memory_space<hbm>>
    %dma_start3A_870 = arith.constant 0 : i32
    %dma_start3A_871 = tpu.memref_slice %arg4[%add3A_863, %dma_start3A_870] : memref<8192x4096xf32, #tpu.memory_space<hbm>> -> memref<1x4096xf32, #tpu.memory_space<hbm>>
    %dma_start3A_872 = tpu.memref_squeeze %dma_start3A_871 : memref<1x4096xf32, #tpu.memory_space<hbm>> -> memref<4096xf32, #tpu.memory_space<hbm>>
    %dma_start3A_873 = arith.constant 0 : i32
    %dma_start3A_874 = tpu.memref_slice %arg8[%select_n3A_859, %and3A_861, %dma_start3A_873] : memref<3x8x4096xf32, #tpu.memory_space<vmem>> -> memref<1x1x4096xf32, #tpu.memory_space<vmem>>
    %dma_start3A_875 = tpu.memref_squeeze %dma_start3A_874 : memref<1x1x4096xf32, #tpu.memory_space<vmem>> -> memref<4096xf32, #tpu.memory_space<vmem>>
    tpu.enqueue_dma source(%dma_start3A_875 : memref<4096xf32, #tpu.memory_space<vmem>>) target(%dma_start3A_872 : memref<4096xf32, #tpu.memory_space<hbm>>) target_semaphore(%arg11 : memref<!tpu.dma_semaphore, #tpu.memory_space<semaphore_mem>>)
    %add3A_876 = arith.constant 0 : i32
    %add3A_877 = arith.addi %mul3A_2, %add3A_876 : i32
    %dma_wait3A_878 = arith.constant 0 : i32
    %dma_wait3A_879 = arith.constant 0 : i32
    %dma_wait3A_880 = arith.constant 0 : i32
    %dma_wait3A_881 = tpu.memref_slice %arg8[%dma_wait3A_878, %dma_wait3A_879, %dma_wait3A_880] : memref<3x8x4096xf32, #tpu.memory_space<vmem>> -> memref<1x1x4096xf32, #tpu.memory_space<vmem>>
    %dma_wait3A_882 = tpu.memref_squeeze %dma_wait3A_881 : memref<1x1x4096xf32, #tpu.memory_space<vmem>> -> memref<4096xf32, #tpu.memory_space<vmem>>
    %dma_wait3A_883 = arith.constant 0 : i32
    %dma_wait3A_884 = tpu.memref_slice %arg4[%add3A_877, %dma_wait3A_883] : memref<8192x4096xf32, #tpu.memory_space<hbm>> -> memref<1x4096xf32, #tpu.memory_space<hbm>>
    %dma_wait3A_885 = tpu.memref_squeeze %dma_wait3A_884 : memref<1x4096xf32, #tpu.memory_space<hbm>> -> memref<4096xf32, #tpu.memory_space<hbm>>
    %dma_wait3A_886 = arith.constant 0 : i32
    %dma_wait3A_887 = tpu.memref_slice %arg4[%add3A_877, %dma_wait3A_886] : memref<8192x4096xf32, #tpu.memory_space<hbm>> -> memref<1x4096xf32, #tpu.memory_space<hbm>>
    %dma_wait3A_888 = tpu.memref_squeeze %dma_wait3A_887 : memref<1x4096xf32, #tpu.memory_space<hbm>> -> memref<4096xf32, #tpu.memory_space<hbm>>
    %dma_wait3A_889 = arith.constant 0 : i32
    %dma_wait3A_890 = tpu.memref_slice %arg8[%dma_wait3A_878, %dma_wait3A_879, %dma_wait3A_889] : memref<3x8x4096xf32, #tpu.memory_space<vmem>> -> memref<1x1x4096xf32, #tpu.memory_space<vmem>>
    %dma_wait3A_891 = tpu.memref_squeeze %dma_wait3A_890 : memref<1x1x4096xf32, #tpu.memory_space<vmem>> -> memref<4096xf32, #tpu.memory_space<vmem>>
    tpu.wait_dma2 semaphore(%arg11 : memref<!tpu.dma_semaphore, #tpu.memory_space<semaphore_mem>>) src(%dma_wait3A_891 : memref<4096xf32, #tpu.memory_space<vmem>>) dst(%dma_wait3A_888 : memref<4096xf32, #tpu.memory_space<hbm>>)
    %slice3A_892 = vector.extract_strided_slice %max3A_461 {offsets = [12], sizes = [1], strides = [1]} : vector<16xi32> to vector<1xi32>
    %squeeze3A_893 = vector.extract %slice3A_892[0] : i32 from vector<1xi32>
    %shift_right_logical3A_894 = arith.constant 3 : i32
    %shift_right_logical3A_895 = arith.shrui %squeeze3A_893, %shift_right_logical3A_894 : i32
    %ne3A_896 = arith.cmpi ne, %shift_right_logical3A_895, %shift_right_logical3A_848 : i32
    %convert_element_type3A_897 = arith.extui %ne3A_896 : i1 to i32
    %cond3A_898 = arith.constant 0 : i32
    %cond3A_899 = arith.cmpi ne, %convert_element_type3A_897, %cond3A_898 : i32
    scf.if %cond3A_899 {
      %min3A_1236 = arith.constant 0 : i32
      %min3A_1237 = arith.constant 1023 : i32
      %min3A_1238 = arith.minsi %min3A_1236, %min3A_1237 : i32
      %mul3A_1239 = arith.constant 8 : i32
      %mul3A_1240 = arith.muli %min3A_1238, %mul3A_1239 : i32
      %rem3A_1241 = arith.constant 0 : i32
      %rem3A_1242 = arith.constant 3 : i32
      %rem3A_1243 = arith.remsi %rem3A_1241, %rem3A_1242 : i32
      %dma_wait3A_1244 = arith.constant 0 : i32
      %dma_wait3A_1245 = arith.constant 0 : i32
      %dma_wait3A_1246 = tpu.memref_slice %arg8[%rem3A_1243, %dma_wait3A_1244, %dma_wait3A_1245] : memref<3x8x4096xf32, #tpu.memory_space<vmem>> -> memref<1x8x4096xf32, #tpu.memory_space<vmem>>
      %dma_wait3A_1247 = tpu.memref_squeeze %dma_wait3A_1246 : memref<1x8x4096xf32, #tpu.memory_space<vmem>> -> memref<8x4096xf32, #tpu.memory_space<vmem>>
      %dma_wait3A_1248 = arith.constant 0 : i32
      %dma_wait3A_1249 = tpu.memref_slice %arg3[%mul3A_1240, %dma_wait3A_1248] : memref<8192x4096xf32, #tpu.memory_space<hbm>> -> memref<8x4096xf32, #tpu.memory_space<hbm>>
      %dma_wait3A_1250 = arith.constant 0 : i32
      %dma_wait3A_1251 = arith.constant 0 : i32
      %dma_wait3A_1252 = tpu.memref_slice %arg8[%rem3A_1243, %dma_wait3A_1250, %dma_wait3A_1251] : memref<3x8x4096xf32, #tpu.memory_space<vmem>> -> memref<1x8x4096xf32, #tpu.memory_space<vmem>>
      %dma_wait3A_1253 = tpu.memref_squeeze %dma_wait3A_1252 : memref<1x8x4096xf32, #tpu.memory_space<vmem>> -> memref<8x4096xf32, #tpu.memory_space<vmem>>
      %dma_wait3A_1254 = arith.constant 0 : i32
      %dma_wait3A_1255 = tpu.memref_slice %arg3[%mul3A_1240, %dma_wait3A_1254] : memref<8192x4096xf32, #tpu.memory_space<hbm>> -> memref<8x4096xf32, #tpu.memory_space<hbm>>
      tpu.wait_dma2 semaphore(%arg10 : memref<!tpu.dma_semaphore, #tpu.memory_space<semaphore_mem>>) src(%dma_wait3A_1255 : memref<8x4096xf32, #tpu.memory_space<hbm>>) dst(%dma_wait3A_1253 : memref<8x4096xf32, #tpu.memory_space<vmem>>)
      %add3A_1256 = arith.constant 1 : i32
      %add3A_1257 = arith.addi %shift_right_logical3A_895, %add3A_1256 : i32
      %min3A_1258 = arith.constant 1023 : i32
      %min3A_1259 = arith.minsi %add3A_1257, %min3A_1258 : i32
      %mul3A_1260 = arith.constant 8 : i32
      %mul3A_1261 = arith.muli %min3A_1259, %mul3A_1260 : i32
      %rem3A_1262 = arith.constant 3 : i32
      %rem3A_1263 = arith.remsi %add3A_1257, %rem3A_1262 : i32
      %dma_start3A_1264 = arith.constant 0 : i32
      %dma_start3A_1265 = arith.constant 0 : i32
      %dma_start3A_1266 = tpu.memref_slice %arg8[%rem3A_1263, %dma_start3A_1264, %dma_start3A_1265] : memref<3x8x4096xf32, #tpu.memory_space<vmem>> -> memref<1x8x4096xf32, #tpu.memory_space<vmem>>
      %dma_start3A_1267 = tpu.memref_squeeze %dma_start3A_1266 : memref<1x8x4096xf32, #tpu.memory_space<vmem>> -> memref<8x4096xf32, #tpu.memory_space<vmem>>
      %dma_start3A_1268 = arith.constant 0 : i32
      %dma_start3A_1269 = tpu.memref_slice %arg3[%mul3A_1261, %dma_start3A_1268] : memref<8192x4096xf32, #tpu.memory_space<hbm>> -> memref<8x4096xf32, #tpu.memory_space<hbm>>
      %dma_start3A_1270 = arith.constant 0 : i32
      %dma_start3A_1271 = arith.constant 0 : i32
      %dma_start3A_1272 = tpu.memref_slice %arg8[%rem3A_1263, %dma_start3A_1270, %dma_start3A_1271] : memref<3x8x4096xf32, #tpu.memory_space<vmem>> -> memref<1x8x4096xf32, #tpu.memory_space<vmem>>
      %dma_start3A_1273 = tpu.memref_squeeze %dma_start3A_1272 : memref<1x8x4096xf32, #tpu.memory_space<vmem>> -> memref<8x4096xf32, #tpu.memory_space<vmem>>
      %dma_start3A_1274 = arith.constant 0 : i32
      %dma_start3A_1275 = tpu.memref_slice %arg3[%mul3A_1261, %dma_start3A_1274] : memref<8192x4096xf32, #tpu.memory_space<hbm>> -> memref<8x4096xf32, #tpu.memory_space<hbm>>
      tpu.enqueue_dma source(%dma_start3A_1275 : memref<8x4096xf32, #tpu.memory_space<hbm>>) target(%dma_start3A_1273 : memref<8x4096xf32, #tpu.memory_space<vmem>>) target_semaphore(%arg10 : memref<!tpu.dma_semaphore, #tpu.memory_space<semaphore_mem>>)
    } else {
    }
    %eq3A_900 = arith.constant 2 : i32
    %eq3A_901 = arith.cmpi eq, %select_n3A_859, %eq3A_900 : i32
    %add3A_902 = arith.constant 1 : i32
    %add3A_903 = arith.addi %select_n3A_859, %add3A_902 : i32
    %jit3A_904 = arith.constant 0 : i32
    %select_n3A_905 = arith.select %eq3A_901, %jit3A_904, %add3A_903 : i32
    %select_n3A_906 = arith.select %ne3A_896, %select_n3A_905, %select_n3A_859 : i32
    %and3A_907 = arith.constant 7 : i32
    %and3A_908 = arith.andi %squeeze3A_893, %and3A_907 : i32
    %add3A_909 = arith.constant 12 : i32
    %add3A_910 = arith.addi %mul3A_2, %add3A_909 : i32
    %dma_start3A_911 = arith.constant 0 : i32
    %dma_start3A_912 = tpu.memref_slice %arg8[%select_n3A_906, %and3A_908, %dma_start3A_911] : memref<3x8x4096xf32, #tpu.memory_space<vmem>> -> memref<1x1x4096xf32, #tpu.memory_space<vmem>>
    %dma_start3A_913 = tpu.memref_squeeze %dma_start3A_912 : memref<1x1x4096xf32, #tpu.memory_space<vmem>> -> memref<4096xf32, #tpu.memory_space<vmem>>
    %dma_start3A_914 = arith.constant 0 : i32
    %dma_start3A_915 = tpu.memref_slice %arg4[%add3A_910, %dma_start3A_914] : memref<8192x4096xf32, #tpu.memory_space<hbm>> -> memref<1x4096xf32, #tpu.memory_space<hbm>>
    %dma_start3A_916 = tpu.memref_squeeze %dma_start3A_915 : memref<1x4096xf32, #tpu.memory_space<hbm>> -> memref<4096xf32, #tpu.memory_space<hbm>>
    %dma_start3A_917 = arith.constant 0 : i32
    %dma_start3A_918 = tpu.memref_slice %arg4[%add3A_910, %dma_start3A_917] : memref<8192x4096xf32, #tpu.memory_space<hbm>> -> memref<1x4096xf32, #tpu.memory_space<hbm>>
    %dma_start3A_919 = tpu.memref_squeeze %dma_start3A_918 : memref<1x4096xf32, #tpu.memory_space<hbm>> -> memref<4096xf32, #tpu.memory_space<hbm>>
    %dma_start3A_920 = arith.constant 0 : i32
    %dma_start3A_921 = tpu.memref_slice %arg8[%select_n3A_906, %and3A_908, %dma_start3A_920] : memref<3x8x4096xf32, #tpu.memory_space<vmem>> -> memref<1x1x4096xf32, #tpu.memory_space<vmem>>
    %dma_start3A_922 = tpu.memref_squeeze %dma_start3A_921 : memref<1x1x4096xf32, #tpu.memory_space<vmem>> -> memref<4096xf32, #tpu.memory_space<vmem>>
    tpu.enqueue_dma source(%dma_start3A_922 : memref<4096xf32, #tpu.memory_space<vmem>>) target(%dma_start3A_919 : memref<4096xf32, #tpu.memory_space<hbm>>) target_semaphore(%arg11 : memref<!tpu.dma_semaphore, #tpu.memory_space<semaphore_mem>>)
    %add3A_923 = arith.constant 0 : i32
    %add3A_924 = arith.addi %mul3A_2, %add3A_923 : i32
    %dma_wait3A_925 = arith.constant 0 : i32
    %dma_wait3A_926 = arith.constant 0 : i32
    %dma_wait3A_927 = arith.constant 0 : i32
    %dma_wait3A_928 = tpu.memref_slice %arg8[%dma_wait3A_925, %dma_wait3A_926, %dma_wait3A_927] : memref<3x8x4096xf32, #tpu.memory_space<vmem>> -> memref<1x1x4096xf32, #tpu.memory_space<vmem>>
    %dma_wait3A_929 = tpu.memref_squeeze %dma_wait3A_928 : memref<1x1x4096xf32, #tpu.memory_space<vmem>> -> memref<4096xf32, #tpu.memory_space<vmem>>
    %dma_wait3A_930 = arith.constant 0 : i32
    %dma_wait3A_931 = tpu.memref_slice %arg4[%add3A_924, %dma_wait3A_930] : memref<8192x4096xf32, #tpu.memory_space<hbm>> -> memref<1x4096xf32, #tpu.memory_space<hbm>>
    %dma_wait3A_932 = tpu.memref_squeeze %dma_wait3A_931 : memref<1x4096xf32, #tpu.memory_space<hbm>> -> memref<4096xf32, #tpu.memory_space<hbm>>
    %dma_wait3A_933 = arith.constant 0 : i32
    %dma_wait3A_934 = tpu.memref_slice %arg4[%add3A_924, %dma_wait3A_933] : memref<8192x4096xf32, #tpu.memory_space<hbm>> -> memref<1x4096xf32, #tpu.memory_space<hbm>>
    %dma_wait3A_935 = tpu.memref_squeeze %dma_wait3A_934 : memref<1x4096xf32, #tpu.memory_space<hbm>> -> memref<4096xf32, #tpu.memory_space<hbm>>
    %dma_wait3A_936 = arith.constant 0 : i32
    %dma_wait3A_937 = tpu.memref_slice %arg8[%dma_wait3A_925, %dma_wait3A_926, %dma_wait3A_936] : memref<3x8x4096xf32, #tpu.memory_space<vmem>> -> memref<1x1x4096xf32, #tpu.memory_space<vmem>>
    %dma_wait3A_938 = tpu.memref_squeeze %dma_wait3A_937 : memref<1x1x4096xf32, #tpu.memory_space<vmem>> -> memref<4096xf32, #tpu.memory_space<vmem>>
    tpu.wait_dma2 semaphore(%arg11 : memref<!tpu.dma_semaphore, #tpu.memory_space<semaphore_mem>>) src(%dma_wait3A_938 : memref<4096xf32, #tpu.memory_space<vmem>>) dst(%dma_wait3A_935 : memref<4096xf32, #tpu.memory_space<hbm>>)
    %slice3A_939 = vector.extract_strided_slice %max3A_461 {offsets = [13], sizes = [1], strides = [1]} : vector<16xi32> to vector<1xi32>
    %squeeze3A_940 = vector.extract %slice3A_939[0] : i32 from vector<1xi32>
    %shift_right_logical3A_941 = arith.constant 3 : i32
    %shift_right_logical3A_942 = arith.shrui %squeeze3A_940, %shift_right_logical3A_941 : i32
    %ne3A_943 = arith.cmpi ne, %shift_right_logical3A_942, %shift_right_logical3A_895 : i32
    %convert_element_type3A_944 = arith.extui %ne3A_943 : i1 to i32
    %cond3A_945 = arith.constant 0 : i32
    %cond3A_946 = arith.cmpi ne, %convert_element_type3A_944, %cond3A_945 : i32
    scf.if %cond3A_946 {
      %min3A_1236 = arith.constant 0 : i32
      %min3A_1237 = arith.constant 1023 : i32
      %min3A_1238 = arith.minsi %min3A_1236, %min3A_1237 : i32
      %mul3A_1239 = arith.constant 8 : i32
      %mul3A_1240 = arith.muli %min3A_1238, %mul3A_1239 : i32
      %rem3A_1241 = arith.constant 0 : i32
      %rem3A_1242 = arith.constant 3 : i32
      %rem3A_1243 = arith.remsi %rem3A_1241, %rem3A_1242 : i32
      %dma_wait3A_1244 = arith.constant 0 : i32
      %dma_wait3A_1245 = arith.constant 0 : i32
      %dma_wait3A_1246 = tpu.memref_slice %arg8[%rem3A_1243, %dma_wait3A_1244, %dma_wait3A_1245] : memref<3x8x4096xf32, #tpu.memory_space<vmem>> -> memref<1x8x4096xf32, #tpu.memory_space<vmem>>
      %dma_wait3A_1247 = tpu.memref_squeeze %dma_wait3A_1246 : memref<1x8x4096xf32, #tpu.memory_space<vmem>> -> memref<8x4096xf32, #tpu.memory_space<vmem>>
      %dma_wait3A_1248 = arith.constant 0 : i32
      %dma_wait3A_1249 = tpu.memref_slice %arg3[%mul3A_1240, %dma_wait3A_1248] : memref<8192x4096xf32, #tpu.memory_space<hbm>> -> memref<8x4096xf32, #tpu.memory_space<hbm>>
      %dma_wait3A_1250 = arith.constant 0 : i32
      %dma_wait3A_1251 = arith.constant 0 : i32
      %dma_wait3A_1252 = tpu.memref_slice %arg8[%rem3A_1243, %dma_wait3A_1250, %dma_wait3A_1251] : memref<3x8x4096xf32, #tpu.memory_space<vmem>> -> memref<1x8x4096xf32, #tpu.memory_space<vmem>>
      %dma_wait3A_1253 = tpu.memref_squeeze %dma_wait3A_1252 : memref<1x8x4096xf32, #tpu.memory_space<vmem>> -> memref<8x4096xf32, #tpu.memory_space<vmem>>
      %dma_wait3A_1254 = arith.constant 0 : i32
      %dma_wait3A_1255 = tpu.memref_slice %arg3[%mul3A_1240, %dma_wait3A_1254] : memref<8192x4096xf32, #tpu.memory_space<hbm>> -> memref<8x4096xf32, #tpu.memory_space<hbm>>
      tpu.wait_dma2 semaphore(%arg10 : memref<!tpu.dma_semaphore, #tpu.memory_space<semaphore_mem>>) src(%dma_wait3A_1255 : memref<8x4096xf32, #tpu.memory_space<hbm>>) dst(%dma_wait3A_1253 : memref<8x4096xf32, #tpu.memory_space<vmem>>)
      %add3A_1256 = arith.constant 1 : i32
      %add3A_1257 = arith.addi %shift_right_logical3A_942, %add3A_1256 : i32
      %min3A_1258 = arith.constant 1023 : i32
      %min3A_1259 = arith.minsi %add3A_1257, %min3A_1258 : i32
      %mul3A_1260 = arith.constant 8 : i32
      %mul3A_1261 = arith.muli %min3A_1259, %mul3A_1260 : i32
      %rem3A_1262 = arith.constant 3 : i32
      %rem3A_1263 = arith.remsi %add3A_1257, %rem3A_1262 : i32
      %dma_start3A_1264 = arith.constant 0 : i32
      %dma_start3A_1265 = arith.constant 0 : i32
      %dma_start3A_1266 = tpu.memref_slice %arg8[%rem3A_1263, %dma_start3A_1264, %dma_start3A_1265] : memref<3x8x4096xf32, #tpu.memory_space<vmem>> -> memref<1x8x4096xf32, #tpu.memory_space<vmem>>
      %dma_start3A_1267 = tpu.memref_squeeze %dma_start3A_1266 : memref<1x8x4096xf32, #tpu.memory_space<vmem>> -> memref<8x4096xf32, #tpu.memory_space<vmem>>
      %dma_start3A_1268 = arith.constant 0 : i32
      %dma_start3A_1269 = tpu.memref_slice %arg3[%mul3A_1261, %dma_start3A_1268] : memref<8192x4096xf32, #tpu.memory_space<hbm>> -> memref<8x4096xf32, #tpu.memory_space<hbm>>
      %dma_start3A_1270 = arith.constant 0 : i32
      %dma_start3A_1271 = arith.constant 0 : i32
      %dma_start3A_1272 = tpu.memref_slice %arg8[%rem3A_1263, %dma_start3A_1270, %dma_start3A_1271] : memref<3x8x4096xf32, #tpu.memory_space<vmem>> -> memref<1x8x4096xf32, #tpu.memory_space<vmem>>
      %dma_start3A_1273 = tpu.memref_squeeze %dma_start3A_1272 : memref<1x8x4096xf32, #tpu.memory_space<vmem>> -> memref<8x4096xf32, #tpu.memory_space<vmem>>
      %dma_start3A_1274 = arith.constant 0 : i32
      %dma_start3A_1275 = tpu.memref_slice %arg3[%mul3A_1261, %dma_start3A_1274] : memref<8192x4096xf32, #tpu.memory_space<hbm>> -> memref<8x4096xf32, #tpu.memory_space<hbm>>
      tpu.enqueue_dma source(%dma_start3A_1275 : memref<8x4096xf32, #tpu.memory_space<hbm>>) target(%dma_start3A_1273 : memref<8x4096xf32, #tpu.memory_space<vmem>>) target_semaphore(%arg10 : memref<!tpu.dma_semaphore, #tpu.memory_space<semaphore_mem>>)
    } else {
    }
    %eq3A_947 = arith.constant 2 : i32
    %eq3A_948 = arith.cmpi eq, %select_n3A_906, %eq3A_947 : i32
    %add3A_949 = arith.constant 1 : i32
    %add3A_950 = arith.addi %select_n3A_906, %add3A_949 : i32
    %jit3A_951 = arith.constant 0 : i32
    %select_n3A_952 = arith.select %eq3A_948, %jit3A_951, %add3A_950 : i32
    %select_n3A_953 = arith.select %ne3A_943, %select_n3A_952, %select_n3A_906 : i32
    %and3A_954 = arith.constant 7 : i32
    %and3A_955 = arith.andi %squeeze3A_940, %and3A_954 : i32
    %add3A_956 = arith.constant 13 : i32
    %add3A_957 = arith.addi %mul3A_2, %add3A_956 : i32
    %dma_start3A_958 = arith.constant 0 : i32
    %dma_start3A_959 = tpu.memref_slice %arg8[%select_n3A_953, %and3A_955, %dma_start3A_958] : memref<3x8x4096xf32, #tpu.memory_space<vmem>> -> memref<1x1x4096xf32, #tpu.memory_space<vmem>>
    %dma_start3A_960 = tpu.memref_squeeze %dma_start3A_959 : memref<1x1x4096xf32, #tpu.memory_space<vmem>> -> memref<4096xf32, #tpu.memory_space<vmem>>
    %dma_start3A_961 = arith.constant 0 : i32
    %dma_start3A_962 = tpu.memref_slice %arg4[%add3A_957, %dma_start3A_961] : memref<8192x4096xf32, #tpu.memory_space<hbm>> -> memref<1x4096xf32, #tpu.memory_space<hbm>>
    %dma_start3A_963 = tpu.memref_squeeze %dma_start3A_962 : memref<1x4096xf32, #tpu.memory_space<hbm>> -> memref<4096xf32, #tpu.memory_space<hbm>>
    %dma_start3A_964 = arith.constant 0 : i32
    %dma_start3A_965 = tpu.memref_slice %arg4[%add3A_957, %dma_start3A_964] : memref<8192x4096xf32, #tpu.memory_space<hbm>> -> memref<1x4096xf32, #tpu.memory_space<hbm>>
    %dma_start3A_966 = tpu.memref_squeeze %dma_start3A_965 : memref<1x4096xf32, #tpu.memory_space<hbm>> -> memref<4096xf32, #tpu.memory_space<hbm>>
    %dma_start3A_967 = arith.constant 0 : i32
    %dma_start3A_968 = tpu.memref_slice %arg8[%select_n3A_953, %and3A_955, %dma_start3A_967] : memref<3x8x4096xf32, #tpu.memory_space<vmem>> -> memref<1x1x4096xf32, #tpu.memory_space<vmem>>
    %dma_start3A_969 = tpu.memref_squeeze %dma_start3A_968 : memref<1x1x4096xf32, #tpu.memory_space<vmem>> -> memref<4096xf32, #tpu.memory_space<vmem>>
    tpu.enqueue_dma source(%dma_start3A_969 : memref<4096xf32, #tpu.memory_space<vmem>>) target(%dma_start3A_966 : memref<4096xf32, #tpu.memory_space<hbm>>) target_semaphore(%arg11 : memref<!tpu.dma_semaphore, #tpu.memory_space<semaphore_mem>>)
    %add3A_970 = arith.constant 0 : i32
    %add3A_971 = arith.addi %mul3A_2, %add3A_970 : i32
    %dma_wait3A_972 = arith.constant 0 : i32
    %dma_wait3A_973 = arith.constant 0 : i32
    %dma_wait3A_974 = arith.constant 0 : i32
    %dma_wait3A_975 = tpu.memref_slice %arg8[%dma_wait3A_972, %dma_wait3A_973, %dma_wait3A_974] : memref<3x8x4096xf32, #tpu.memory_space<vmem>> -> memref<1x1x4096xf32, #tpu.memory_space<vmem>>
    %dma_wait3A_976 = tpu.memref_squeeze %dma_wait3A_975 : memref<1x1x4096xf32, #tpu.memory_space<vmem>> -> memref<4096xf32, #tpu.memory_space<vmem>>
    %dma_wait3A_977 = arith.constant 0 : i32
    %dma_wait3A_978 = tpu.memref_slice %arg4[%add3A_971, %dma_wait3A_977] : memref<8192x4096xf32, #tpu.memory_space<hbm>> -> memref<1x4096xf32, #tpu.memory_space<hbm>>
    %dma_wait3A_979 = tpu.memref_squeeze %dma_wait3A_978 : memref<1x4096xf32, #tpu.memory_space<hbm>> -> memref<4096xf32, #tpu.memory_space<hbm>>
    %dma_wait3A_980 = arith.constant 0 : i32
    %dma_wait3A_981 = tpu.memref_slice %arg4[%add3A_971, %dma_wait3A_980] : memref<8192x4096xf32, #tpu.memory_space<hbm>> -> memref<1x4096xf32, #tpu.memory_space<hbm>>
    %dma_wait3A_982 = tpu.memref_squeeze %dma_wait3A_981 : memref<1x4096xf32, #tpu.memory_space<hbm>> -> memref<4096xf32, #tpu.memory_space<hbm>>
    %dma_wait3A_983 = arith.constant 0 : i32
    %dma_wait3A_984 = tpu.memref_slice %arg8[%dma_wait3A_972, %dma_wait3A_973, %dma_wait3A_983] : memref<3x8x4096xf32, #tpu.memory_space<vmem>> -> memref<1x1x4096xf32, #tpu.memory_space<vmem>>
    %dma_wait3A_985 = tpu.memref_squeeze %dma_wait3A_984 : memref<1x1x4096xf32, #tpu.memory_space<vmem>> -> memref<4096xf32, #tpu.memory_space<vmem>>
    tpu.wait_dma2 semaphore(%arg11 : memref<!tpu.dma_semaphore, #tpu.memory_space<semaphore_mem>>) src(%dma_wait3A_985 : memref<4096xf32, #tpu.memory_space<vmem>>) dst(%dma_wait3A_982 : memref<4096xf32, #tpu.memory_space<hbm>>)
    %slice3A_986 = vector.extract_strided_slice %max3A_461 {offsets = [14], sizes = [1], strides = [1]} : vector<16xi32> to vector<1xi32>
    %squeeze3A_987 = vector.extract %slice3A_986[0] : i32 from vector<1xi32>
    %shift_right_logical3A_988 = arith.constant 3 : i32
    %shift_right_logical3A_989 = arith.shrui %squeeze3A_987, %shift_right_logical3A_988 : i32
    %ne3A_990 = arith.cmpi ne, %shift_right_logical3A_989, %shift_right_logical3A_942 : i32
    %convert_element_type3A_991 = arith.extui %ne3A_990 : i1 to i32
    %cond3A_992 = arith.constant 0 : i32
    %cond3A_993 = arith.cmpi ne, %convert_element_type3A_991, %cond3A_992 : i32
    scf.if %cond3A_993 {
      %min3A_1236 = arith.constant 0 : i32
      %min3A_1237 = arith.constant 1023 : i32
      %min3A_1238 = arith.minsi %min3A_1236, %min3A_1237 : i32
      %mul3A_1239 = arith.constant 8 : i32
      %mul3A_1240 = arith.muli %min3A_1238, %mul3A_1239 : i32
      %rem3A_1241 = arith.constant 0 : i32
      %rem3A_1242 = arith.constant 3 : i32
      %rem3A_1243 = arith.remsi %rem3A_1241, %rem3A_1242 : i32
      %dma_wait3A_1244 = arith.constant 0 : i32
      %dma_wait3A_1245 = arith.constant 0 : i32
      %dma_wait3A_1246 = tpu.memref_slice %arg8[%rem3A_1243, %dma_wait3A_1244, %dma_wait3A_1245] : memref<3x8x4096xf32, #tpu.memory_space<vmem>> -> memref<1x8x4096xf32, #tpu.memory_space<vmem>>
      %dma_wait3A_1247 = tpu.memref_squeeze %dma_wait3A_1246 : memref<1x8x4096xf32, #tpu.memory_space<vmem>> -> memref<8x4096xf32, #tpu.memory_space<vmem>>
      %dma_wait3A_1248 = arith.constant 0 : i32
      %dma_wait3A_1249 = tpu.memref_slice %arg3[%mul3A_1240, %dma_wait3A_1248] : memref<8192x4096xf32, #tpu.memory_space<hbm>> -> memref<8x4096xf32, #tpu.memory_space<hbm>>
      %dma_wait3A_1250 = arith.constant 0 : i32
      %dma_wait3A_1251 = arith.constant 0 : i32
      %dma_wait3A_1252 = tpu.memref_slice %arg8[%rem3A_1243, %dma_wait3A_1250, %dma_wait3A_1251] : memref<3x8x4096xf32, #tpu.memory_space<vmem>> -> memref<1x8x4096xf32, #tpu.memory_space<vmem>>
      %dma_wait3A_1253 = tpu.memref_squeeze %dma_wait3A_1252 : memref<1x8x4096xf32, #tpu.memory_space<vmem>> -> memref<8x4096xf32, #tpu.memory_space<vmem>>
      %dma_wait3A_1254 = arith.constant 0 : i32
      %dma_wait3A_1255 = tpu.memref_slice %arg3[%mul3A_1240, %dma_wait3A_1254] : memref<8192x4096xf32, #tpu.memory_space<hbm>> -> memref<8x4096xf32, #tpu.memory_space<hbm>>
      tpu.wait_dma2 semaphore(%arg10 : memref<!tpu.dma_semaphore, #tpu.memory_space<semaphore_mem>>) src(%dma_wait3A_1255 : memref<8x4096xf32, #tpu.memory_space<hbm>>) dst(%dma_wait3A_1253 : memref<8x4096xf32, #tpu.memory_space<vmem>>)
      %add3A_1256 = arith.constant 1 : i32
      %add3A_1257 = arith.addi %shift_right_logical3A_989, %add3A_1256 : i32
      %min3A_1258 = arith.constant 1023 : i32
      %min3A_1259 = arith.minsi %add3A_1257, %min3A_1258 : i32
      %mul3A_1260 = arith.constant 8 : i32
      %mul3A_1261 = arith.muli %min3A_1259, %mul3A_1260 : i32
      %rem3A_1262 = arith.constant 3 : i32
      %rem3A_1263 = arith.remsi %add3A_1257, %rem3A_1262 : i32
      %dma_start3A_1264 = arith.constant 0 : i32
      %dma_start3A_1265 = arith.constant 0 : i32
      %dma_start3A_1266 = tpu.memref_slice %arg8[%rem3A_1263, %dma_start3A_1264, %dma_start3A_1265] : memref<3x8x4096xf32, #tpu.memory_space<vmem>> -> memref<1x8x4096xf32, #tpu.memory_space<vmem>>
      %dma_start3A_1267 = tpu.memref_squeeze %dma_start3A_1266 : memref<1x8x4096xf32, #tpu.memory_space<vmem>> -> memref<8x4096xf32, #tpu.memory_space<vmem>>
      %dma_start3A_1268 = arith.constant 0 : i32
      %dma_start3A_1269 = tpu.memref_slice %arg3[%mul3A_1261, %dma_start3A_1268] : memref<8192x4096xf32, #tpu.memory_space<hbm>> -> memref<8x4096xf32, #tpu.memory_space<hbm>>
      %dma_start3A_1270 = arith.constant 0 : i32
      %dma_start3A_1271 = arith.constant 0 : i32
      %dma_start3A_1272 = tpu.memref_slice %arg8[%rem3A_1263, %dma_start3A_1270, %dma_start3A_1271] : memref<3x8x4096xf32, #tpu.memory_space<vmem>> -> memref<1x8x4096xf32, #tpu.memory_space<vmem>>
      %dma_start3A_1273 = tpu.memref_squeeze %dma_start3A_1272 : memref<1x8x4096xf32, #tpu.memory_space<vmem>> -> memref<8x4096xf32, #tpu.memory_space<vmem>>
      %dma_start3A_1274 = arith.constant 0 : i32
      %dma_start3A_1275 = tpu.memref_slice %arg3[%mul3A_1261, %dma_start3A_1274] : memref<8192x4096xf32, #tpu.memory_space<hbm>> -> memref<8x4096xf32, #tpu.memory_space<hbm>>
      tpu.enqueue_dma source(%dma_start3A_1275 : memref<8x4096xf32, #tpu.memory_space<hbm>>) target(%dma_start3A_1273 : memref<8x4096xf32, #tpu.memory_space<vmem>>) target_semaphore(%arg10 : memref<!tpu.dma_semaphore, #tpu.memory_space<semaphore_mem>>)
    } else {
    }
    %eq3A_994 = arith.constant 2 : i32
    %eq3A_995 = arith.cmpi eq, %select_n3A_953, %eq3A_994 : i32
    %add3A_996 = arith.constant 1 : i32
    %add3A_997 = arith.addi %select_n3A_953, %add3A_996 : i32
    %jit3A_998 = arith.constant 0 : i32
    %select_n3A_999 = arith.select %eq3A_995, %jit3A_998, %add3A_997 : i32
    %select_n3A_1000 = arith.select %ne3A_990, %select_n3A_999, %select_n3A_953 : i32
    %and3A_1001 = arith.constant 7 : i32
    %and3A_1002 = arith.andi %squeeze3A_987, %and3A_1001 : i32
    %add3A_1003 = arith.constant 14 : i32
    %add3A_1004 = arith.addi %mul3A_2, %add3A_1003 : i32
    %dma_start3A_1005 = arith.constant 0 : i32
    %dma_start3A_1006 = tpu.memref_slice %arg8[%select_n3A_1000, %and3A_1002, %dma_start3A_1005] : memref<3x8x4096xf32, #tpu.memory_space<vmem>> -> memref<1x1x4096xf32, #tpu.memory_space<vmem>>
    %dma_start3A_1007 = tpu.memref_squeeze %dma_start3A_1006 : memref<1x1x4096xf32, #tpu.memory_space<vmem>> -> memref<4096xf32, #tpu.memory_space<vmem>>
    %dma_start3A_1008 = arith.constant 0 : i32
    %dma_start3A_1009 = tpu.memref_slice %arg4[%add3A_1004, %dma_start3A_1008] : memref<8192x4096xf32, #tpu.memory_space<hbm>> -> memref<1x4096xf32, #tpu.memory_space<hbm>>
    %dma_start3A_1010 = tpu.memref_squeeze %dma_start3A_1009 : memref<1x4096xf32, #tpu.memory_space<hbm>> -> memref<4096xf32, #tpu.memory_space<hbm>>
    %dma_start3A_1011 = arith.constant 0 : i32
    %dma_start3A_1012 = tpu.memref_slice %arg4[%add3A_1004, %dma_start3A_1011] : memref<8192x4096xf32, #tpu.memory_space<hbm>> -> memref<1x4096xf32, #tpu.memory_space<hbm>>
    %dma_start3A_1013 = tpu.memref_squeeze %dma_start3A_1012 : memref<1x4096xf32, #tpu.memory_space<hbm>> -> memref<4096xf32, #tpu.memory_space<hbm>>
    %dma_start3A_1014 = arith.constant 0 : i32
    %dma_start3A_1015 = tpu.memref_slice %arg8[%select_n3A_1000, %and3A_1002, %dma_start3A_1014] : memref<3x8x4096xf32, #tpu.memory_space<vmem>> -> memref<1x1x4096xf32, #tpu.memory_space<vmem>>
    %dma_start3A_1016 = tpu.memref_squeeze %dma_start3A_1015 : memref<1x1x4096xf32, #tpu.memory_space<vmem>> -> memref<4096xf32, #tpu.memory_space<vmem>>
    tpu.enqueue_dma source(%dma_start3A_1016 : memref<4096xf32, #tpu.memory_space<vmem>>) target(%dma_start3A_1013 : memref<4096xf32, #tpu.memory_space<hbm>>) target_semaphore(%arg11 : memref<!tpu.dma_semaphore, #tpu.memory_space<semaphore_mem>>)
    %add3A_1017 = arith.constant 0 : i32
    %add3A_1018 = arith.addi %mul3A_2, %add3A_1017 : i32
    %dma_wait3A_1019 = arith.constant 0 : i32
    %dma_wait3A_1020 = arith.constant 0 : i32
    %dma_wait3A_1021 = arith.constant 0 : i32
    %dma_wait3A_1022 = tpu.memref_slice %arg8[%dma_wait3A_1019, %dma_wait3A_1020, %dma_wait3A_1021] : memref<3x8x4096xf32, #tpu.memory_space<vmem>> -> memref<1x1x4096xf32, #tpu.memory_space<vmem>>
    %dma_wait3A_1023 = tpu.memref_squeeze %dma_wait3A_1022 : memref<1x1x4096xf32, #tpu.memory_space<vmem>> -> memref<4096xf32, #tpu.memory_space<vmem>>
    %dma_wait3A_1024 = arith.constant 0 : i32
    %dma_wait3A_1025 = tpu.memref_slice %arg4[%add3A_1018, %dma_wait3A_1024] : memref<8192x4096xf32, #tpu.memory_space<hbm>> -> memref<1x4096xf32, #tpu.memory_space<hbm>>
    %dma_wait3A_1026 = tpu.memref_squeeze %dma_wait3A_1025 : memref<1x4096xf32, #tpu.memory_space<hbm>> -> memref<4096xf32, #tpu.memory_space<hbm>>
    %dma_wait3A_1027 = arith.constant 0 : i32
    %dma_wait3A_1028 = tpu.memref_slice %arg4[%add3A_1018, %dma_wait3A_1027] : memref<8192x4096xf32, #tpu.memory_space<hbm>> -> memref<1x4096xf32, #tpu.memory_space<hbm>>
    %dma_wait3A_1029 = tpu.memref_squeeze %dma_wait3A_1028 : memref<1x4096xf32, #tpu.memory_space<hbm>> -> memref<4096xf32, #tpu.memory_space<hbm>>
    %dma_wait3A_1030 = arith.constant 0 : i32
    %dma_wait3A_1031 = tpu.memref_slice %arg8[%dma_wait3A_1019, %dma_wait3A_1020, %dma_wait3A_1030] : memref<3x8x4096xf32, #tpu.memory_space<vmem>> -> memref<1x1x4096xf32, #tpu.memory_space<vmem>>
    %dma_wait3A_1032 = tpu.memref_squeeze %dma_wait3A_1031 : memref<1x1x4096xf32, #tpu.memory_space<vmem>> -> memref<4096xf32, #tpu.memory_space<vmem>>
    tpu.wait_dma2 semaphore(%arg11 : memref<!tpu.dma_semaphore, #tpu.memory_space<semaphore_mem>>) src(%dma_wait3A_1032 : memref<4096xf32, #tpu.memory_space<vmem>>) dst(%dma_wait3A_1029 : memref<4096xf32, #tpu.memory_space<hbm>>)
    %slice3A_1033 = vector.extract_strided_slice %max3A_461 {offsets = [15], sizes = [1], strides = [1]} : vector<16xi32> to vector<1xi32>
    %squeeze3A_1034 = vector.extract %slice3A_1033[0] : i32 from vector<1xi32>
    %shift_right_logical3A_1035 = arith.constant 3 : i32
    %shift_right_logical3A_1036 = arith.shrui %squeeze3A_1034, %shift_right_logical3A_1035 : i32
    %ne3A_1037 = arith.cmpi ne, %shift_right_logical3A_1036, %shift_right_logical3A_989 : i32
    %convert_element_type3A_1038 = arith.extui %ne3A_1037 : i1 to i32
    %cond3A_1039 = arith.constant 0 : i32
    %cond3A_1040 = arith.cmpi ne, %convert_element_type3A_1038, %cond3A_1039 : i32
    scf.if %cond3A_1040 {
      %min3A_1236 = arith.constant 0 : i32
      %min3A_1237 = arith.constant 1023 : i32
      %min3A_1238 = arith.minsi %min3A_1236, %min3A_1237 : i32
      %mul3A_1239 = arith.constant 8 : i32
      %mul3A_1240 = arith.muli %min3A_1238, %mul3A_1239 : i32
      %rem3A_1241 = arith.constant 0 : i32
      %rem3A_1242 = arith.constant 3 : i32
      %rem3A_1243 = arith.remsi %rem3A_1241, %rem3A_1242 : i32
      %dma_wait3A_1244 = arith.constant 0 : i32
      %dma_wait3A_1245 = arith.constant 0 : i32
      %dma_wait3A_1246 = tpu.memref_slice %arg8[%rem3A_1243, %dma_wait3A_1244, %dma_wait3A_1245] : memref<3x8x4096xf32, #tpu.memory_space<vmem>> -> memref<1x8x4096xf32, #tpu.memory_space<vmem>>
      %dma_wait3A_1247 = tpu.memref_squeeze %dma_wait3A_1246 : memref<1x8x4096xf32, #tpu.memory_space<vmem>> -> memref<8x4096xf32, #tpu.memory_space<vmem>>
      %dma_wait3A_1248 = arith.constant 0 : i32
      %dma_wait3A_1249 = tpu.memref_slice %arg3[%mul3A_1240, %dma_wait3A_1248] : memref<8192x4096xf32, #tpu.memory_space<hbm>> -> memref<8x4096xf32, #tpu.memory_space<hbm>>
      %dma_wait3A_1250 = arith.constant 0 : i32
      %dma_wait3A_1251 = arith.constant 0 : i32
      %dma_wait3A_1252 = tpu.memref_slice %arg8[%rem3A_1243, %dma_wait3A_1250, %dma_wait3A_1251] : memref<3x8x4096xf32, #tpu.memory_space<vmem>> -> memref<1x8x4096xf32, #tpu.memory_space<vmem>>
      %dma_wait3A_1253 = tpu.memref_squeeze %dma_wait3A_1252 : memref<1x8x4096xf32, #tpu.memory_space<vmem>> -> memref<8x4096xf32, #tpu.memory_space<vmem>>
      %dma_wait3A_1254 = arith.constant 0 : i32
      %dma_wait3A_1255 = tpu.memref_slice %arg3[%mul3A_1240, %dma_wait3A_1254] : memref<8192x4096xf32, #tpu.memory_space<hbm>> -> memref<8x4096xf32, #tpu.memory_space<hbm>>
      tpu.wait_dma2 semaphore(%arg10 : memref<!tpu.dma_semaphore, #tpu.memory_space<semaphore_mem>>) src(%dma_wait3A_1255 : memref<8x4096xf32, #tpu.memory_space<hbm>>) dst(%dma_wait3A_1253 : memref<8x4096xf32, #tpu.memory_space<vmem>>)
      %add3A_1256 = arith.constant 1 : i32
      %add3A_1257 = arith.addi %shift_right_logical3A_1036, %add3A_1256 : i32
      %min3A_1258 = arith.constant 1023 : i32
      %min3A_1259 = arith.minsi %add3A_1257, %min3A_1258 : i32
      %mul3A_1260 = arith.constant 8 : i32
      %mul3A_1261 = arith.muli %min3A_1259, %mul3A_1260 : i32
      %rem3A_1262 = arith.constant 3 : i32
      %rem3A_1263 = arith.remsi %add3A_1257, %rem3A_1262 : i32
      %dma_start3A_1264 = arith.constant 0 : i32
      %dma_start3A_1265 = arith.constant 0 : i32
      %dma_start3A_1266 = tpu.memref_slice %arg8[%rem3A_1263, %dma_start3A_1264, %dma_start3A_1265] : memref<3x8x4096xf32, #tpu.memory_space<vmem>> -> memref<1x8x4096xf32, #tpu.memory_space<vmem>>
      %dma_start3A_1267 = tpu.memref_squeeze %dma_start3A_1266 : memref<1x8x4096xf32, #tpu.memory_space<vmem>> -> memref<8x4096xf32, #tpu.memory_space<vmem>>
      %dma_start3A_1268 = arith.constant 0 : i32
      %dma_start3A_1269 = tpu.memref_slice %arg3[%mul3A_1261, %dma_start3A_1268] : memref<8192x4096xf32, #tpu.memory_space<hbm>> -> memref<8x4096xf32, #tpu.memory_space<hbm>>
      %dma_start3A_1270 = arith.constant 0 : i32
      %dma_start3A_1271 = arith.constant 0 : i32
      %dma_start3A_1272 = tpu.memref_slice %arg8[%rem3A_1263, %dma_start3A_1270, %dma_start3A_1271] : memref<3x8x4096xf32, #tpu.memory_space<vmem>> -> memref<1x8x4096xf32, #tpu.memory_space<vmem>>
      %dma_start3A_1273 = tpu.memref_squeeze %dma_start3A_1272 : memref<1x8x4096xf32, #tpu.memory_space<vmem>> -> memref<8x4096xf32, #tpu.memory_space<vmem>>
      %dma_start3A_1274 = arith.constant 0 : i32
      %dma_start3A_1275 = tpu.memref_slice %arg3[%mul3A_1261, %dma_start3A_1274] : memref<8192x4096xf32, #tpu.memory_space<hbm>> -> memref<8x4096xf32, #tpu.memory_space<hbm>>
      tpu.enqueue_dma source(%dma_start3A_1275 : memref<8x4096xf32, #tpu.memory_space<hbm>>) target(%dma_start3A_1273 : memref<8x4096xf32, #tpu.memory_space<vmem>>) target_semaphore(%arg10 : memref<!tpu.dma_semaphore, #tpu.memory_space<semaphore_mem>>)
    } else {
    }
    %eq3A_1041 = arith.constant 2 : i32
    %eq3A_1042 = arith.cmpi eq, %select_n3A_1000, %eq3A_1041 : i32
    %add3A_1043 = arith.constant 1 : i32
    %add3A_1044 = arith.addi %select_n3A_1000, %add3A_1043 : i32
    %jit3A_1045 = arith.constant 0 : i32
    %select_n3A_1046 = arith.select %eq3A_1042, %jit3A_1045, %add3A_1044 : i32
    %select_n3A_1047 = arith.select %ne3A_1037, %select_n3A_1046, %select_n3A_1000 : i32
    %and3A_1048 = arith.constant 7 : i32
    %and3A_1049 = arith.andi %squeeze3A_1034, %and3A_1048 : i32
    %add3A_1050 = arith.constant 15 : i32
    %add3A_1051 = arith.addi %mul3A_2, %add3A_1050 : i32
    %dma_start3A_1052 = arith.constant 0 : i32
    %dma_start3A_1053 = tpu.memref_slice %arg8[%select_n3A_1047, %and3A_1049, %dma_start3A_1052] : memref<3x8x4096xf32, #tpu.memory_space<vmem>> -> memref<1x1x4096xf32, #tpu.memory_space<vmem>>
    %dma_start3A_1054 = tpu.memref_squeeze %dma_start3A_1053 : memref<1x1x4096xf32, #tpu.memory_space<vmem>> -> memref<4096xf32, #tpu.memory_space<vmem>>
    %dma_start3A_1055 = arith.constant 0 : i32
    %dma_start3A_1056 = tpu.memref_slice %arg4[%add3A_1051, %dma_start3A_1055] : memref<8192x4096xf32, #tpu.memory_space<hbm>> -> memref<1x4096xf32, #tpu.memory_space<hbm>>
    %dma_start3A_1057 = tpu.memref_squeeze %dma_start3A_1056 : memref<1x4096xf32, #tpu.memory_space<hbm>> -> memref<4096xf32, #tpu.memory_space<hbm>>
    %dma_start3A_1058 = arith.constant 0 : i32
    %dma_start3A_1059 = tpu.memref_slice %arg4[%add3A_1051, %dma_start3A_1058] : memref<8192x4096xf32, #tpu.memory_space<hbm>> -> memref<1x4096xf32, #tpu.memory_space<hbm>>
    %dma_start3A_1060 = tpu.memref_squeeze %dma_start3A_1059 : memref<1x4096xf32, #tpu.memory_space<hbm>> -> memref<4096xf32, #tpu.memory_space<hbm>>
    %dma_start3A_1061 = arith.constant 0 : i32
    %dma_start3A_1062 = tpu.memref_slice %arg8[%select_n3A_1047, %and3A_1049, %dma_start3A_1061] : memref<3x8x4096xf32, #tpu.memory_space<vmem>> -> memref<1x1x4096xf32, #tpu.memory_space<vmem>>
    %dma_start3A_1063 = tpu.memref_squeeze %dma_start3A_1062 : memref<1x1x4096xf32, #tpu.memory_space<vmem>> -> memref<4096xf32, #tpu.memory_space<vmem>>
    tpu.enqueue_dma source(%dma_start3A_1063 : memref<4096xf32, #tpu.memory_space<vmem>>) target(%dma_start3A_1060 : memref<4096xf32, #tpu.memory_space<hbm>>) target_semaphore(%arg11 : memref<!tpu.dma_semaphore, #tpu.memory_space<semaphore_mem>>)
    %add3A_1064 = arith.constant 0 : i32
    %add3A_1065 = arith.addi %mul3A_2, %add3A_1064 : i32
    %dma_wait3A_1066 = arith.constant 0 : i32
    %dma_wait3A_1067 = arith.constant 0 : i32
    %dma_wait3A_1068 = arith.constant 0 : i32
    %dma_wait3A_1069 = tpu.memref_slice %arg8[%dma_wait3A_1066, %dma_wait3A_1067, %dma_wait3A_1068] : memref<3x8x4096xf32, #tpu.memory_space<vmem>> -> memref<1x1x4096xf32, #tpu.memory_space<vmem>>
    %dma_wait3A_1070 = tpu.memref_squeeze %dma_wait3A_1069 : memref<1x1x4096xf32, #tpu.memory_space<vmem>> -> memref<4096xf32, #tpu.memory_space<vmem>>
    %dma_wait3A_1071 = arith.constant 0 : i32
    %dma_wait3A_1072 = tpu.memref_slice %arg4[%add3A_1065, %dma_wait3A_1071] : memref<8192x4096xf32, #tpu.memory_space<hbm>> -> memref<1x4096xf32, #tpu.memory_space<hbm>>
    %dma_wait3A_1073 = tpu.memref_squeeze %dma_wait3A_1072 : memref<1x4096xf32, #tpu.memory_space<hbm>> -> memref<4096xf32, #tpu.memory_space<hbm>>
    %dma_wait3A_1074 = arith.constant 0 : i32
    %dma_wait3A_1075 = tpu.memref_slice %arg4[%add3A_1065, %dma_wait3A_1074] : memref<8192x4096xf32, #tpu.memory_space<hbm>> -> memref<1x4096xf32, #tpu.memory_space<hbm>>
    %dma_wait3A_1076 = tpu.memref_squeeze %dma_wait3A_1075 : memref<1x4096xf32, #tpu.memory_space<hbm>> -> memref<4096xf32, #tpu.memory_space<hbm>>
    %dma_wait3A_1077 = arith.constant 0 : i32
    %dma_wait3A_1078 = tpu.memref_slice %arg8[%dma_wait3A_1066, %dma_wait3A_1067, %dma_wait3A_1077] : memref<3x8x4096xf32, #tpu.memory_space<vmem>> -> memref<1x1x4096xf32, #tpu.memory_space<vmem>>
    %dma_wait3A_1079 = tpu.memref_squeeze %dma_wait3A_1078 : memref<1x1x4096xf32, #tpu.memory_space<vmem>> -> memref<4096xf32, #tpu.memory_space<vmem>>
    tpu.wait_dma2 semaphore(%arg11 : memref<!tpu.dma_semaphore, #tpu.memory_space<semaphore_mem>>) src(%dma_wait3A_1079 : memref<4096xf32, #tpu.memory_space<vmem>>) dst(%dma_wait3A_1076 : memref<4096xf32, #tpu.memory_space<hbm>>)
    %slice3A_1080 = vector.extract_strided_slice %masked_cumsum3A {offsets = [15], sizes = [1], strides = [1]} : vector<16xi32> to vector<1xi32>
    %squeeze3A_1081 = vector.extract %slice3A_1080[0] : i32 from vector<1xi32>
    %add3A_1082 = arith.addi %squeeze3A, %squeeze3A_1081 : i32
    %scan3A = arith.constant 1 : i32
    %scan3A_1083 = arith.constant 15 : i32
    %scan3A_1084 = arith.addi %scan3A, %scan3A_1083 : i32
    %scan3A_1085 = arith.constant 1 : i32
    %scan3A_1086:3 = scf.for %scan3A_1236 = %scan3A to %scan3A_1084 step %scan3A_1085 iter_args(%scan3A_1237 = %add3A_1082, %scan3A_1238 = %shift_right_logical3A_1036, %scan3A_1239 = %select_n3A_1047) -> (i32, i32, i32)  : i32 {
      %mul3A_1240 = arith.constant 256 : i32
      %mul3A_1241 = arith.muli %arg0, %mul3A_1240 : i32
      %mul3A_1242 = arith.constant 16 : i32
      %mul3A_1243 = arith.muli %scan3A_1236, %mul3A_1242 : i32
      %add3A_1244 = arith.addi %mul3A_1241, %mul3A_1243 : i32
      %get3A_1245 = arith.index_cast %add3A_1244 : i32 to index
      %get3A_1246 = tpu.vector_load %arg5[%get3A_1245] {strides = array<i32>} : memref<512xi32, #tpu.memory_space<vmem>>, vector<16xi32>,
      %broadcast_in_dim3A_1247 = arith.constant true
      %broadcast_in_dim3A_1248 = vector.broadcast %broadcast_in_dim3A_1247 : i1 to vector<16xi1>
      %masked_cumsum3A_1249 = tpu.scan <sum>, %get3A_1246 masked %broadcast_in_dim3A_1248 : vector<16xi32>, vector<16xi1> -> vector<16xi32>
      %sub3A_1250 = arith.constant 1 : i32
      %sub3A_1251 = arith.subi %scan3A_1237, %sub3A_1250 : i32
      %add3A_1252 = vector.broadcast %sub3A_1251 : i32 to vector<16xi32>
      %add3A_1253 = arith.addi %masked_cumsum3A_1249, %add3A_1252 : vector<16xi32>
      %max3A_1254 = arith.constant 0 : i32
      %max3A_1255 = vector.broadcast %max3A_1254 : i32 to vector<16xi32>
      %max3A_1256 = arith.maxsi %add3A_1253, %max3A_1255 : vector<16xi32>
      %slice3A_1257 = vector.extract_strided_slice %max3A_1256 {offsets = [0], sizes = [1], strides = [1]} : vector<16xi32> to vector<1xi32>
      %squeeze3A_1258 = vector.extract %slice3A_1257[0] : i32 from vector<1xi32>
      %shift_right_logical3A_1259 = arith.constant 3 : i32
      %shift_right_logical3A_1260 = arith.shrui %squeeze3A_1258, %shift_right_logical3A_1259 : i32
      %ne3A_1261 = arith.cmpi ne, %shift_right_logical3A_1260, %scan3A_1238 : i32
      %convert_element_type3A_1262 = arith.extui %ne3A_1261 : i1 to i32
      %cond3A_1263 = arith.constant 0 : i32
      %cond3A_1264 = arith.cmpi ne, %convert_element_type3A_1262, %cond3A_1263 : i32
      scf.if %cond3A_1264 {
        %min3A_2060 = arith.constant 0 : i32
        %min3A_2061 = arith.constant 1023 : i32
        %min3A_2062 = arith.minsi %min3A_2060, %min3A_2061 : i32
        %mul3A_2063 = arith.constant 8 : i32
        %mul3A_2064 = arith.muli %min3A_2062, %mul3A_2063 : i32
        %rem3A_2065 = arith.constant 0 : i32
        %rem3A_2066 = arith.constant 3 : i32
        %rem3A_2067 = arith.remsi %rem3A_2065, %rem3A_2066 : i32
        %dma_wait3A_2068 = arith.constant 0 : i32
        %dma_wait3A_2069 = arith.constant 0 : i32
        %dma_wait3A_2070 = tpu.memref_slice %arg8[%rem3A_2067, %dma_wait3A_2068, %dma_wait3A_2069] : memref<3x8x4096xf32, #tpu.memory_space<vmem>> -> memref<1x8x4096xf32, #tpu.memory_space<vmem>>
        %dma_wait3A_2071 = tpu.memref_squeeze %dma_wait3A_2070 : memref<1x8x4096xf32, #tpu.memory_space<vmem>> -> memref<8x4096xf32, #tpu.memory_space<vmem>>
        %dma_wait3A_2072 = arith.constant 0 : i32
        %dma_wait3A_2073 = tpu.memref_slice %arg3[%mul3A_2064, %dma_wait3A_2072] : memref<8192x4096xf32, #tpu.memory_space<hbm>> -> memref<8x4096xf32, #tpu.memory_space<hbm>>
        %dma_wait3A_2074 = arith.constant 0 : i32
        %dma_wait3A_2075 = arith.constant 0 : i32
        %dma_wait3A_2076 = tpu.memref_slice %arg8[%rem3A_2067, %dma_wait3A_2074, %dma_wait3A_2075] : memref<3x8x4096xf32, #tpu.memory_space<vmem>> -> memref<1x8x4096xf32, #tpu.memory_space<vmem>>
        %dma_wait3A_2077 = tpu.memref_squeeze %dma_wait3A_2076 : memref<1x8x4096xf32, #tpu.memory_space<vmem>> -> memref<8x4096xf32, #tpu.memory_space<vmem>>
        %dma_wait3A_2078 = arith.constant 0 : i32
        %dma_wait3A_2079 = tpu.memref_slice %arg3[%mul3A_2064, %dma_wait3A_2078] : memref<8192x4096xf32, #tpu.memory_space<hbm>> -> memref<8x4096xf32, #tpu.memory_space<hbm>>
        tpu.wait_dma2 semaphore(%arg10 : memref<!tpu.dma_semaphore, #tpu.memory_space<semaphore_mem>>) src(%dma_wait3A_2079 : memref<8x4096xf32, #tpu.memory_space<hbm>>) dst(%dma_wait3A_2077 : memref<8x4096xf32, #tpu.memory_space<vmem>>)
        %add3A_2080 = arith.constant 1 : i32
        %add3A_2081 = arith.addi %shift_right_logical3A_1260, %add3A_2080 : i32
        %min3A_2082 = arith.constant 1023 : i32
        %min3A_2083 = arith.minsi %add3A_2081, %min3A_2082 : i32
        %mul3A_2084 = arith.constant 8 : i32
        %mul3A_2085 = arith.muli %min3A_2083, %mul3A_2084 : i32
        %rem3A_2086 = arith.constant 3 : i32
        %rem3A_2087 = arith.remsi %add3A_2081, %rem3A_2086 : i32
        %dma_start3A_2088 = arith.constant 0 : i32
        %dma_start3A_2089 = arith.constant 0 : i32
        %dma_start3A_2090 = tpu.memref_slice %arg8[%rem3A_2087, %dma_start3A_2088, %dma_start3A_2089] : memref<3x8x4096xf32, #tpu.memory_space<vmem>> -> memref<1x8x4096xf32, #tpu.memory_space<vmem>>
        %dma_start3A_2091 = tpu.memref_squeeze %dma_start3A_2090 : memref<1x8x4096xf32, #tpu.memory_space<vmem>> -> memref<8x4096xf32, #tpu.memory_space<vmem>>
        %dma_start3A_2092 = arith.constant 0 : i32
        %dma_start3A_2093 = tpu.memref_slice %arg3[%mul3A_2085, %dma_start3A_2092] : memref<8192x4096xf32, #tpu.memory_space<hbm>> -> memref<8x4096xf32, #tpu.memory_space<hbm>>
        %dma_start3A_2094 = arith.constant 0 : i32
        %dma_start3A_2095 = arith.constant 0 : i32
        %dma_start3A_2096 = tpu.memref_slice %arg8[%rem3A_2087, %dma_start3A_2094, %dma_start3A_2095] : memref<3x8x4096xf32, #tpu.memory_space<vmem>> -> memref<1x8x4096xf32, #tpu.memory_space<vmem>>
        %dma_start3A_2097 = tpu.memref_squeeze %dma_start3A_2096 : memref<1x8x4096xf32, #tpu.memory_space<vmem>> -> memref<8x4096xf32, #tpu.memory_space<vmem>>
        %dma_start3A_2098 = arith.constant 0 : i32
        %dma_start3A_2099 = tpu.memref_slice %arg3[%mul3A_2085, %dma_start3A_2098] : memref<8192x4096xf32, #tpu.memory_space<hbm>> -> memref<8x4096xf32, #tpu.memory_space<hbm>>
        tpu.enqueue_dma source(%dma_start3A_2099 : memref<8x4096xf32, #tpu.memory_space<hbm>>) target(%dma_start3A_2097 : memref<8x4096xf32, #tpu.memory_space<vmem>>) target_semaphore(%arg10 : memref<!tpu.dma_semaphore, #tpu.memory_space<semaphore_mem>>)
      } else {
      }
      %eq3A_1265 = arith.constant 2 : i32
      %eq3A_1266 = arith.cmpi eq, %scan3A_1239, %eq3A_1265 : i32
      %add3A_1267 = arith.constant 1 : i32
      %add3A_1268 = arith.addi %scan3A_1239, %add3A_1267 : i32
      %jit3A_1269 = arith.constant 0 : i32
      %select_n3A_1270 = arith.select %eq3A_1266, %jit3A_1269, %add3A_1268 : i32
      %select_n3A_1271 = arith.select %ne3A_1261, %select_n3A_1270, %scan3A_1239 : i32
      %mul3A_1272 = arith.constant 16 : i32
      %mul3A_1273 = arith.muli %scan3A_1236, %mul3A_1272 : i32
      %add3A_1274 = arith.constant 0 : i32
      %add3A_1275 = arith.addi %mul3A_1273, %add3A_1274 : i32
      %and3A_1276 = arith.constant 7 : i32
      %and3A_1277 = arith.andi %squeeze3A_1258, %and3A_1276 : i32
      %add3A_1278 = arith.addi %mul3A_2, %add3A_1275 : i32
      %dma_start3A_1279 = arith.constant 0 : i32
      %dma_start3A_1280 = tpu.memref_slice %arg8[%select_n3A_1271, %and3A_1277, %dma_start3A_1279] : memref<3x8x4096xf32, #tpu.memory_space<vmem>> -> memref<1x1x4096xf32, #tpu.memory_space<vmem>>
      %dma_start3A_1281 = tpu.memref_squeeze %dma_start3A_1280 : memref<1x1x4096xf32, #tpu.memory_space<vmem>> -> memref<4096xf32, #tpu.memory_space<vmem>>
      %dma_start3A_1282 = arith.constant 0 : i32
      %dma_start3A_1283 = tpu.memref_slice %arg4[%add3A_1278, %dma_start3A_1282] : memref<8192x4096xf32, #tpu.memory_space<hbm>> -> memref<1x4096xf32, #tpu.memory_space<hbm>>
      %dma_start3A_1284 = tpu.memref_squeeze %dma_start3A_1283 : memref<1x4096xf32, #tpu.memory_space<hbm>> -> memref<4096xf32, #tpu.memory_space<hbm>>
      %dma_start3A_1285 = arith.constant 0 : i32
      %dma_start3A_1286 = tpu.memref_slice %arg4[%add3A_1278, %dma_start3A_1285] : memref<8192x4096xf32, #tpu.memory_space<hbm>> -> memref<1x4096xf32, #tpu.memory_space<hbm>>
      %dma_start3A_1287 = tpu.memref_squeeze %dma_start3A_1286 : memref<1x4096xf32, #tpu.memory_space<hbm>> -> memref<4096xf32, #tpu.memory_space<hbm>>
      %dma_start3A_1288 = arith.constant 0 : i32
      %dma_start3A_1289 = tpu.memref_slice %arg8[%select_n3A_1271, %and3A_1277, %dma_start3A_1288] : memref<3x8x4096xf32, #tpu.memory_space<vmem>> -> memref<1x1x4096xf32, #tpu.memory_space<vmem>>
      %dma_start3A_1290 = tpu.memref_squeeze %dma_start3A_1289 : memref<1x1x4096xf32, #tpu.memory_space<vmem>> -> memref<4096xf32, #tpu.memory_space<vmem>>
      tpu.enqueue_dma source(%dma_start3A_1290 : memref<4096xf32, #tpu.memory_space<vmem>>) target(%dma_start3A_1287 : memref<4096xf32, #tpu.memory_space<hbm>>) target_semaphore(%arg11 : memref<!tpu.dma_semaphore, #tpu.memory_space<semaphore_mem>>)
      %add3A_1291 = arith.constant 0 : i32
      %add3A_1292 = arith.addi %mul3A_2, %add3A_1291 : i32
      %dma_wait3A_1293 = arith.constant 0 : i32
      %dma_wait3A_1294 = arith.constant 0 : i32
      %dma_wait3A_1295 = arith.constant 0 : i32
      %dma_wait3A_1296 = tpu.memref_slice %arg8[%dma_wait3A_1293, %dma_wait3A_1294, %dma_wait3A_1295] : memref<3x8x4096xf32, #tpu.memory_space<vmem>> -> memref<1x1x4096xf32, #tpu.memory_space<vmem>>
      %dma_wait3A_1297 = tpu.memref_squeeze %dma_wait3A_1296 : memref<1x1x4096xf32, #tpu.memory_space<vmem>> -> memref<4096xf32, #tpu.memory_space<vmem>>
      %dma_wait3A_1298 = arith.constant 0 : i32
      %dma_wait3A_1299 = tpu.memref_slice %arg4[%add3A_1292, %dma_wait3A_1298] : memref<8192x4096xf32, #tpu.memory_space<hbm>> -> memref<1x4096xf32, #tpu.memory_space<hbm>>
      %dma_wait3A_1300 = tpu.memref_squeeze %dma_wait3A_1299 : memref<1x4096xf32, #tpu.memory_space<hbm>> -> memref<4096xf32, #tpu.memory_space<hbm>>
      %dma_wait3A_1301 = arith.constant 0 : i32
      %dma_wait3A_1302 = tpu.memref_slice %arg4[%add3A_1292, %dma_wait3A_1301] : memref<8192x4096xf32, #tpu.memory_space<hbm>> -> memref<1x4096xf32, #tpu.memory_space<hbm>>
      %dma_wait3A_1303 = tpu.memref_squeeze %dma_wait3A_1302 : memref<1x4096xf32, #tpu.memory_space<hbm>> -> memref<4096xf32, #tpu.memory_space<hbm>>
      %dma_wait3A_1304 = arith.constant 0 : i32
      %dma_wait3A_1305 = tpu.memref_slice %arg8[%dma_wait3A_1293, %dma_wait3A_1294, %dma_wait3A_1304] : memref<3x8x4096xf32, #tpu.memory_space<vmem>> -> memref<1x1x4096xf32, #tpu.memory_space<vmem>>
      %dma_wait3A_1306 = tpu.memref_squeeze %dma_wait3A_1305 : memref<1x1x4096xf32, #tpu.memory_space<vmem>> -> memref<4096xf32, #tpu.memory_space<vmem>>
      tpu.wait_dma2 semaphore(%arg11 : memref<!tpu.dma_semaphore, #tpu.memory_space<semaphore_mem>>) src(%dma_wait3A_1306 : memref<4096xf32, #tpu.memory_space<vmem>>) dst(%dma_wait3A_1303 : memref<4096xf32, #tpu.memory_space<hbm>>)
      %slice3A_1307 = vector.extract_strided_slice %max3A_1256 {offsets = [1], sizes = [1], strides = [1]} : vector<16xi32> to vector<1xi32>
      %squeeze3A_1308 = vector.extract %slice3A_1307[0] : i32 from vector<1xi32>
      %shift_right_logical3A_1309 = arith.constant 3 : i32
      %shift_right_logical3A_1310 = arith.shrui %squeeze3A_1308, %shift_right_logical3A_1309 : i32
      %ne3A_1311 = arith.cmpi ne, %shift_right_logical3A_1310, %shift_right_logical3A_1260 : i32
      %convert_element_type3A_1312 = arith.extui %ne3A_1311 : i1 to i32
      %cond3A_1313 = arith.constant 0 : i32
      %cond3A_1314 = arith.cmpi ne, %convert_element_type3A_1312, %cond3A_1313 : i32
      scf.if %cond3A_1314 {
        %min3A_2060 = arith.constant 0 : i32
        %min3A_2061 = arith.constant 1023 : i32
        %min3A_2062 = arith.minsi %min3A_2060, %min3A_2061 : i32
        %mul3A_2063 = arith.constant 8 : i32
        %mul3A_2064 = arith.muli %min3A_2062, %mul3A_2063 : i32
        %rem3A_2065 = arith.constant 0 : i32
        %rem3A_2066 = arith.constant 3 : i32
        %rem3A_2067 = arith.remsi %rem3A_2065, %rem3A_2066 : i32
        %dma_wait3A_2068 = arith.constant 0 : i32
        %dma_wait3A_2069 = arith.constant 0 : i32
        %dma_wait3A_2070 = tpu.memref_slice %arg8[%rem3A_2067, %dma_wait3A_2068, %dma_wait3A_2069] : memref<3x8x4096xf32, #tpu.memory_space<vmem>> -> memref<1x8x4096xf32, #tpu.memory_space<vmem>>
        %dma_wait3A_2071 = tpu.memref_squeeze %dma_wait3A_2070 : memref<1x8x4096xf32, #tpu.memory_space<vmem>> -> memref<8x4096xf32, #tpu.memory_space<vmem>>
        %dma_wait3A_2072 = arith.constant 0 : i32
        %dma_wait3A_2073 = tpu.memref_slice %arg3[%mul3A_2064, %dma_wait3A_2072] : memref<8192x4096xf32, #tpu.memory_space<hbm>> -> memref<8x4096xf32, #tpu.memory_space<hbm>>
        %dma_wait3A_2074 = arith.constant 0 : i32
        %dma_wait3A_2075 = arith.constant 0 : i32
        %dma_wait3A_2076 = tpu.memref_slice %arg8[%rem3A_2067, %dma_wait3A_2074, %dma_wait3A_2075] : memref<3x8x4096xf32, #tpu.memory_space<vmem>> -> memref<1x8x4096xf32, #tpu.memory_space<vmem>>
        %dma_wait3A_2077 = tpu.memref_squeeze %dma_wait3A_2076 : memref<1x8x4096xf32, #tpu.memory_space<vmem>> -> memref<8x4096xf32, #tpu.memory_space<vmem>>
        %dma_wait3A_2078 = arith.constant 0 : i32
        %dma_wait3A_2079 = tpu.memref_slice %arg3[%mul3A_2064, %dma_wait3A_2078] : memref<8192x4096xf32, #tpu.memory_space<hbm>> -> memref<8x4096xf32, #tpu.memory_space<hbm>>
        tpu.wait_dma2 semaphore(%arg10 : memref<!tpu.dma_semaphore, #tpu.memory_space<semaphore_mem>>) src(%dma_wait3A_2079 : memref<8x4096xf32, #tpu.memory_space<hbm>>) dst(%dma_wait3A_2077 : memref<8x4096xf32, #tpu.memory_space<vmem>>)
        %add3A_2080 = arith.constant 1 : i32
        %add3A_2081 = arith.addi %shift_right_logical3A_1310, %add3A_2080 : i32
        %min3A_2082 = arith.constant 1023 : i32
        %min3A_2083 = arith.minsi %add3A_2081, %min3A_2082 : i32
        %mul3A_2084 = arith.constant 8 : i32
        %mul3A_2085 = arith.muli %min3A_2083, %mul3A_2084 : i32
        %rem3A_2086 = arith.constant 3 : i32
        %rem3A_2087 = arith.remsi %add3A_2081, %rem3A_2086 : i32
        %dma_start3A_2088 = arith.constant 0 : i32
        %dma_start3A_2089 = arith.constant 0 : i32
        %dma_start3A_2090 = tpu.memref_slice %arg8[%rem3A_2087, %dma_start3A_2088, %dma_start3A_2089] : memref<3x8x4096xf32, #tpu.memory_space<vmem>> -> memref<1x8x4096xf32, #tpu.memory_space<vmem>>
        %dma_start3A_2091 = tpu.memref_squeeze %dma_start3A_2090 : memref<1x8x4096xf32, #tpu.memory_space<vmem>> -> memref<8x4096xf32, #tpu.memory_space<vmem>>
        %dma_start3A_2092 = arith.constant 0 : i32
        %dma_start3A_2093 = tpu.memref_slice %arg3[%mul3A_2085, %dma_start3A_2092] : memref<8192x4096xf32, #tpu.memory_space<hbm>> -> memref<8x4096xf32, #tpu.memory_space<hbm>>
        %dma_start3A_2094 = arith.constant 0 : i32
        %dma_start3A_2095 = arith.constant 0 : i32
        %dma_start3A_2096 = tpu.memref_slice %arg8[%rem3A_2087, %dma_start3A_2094, %dma_start3A_2095] : memref<3x8x4096xf32, #tpu.memory_space<vmem>> -> memref<1x8x4096xf32, #tpu.memory_space<vmem>>
        %dma_start3A_2097 = tpu.memref_squeeze %dma_start3A_2096 : memref<1x8x4096xf32, #tpu.memory_space<vmem>> -> memref<8x4096xf32, #tpu.memory_space<vmem>>
        %dma_start3A_2098 = arith.constant 0 : i32
        %dma_start3A_2099 = tpu.memref_slice %arg3[%mul3A_2085, %dma_start3A_2098] : memref<8192x4096xf32, #tpu.memory_space<hbm>> -> memref<8x4096xf32, #tpu.memory_space<hbm>>
        tpu.enqueue_dma source(%dma_start3A_2099 : memref<8x4096xf32, #tpu.memory_space<hbm>>) target(%dma_start3A_2097 : memref<8x4096xf32, #tpu.memory_space<vmem>>) target_semaphore(%arg10 : memref<!tpu.dma_semaphore, #tpu.memory_space<semaphore_mem>>)
      } else {
      }
      %eq3A_1315 = arith.constant 2 : i32
      %eq3A_1316 = arith.cmpi eq, %select_n3A_1271, %eq3A_1315 : i32
      %add3A_1317 = arith.constant 1 : i32
      %add3A_1318 = arith.addi %select_n3A_1271, %add3A_1317 : i32
      %jit3A_1319 = arith.constant 0 : i32
      %select_n3A_1320 = arith.select %eq3A_1316, %jit3A_1319, %add3A_1318 : i32
      %select_n3A_1321 = arith.select %ne3A_1311, %select_n3A_1320, %select_n3A_1271 : i32
      %mul3A_1322 = arith.constant 16 : i32
      %mul3A_1323 = arith.muli %scan3A_1236, %mul3A_1322 : i32
      %add3A_1324 = arith.constant 1 : i32
      %add3A_1325 = arith.addi %mul3A_1323, %add3A_1324 : i32
      %and3A_1326 = arith.constant 7 : i32
      %and3A_1327 = arith.andi %squeeze3A_1308, %and3A_1326 : i32
      %add3A_1328 = arith.addi %mul3A_2, %add3A_1325 : i32
      %dma_start3A_1329 = arith.constant 0 : i32
      %dma_start3A_1330 = tpu.memref_slice %arg8[%select_n3A_1321, %and3A_1327, %dma_start3A_1329] : memref<3x8x4096xf32, #tpu.memory_space<vmem>> -> memref<1x1x4096xf32, #tpu.memory_space<vmem>>
      %dma_start3A_1331 = tpu.memref_squeeze %dma_start3A_1330 : memref<1x1x4096xf32, #tpu.memory_space<vmem>> -> memref<4096xf32, #tpu.memory_space<vmem>>
      %dma_start3A_1332 = arith.constant 0 : i32
      %dma_start3A_1333 = tpu.memref_slice %arg4[%add3A_1328, %dma_start3A_1332] : memref<8192x4096xf32, #tpu.memory_space<hbm>> -> memref<1x4096xf32, #tpu.memory_space<hbm>>
      %dma_start3A_1334 = tpu.memref_squeeze %dma_start3A_1333 : memref<1x4096xf32, #tpu.memory_space<hbm>> -> memref<4096xf32, #tpu.memory_space<hbm>>
      %dma_start3A_1335 = arith.constant 0 : i32
      %dma_start3A_1336 = tpu.memref_slice %arg4[%add3A_1328, %dma_start3A_1335] : memref<8192x4096xf32, #tpu.memory_space<hbm>> -> memref<1x4096xf32, #tpu.memory_space<hbm>>
      %dma_start3A_1337 = tpu.memref_squeeze %dma_start3A_1336 : memref<1x4096xf32, #tpu.memory_space<hbm>> -> memref<4096xf32, #tpu.memory_space<hbm>>
      %dma_start3A_1338 = arith.constant 0 : i32
      %dma_start3A_1339 = tpu.memref_slice %arg8[%select_n3A_1321, %and3A_1327, %dma_start3A_1338] : memref<3x8x4096xf32, #tpu.memory_space<vmem>> -> memref<1x1x4096xf32, #tpu.memory_space<vmem>>
      %dma_start3A_1340 = tpu.memref_squeeze %dma_start3A_1339 : memref<1x1x4096xf32, #tpu.memory_space<vmem>> -> memref<4096xf32, #tpu.memory_space<vmem>>
      tpu.enqueue_dma source(%dma_start3A_1340 : memref<4096xf32, #tpu.memory_space<vmem>>) target(%dma_start3A_1337 : memref<4096xf32, #tpu.memory_space<hbm>>) target_semaphore(%arg11 : memref<!tpu.dma_semaphore, #tpu.memory_space<semaphore_mem>>)
      %add3A_1341 = arith.constant 0 : i32
      %add3A_1342 = arith.addi %mul3A_2, %add3A_1341 : i32
      %dma_wait3A_1343 = arith.constant 0 : i32
      %dma_wait3A_1344 = arith.constant 0 : i32
      %dma_wait3A_1345 = arith.constant 0 : i32
      %dma_wait3A_1346 = tpu.memref_slice %arg8[%dma_wait3A_1343, %dma_wait3A_1344, %dma_wait3A_1345] : memref<3x8x4096xf32, #tpu.memory_space<vmem>> -> memref<1x1x4096xf32, #tpu.memory_space<vmem>>
      %dma_wait3A_1347 = tpu.memref_squeeze %dma_wait3A_1346 : memref<1x1x4096xf32, #tpu.memory_space<vmem>> -> memref<4096xf32, #tpu.memory_space<vmem>>
      %dma_wait3A_1348 = arith.constant 0 : i32
      %dma_wait3A_1349 = tpu.memref_slice %arg4[%add3A_1342, %dma_wait3A_1348] : memref<8192x4096xf32, #tpu.memory_space<hbm>> -> memref<1x4096xf32, #tpu.memory_space<hbm>>
      %dma_wait3A_1350 = tpu.memref_squeeze %dma_wait3A_1349 : memref<1x4096xf32, #tpu.memory_space<hbm>> -> memref<4096xf32, #tpu.memory_space<hbm>>
      %dma_wait3A_1351 = arith.constant 0 : i32
      %dma_wait3A_1352 = tpu.memref_slice %arg4[%add3A_1342, %dma_wait3A_1351] : memref<8192x4096xf32, #tpu.memory_space<hbm>> -> memref<1x4096xf32, #tpu.memory_space<hbm>>
      %dma_wait3A_1353 = tpu.memref_squeeze %dma_wait3A_1352 : memref<1x4096xf32, #tpu.memory_space<hbm>> -> memref<4096xf32, #tpu.memory_space<hbm>>
      %dma_wait3A_1354 = arith.constant 0 : i32
      %dma_wait3A_1355 = tpu.memref_slice %arg8[%dma_wait3A_1343, %dma_wait3A_1344, %dma_wait3A_1354] : memref<3x8x4096xf32, #tpu.memory_space<vmem>> -> memref<1x1x4096xf32, #tpu.memory_space<vmem>>
      %dma_wait3A_1356 = tpu.memref_squeeze %dma_wait3A_1355 : memref<1x1x4096xf32, #tpu.memory_space<vmem>> -> memref<4096xf32, #tpu.memory_space<vmem>>
      tpu.wait_dma2 semaphore(%arg11 : memref<!tpu.dma_semaphore, #tpu.memory_space<semaphore_mem>>) src(%dma_wait3A_1356 : memref<4096xf32, #tpu.memory_space<vmem>>) dst(%dma_wait3A_1353 : memref<4096xf32, #tpu.memory_space<hbm>>)
      %slice3A_1357 = vector.extract_strided_slice %max3A_1256 {offsets = [2], sizes = [1], strides = [1]} : vector<16xi32> to vector<1xi32>
      %squeeze3A_1358 = vector.extract %slice3A_1357[0] : i32 from vector<1xi32>
      %shift_right_logical3A_1359 = arith.constant 3 : i32
      %shift_right_logical3A_1360 = arith.shrui %squeeze3A_1358, %shift_right_logical3A_1359 : i32
      %ne3A_1361 = arith.cmpi ne, %shift_right_logical3A_1360, %shift_right_logical3A_1310 : i32
      %convert_element_type3A_1362 = arith.extui %ne3A_1361 : i1 to i32
      %cond3A_1363 = arith.constant 0 : i32
      %cond3A_1364 = arith.cmpi ne, %convert_element_type3A_1362, %cond3A_1363 : i32
      scf.if %cond3A_1364 {
        %min3A_2060 = arith.constant 0 : i32
        %min3A_2061 = arith.constant 1023 : i32
        %min3A_2062 = arith.minsi %min3A_2060, %min3A_2061 : i32
        %mul3A_2063 = arith.constant 8 : i32
        %mul3A_2064 = arith.muli %min3A_2062, %mul3A_2063 : i32
        %rem3A_2065 = arith.constant 0 : i32
        %rem3A_2066 = arith.constant 3 : i32
        %rem3A_2067 = arith.remsi %rem3A_2065, %rem3A_2066 : i32
        %dma_wait3A_2068 = arith.constant 0 : i32
        %dma_wait3A_2069 = arith.constant 0 : i32
        %dma_wait3A_2070 = tpu.memref_slice %arg8[%rem3A_2067, %dma_wait3A_2068, %dma_wait3A_2069] : memref<3x8x4096xf32, #tpu.memory_space<vmem>> -> memref<1x8x4096xf32, #tpu.memory_space<vmem>>
        %dma_wait3A_2071 = tpu.memref_squeeze %dma_wait3A_2070 : memref<1x8x4096xf32, #tpu.memory_space<vmem>> -> memref<8x4096xf32, #tpu.memory_space<vmem>>
        %dma_wait3A_2072 = arith.constant 0 : i32
        %dma_wait3A_2073 = tpu.memref_slice %arg3[%mul3A_2064, %dma_wait3A_2072] : memref<8192x4096xf32, #tpu.memory_space<hbm>> -> memref<8x4096xf32, #tpu.memory_space<hbm>>
        %dma_wait3A_2074 = arith.constant 0 : i32
        %dma_wait3A_2075 = arith.constant 0 : i32
        %dma_wait3A_2076 = tpu.memref_slice %arg8[%rem3A_2067, %dma_wait3A_2074, %dma_wait3A_2075] : memref<3x8x4096xf32, #tpu.memory_space<vmem>> -> memref<1x8x4096xf32, #tpu.memory_space<vmem>>
        %dma_wait3A_2077 = tpu.memref_squeeze %dma_wait3A_2076 : memref<1x8x4096xf32, #tpu.memory_space<vmem>> -> memref<8x4096xf32, #tpu.memory_space<vmem>>
        %dma_wait3A_2078 = arith.constant 0 : i32
        %dma_wait3A_2079 = tpu.memref_slice %arg3[%mul3A_2064, %dma_wait3A_2078] : memref<8192x4096xf32, #tpu.memory_space<hbm>> -> memref<8x4096xf32, #tpu.memory_space<hbm>>
        tpu.wait_dma2 semaphore(%arg10 : memref<!tpu.dma_semaphore, #tpu.memory_space<semaphore_mem>>) src(%dma_wait3A_2079 : memref<8x4096xf32, #tpu.memory_space<hbm>>) dst(%dma_wait3A_2077 : memref<8x4096xf32, #tpu.memory_space<vmem>>)
        %add3A_2080 = arith.constant 1 : i32
        %add3A_2081 = arith.addi %shift_right_logical3A_1360, %add3A_2080 : i32
        %min3A_2082 = arith.constant 1023 : i32
        %min3A_2083 = arith.minsi %add3A_2081, %min3A_2082 : i32
        %mul3A_2084 = arith.constant 8 : i32
        %mul3A_2085 = arith.muli %min3A_2083, %mul3A_2084 : i32
        %rem3A_2086 = arith.constant 3 : i32
        %rem3A_2087 = arith.remsi %add3A_2081, %rem3A_2086 : i32
        %dma_start3A_2088 = arith.constant 0 : i32
        %dma_start3A_2089 = arith.constant 0 : i32
        %dma_start3A_2090 = tpu.memref_slice %arg8[%rem3A_2087, %dma_start3A_2088, %dma_start3A_2089] : memref<3x8x4096xf32, #tpu.memory_space<vmem>> -> memref<1x8x4096xf32, #tpu.memory_space<vmem>>
        %dma_start3A_2091 = tpu.memref_squeeze %dma_start3A_2090 : memref<1x8x4096xf32, #tpu.memory_space<vmem>> -> memref<8x4096xf32, #tpu.memory_space<vmem>>
        %dma_start3A_2092 = arith.constant 0 : i32
        %dma_start3A_2093 = tpu.memref_slice %arg3[%mul3A_2085, %dma_start3A_2092] : memref<8192x4096xf32, #tpu.memory_space<hbm>> -> memref<8x4096xf32, #tpu.memory_space<hbm>>
        %dma_start3A_2094 = arith.constant 0 : i32
        %dma_start3A_2095 = arith.constant 0 : i32
        %dma_start3A_2096 = tpu.memref_slice %arg8[%rem3A_2087, %dma_start3A_2094, %dma_start3A_2095] : memref<3x8x4096xf32, #tpu.memory_space<vmem>> -> memref<1x8x4096xf32, #tpu.memory_space<vmem>>
        %dma_start3A_2097 = tpu.memref_squeeze %dma_start3A_2096 : memref<1x8x4096xf32, #tpu.memory_space<vmem>> -> memref<8x4096xf32, #tpu.memory_space<vmem>>
        %dma_start3A_2098 = arith.constant 0 : i32
        %dma_start3A_2099 = tpu.memref_slice %arg3[%mul3A_2085, %dma_start3A_2098] : memref<8192x4096xf32, #tpu.memory_space<hbm>> -> memref<8x4096xf32, #tpu.memory_space<hbm>>
        tpu.enqueue_dma source(%dma_start3A_2099 : memref<8x4096xf32, #tpu.memory_space<hbm>>) target(%dma_start3A_2097 : memref<8x4096xf32, #tpu.memory_space<vmem>>) target_semaphore(%arg10 : memref<!tpu.dma_semaphore, #tpu.memory_space<semaphore_mem>>)
      } else {
      }
      %eq3A_1365 = arith.constant 2 : i32
      %eq3A_1366 = arith.cmpi eq, %select_n3A_1321, %eq3A_1365 : i32
      %add3A_1367 = arith.constant 1 : i32
      %add3A_1368 = arith.addi %select_n3A_1321, %add3A_1367 : i32
      %jit3A_1369 = arith.constant 0 : i32
      %select_n3A_1370 = arith.select %eq3A_1366, %jit3A_1369, %add3A_1368 : i32
      %select_n3A_1371 = arith.select %ne3A_1361, %select_n3A_1370, %select_n3A_1321 : i32
      %mul3A_1372 = arith.constant 16 : i32
      %mul3A_1373 = arith.muli %scan3A_1236, %mul3A_1372 : i32
      %add3A_1374 = arith.constant 2 : i32
      %add3A_1375 = arith.addi %mul3A_1373, %add3A_1374 : i32
      %and3A_1376 = arith.constant 7 : i32
      %and3A_1377 = arith.andi %squeeze3A_1358, %and3A_1376 : i32
      %add3A_1378 = arith.addi %mul3A_2, %add3A_1375 : i32
      %dma_start3A_1379 = arith.constant 0 : i32
      %dma_start3A_1380 = tpu.memref_slice %arg8[%select_n3A_1371, %and3A_1377, %dma_start3A_1379] : memref<3x8x4096xf32, #tpu.memory_space<vmem>> -> memref<1x1x4096xf32, #tpu.memory_space<vmem>>
      %dma_start3A_1381 = tpu.memref_squeeze %dma_start3A_1380 : memref<1x1x4096xf32, #tpu.memory_space<vmem>> -> memref<4096xf32, #tpu.memory_space<vmem>>
      %dma_start3A_1382 = arith.constant 0 : i32
      %dma_start3A_1383 = tpu.memref_slice %arg4[%add3A_1378, %dma_start3A_1382] : memref<8192x4096xf32, #tpu.memory_space<hbm>> -> memref<1x4096xf32, #tpu.memory_space<hbm>>
      %dma_start3A_1384 = tpu.memref_squeeze %dma_start3A_1383 : memref<1x4096xf32, #tpu.memory_space<hbm>> -> memref<4096xf32, #tpu.memory_space<hbm>>
      %dma_start3A_1385 = arith.constant 0 : i32
      %dma_start3A_1386 = tpu.memref_slice %arg4[%add3A_1378, %dma_start3A_1385] : memref<8192x4096xf32, #tpu.memory_space<hbm>> -> memref<1x4096xf32, #tpu.memory_space<hbm>>
      %dma_start3A_1387 = tpu.memref_squeeze %dma_start3A_1386 : memref<1x4096xf32, #tpu.memory_space<hbm>> -> memref<4096xf32, #tpu.memory_space<hbm>>
      %dma_start3A_1388 = arith.constant 0 : i32
      %dma_start3A_1389 = tpu.memref_slice %arg8[%select_n3A_1371, %and3A_1377, %dma_start3A_1388] : memref<3x8x4096xf32, #tpu.memory_space<vmem>> -> memref<1x1x4096xf32, #tpu.memory_space<vmem>>
      %dma_start3A_1390 = tpu.memref_squeeze %dma_start3A_1389 : memref<1x1x4096xf32, #tpu.memory_space<vmem>> -> memref<4096xf32, #tpu.memory_space<vmem>>
      tpu.enqueue_dma source(%dma_start3A_1390 : memref<4096xf32, #tpu.memory_space<vmem>>) target(%dma_start3A_1387 : memref<4096xf32, #tpu.memory_space<hbm>>) target_semaphore(%arg11 : memref<!tpu.dma_semaphore, #tpu.memory_space<semaphore_mem>>)
      %add3A_1391 = arith.constant 0 : i32
      %add3A_1392 = arith.addi %mul3A_2, %add3A_1391 : i32
      %dma_wait3A_1393 = arith.constant 0 : i32
      %dma_wait3A_1394 = arith.constant 0 : i32
      %dma_wait3A_1395 = arith.constant 0 : i32
      %dma_wait3A_1396 = tpu.memref_slice %arg8[%dma_wait3A_1393, %dma_wait3A_1394, %dma_wait3A_1395] : memref<3x8x4096xf32, #tpu.memory_space<vmem>> -> memref<1x1x4096xf32, #tpu.memory_space<vmem>>
      %dma_wait3A_1397 = tpu.memref_squeeze %dma_wait3A_1396 : memref<1x1x4096xf32, #tpu.memory_space<vmem>> -> memref<4096xf32, #tpu.memory_space<vmem>>
      %dma_wait3A_1398 = arith.constant 0 : i32
      %dma_wait3A_1399 = tpu.memref_slice %arg4[%add3A_1392, %dma_wait3A_1398] : memref<8192x4096xf32, #tpu.memory_space<hbm>> -> memref<1x4096xf32, #tpu.memory_space<hbm>>
      %dma_wait3A_1400 = tpu.memref_squeeze %dma_wait3A_1399 : memref<1x4096xf32, #tpu.memory_space<hbm>> -> memref<4096xf32, #tpu.memory_space<hbm>>
      %dma_wait3A_1401 = arith.constant 0 : i32
      %dma_wait3A_1402 = tpu.memref_slice %arg4[%add3A_1392, %dma_wait3A_1401] : memref<8192x4096xf32, #tpu.memory_space<hbm>> -> memref<1x4096xf32, #tpu.memory_space<hbm>>
      %dma_wait3A_1403 = tpu.memref_squeeze %dma_wait3A_1402 : memref<1x4096xf32, #tpu.memory_space<hbm>> -> memref<4096xf32, #tpu.memory_space<hbm>>
      %dma_wait3A_1404 = arith.constant 0 : i32
      %dma_wait3A_1405 = tpu.memref_slice %arg8[%dma_wait3A_1393, %dma_wait3A_1394, %dma_wait3A_1404] : memref<3x8x4096xf32, #tpu.memory_space<vmem>> -> memref<1x1x4096xf32, #tpu.memory_space<vmem>>
      %dma_wait3A_1406 = tpu.memref_squeeze %dma_wait3A_1405 : memref<1x1x4096xf32, #tpu.memory_space<vmem>> -> memref<4096xf32, #tpu.memory_space<vmem>>
      tpu.wait_dma2 semaphore(%arg11 : memref<!tpu.dma_semaphore, #tpu.memory_space<semaphore_mem>>) src(%dma_wait3A_1406 : memref<4096xf32, #tpu.memory_space<vmem>>) dst(%dma_wait3A_1403 : memref<4096xf32, #tpu.memory_space<hbm>>)
      %slice3A_1407 = vector.extract_strided_slice %max3A_1256 {offsets = [3], sizes = [1], strides = [1]} : vector<16xi32> to vector<1xi32>
      %squeeze3A_1408 = vector.extract %slice3A_1407[0] : i32 from vector<1xi32>
      %shift_right_logical3A_1409 = arith.constant 3 : i32
      %shift_right_logical3A_1410 = arith.shrui %squeeze3A_1408, %shift_right_logical3A_1409 : i32
      %ne3A_1411 = arith.cmpi ne, %shift_right_logical3A_1410, %shift_right_logical3A_1360 : i32
      %convert_element_type3A_1412 = arith.extui %ne3A_1411 : i1 to i32
      %cond3A_1413 = arith.constant 0 : i32
      %cond3A_1414 = arith.cmpi ne, %convert_element_type3A_1412, %cond3A_1413 : i32
      scf.if %cond3A_1414 {
        %min3A_2060 = arith.constant 0 : i32
        %min3A_2061 = arith.constant 1023 : i32
        %min3A_2062 = arith.minsi %min3A_2060, %min3A_2061 : i32
        %mul3A_2063 = arith.constant 8 : i32
        %mul3A_2064 = arith.muli %min3A_2062, %mul3A_2063 : i32
        %rem3A_2065 = arith.constant 0 : i32
        %rem3A_2066 = arith.constant 3 : i32
        %rem3A_2067 = arith.remsi %rem3A_2065, %rem3A_2066 : i32
        %dma_wait3A_2068 = arith.constant 0 : i32
        %dma_wait3A_2069 = arith.constant 0 : i32
        %dma_wait3A_2070 = tpu.memref_slice %arg8[%rem3A_2067, %dma_wait3A_2068, %dma_wait3A_2069] : memref<3x8x4096xf32, #tpu.memory_space<vmem>> -> memref<1x8x4096xf32, #tpu.memory_space<vmem>>
        %dma_wait3A_2071 = tpu.memref_squeeze %dma_wait3A_2070 : memref<1x8x4096xf32, #tpu.memory_space<vmem>> -> memref<8x4096xf32, #tpu.memory_space<vmem>>
        %dma_wait3A_2072 = arith.constant 0 : i32
        %dma_wait3A_2073 = tpu.memref_slice %arg3[%mul3A_2064, %dma_wait3A_2072] : memref<8192x4096xf32, #tpu.memory_space<hbm>> -> memref<8x4096xf32, #tpu.memory_space<hbm>>
        %dma_wait3A_2074 = arith.constant 0 : i32
        %dma_wait3A_2075 = arith.constant 0 : i32
        %dma_wait3A_2076 = tpu.memref_slice %arg8[%rem3A_2067, %dma_wait3A_2074, %dma_wait3A_2075] : memref<3x8x4096xf32, #tpu.memory_space<vmem>> -> memref<1x8x4096xf32, #tpu.memory_space<vmem>>
        %dma_wait3A_2077 = tpu.memref_squeeze %dma_wait3A_2076 : memref<1x8x4096xf32, #tpu.memory_space<vmem>> -> memref<8x4096xf32, #tpu.memory_space<vmem>>
        %dma_wait3A_2078 = arith.constant 0 : i32
        %dma_wait3A_2079 = tpu.memref_slice %arg3[%mul3A_2064, %dma_wait3A_2078] : memref<8192x4096xf32, #tpu.memory_space<hbm>> -> memref<8x4096xf32, #tpu.memory_space<hbm>>
        tpu.wait_dma2 semaphore(%arg10 : memref<!tpu.dma_semaphore, #tpu.memory_space<semaphore_mem>>) src(%dma_wait3A_2079 : memref<8x4096xf32, #tpu.memory_space<hbm>>) dst(%dma_wait3A_2077 : memref<8x4096xf32, #tpu.memory_space<vmem>>)
        %add3A_2080 = arith.constant 1 : i32
        %add3A_2081 = arith.addi %shift_right_logical3A_1410, %add3A_2080 : i32
        %min3A_2082 = arith.constant 1023 : i32
        %min3A_2083 = arith.minsi %add3A_2081, %min3A_2082 : i32
        %mul3A_2084 = arith.constant 8 : i32
        %mul3A_2085 = arith.muli %min3A_2083, %mul3A_2084 : i32
        %rem3A_2086 = arith.constant 3 : i32
        %rem3A_2087 = arith.remsi %add3A_2081, %rem3A_2086 : i32
        %dma_start3A_2088 = arith.constant 0 : i32
        %dma_start3A_2089 = arith.constant 0 : i32
        %dma_start3A_2090 = tpu.memref_slice %arg8[%rem3A_2087, %dma_start3A_2088, %dma_start3A_2089] : memref<3x8x4096xf32, #tpu.memory_space<vmem>> -> memref<1x8x4096xf32, #tpu.memory_space<vmem>>
        %dma_start3A_2091 = tpu.memref_squeeze %dma_start3A_2090 : memref<1x8x4096xf32, #tpu.memory_space<vmem>> -> memref<8x4096xf32, #tpu.memory_space<vmem>>
        %dma_start3A_2092 = arith.constant 0 : i32
        %dma_start3A_2093 = tpu.memref_slice %arg3[%mul3A_2085, %dma_start3A_2092] : memref<8192x4096xf32, #tpu.memory_space<hbm>> -> memref<8x4096xf32, #tpu.memory_space<hbm>>
        %dma_start3A_2094 = arith.constant 0 : i32
        %dma_start3A_2095 = arith.constant 0 : i32
        %dma_start3A_2096 = tpu.memref_slice %arg8[%rem3A_2087, %dma_start3A_2094, %dma_start3A_2095] : memref<3x8x4096xf32, #tpu.memory_space<vmem>> -> memref<1x8x4096xf32, #tpu.memory_space<vmem>>
        %dma_start3A_2097 = tpu.memref_squeeze %dma_start3A_2096 : memref<1x8x4096xf32, #tpu.memory_space<vmem>> -> memref<8x4096xf32, #tpu.memory_space<vmem>>
        %dma_start3A_2098 = arith.constant 0 : i32
        %dma_start3A_2099 = tpu.memref_slice %arg3[%mul3A_2085, %dma_start3A_2098] : memref<8192x4096xf32, #tpu.memory_space<hbm>> -> memref<8x4096xf32, #tpu.memory_space<hbm>>
        tpu.enqueue_dma source(%dma_start3A_2099 : memref<8x4096xf32, #tpu.memory_space<hbm>>) target(%dma_start3A_2097 : memref<8x4096xf32, #tpu.memory_space<vmem>>) target_semaphore(%arg10 : memref<!tpu.dma_semaphore, #tpu.memory_space<semaphore_mem>>)
      } else {
      }
      %eq3A_1415 = arith.constant 2 : i32
      %eq3A_1416 = arith.cmpi eq, %select_n3A_1371, %eq3A_1415 : i32
      %add3A_1417 = arith.constant 1 : i32
      %add3A_1418 = arith.addi %select_n3A_1371, %add3A_1417 : i32
      %jit3A_1419 = arith.constant 0 : i32
      %select_n3A_1420 = arith.select %eq3A_1416, %jit3A_1419, %add3A_1418 : i32
      %select_n3A_1421 = arith.select %ne3A_1411, %select_n3A_1420, %select_n3A_1371 : i32
      %mul3A_1422 = arith.constant 16 : i32
      %mul3A_1423 = arith.muli %scan3A_1236, %mul3A_1422 : i32
      %add3A_1424 = arith.constant 3 : i32
      %add3A_1425 = arith.addi %mul3A_1423, %add3A_1424 : i32
      %and3A_1426 = arith.constant 7 : i32
      %and3A_1427 = arith.andi %squeeze3A_1408, %and3A_1426 : i32
      %add3A_1428 = arith.addi %mul3A_2, %add3A_1425 : i32
      %dma_start3A_1429 = arith.constant 0 : i32
      %dma_start3A_1430 = tpu.memref_slice %arg8[%select_n3A_1421, %and3A_1427, %dma_start3A_1429] : memref<3x8x4096xf32, #tpu.memory_space<vmem>> -> memref<1x1x4096xf32, #tpu.memory_space<vmem>>
      %dma_start3A_1431 = tpu.memref_squeeze %dma_start3A_1430 : memref<1x1x4096xf32, #tpu.memory_space<vmem>> -> memref<4096xf32, #tpu.memory_space<vmem>>
      %dma_start3A_1432 = arith.constant 0 : i32
      %dma_start3A_1433 = tpu.memref_slice %arg4[%add3A_1428, %dma_start3A_1432] : memref<8192x4096xf32, #tpu.memory_space<hbm>> -> memref<1x4096xf32, #tpu.memory_space<hbm>>
      %dma_start3A_1434 = tpu.memref_squeeze %dma_start3A_1433 : memref<1x4096xf32, #tpu.memory_space<hbm>> -> memref<4096xf32, #tpu.memory_space<hbm>>
      %dma_start3A_1435 = arith.constant 0 : i32
      %dma_start3A_1436 = tpu.memref_slice %arg4[%add3A_1428, %dma_start3A_1435] : memref<8192x4096xf32, #tpu.memory_space<hbm>> -> memref<1x4096xf32, #tpu.memory_space<hbm>>
      %dma_start3A_1437 = tpu.memref_squeeze %dma_start3A_1436 : memref<1x4096xf32, #tpu.memory_space<hbm>> -> memref<4096xf32, #tpu.memory_space<hbm>>
      %dma_start3A_1438 = arith.constant 0 : i32
      %dma_start3A_1439 = tpu.memref_slice %arg8[%select_n3A_1421, %and3A_1427, %dma_start3A_1438] : memref<3x8x4096xf32, #tpu.memory_space<vmem>> -> memref<1x1x4096xf32, #tpu.memory_space<vmem>>
      %dma_start3A_1440 = tpu.memref_squeeze %dma_start3A_1439 : memref<1x1x4096xf32, #tpu.memory_space<vmem>> -> memref<4096xf32, #tpu.memory_space<vmem>>
      tpu.enqueue_dma source(%dma_start3A_1440 : memref<4096xf32, #tpu.memory_space<vmem>>) target(%dma_start3A_1437 : memref<4096xf32, #tpu.memory_space<hbm>>) target_semaphore(%arg11 : memref<!tpu.dma_semaphore, #tpu.memory_space<semaphore_mem>>)
      %add3A_1441 = arith.constant 0 : i32
      %add3A_1442 = arith.addi %mul3A_2, %add3A_1441 : i32
      %dma_wait3A_1443 = arith.constant 0 : i32
      %dma_wait3A_1444 = arith.constant 0 : i32
      %dma_wait3A_1445 = arith.constant 0 : i32
      %dma_wait3A_1446 = tpu.memref_slice %arg8[%dma_wait3A_1443, %dma_wait3A_1444, %dma_wait3A_1445] : memref<3x8x4096xf32, #tpu.memory_space<vmem>> -> memref<1x1x4096xf32, #tpu.memory_space<vmem>>
      %dma_wait3A_1447 = tpu.memref_squeeze %dma_wait3A_1446 : memref<1x1x4096xf32, #tpu.memory_space<vmem>> -> memref<4096xf32, #tpu.memory_space<vmem>>
      %dma_wait3A_1448 = arith.constant 0 : i32
      %dma_wait3A_1449 = tpu.memref_slice %arg4[%add3A_1442, %dma_wait3A_1448] : memref<8192x4096xf32, #tpu.memory_space<hbm>> -> memref<1x4096xf32, #tpu.memory_space<hbm>>
      %dma_wait3A_1450 = tpu.memref_squeeze %dma_wait3A_1449 : memref<1x4096xf32, #tpu.memory_space<hbm>> -> memref<4096xf32, #tpu.memory_space<hbm>>
      %dma_wait3A_1451 = arith.constant 0 : i32
      %dma_wait3A_1452 = tpu.memref_slice %arg4[%add3A_1442, %dma_wait3A_1451] : memref<8192x4096xf32, #tpu.memory_space<hbm>> -> memref<1x4096xf32, #tpu.memory_space<hbm>>
      %dma_wait3A_1453 = tpu.memref_squeeze %dma_wait3A_1452 : memref<1x4096xf32, #tpu.memory_space<hbm>> -> memref<4096xf32, #tpu.memory_space<hbm>>
      %dma_wait3A_1454 = arith.constant 0 : i32
      %dma_wait3A_1455 = tpu.memref_slice %arg8[%dma_wait3A_1443, %dma_wait3A_1444, %dma_wait3A_1454] : memref<3x8x4096xf32, #tpu.memory_space<vmem>> -> memref<1x1x4096xf32, #tpu.memory_space<vmem>>
      %dma_wait3A_1456 = tpu.memref_squeeze %dma_wait3A_1455 : memref<1x1x4096xf32, #tpu.memory_space<vmem>> -> memref<4096xf32, #tpu.memory_space<vmem>>
      tpu.wait_dma2 semaphore(%arg11 : memref<!tpu.dma_semaphore, #tpu.memory_space<semaphore_mem>>) src(%dma_wait3A_1456 : memref<4096xf32, #tpu.memory_space<vmem>>) dst(%dma_wait3A_1453 : memref<4096xf32, #tpu.memory_space<hbm>>)
      %slice3A_1457 = vector.extract_strided_slice %max3A_1256 {offsets = [4], sizes = [1], strides = [1]} : vector<16xi32> to vector<1xi32>
      %squeeze3A_1458 = vector.extract %slice3A_1457[0] : i32 from vector<1xi32>
      %shift_right_logical3A_1459 = arith.constant 3 : i32
      %shift_right_logical3A_1460 = arith.shrui %squeeze3A_1458, %shift_right_logical3A_1459 : i32
      %ne3A_1461 = arith.cmpi ne, %shift_right_logical3A_1460, %shift_right_logical3A_1410 : i32
      %convert_element_type3A_1462 = arith.extui %ne3A_1461 : i1 to i32
      %cond3A_1463 = arith.constant 0 : i32
      %cond3A_1464 = arith.cmpi ne, %convert_element_type3A_1462, %cond3A_1463 : i32
      scf.if %cond3A_1464 {
        %min3A_2060 = arith.constant 0 : i32
        %min3A_2061 = arith.constant 1023 : i32
        %min3A_2062 = arith.minsi %min3A_2060, %min3A_2061 : i32
        %mul3A_2063 = arith.constant 8 : i32
        %mul3A_2064 = arith.muli %min3A_2062, %mul3A_2063 : i32
        %rem3A_2065 = arith.constant 0 : i32
        %rem3A_2066 = arith.constant 3 : i32
        %rem3A_2067 = arith.remsi %rem3A_2065, %rem3A_2066 : i32
        %dma_wait3A_2068 = arith.constant 0 : i32
        %dma_wait3A_2069 = arith.constant 0 : i32
        %dma_wait3A_2070 = tpu.memref_slice %arg8[%rem3A_2067, %dma_wait3A_2068, %dma_wait3A_2069] : memref<3x8x4096xf32, #tpu.memory_space<vmem>> -> memref<1x8x4096xf32, #tpu.memory_space<vmem>>
        %dma_wait3A_2071 = tpu.memref_squeeze %dma_wait3A_2070 : memref<1x8x4096xf32, #tpu.memory_space<vmem>> -> memref<8x4096xf32, #tpu.memory_space<vmem>>
        %dma_wait3A_2072 = arith.constant 0 : i32
        %dma_wait3A_2073 = tpu.memref_slice %arg3[%mul3A_2064, %dma_wait3A_2072] : memref<8192x4096xf32, #tpu.memory_space<hbm>> -> memref<8x4096xf32, #tpu.memory_space<hbm>>
        %dma_wait3A_2074 = arith.constant 0 : i32
        %dma_wait3A_2075 = arith.constant 0 : i32
        %dma_wait3A_2076 = tpu.memref_slice %arg8[%rem3A_2067, %dma_wait3A_2074, %dma_wait3A_2075] : memref<3x8x4096xf32, #tpu.memory_space<vmem>> -> memref<1x8x4096xf32, #tpu.memory_space<vmem>>
        %dma_wait3A_2077 = tpu.memref_squeeze %dma_wait3A_2076 : memref<1x8x4096xf32, #tpu.memory_space<vmem>> -> memref<8x4096xf32, #tpu.memory_space<vmem>>
        %dma_wait3A_2078 = arith.constant 0 : i32
        %dma_wait3A_2079 = tpu.memref_slice %arg3[%mul3A_2064, %dma_wait3A_2078] : memref<8192x4096xf32, #tpu.memory_space<hbm>> -> memref<8x4096xf32, #tpu.memory_space<hbm>>
        tpu.wait_dma2 semaphore(%arg10 : memref<!tpu.dma_semaphore, #tpu.memory_space<semaphore_mem>>) src(%dma_wait3A_2079 : memref<8x4096xf32, #tpu.memory_space<hbm>>) dst(%dma_wait3A_2077 : memref<8x4096xf32, #tpu.memory_space<vmem>>)
        %add3A_2080 = arith.constant 1 : i32
        %add3A_2081 = arith.addi %shift_right_logical3A_1460, %add3A_2080 : i32
        %min3A_2082 = arith.constant 1023 : i32
        %min3A_2083 = arith.minsi %add3A_2081, %min3A_2082 : i32
        %mul3A_2084 = arith.constant 8 : i32
        %mul3A_2085 = arith.muli %min3A_2083, %mul3A_2084 : i32
        %rem3A_2086 = arith.constant 3 : i32
        %rem3A_2087 = arith.remsi %add3A_2081, %rem3A_2086 : i32
        %dma_start3A_2088 = arith.constant 0 : i32
        %dma_start3A_2089 = arith.constant 0 : i32
        %dma_start3A_2090 = tpu.memref_slice %arg8[%rem3A_2087, %dma_start3A_2088, %dma_start3A_2089] : memref<3x8x4096xf32, #tpu.memory_space<vmem>> -> memref<1x8x4096xf32, #tpu.memory_space<vmem>>
        %dma_start3A_2091 = tpu.memref_squeeze %dma_start3A_2090 : memref<1x8x4096xf32, #tpu.memory_space<vmem>> -> memref<8x4096xf32, #tpu.memory_space<vmem>>
        %dma_start3A_2092 = arith.constant 0 : i32
        %dma_start3A_2093 = tpu.memref_slice %arg3[%mul3A_2085, %dma_start3A_2092] : memref<8192x4096xf32, #tpu.memory_space<hbm>> -> memref<8x4096xf32, #tpu.memory_space<hbm>>
        %dma_start3A_2094 = arith.constant 0 : i32
        %dma_start3A_2095 = arith.constant 0 : i32
        %dma_start3A_2096 = tpu.memref_slice %arg8[%rem3A_2087, %dma_start3A_2094, %dma_start3A_2095] : memref<3x8x4096xf32, #tpu.memory_space<vmem>> -> memref<1x8x4096xf32, #tpu.memory_space<vmem>>
        %dma_start3A_2097 = tpu.memref_squeeze %dma_start3A_2096 : memref<1x8x4096xf32, #tpu.memory_space<vmem>> -> memref<8x4096xf32, #tpu.memory_space<vmem>>
        %dma_start3A_2098 = arith.constant 0 : i32
        %dma_start3A_2099 = tpu.memref_slice %arg3[%mul3A_2085, %dma_start3A_2098] : memref<8192x4096xf32, #tpu.memory_space<hbm>> -> memref<8x4096xf32, #tpu.memory_space<hbm>>
        tpu.enqueue_dma source(%dma_start3A_2099 : memref<8x4096xf32, #tpu.memory_space<hbm>>) target(%dma_start3A_2097 : memref<8x4096xf32, #tpu.memory_space<vmem>>) target_semaphore(%arg10 : memref<!tpu.dma_semaphore, #tpu.memory_space<semaphore_mem>>)
      } else {
      }
      %eq3A_1465 = arith.constant 2 : i32
      %eq3A_1466 = arith.cmpi eq, %select_n3A_1421, %eq3A_1465 : i32
      %add3A_1467 = arith.constant 1 : i32
      %add3A_1468 = arith.addi %select_n3A_1421, %add3A_1467 : i32
      %jit3A_1469 = arith.constant 0 : i32
      %select_n3A_1470 = arith.select %eq3A_1466, %jit3A_1469, %add3A_1468 : i32
      %select_n3A_1471 = arith.select %ne3A_1461, %select_n3A_1470, %select_n3A_1421 : i32
      %mul3A_1472 = arith.constant 16 : i32
      %mul3A_1473 = arith.muli %scan3A_1236, %mul3A_1472 : i32
      %add3A_1474 = arith.constant 4 : i32
      %add3A_1475 = arith.addi %mul3A_1473, %add3A_1474 : i32
      %and3A_1476 = arith.constant 7 : i32
      %and3A_1477 = arith.andi %squeeze3A_1458, %and3A_1476 : i32
      %add3A_1478 = arith.addi %mul3A_2, %add3A_1475 : i32
      %dma_start3A_1479 = arith.constant 0 : i32
      %dma_start3A_1480 = tpu.memref_slice %arg8[%select_n3A_1471, %and3A_1477, %dma_start3A_1479] : memref<3x8x4096xf32, #tpu.memory_space<vmem>> -> memref<1x1x4096xf32, #tpu.memory_space<vmem>>
      %dma_start3A_1481 = tpu.memref_squeeze %dma_start3A_1480 : memref<1x1x4096xf32, #tpu.memory_space<vmem>> -> memref<4096xf32, #tpu.memory_space<vmem>>
      %dma_start3A_1482 = arith.constant 0 : i32
      %dma_start3A_1483 = tpu.memref_slice %arg4[%add3A_1478, %dma_start3A_1482] : memref<8192x4096xf32, #tpu.memory_space<hbm>> -> memref<1x4096xf32, #tpu.memory_space<hbm>>
      %dma_start3A_1484 = tpu.memref_squeeze %dma_start3A_1483 : memref<1x4096xf32, #tpu.memory_space<hbm>> -> memref<4096xf32, #tpu.memory_space<hbm>>
      %dma_start3A_1485 = arith.constant 0 : i32
      %dma_start3A_1486 = tpu.memref_slice %arg4[%add3A_1478, %dma_start3A_1485] : memref<8192x4096xf32, #tpu.memory_space<hbm>> -> memref<1x4096xf32, #tpu.memory_space<hbm>>
      %dma_start3A_1487 = tpu.memref_squeeze %dma_start3A_1486 : memref<1x4096xf32, #tpu.memory_space<hbm>> -> memref<4096xf32, #tpu.memory_space<hbm>>
      %dma_start3A_1488 = arith.constant 0 : i32
      %dma_start3A_1489 = tpu.memref_slice %arg8[%select_n3A_1471, %and3A_1477, %dma_start3A_1488] : memref<3x8x4096xf32, #tpu.memory_space<vmem>> -> memref<1x1x4096xf32, #tpu.memory_space<vmem>>
      %dma_start3A_1490 = tpu.memref_squeeze %dma_start3A_1489 : memref<1x1x4096xf32, #tpu.memory_space<vmem>> -> memref<4096xf32, #tpu.memory_space<vmem>>
      tpu.enqueue_dma source(%dma_start3A_1490 : memref<4096xf32, #tpu.memory_space<vmem>>) target(%dma_start3A_1487 : memref<4096xf32, #tpu.memory_space<hbm>>) target_semaphore(%arg11 : memref<!tpu.dma_semaphore, #tpu.memory_space<semaphore_mem>>)
      %add3A_1491 = arith.constant 0 : i32
      %add3A_1492 = arith.addi %mul3A_2, %add3A_1491 : i32
      %dma_wait3A_1493 = arith.constant 0 : i32
      %dma_wait3A_1494 = arith.constant 0 : i32
      %dma_wait3A_1495 = arith.constant 0 : i32
      %dma_wait3A_1496 = tpu.memref_slice %arg8[%dma_wait3A_1493, %dma_wait3A_1494, %dma_wait3A_1495] : memref<3x8x4096xf32, #tpu.memory_space<vmem>> -> memref<1x1x4096xf32, #tpu.memory_space<vmem>>
      %dma_wait3A_1497 = tpu.memref_squeeze %dma_wait3A_1496 : memref<1x1x4096xf32, #tpu.memory_space<vmem>> -> memref<4096xf32, #tpu.memory_space<vmem>>
      %dma_wait3A_1498 = arith.constant 0 : i32
      %dma_wait3A_1499 = tpu.memref_slice %arg4[%add3A_1492, %dma_wait3A_1498] : memref<8192x4096xf32, #tpu.memory_space<hbm>> -> memref<1x4096xf32, #tpu.memory_space<hbm>>
      %dma_wait3A_1500 = tpu.memref_squeeze %dma_wait3A_1499 : memref<1x4096xf32, #tpu.memory_space<hbm>> -> memref<4096xf32, #tpu.memory_space<hbm>>
      %dma_wait3A_1501 = arith.constant 0 : i32
      %dma_wait3A_1502 = tpu.memref_slice %arg4[%add3A_1492, %dma_wait3A_1501] : memref<8192x4096xf32, #tpu.memory_space<hbm>> -> memref<1x4096xf32, #tpu.memory_space<hbm>>
      %dma_wait3A_1503 = tpu.memref_squeeze %dma_wait3A_1502 : memref<1x4096xf32, #tpu.memory_space<hbm>> -> memref<4096xf32, #tpu.memory_space<hbm>>
      %dma_wait3A_1504 = arith.constant 0 : i32
      %dma_wait3A_1505 = tpu.memref_slice %arg8[%dma_wait3A_1493, %dma_wait3A_1494, %dma_wait3A_1504] : memref<3x8x4096xf32, #tpu.memory_space<vmem>> -> memref<1x1x4096xf32, #tpu.memory_space<vmem>>
      %dma_wait3A_1506 = tpu.memref_squeeze %dma_wait3A_1505 : memref<1x1x4096xf32, #tpu.memory_space<vmem>> -> memref<4096xf32, #tpu.memory_space<vmem>>
      tpu.wait_dma2 semaphore(%arg11 : memref<!tpu.dma_semaphore, #tpu.memory_space<semaphore_mem>>) src(%dma_wait3A_1506 : memref<4096xf32, #tpu.memory_space<vmem>>) dst(%dma_wait3A_1503 : memref<4096xf32, #tpu.memory_space<hbm>>)
      %slice3A_1507 = vector.extract_strided_slice %max3A_1256 {offsets = [5], sizes = [1], strides = [1]} : vector<16xi32> to vector<1xi32>
      %squeeze3A_1508 = vector.extract %slice3A_1507[0] : i32 from vector<1xi32>
      %shift_right_logical3A_1509 = arith.constant 3 : i32
      %shift_right_logical3A_1510 = arith.shrui %squeeze3A_1508, %shift_right_logical3A_1509 : i32
      %ne3A_1511 = arith.cmpi ne, %shift_right_logical3A_1510, %shift_right_logical3A_1460 : i32
      %convert_element_type3A_1512 = arith.extui %ne3A_1511 : i1 to i32
      %cond3A_1513 = arith.constant 0 : i32
      %cond3A_1514 = arith.cmpi ne, %convert_element_type3A_1512, %cond3A_1513 : i32
      scf.if %cond3A_1514 {
        %min3A_2060 = arith.constant 0 : i32
        %min3A_2061 = arith.constant 1023 : i32
        %min3A_2062 = arith.minsi %min3A_2060, %min3A_2061 : i32
        %mul3A_2063 = arith.constant 8 : i32
        %mul3A_2064 = arith.muli %min3A_2062, %mul3A_2063 : i32
        %rem3A_2065 = arith.constant 0 : i32
        %rem3A_2066 = arith.constant 3 : i32
        %rem3A_2067 = arith.remsi %rem3A_2065, %rem3A_2066 : i32
        %dma_wait3A_2068 = arith.constant 0 : i32
        %dma_wait3A_2069 = arith.constant 0 : i32
        %dma_wait3A_2070 = tpu.memref_slice %arg8[%rem3A_2067, %dma_wait3A_2068, %dma_wait3A_2069] : memref<3x8x4096xf32, #tpu.memory_space<vmem>> -> memref<1x8x4096xf32, #tpu.memory_space<vmem>>
        %dma_wait3A_2071 = tpu.memref_squeeze %dma_wait3A_2070 : memref<1x8x4096xf32, #tpu.memory_space<vmem>> -> memref<8x4096xf32, #tpu.memory_space<vmem>>
        %dma_wait3A_2072 = arith.constant 0 : i32
        %dma_wait3A_2073 = tpu.memref_slice %arg3[%mul3A_2064, %dma_wait3A_2072] : memref<8192x4096xf32, #tpu.memory_space<hbm>> -> memref<8x4096xf32, #tpu.memory_space<hbm>>
        %dma_wait3A_2074 = arith.constant 0 : i32
        %dma_wait3A_2075 = arith.constant 0 : i32
        %dma_wait3A_2076 = tpu.memref_slice %arg8[%rem3A_2067, %dma_wait3A_2074, %dma_wait3A_2075] : memref<3x8x4096xf32, #tpu.memory_space<vmem>> -> memref<1x8x4096xf32, #tpu.memory_space<vmem>>
        %dma_wait3A_2077 = tpu.memref_squeeze %dma_wait3A_2076 : memref<1x8x4096xf32, #tpu.memory_space<vmem>> -> memref<8x4096xf32, #tpu.memory_space<vmem>>
        %dma_wait3A_2078 = arith.constant 0 : i32
        %dma_wait3A_2079 = tpu.memref_slice %arg3[%mul3A_2064, %dma_wait3A_2078] : memref<8192x4096xf32, #tpu.memory_space<hbm>> -> memref<8x4096xf32, #tpu.memory_space<hbm>>
        tpu.wait_dma2 semaphore(%arg10 : memref<!tpu.dma_semaphore, #tpu.memory_space<semaphore_mem>>) src(%dma_wait3A_2079 : memref<8x4096xf32, #tpu.memory_space<hbm>>) dst(%dma_wait3A_2077 : memref<8x4096xf32, #tpu.memory_space<vmem>>)
        %add3A_2080 = arith.constant 1 : i32
        %add3A_2081 = arith.addi %shift_right_logical3A_1510, %add3A_2080 : i32
        %min3A_2082 = arith.constant 1023 : i32
        %min3A_2083 = arith.minsi %add3A_2081, %min3A_2082 : i32
        %mul3A_2084 = arith.constant 8 : i32
        %mul3A_2085 = arith.muli %min3A_2083, %mul3A_2084 : i32
        %rem3A_2086 = arith.constant 3 : i32
        %rem3A_2087 = arith.remsi %add3A_2081, %rem3A_2086 : i32
        %dma_start3A_2088 = arith.constant 0 : i32
        %dma_start3A_2089 = arith.constant 0 : i32
        %dma_start3A_2090 = tpu.memref_slice %arg8[%rem3A_2087, %dma_start3A_2088, %dma_start3A_2089] : memref<3x8x4096xf32, #tpu.memory_space<vmem>> -> memref<1x8x4096xf32, #tpu.memory_space<vmem>>
        %dma_start3A_2091 = tpu.memref_squeeze %dma_start3A_2090 : memref<1x8x4096xf32, #tpu.memory_space<vmem>> -> memref<8x4096xf32, #tpu.memory_space<vmem>>
        %dma_start3A_2092 = arith.constant 0 : i32
        %dma_start3A_2093 = tpu.memref_slice %arg3[%mul3A_2085, %dma_start3A_2092] : memref<8192x4096xf32, #tpu.memory_space<hbm>> -> memref<8x4096xf32, #tpu.memory_space<hbm>>
        %dma_start3A_2094 = arith.constant 0 : i32
        %dma_start3A_2095 = arith.constant 0 : i32
        %dma_start3A_2096 = tpu.memref_slice %arg8[%rem3A_2087, %dma_start3A_2094, %dma_start3A_2095] : memref<3x8x4096xf32, #tpu.memory_space<vmem>> -> memref<1x8x4096xf32, #tpu.memory_space<vmem>>
        %dma_start3A_2097 = tpu.memref_squeeze %dma_start3A_2096 : memref<1x8x4096xf32, #tpu.memory_space<vmem>> -> memref<8x4096xf32, #tpu.memory_space<vmem>>
        %dma_start3A_2098 = arith.constant 0 : i32
        %dma_start3A_2099 = tpu.memref_slice %arg3[%mul3A_2085, %dma_start3A_2098] : memref<8192x4096xf32, #tpu.memory_space<hbm>> -> memref<8x4096xf32, #tpu.memory_space<hbm>>
        tpu.enqueue_dma source(%dma_start3A_2099 : memref<8x4096xf32, #tpu.memory_space<hbm>>) target(%dma_start3A_2097 : memref<8x4096xf32, #tpu.memory_space<vmem>>) target_semaphore(%arg10 : memref<!tpu.dma_semaphore, #tpu.memory_space<semaphore_mem>>)
      } else {
      }
      %eq3A_1515 = arith.constant 2 : i32
      %eq3A_1516 = arith.cmpi eq, %select_n3A_1471, %eq3A_1515 : i32
      %add3A_1517 = arith.constant 1 : i32
      %add3A_1518 = arith.addi %select_n3A_1471, %add3A_1517 : i32
      %jit3A_1519 = arith.constant 0 : i32
      %select_n3A_1520 = arith.select %eq3A_1516, %jit3A_1519, %add3A_1518 : i32
      %select_n3A_1521 = arith.select %ne3A_1511, %select_n3A_1520, %select_n3A_1471 : i32
      %mul3A_1522 = arith.constant 16 : i32
      %mul3A_1523 = arith.muli %scan3A_1236, %mul3A_1522 : i32
      %add3A_1524 = arith.constant 5 : i32
      %add3A_1525 = arith.addi %mul3A_1523, %add3A_1524 : i32
      %and3A_1526 = arith.constant 7 : i32
      %and3A_1527 = arith.andi %squeeze3A_1508, %and3A_1526 : i32
      %add3A_1528 = arith.addi %mul3A_2, %add3A_1525 : i32
      %dma_start3A_1529 = arith.constant 0 : i32
      %dma_start3A_1530 = tpu.memref_slice %arg8[%select_n3A_1521, %and3A_1527, %dma_start3A_1529] : memref<3x8x4096xf32, #tpu.memory_space<vmem>> -> memref<1x1x4096xf32, #tpu.memory_space<vmem>>
      %dma_start3A_1531 = tpu.memref_squeeze %dma_start3A_1530 : memref<1x1x4096xf32, #tpu.memory_space<vmem>> -> memref<4096xf32, #tpu.memory_space<vmem>>
      %dma_start3A_1532 = arith.constant 0 : i32
      %dma_start3A_1533 = tpu.memref_slice %arg4[%add3A_1528, %dma_start3A_1532] : memref<8192x4096xf32, #tpu.memory_space<hbm>> -> memref<1x4096xf32, #tpu.memory_space<hbm>>
      %dma_start3A_1534 = tpu.memref_squeeze %dma_start3A_1533 : memref<1x4096xf32, #tpu.memory_space<hbm>> -> memref<4096xf32, #tpu.memory_space<hbm>>
      %dma_start3A_1535 = arith.constant 0 : i32
      %dma_start3A_1536 = tpu.memref_slice %arg4[%add3A_1528, %dma_start3A_1535] : memref<8192x4096xf32, #tpu.memory_space<hbm>> -> memref<1x4096xf32, #tpu.memory_space<hbm>>
      %dma_start3A_1537 = tpu.memref_squeeze %dma_start3A_1536 : memref<1x4096xf32, #tpu.memory_space<hbm>> -> memref<4096xf32, #tpu.memory_space<hbm>>
      %dma_start3A_1538 = arith.constant 0 : i32
      %dma_start3A_1539 = tpu.memref_slice %arg8[%select_n3A_1521, %and3A_1527, %dma_start3A_1538] : memref<3x8x4096xf32, #tpu.memory_space<vmem>> -> memref<1x1x4096xf32, #tpu.memory_space<vmem>>
      %dma_start3A_1540 = tpu.memref_squeeze %dma_start3A_1539 : memref<1x1x4096xf32, #tpu.memory_space<vmem>> -> memref<4096xf32, #tpu.memory_space<vmem>>
      tpu.enqueue_dma source(%dma_start3A_1540 : memref<4096xf32, #tpu.memory_space<vmem>>) target(%dma_start3A_1537 : memref<4096xf32, #tpu.memory_space<hbm>>) target_semaphore(%arg11 : memref<!tpu.dma_semaphore, #tpu.memory_space<semaphore_mem>>)
      %add3A_1541 = arith.constant 0 : i32
      %add3A_1542 = arith.addi %mul3A_2, %add3A_1541 : i32
      %dma_wait3A_1543 = arith.constant 0 : i32
      %dma_wait3A_1544 = arith.constant 0 : i32
      %dma_wait3A_1545 = arith.constant 0 : i32
      %dma_wait3A_1546 = tpu.memref_slice %arg8[%dma_wait3A_1543, %dma_wait3A_1544, %dma_wait3A_1545] : memref<3x8x4096xf32, #tpu.memory_space<vmem>> -> memref<1x1x4096xf32, #tpu.memory_space<vmem>>
      %dma_wait3A_1547 = tpu.memref_squeeze %dma_wait3A_1546 : memref<1x1x4096xf32, #tpu.memory_space<vmem>> -> memref<4096xf32, #tpu.memory_space<vmem>>
      %dma_wait3A_1548 = arith.constant 0 : i32
      %dma_wait3A_1549 = tpu.memref_slice %arg4[%add3A_1542, %dma_wait3A_1548] : memref<8192x4096xf32, #tpu.memory_space<hbm>> -> memref<1x4096xf32, #tpu.memory_space<hbm>>
      %dma_wait3A_1550 = tpu.memref_squeeze %dma_wait3A_1549 : memref<1x4096xf32, #tpu.memory_space<hbm>> -> memref<4096xf32, #tpu.memory_space<hbm>>
      %dma_wait3A_1551 = arith.constant 0 : i32
      %dma_wait3A_1552 = tpu.memref_slice %arg4[%add3A_1542, %dma_wait3A_1551] : memref<8192x4096xf32, #tpu.memory_space<hbm>> -> memref<1x4096xf32, #tpu.memory_space<hbm>>
      %dma_wait3A_1553 = tpu.memref_squeeze %dma_wait3A_1552 : memref<1x4096xf32, #tpu.memory_space<hbm>> -> memref<4096xf32, #tpu.memory_space<hbm>>
      %dma_wait3A_1554 = arith.constant 0 : i32
      %dma_wait3A_1555 = tpu.memref_slice %arg8[%dma_wait3A_1543, %dma_wait3A_1544, %dma_wait3A_1554] : memref<3x8x4096xf32, #tpu.memory_space<vmem>> -> memref<1x1x4096xf32, #tpu.memory_space<vmem>>
      %dma_wait3A_1556 = tpu.memref_squeeze %dma_wait3A_1555 : memref<1x1x4096xf32, #tpu.memory_space<vmem>> -> memref<4096xf32, #tpu.memory_space<vmem>>
      tpu.wait_dma2 semaphore(%arg11 : memref<!tpu.dma_semaphore, #tpu.memory_space<semaphore_mem>>) src(%dma_wait3A_1556 : memref<4096xf32, #tpu.memory_space<vmem>>) dst(%dma_wait3A_1553 : memref<4096xf32, #tpu.memory_space<hbm>>)
      %slice3A_1557 = vector.extract_strided_slice %max3A_1256 {offsets = [6], sizes = [1], strides = [1]} : vector<16xi32> to vector<1xi32>
      %squeeze3A_1558 = vector.extract %slice3A_1557[0] : i32 from vector<1xi32>
      %shift_right_logical3A_1559 = arith.constant 3 : i32
      %shift_right_logical3A_1560 = arith.shrui %squeeze3A_1558, %shift_right_logical3A_1559 : i32
      %ne3A_1561 = arith.cmpi ne, %shift_right_logical3A_1560, %shift_right_logical3A_1510 : i32
      %convert_element_type3A_1562 = arith.extui %ne3A_1561 : i1 to i32
      %cond3A_1563 = arith.constant 0 : i32
      %cond3A_1564 = arith.cmpi ne, %convert_element_type3A_1562, %cond3A_1563 : i32
      scf.if %cond3A_1564 {
        %min3A_2060 = arith.constant 0 : i32
        %min3A_2061 = arith.constant 1023 : i32
        %min3A_2062 = arith.minsi %min3A_2060, %min3A_2061 : i32
        %mul3A_2063 = arith.constant 8 : i32
        %mul3A_2064 = arith.muli %min3A_2062, %mul3A_2063 : i32
        %rem3A_2065 = arith.constant 0 : i32
        %rem3A_2066 = arith.constant 3 : i32
        %rem3A_2067 = arith.remsi %rem3A_2065, %rem3A_2066 : i32
        %dma_wait3A_2068 = arith.constant 0 : i32
        %dma_wait3A_2069 = arith.constant 0 : i32
        %dma_wait3A_2070 = tpu.memref_slice %arg8[%rem3A_2067, %dma_wait3A_2068, %dma_wait3A_2069] : memref<3x8x4096xf32, #tpu.memory_space<vmem>> -> memref<1x8x4096xf32, #tpu.memory_space<vmem>>
        %dma_wait3A_2071 = tpu.memref_squeeze %dma_wait3A_2070 : memref<1x8x4096xf32, #tpu.memory_space<vmem>> -> memref<8x4096xf32, #tpu.memory_space<vmem>>
        %dma_wait3A_2072 = arith.constant 0 : i32
        %dma_wait3A_2073 = tpu.memref_slice %arg3[%mul3A_2064, %dma_wait3A_2072] : memref<8192x4096xf32, #tpu.memory_space<hbm>> -> memref<8x4096xf32, #tpu.memory_space<hbm>>
        %dma_wait3A_2074 = arith.constant 0 : i32
        %dma_wait3A_2075 = arith.constant 0 : i32
        %dma_wait3A_2076 = tpu.memref_slice %arg8[%rem3A_2067, %dma_wait3A_2074, %dma_wait3A_2075] : memref<3x8x4096xf32, #tpu.memory_space<vmem>> -> memref<1x8x4096xf32, #tpu.memory_space<vmem>>
        %dma_wait3A_2077 = tpu.memref_squeeze %dma_wait3A_2076 : memref<1x8x4096xf32, #tpu.memory_space<vmem>> -> memref<8x4096xf32, #tpu.memory_space<vmem>>
        %dma_wait3A_2078 = arith.constant 0 : i32
        %dma_wait3A_2079 = tpu.memref_slice %arg3[%mul3A_2064, %dma_wait3A_2078] : memref<8192x4096xf32, #tpu.memory_space<hbm>> -> memref<8x4096xf32, #tpu.memory_space<hbm>>
        tpu.wait_dma2 semaphore(%arg10 : memref<!tpu.dma_semaphore, #tpu.memory_space<semaphore_mem>>) src(%dma_wait3A_2079 : memref<8x4096xf32, #tpu.memory_space<hbm>>) dst(%dma_wait3A_2077 : memref<8x4096xf32, #tpu.memory_space<vmem>>)
        %add3A_2080 = arith.constant 1 : i32
        %add3A_2081 = arith.addi %shift_right_logical3A_1560, %add3A_2080 : i32
        %min3A_2082 = arith.constant 1023 : i32
        %min3A_2083 = arith.minsi %add3A_2081, %min3A_2082 : i32
        %mul3A_2084 = arith.constant 8 : i32
        %mul3A_2085 = arith.muli %min3A_2083, %mul3A_2084 : i32
        %rem3A_2086 = arith.constant 3 : i32
        %rem3A_2087 = arith.remsi %add3A_2081, %rem3A_2086 : i32
        %dma_start3A_2088 = arith.constant 0 : i32
        %dma_start3A_2089 = arith.constant 0 : i32
        %dma_start3A_2090 = tpu.memref_slice %arg8[%rem3A_2087, %dma_start3A_2088, %dma_start3A_2089] : memref<3x8x4096xf32, #tpu.memory_space<vmem>> -> memref<1x8x4096xf32, #tpu.memory_space<vmem>>
        %dma_start3A_2091 = tpu.memref_squeeze %dma_start3A_2090 : memref<1x8x4096xf32, #tpu.memory_space<vmem>> -> memref<8x4096xf32, #tpu.memory_space<vmem>>
        %dma_start3A_2092 = arith.constant 0 : i32
        %dma_start3A_2093 = tpu.memref_slice %arg3[%mul3A_2085, %dma_start3A_2092] : memref<8192x4096xf32, #tpu.memory_space<hbm>> -> memref<8x4096xf32, #tpu.memory_space<hbm>>
        %dma_start3A_2094 = arith.constant 0 : i32
        %dma_start3A_2095 = arith.constant 0 : i32
        %dma_start3A_2096 = tpu.memref_slice %arg8[%rem3A_2087, %dma_start3A_2094, %dma_start3A_2095] : memref<3x8x4096xf32, #tpu.memory_space<vmem>> -> memref<1x8x4096xf32, #tpu.memory_space<vmem>>
        %dma_start3A_2097 = tpu.memref_squeeze %dma_start3A_2096 : memref<1x8x4096xf32, #tpu.memory_space<vmem>> -> memref<8x4096xf32, #tpu.memory_space<vmem>>
        %dma_start3A_2098 = arith.constant 0 : i32
        %dma_start3A_2099 = tpu.memref_slice %arg3[%mul3A_2085, %dma_start3A_2098] : memref<8192x4096xf32, #tpu.memory_space<hbm>> -> memref<8x4096xf32, #tpu.memory_space<hbm>>
        tpu.enqueue_dma source(%dma_start3A_2099 : memref<8x4096xf32, #tpu.memory_space<hbm>>) target(%dma_start3A_2097 : memref<8x4096xf32, #tpu.memory_space<vmem>>) target_semaphore(%arg10 : memref<!tpu.dma_semaphore, #tpu.memory_space<semaphore_mem>>)
      } else {
      }
      %eq3A_1565 = arith.constant 2 : i32
      %eq3A_1566 = arith.cmpi eq, %select_n3A_1521, %eq3A_1565 : i32
      %add3A_1567 = arith.constant 1 : i32
      %add3A_1568 = arith.addi %select_n3A_1521, %add3A_1567 : i32
      %jit3A_1569 = arith.constant 0 : i32
      %select_n3A_1570 = arith.select %eq3A_1566, %jit3A_1569, %add3A_1568 : i32
      %select_n3A_1571 = arith.select %ne3A_1561, %select_n3A_1570, %select_n3A_1521 : i32
      %mul3A_1572 = arith.constant 16 : i32
      %mul3A_1573 = arith.muli %scan3A_1236, %mul3A_1572 : i32
      %add3A_1574 = arith.constant 6 : i32
      %add3A_1575 = arith.addi %mul3A_1573, %add3A_1574 : i32
      %and3A_1576 = arith.constant 7 : i32
      %and3A_1577 = arith.andi %squeeze3A_1558, %and3A_1576 : i32
      %add3A_1578 = arith.addi %mul3A_2, %add3A_1575 : i32
      %dma_start3A_1579 = arith.constant 0 : i32
      %dma_start3A_1580 = tpu.memref_slice %arg8[%select_n3A_1571, %and3A_1577, %dma_start3A_1579] : memref<3x8x4096xf32, #tpu.memory_space<vmem>> -> memref<1x1x4096xf32, #tpu.memory_space<vmem>>
      %dma_start3A_1581 = tpu.memref_squeeze %dma_start3A_1580 : memref<1x1x4096xf32, #tpu.memory_space<vmem>> -> memref<4096xf32, #tpu.memory_space<vmem>>
      %dma_start3A_1582 = arith.constant 0 : i32
      %dma_start3A_1583 = tpu.memref_slice %arg4[%add3A_1578, %dma_start3A_1582] : memref<8192x4096xf32, #tpu.memory_space<hbm>> -> memref<1x4096xf32, #tpu.memory_space<hbm>>
      %dma_start3A_1584 = tpu.memref_squeeze %dma_start3A_1583 : memref<1x4096xf32, #tpu.memory_space<hbm>> -> memref<4096xf32, #tpu.memory_space<hbm>>
      %dma_start3A_1585 = arith.constant 0 : i32
      %dma_start3A_1586 = tpu.memref_slice %arg4[%add3A_1578, %dma_start3A_1585] : memref<8192x4096xf32, #tpu.memory_space<hbm>> -> memref<1x4096xf32, #tpu.memory_space<hbm>>
      %dma_start3A_1587 = tpu.memref_squeeze %dma_start3A_1586 : memref<1x4096xf32, #tpu.memory_space<hbm>> -> memref<4096xf32, #tpu.memory_space<hbm>>
      %dma_start3A_1588 = arith.constant 0 : i32
      %dma_start3A_1589 = tpu.memref_slice %arg8[%select_n3A_1571, %and3A_1577, %dma_start3A_1588] : memref<3x8x4096xf32, #tpu.memory_space<vmem>> -> memref<1x1x4096xf32, #tpu.memory_space<vmem>>
      %dma_start3A_1590 = tpu.memref_squeeze %dma_start3A_1589 : memref<1x1x4096xf32, #tpu.memory_space<vmem>> -> memref<4096xf32, #tpu.memory_space<vmem>>
      tpu.enqueue_dma source(%dma_start3A_1590 : memref<4096xf32, #tpu.memory_space<vmem>>) target(%dma_start3A_1587 : memref<4096xf32, #tpu.memory_space<hbm>>) target_semaphore(%arg11 : memref<!tpu.dma_semaphore, #tpu.memory_space<semaphore_mem>>)
      %add3A_1591 = arith.constant 0 : i32
      %add3A_1592 = arith.addi %mul3A_2, %add3A_1591 : i32
      %dma_wait3A_1593 = arith.constant 0 : i32
      %dma_wait3A_1594 = arith.constant 0 : i32
      %dma_wait3A_1595 = arith.constant 0 : i32
      %dma_wait3A_1596 = tpu.memref_slice %arg8[%dma_wait3A_1593, %dma_wait3A_1594, %dma_wait3A_1595] : memref<3x8x4096xf32, #tpu.memory_space<vmem>> -> memref<1x1x4096xf32, #tpu.memory_space<vmem>>
      %dma_wait3A_1597 = tpu.memref_squeeze %dma_wait3A_1596 : memref<1x1x4096xf32, #tpu.memory_space<vmem>> -> memref<4096xf32, #tpu.memory_space<vmem>>
      %dma_wait3A_1598 = arith.constant 0 : i32
      %dma_wait3A_1599 = tpu.memref_slice %arg4[%add3A_1592, %dma_wait3A_1598] : memref<8192x4096xf32, #tpu.memory_space<hbm>> -> memref<1x4096xf32, #tpu.memory_space<hbm>>
      %dma_wait3A_1600 = tpu.memref_squeeze %dma_wait3A_1599 : memref<1x4096xf32, #tpu.memory_space<hbm>> -> memref<4096xf32, #tpu.memory_space<hbm>>
      %dma_wait3A_1601 = arith.constant 0 : i32
      %dma_wait3A_1602 = tpu.memref_slice %arg4[%add3A_1592, %dma_wait3A_1601] : memref<8192x4096xf32, #tpu.memory_space<hbm>> -> memref<1x4096xf32, #tpu.memory_space<hbm>>
      %dma_wait3A_1603 = tpu.memref_squeeze %dma_wait3A_1602 : memref<1x4096xf32, #tpu.memory_space<hbm>> -> memref<4096xf32, #tpu.memory_space<hbm>>
      %dma_wait3A_1604 = arith.constant 0 : i32
      %dma_wait3A_1605 = tpu.memref_slice %arg8[%dma_wait3A_1593, %dma_wait3A_1594, %dma_wait3A_1604] : memref<3x8x4096xf32, #tpu.memory_space<vmem>> -> memref<1x1x4096xf32, #tpu.memory_space<vmem>>
      %dma_wait3A_1606 = tpu.memref_squeeze %dma_wait3A_1605 : memref<1x1x4096xf32, #tpu.memory_space<vmem>> -> memref<4096xf32, #tpu.memory_space<vmem>>
      tpu.wait_dma2 semaphore(%arg11 : memref<!tpu.dma_semaphore, #tpu.memory_space<semaphore_mem>>) src(%dma_wait3A_1606 : memref<4096xf32, #tpu.memory_space<vmem>>) dst(%dma_wait3A_1603 : memref<4096xf32, #tpu.memory_space<hbm>>)
      %slice3A_1607 = vector.extract_strided_slice %max3A_1256 {offsets = [7], sizes = [1], strides = [1]} : vector<16xi32> to vector<1xi32>
      %squeeze3A_1608 = vector.extract %slice3A_1607[0] : i32 from vector<1xi32>
      %shift_right_logical3A_1609 = arith.constant 3 : i32
      %shift_right_logical3A_1610 = arith.shrui %squeeze3A_1608, %shift_right_logical3A_1609 : i32
      %ne3A_1611 = arith.cmpi ne, %shift_right_logical3A_1610, %shift_right_logical3A_1560 : i32
      %convert_element_type3A_1612 = arith.extui %ne3A_1611 : i1 to i32
      %cond3A_1613 = arith.constant 0 : i32
      %cond3A_1614 = arith.cmpi ne, %convert_element_type3A_1612, %cond3A_1613 : i32
      scf.if %cond3A_1614 {
        %min3A_2060 = arith.constant 0 : i32
        %min3A_2061 = arith.constant 1023 : i32
        %min3A_2062 = arith.minsi %min3A_2060, %min3A_2061 : i32
        %mul3A_2063 = arith.constant 8 : i32
        %mul3A_2064 = arith.muli %min3A_2062, %mul3A_2063 : i32
        %rem3A_2065 = arith.constant 0 : i32
        %rem3A_2066 = arith.constant 3 : i32
        %rem3A_2067 = arith.remsi %rem3A_2065, %rem3A_2066 : i32
        %dma_wait3A_2068 = arith.constant 0 : i32
        %dma_wait3A_2069 = arith.constant 0 : i32
        %dma_wait3A_2070 = tpu.memref_slice %arg8[%rem3A_2067, %dma_wait3A_2068, %dma_wait3A_2069] : memref<3x8x4096xf32, #tpu.memory_space<vmem>> -> memref<1x8x4096xf32, #tpu.memory_space<vmem>>
        %dma_wait3A_2071 = tpu.memref_squeeze %dma_wait3A_2070 : memref<1x8x4096xf32, #tpu.memory_space<vmem>> -> memref<8x4096xf32, #tpu.memory_space<vmem>>
        %dma_wait3A_2072 = arith.constant 0 : i32
        %dma_wait3A_2073 = tpu.memref_slice %arg3[%mul3A_2064, %dma_wait3A_2072] : memref<8192x4096xf32, #tpu.memory_space<hbm>> -> memref<8x4096xf32, #tpu.memory_space<hbm>>
        %dma_wait3A_2074 = arith.constant 0 : i32
        %dma_wait3A_2075 = arith.constant 0 : i32
        %dma_wait3A_2076 = tpu.memref_slice %arg8[%rem3A_2067, %dma_wait3A_2074, %dma_wait3A_2075] : memref<3x8x4096xf32, #tpu.memory_space<vmem>> -> memref<1x8x4096xf32, #tpu.memory_space<vmem>>
        %dma_wait3A_2077 = tpu.memref_squeeze %dma_wait3A_2076 : memref<1x8x4096xf32, #tpu.memory_space<vmem>> -> memref<8x4096xf32, #tpu.memory_space<vmem>>
        %dma_wait3A_2078 = arith.constant 0 : i32
        %dma_wait3A_2079 = tpu.memref_slice %arg3[%mul3A_2064, %dma_wait3A_2078] : memref<8192x4096xf32, #tpu.memory_space<hbm>> -> memref<8x4096xf32, #tpu.memory_space<hbm>>
        tpu.wait_dma2 semaphore(%arg10 : memref<!tpu.dma_semaphore, #tpu.memory_space<semaphore_mem>>) src(%dma_wait3A_2079 : memref<8x4096xf32, #tpu.memory_space<hbm>>) dst(%dma_wait3A_2077 : memref<8x4096xf32, #tpu.memory_space<vmem>>)
        %add3A_2080 = arith.constant 1 : i32
        %add3A_2081 = arith.addi %shift_right_logical3A_1610, %add3A_2080 : i32
        %min3A_2082 = arith.constant 1023 : i32
        %min3A_2083 = arith.minsi %add3A_2081, %min3A_2082 : i32
        %mul3A_2084 = arith.constant 8 : i32
        %mul3A_2085 = arith.muli %min3A_2083, %mul3A_2084 : i32
        %rem3A_2086 = arith.constant 3 : i32
        %rem3A_2087 = arith.remsi %add3A_2081, %rem3A_2086 : i32
        %dma_start3A_2088 = arith.constant 0 : i32
        %dma_start3A_2089 = arith.constant 0 : i32
        %dma_start3A_2090 = tpu.memref_slice %arg8[%rem3A_2087, %dma_start3A_2088, %dma_start3A_2089] : memref<3x8x4096xf32, #tpu.memory_space<vmem>> -> memref<1x8x4096xf32, #tpu.memory_space<vmem>>
        %dma_start3A_2091 = tpu.memref_squeeze %dma_start3A_2090 : memref<1x8x4096xf32, #tpu.memory_space<vmem>> -> memref<8x4096xf32, #tpu.memory_space<vmem>>
        %dma_start3A_2092 = arith.constant 0 : i32
        %dma_start3A_2093 = tpu.memref_slice %arg3[%mul3A_2085, %dma_start3A_2092] : memref<8192x4096xf32, #tpu.memory_space<hbm>> -> memref<8x4096xf32, #tpu.memory_space<hbm>>
        %dma_start3A_2094 = arith.constant 0 : i32
        %dma_start3A_2095 = arith.constant 0 : i32
        %dma_start3A_2096 = tpu.memref_slice %arg8[%rem3A_2087, %dma_start3A_2094, %dma_start3A_2095] : memref<3x8x4096xf32, #tpu.memory_space<vmem>> -> memref<1x8x4096xf32, #tpu.memory_space<vmem>>
        %dma_start3A_2097 = tpu.memref_squeeze %dma_start3A_2096 : memref<1x8x4096xf32, #tpu.memory_space<vmem>> -> memref<8x4096xf32, #tpu.memory_space<vmem>>
        %dma_start3A_2098 = arith.constant 0 : i32
        %dma_start3A_2099 = tpu.memref_slice %arg3[%mul3A_2085, %dma_start3A_2098] : memref<8192x4096xf32, #tpu.memory_space<hbm>> -> memref<8x4096xf32, #tpu.memory_space<hbm>>
        tpu.enqueue_dma source(%dma_start3A_2099 : memref<8x4096xf32, #tpu.memory_space<hbm>>) target(%dma_start3A_2097 : memref<8x4096xf32, #tpu.memory_space<vmem>>) target_semaphore(%arg10 : memref<!tpu.dma_semaphore, #tpu.memory_space<semaphore_mem>>)
      } else {
      }
      %eq3A_1615 = arith.constant 2 : i32
      %eq3A_1616 = arith.cmpi eq, %select_n3A_1571, %eq3A_1615 : i32
      %add3A_1617 = arith.constant 1 : i32
      %add3A_1618 = arith.addi %select_n3A_1571, %add3A_1617 : i32
      %jit3A_1619 = arith.constant 0 : i32
      %select_n3A_1620 = arith.select %eq3A_1616, %jit3A_1619, %add3A_1618 : i32
      %select_n3A_1621 = arith.select %ne3A_1611, %select_n3A_1620, %select_n3A_1571 : i32
      %mul3A_1622 = arith.constant 16 : i32
      %mul3A_1623 = arith.muli %scan3A_1236, %mul3A_1622 : i32
      %add3A_1624 = arith.constant 7 : i32
      %add3A_1625 = arith.addi %mul3A_1623, %add3A_1624 : i32
      %and3A_1626 = arith.constant 7 : i32
      %and3A_1627 = arith.andi %squeeze3A_1608, %and3A_1626 : i32
      %add3A_1628 = arith.addi %mul3A_2, %add3A_1625 : i32
      %dma_start3A_1629 = arith.constant 0 : i32
      %dma_start3A_1630 = tpu.memref_slice %arg8[%select_n3A_1621, %and3A_1627, %dma_start3A_1629] : memref<3x8x4096xf32, #tpu.memory_space<vmem>> -> memref<1x1x4096xf32, #tpu.memory_space<vmem>>
      %dma_start3A_1631 = tpu.memref_squeeze %dma_start3A_1630 : memref<1x1x4096xf32, #tpu.memory_space<vmem>> -> memref<4096xf32, #tpu.memory_space<vmem>>
      %dma_start3A_1632 = arith.constant 0 : i32
      %dma_start3A_1633 = tpu.memref_slice %arg4[%add3A_1628, %dma_start3A_1632] : memref<8192x4096xf32, #tpu.memory_space<hbm>> -> memref<1x4096xf32, #tpu.memory_space<hbm>>
      %dma_start3A_1634 = tpu.memref_squeeze %dma_start3A_1633 : memref<1x4096xf32, #tpu.memory_space<hbm>> -> memref<4096xf32, #tpu.memory_space<hbm>>
      %dma_start3A_1635 = arith.constant 0 : i32
      %dma_start3A_1636 = tpu.memref_slice %arg4[%add3A_1628, %dma_start3A_1635] : memref<8192x4096xf32, #tpu.memory_space<hbm>> -> memref<1x4096xf32, #tpu.memory_space<hbm>>
      %dma_start3A_1637 = tpu.memref_squeeze %dma_start3A_1636 : memref<1x4096xf32, #tpu.memory_space<hbm>> -> memref<4096xf32, #tpu.memory_space<hbm>>
      %dma_start3A_1638 = arith.constant 0 : i32
      %dma_start3A_1639 = tpu.memref_slice %arg8[%select_n3A_1621, %and3A_1627, %dma_start3A_1638] : memref<3x8x4096xf32, #tpu.memory_space<vmem>> -> memref<1x1x4096xf32, #tpu.memory_space<vmem>>
      %dma_start3A_1640 = tpu.memref_squeeze %dma_start3A_1639 : memref<1x1x4096xf32, #tpu.memory_space<vmem>> -> memref<4096xf32, #tpu.memory_space<vmem>>
      tpu.enqueue_dma source(%dma_start3A_1640 : memref<4096xf32, #tpu.memory_space<vmem>>) target(%dma_start3A_1637 : memref<4096xf32, #tpu.memory_space<hbm>>) target_semaphore(%arg11 : memref<!tpu.dma_semaphore, #tpu.memory_space<semaphore_mem>>)
      %add3A_1641 = arith.constant 0 : i32
      %add3A_1642 = arith.addi %mul3A_2, %add3A_1641 : i32
      %dma_wait3A_1643 = arith.constant 0 : i32
      %dma_wait3A_1644 = arith.constant 0 : i32
      %dma_wait3A_1645 = arith.constant 0 : i32
      %dma_wait3A_1646 = tpu.memref_slice %arg8[%dma_wait3A_1643, %dma_wait3A_1644, %dma_wait3A_1645] : memref<3x8x4096xf32, #tpu.memory_space<vmem>> -> memref<1x1x4096xf32, #tpu.memory_space<vmem>>
      %dma_wait3A_1647 = tpu.memref_squeeze %dma_wait3A_1646 : memref<1x1x4096xf32, #tpu.memory_space<vmem>> -> memref<4096xf32, #tpu.memory_space<vmem>>
      %dma_wait3A_1648 = arith.constant 0 : i32
      %dma_wait3A_1649 = tpu.memref_slice %arg4[%add3A_1642, %dma_wait3A_1648] : memref<8192x4096xf32, #tpu.memory_space<hbm>> -> memref<1x4096xf32, #tpu.memory_space<hbm>>
      %dma_wait3A_1650 = tpu.memref_squeeze %dma_wait3A_1649 : memref<1x4096xf32, #tpu.memory_space<hbm>> -> memref<4096xf32, #tpu.memory_space<hbm>>
      %dma_wait3A_1651 = arith.constant 0 : i32
      %dma_wait3A_1652 = tpu.memref_slice %arg4[%add3A_1642, %dma_wait3A_1651] : memref<8192x4096xf32, #tpu.memory_space<hbm>> -> memref<1x4096xf32, #tpu.memory_space<hbm>>
      %dma_wait3A_1653 = tpu.memref_squeeze %dma_wait3A_1652 : memref<1x4096xf32, #tpu.memory_space<hbm>> -> memref<4096xf32, #tpu.memory_space<hbm>>
      %dma_wait3A_1654 = arith.constant 0 : i32
      %dma_wait3A_1655 = tpu.memref_slice %arg8[%dma_wait3A_1643, %dma_wait3A_1644, %dma_wait3A_1654] : memref<3x8x4096xf32, #tpu.memory_space<vmem>> -> memref<1x1x4096xf32, #tpu.memory_space<vmem>>
      %dma_wait3A_1656 = tpu.memref_squeeze %dma_wait3A_1655 : memref<1x1x4096xf32, #tpu.memory_space<vmem>> -> memref<4096xf32, #tpu.memory_space<vmem>>
      tpu.wait_dma2 semaphore(%arg11 : memref<!tpu.dma_semaphore, #tpu.memory_space<semaphore_mem>>) src(%dma_wait3A_1656 : memref<4096xf32, #tpu.memory_space<vmem>>) dst(%dma_wait3A_1653 : memref<4096xf32, #tpu.memory_space<hbm>>)
      %slice3A_1657 = vector.extract_strided_slice %max3A_1256 {offsets = [8], sizes = [1], strides = [1]} : vector<16xi32> to vector<1xi32>
      %squeeze3A_1658 = vector.extract %slice3A_1657[0] : i32 from vector<1xi32>
      %shift_right_logical3A_1659 = arith.constant 3 : i32
      %shift_right_logical3A_1660 = arith.shrui %squeeze3A_1658, %shift_right_logical3A_1659 : i32
      %ne3A_1661 = arith.cmpi ne, %shift_right_logical3A_1660, %shift_right_logical3A_1610 : i32
      %convert_element_type3A_1662 = arith.extui %ne3A_1661 : i1 to i32
      %cond3A_1663 = arith.constant 0 : i32
      %cond3A_1664 = arith.cmpi ne, %convert_element_type3A_1662, %cond3A_1663 : i32
      scf.if %cond3A_1664 {
        %min3A_2060 = arith.constant 0 : i32
        %min3A_2061 = arith.constant 1023 : i32
        %min3A_2062 = arith.minsi %min3A_2060, %min3A_2061 : i32
        %mul3A_2063 = arith.constant 8 : i32
        %mul3A_2064 = arith.muli %min3A_2062, %mul3A_2063 : i32
        %rem3A_2065 = arith.constant 0 : i32
        %rem3A_2066 = arith.constant 3 : i32
        %rem3A_2067 = arith.remsi %rem3A_2065, %rem3A_2066 : i32
        %dma_wait3A_2068 = arith.constant 0 : i32
        %dma_wait3A_2069 = arith.constant 0 : i32
        %dma_wait3A_2070 = tpu.memref_slice %arg8[%rem3A_2067, %dma_wait3A_2068, %dma_wait3A_2069] : memref<3x8x4096xf32, #tpu.memory_space<vmem>> -> memref<1x8x4096xf32, #tpu.memory_space<vmem>>
        %dma_wait3A_2071 = tpu.memref_squeeze %dma_wait3A_2070 : memref<1x8x4096xf32, #tpu.memory_space<vmem>> -> memref<8x4096xf32, #tpu.memory_space<vmem>>
        %dma_wait3A_2072 = arith.constant 0 : i32
        %dma_wait3A_2073 = tpu.memref_slice %arg3[%mul3A_2064, %dma_wait3A_2072] : memref<8192x4096xf32, #tpu.memory_space<hbm>> -> memref<8x4096xf32, #tpu.memory_space<hbm>>
        %dma_wait3A_2074 = arith.constant 0 : i32
        %dma_wait3A_2075 = arith.constant 0 : i32
        %dma_wait3A_2076 = tpu.memref_slice %arg8[%rem3A_2067, %dma_wait3A_2074, %dma_wait3A_2075] : memref<3x8x4096xf32, #tpu.memory_space<vmem>> -> memref<1x8x4096xf32, #tpu.memory_space<vmem>>
        %dma_wait3A_2077 = tpu.memref_squeeze %dma_wait3A_2076 : memref<1x8x4096xf32, #tpu.memory_space<vmem>> -> memref<8x4096xf32, #tpu.memory_space<vmem>>
        %dma_wait3A_2078 = arith.constant 0 : i32
        %dma_wait3A_2079 = tpu.memref_slice %arg3[%mul3A_2064, %dma_wait3A_2078] : memref<8192x4096xf32, #tpu.memory_space<hbm>> -> memref<8x4096xf32, #tpu.memory_space<hbm>>
        tpu.wait_dma2 semaphore(%arg10 : memref<!tpu.dma_semaphore, #tpu.memory_space<semaphore_mem>>) src(%dma_wait3A_2079 : memref<8x4096xf32, #tpu.memory_space<hbm>>) dst(%dma_wait3A_2077 : memref<8x4096xf32, #tpu.memory_space<vmem>>)
        %add3A_2080 = arith.constant 1 : i32
        %add3A_2081 = arith.addi %shift_right_logical3A_1660, %add3A_2080 : i32
        %min3A_2082 = arith.constant 1023 : i32
        %min3A_2083 = arith.minsi %add3A_2081, %min3A_2082 : i32
        %mul3A_2084 = arith.constant 8 : i32
        %mul3A_2085 = arith.muli %min3A_2083, %mul3A_2084 : i32
        %rem3A_2086 = arith.constant 3 : i32
        %rem3A_2087 = arith.remsi %add3A_2081, %rem3A_2086 : i32
        %dma_start3A_2088 = arith.constant 0 : i32
        %dma_start3A_2089 = arith.constant 0 : i32
        %dma_start3A_2090 = tpu.memref_slice %arg8[%rem3A_2087, %dma_start3A_2088, %dma_start3A_2089] : memref<3x8x4096xf32, #tpu.memory_space<vmem>> -> memref<1x8x4096xf32, #tpu.memory_space<vmem>>
        %dma_start3A_2091 = tpu.memref_squeeze %dma_start3A_2090 : memref<1x8x4096xf32, #tpu.memory_space<vmem>> -> memref<8x4096xf32, #tpu.memory_space<vmem>>
        %dma_start3A_2092 = arith.constant 0 : i32
        %dma_start3A_2093 = tpu.memref_slice %arg3[%mul3A_2085, %dma_start3A_2092] : memref<8192x4096xf32, #tpu.memory_space<hbm>> -> memref<8x4096xf32, #tpu.memory_space<hbm>>
        %dma_start3A_2094 = arith.constant 0 : i32
        %dma_start3A_2095 = arith.constant 0 : i32
        %dma_start3A_2096 = tpu.memref_slice %arg8[%rem3A_2087, %dma_start3A_2094, %dma_start3A_2095] : memref<3x8x4096xf32, #tpu.memory_space<vmem>> -> memref<1x8x4096xf32, #tpu.memory_space<vmem>>
        %dma_start3A_2097 = tpu.memref_squeeze %dma_start3A_2096 : memref<1x8x4096xf32, #tpu.memory_space<vmem>> -> memref<8x4096xf32, #tpu.memory_space<vmem>>
        %dma_start3A_2098 = arith.constant 0 : i32
        %dma_start3A_2099 = tpu.memref_slice %arg3[%mul3A_2085, %dma_start3A_2098] : memref<8192x4096xf32, #tpu.memory_space<hbm>> -> memref<8x4096xf32, #tpu.memory_space<hbm>>
        tpu.enqueue_dma source(%dma_start3A_2099 : memref<8x4096xf32, #tpu.memory_space<hbm>>) target(%dma_start3A_2097 : memref<8x4096xf32, #tpu.memory_space<vmem>>) target_semaphore(%arg10 : memref<!tpu.dma_semaphore, #tpu.memory_space<semaphore_mem>>)
      } else {
      }
      %eq3A_1665 = arith.constant 2 : i32
      %eq3A_1666 = arith.cmpi eq, %select_n3A_1621, %eq3A_1665 : i32
      %add3A_1667 = arith.constant 1 : i32
      %add3A_1668 = arith.addi %select_n3A_1621, %add3A_1667 : i32
      %jit3A_1669 = arith.constant 0 : i32
      %select_n3A_1670 = arith.select %eq3A_1666, %jit3A_1669, %add3A_1668 : i32
      %select_n3A_1671 = arith.select %ne3A_1661, %select_n3A_1670, %select_n3A_1621 : i32
      %mul3A_1672 = arith.constant 16 : i32
      %mul3A_1673 = arith.muli %scan3A_1236, %mul3A_1672 : i32
      %add3A_1674 = arith.constant 8 : i32
      %add3A_1675 = arith.addi %mul3A_1673, %add3A_1674 : i32
      %and3A_1676 = arith.constant 7 : i32
      %and3A_1677 = arith.andi %squeeze3A_1658, %and3A_1676 : i32
      %add3A_1678 = arith.addi %mul3A_2, %add3A_1675 : i32
      %dma_start3A_1679 = arith.constant 0 : i32
      %dma_start3A_1680 = tpu.memref_slice %arg8[%select_n3A_1671, %and3A_1677, %dma_start3A_1679] : memref<3x8x4096xf32, #tpu.memory_space<vmem>> -> memref<1x1x4096xf32, #tpu.memory_space<vmem>>
      %dma_start3A_1681 = tpu.memref_squeeze %dma_start3A_1680 : memref<1x1x4096xf32, #tpu.memory_space<vmem>> -> memref<4096xf32, #tpu.memory_space<vmem>>
      %dma_start3A_1682 = arith.constant 0 : i32
      %dma_start3A_1683 = tpu.memref_slice %arg4[%add3A_1678, %dma_start3A_1682] : memref<8192x4096xf32, #tpu.memory_space<hbm>> -> memref<1x4096xf32, #tpu.memory_space<hbm>>
      %dma_start3A_1684 = tpu.memref_squeeze %dma_start3A_1683 : memref<1x4096xf32, #tpu.memory_space<hbm>> -> memref<4096xf32, #tpu.memory_space<hbm>>
      %dma_start3A_1685 = arith.constant 0 : i32
      %dma_start3A_1686 = tpu.memref_slice %arg4[%add3A_1678, %dma_start3A_1685] : memref<8192x4096xf32, #tpu.memory_space<hbm>> -> memref<1x4096xf32, #tpu.memory_space<hbm>>
      %dma_start3A_1687 = tpu.memref_squeeze %dma_start3A_1686 : memref<1x4096xf32, #tpu.memory_space<hbm>> -> memref<4096xf32, #tpu.memory_space<hbm>>
      %dma_start3A_1688 = arith.constant 0 : i32
      %dma_start3A_1689 = tpu.memref_slice %arg8[%select_n3A_1671, %and3A_1677, %dma_start3A_1688] : memref<3x8x4096xf32, #tpu.memory_space<vmem>> -> memref<1x1x4096xf32, #tpu.memory_space<vmem>>
      %dma_start3A_1690 = tpu.memref_squeeze %dma_start3A_1689 : memref<1x1x4096xf32, #tpu.memory_space<vmem>> -> memref<4096xf32, #tpu.memory_space<vmem>>
      tpu.enqueue_dma source(%dma_start3A_1690 : memref<4096xf32, #tpu.memory_space<vmem>>) target(%dma_start3A_1687 : memref<4096xf32, #tpu.memory_space<hbm>>) target_semaphore(%arg11 : memref<!tpu.dma_semaphore, #tpu.memory_space<semaphore_mem>>)
      %add3A_1691 = arith.constant 0 : i32
      %add3A_1692 = arith.addi %mul3A_2, %add3A_1691 : i32
      %dma_wait3A_1693 = arith.constant 0 : i32
      %dma_wait3A_1694 = arith.constant 0 : i32
      %dma_wait3A_1695 = arith.constant 0 : i32
      %dma_wait3A_1696 = tpu.memref_slice %arg8[%dma_wait3A_1693, %dma_wait3A_1694, %dma_wait3A_1695] : memref<3x8x4096xf32, #tpu.memory_space<vmem>> -> memref<1x1x4096xf32, #tpu.memory_space<vmem>>
      %dma_wait3A_1697 = tpu.memref_squeeze %dma_wait3A_1696 : memref<1x1x4096xf32, #tpu.memory_space<vmem>> -> memref<4096xf32, #tpu.memory_space<vmem>>
      %dma_wait3A_1698 = arith.constant 0 : i32
      %dma_wait3A_1699 = tpu.memref_slice %arg4[%add3A_1692, %dma_wait3A_1698] : memref<8192x4096xf32, #tpu.memory_space<hbm>> -> memref<1x4096xf32, #tpu.memory_space<hbm>>
      %dma_wait3A_1700 = tpu.memref_squeeze %dma_wait3A_1699 : memref<1x4096xf32, #tpu.memory_space<hbm>> -> memref<4096xf32, #tpu.memory_space<hbm>>
      %dma_wait3A_1701 = arith.constant 0 : i32
      %dma_wait3A_1702 = tpu.memref_slice %arg4[%add3A_1692, %dma_wait3A_1701] : memref<8192x4096xf32, #tpu.memory_space<hbm>> -> memref<1x4096xf32, #tpu.memory_space<hbm>>
      %dma_wait3A_1703 = tpu.memref_squeeze %dma_wait3A_1702 : memref<1x4096xf32, #tpu.memory_space<hbm>> -> memref<4096xf32, #tpu.memory_space<hbm>>
      %dma_wait3A_1704 = arith.constant 0 : i32
      %dma_wait3A_1705 = tpu.memref_slice %arg8[%dma_wait3A_1693, %dma_wait3A_1694, %dma_wait3A_1704] : memref<3x8x4096xf32, #tpu.memory_space<vmem>> -> memref<1x1x4096xf32, #tpu.memory_space<vmem>>
      %dma_wait3A_1706 = tpu.memref_squeeze %dma_wait3A_1705 : memref<1x1x4096xf32, #tpu.memory_space<vmem>> -> memref<4096xf32, #tpu.memory_space<vmem>>
      tpu.wait_dma2 semaphore(%arg11 : memref<!tpu.dma_semaphore, #tpu.memory_space<semaphore_mem>>) src(%dma_wait3A_1706 : memref<4096xf32, #tpu.memory_space<vmem>>) dst(%dma_wait3A_1703 : memref<4096xf32, #tpu.memory_space<hbm>>)
      %slice3A_1707 = vector.extract_strided_slice %max3A_1256 {offsets = [9], sizes = [1], strides = [1]} : vector<16xi32> to vector<1xi32>
      %squeeze3A_1708 = vector.extract %slice3A_1707[0] : i32 from vector<1xi32>
      %shift_right_logical3A_1709 = arith.constant 3 : i32
      %shift_right_logical3A_1710 = arith.shrui %squeeze3A_1708, %shift_right_logical3A_1709 : i32
      %ne3A_1711 = arith.cmpi ne, %shift_right_logical3A_1710, %shift_right_logical3A_1660 : i32
      %convert_element_type3A_1712 = arith.extui %ne3A_1711 : i1 to i32
      %cond3A_1713 = arith.constant 0 : i32
      %cond3A_1714 = arith.cmpi ne, %convert_element_type3A_1712, %cond3A_1713 : i32
      scf.if %cond3A_1714 {
        %min3A_2060 = arith.constant 0 : i32
        %min3A_2061 = arith.constant 1023 : i32
        %min3A_2062 = arith.minsi %min3A_2060, %min3A_2061 : i32
        %mul3A_2063 = arith.constant 8 : i32
        %mul3A_2064 = arith.muli %min3A_2062, %mul3A_2063 : i32
        %rem3A_2065 = arith.constant 0 : i32
        %rem3A_2066 = arith.constant 3 : i32
        %rem3A_2067 = arith.remsi %rem3A_2065, %rem3A_2066 : i32
        %dma_wait3A_2068 = arith.constant 0 : i32
        %dma_wait3A_2069 = arith.constant 0 : i32
        %dma_wait3A_2070 = tpu.memref_slice %arg8[%rem3A_2067, %dma_wait3A_2068, %dma_wait3A_2069] : memref<3x8x4096xf32, #tpu.memory_space<vmem>> -> memref<1x8x4096xf32, #tpu.memory_space<vmem>>
        %dma_wait3A_2071 = tpu.memref_squeeze %dma_wait3A_2070 : memref<1x8x4096xf32, #tpu.memory_space<vmem>> -> memref<8x4096xf32, #tpu.memory_space<vmem>>
        %dma_wait3A_2072 = arith.constant 0 : i32
        %dma_wait3A_2073 = tpu.memref_slice %arg3[%mul3A_2064, %dma_wait3A_2072] : memref<8192x4096xf32, #tpu.memory_space<hbm>> -> memref<8x4096xf32, #tpu.memory_space<hbm>>
        %dma_wait3A_2074 = arith.constant 0 : i32
        %dma_wait3A_2075 = arith.constant 0 : i32
        %dma_wait3A_2076 = tpu.memref_slice %arg8[%rem3A_2067, %dma_wait3A_2074, %dma_wait3A_2075] : memref<3x8x4096xf32, #tpu.memory_space<vmem>> -> memref<1x8x4096xf32, #tpu.memory_space<vmem>>
        %dma_wait3A_2077 = tpu.memref_squeeze %dma_wait3A_2076 : memref<1x8x4096xf32, #tpu.memory_space<vmem>> -> memref<8x4096xf32, #tpu.memory_space<vmem>>
        %dma_wait3A_2078 = arith.constant 0 : i32
        %dma_wait3A_2079 = tpu.memref_slice %arg3[%mul3A_2064, %dma_wait3A_2078] : memref<8192x4096xf32, #tpu.memory_space<hbm>> -> memref<8x4096xf32, #tpu.memory_space<hbm>>
        tpu.wait_dma2 semaphore(%arg10 : memref<!tpu.dma_semaphore, #tpu.memory_space<semaphore_mem>>) src(%dma_wait3A_2079 : memref<8x4096xf32, #tpu.memory_space<hbm>>) dst(%dma_wait3A_2077 : memref<8x4096xf32, #tpu.memory_space<vmem>>)
        %add3A_2080 = arith.constant 1 : i32
        %add3A_2081 = arith.addi %shift_right_logical3A_1710, %add3A_2080 : i32
        %min3A_2082 = arith.constant 1023 : i32
        %min3A_2083 = arith.minsi %add3A_2081, %min3A_2082 : i32
        %mul3A_2084 = arith.constant 8 : i32
        %mul3A_2085 = arith.muli %min3A_2083, %mul3A_2084 : i32
        %rem3A_2086 = arith.constant 3 : i32
        %rem3A_2087 = arith.remsi %add3A_2081, %rem3A_2086 : i32
        %dma_start3A_2088 = arith.constant 0 : i32
        %dma_start3A_2089 = arith.constant 0 : i32
        %dma_start3A_2090 = tpu.memref_slice %arg8[%rem3A_2087, %dma_start3A_2088, %dma_start3A_2089] : memref<3x8x4096xf32, #tpu.memory_space<vmem>> -> memref<1x8x4096xf32, #tpu.memory_space<vmem>>
        %dma_start3A_2091 = tpu.memref_squeeze %dma_start3A_2090 : memref<1x8x4096xf32, #tpu.memory_space<vmem>> -> memref<8x4096xf32, #tpu.memory_space<vmem>>
        %dma_start3A_2092 = arith.constant 0 : i32
        %dma_start3A_2093 = tpu.memref_slice %arg3[%mul3A_2085, %dma_start3A_2092] : memref<8192x4096xf32, #tpu.memory_space<hbm>> -> memref<8x4096xf32, #tpu.memory_space<hbm>>
        %dma_start3A_2094 = arith.constant 0 : i32
        %dma_start3A_2095 = arith.constant 0 : i32
        %dma_start3A_2096 = tpu.memref_slice %arg8[%rem3A_2087, %dma_start3A_2094, %dma_start3A_2095] : memref<3x8x4096xf32, #tpu.memory_space<vmem>> -> memref<1x8x4096xf32, #tpu.memory_space<vmem>>
        %dma_start3A_2097 = tpu.memref_squeeze %dma_start3A_2096 : memref<1x8x4096xf32, #tpu.memory_space<vmem>> -> memref<8x4096xf32, #tpu.memory_space<vmem>>
        %dma_start3A_2098 = arith.constant 0 : i32
        %dma_start3A_2099 = tpu.memref_slice %arg3[%mul3A_2085, %dma_start3A_2098] : memref<8192x4096xf32, #tpu.memory_space<hbm>> -> memref<8x4096xf32, #tpu.memory_space<hbm>>
        tpu.enqueue_dma source(%dma_start3A_2099 : memref<8x4096xf32, #tpu.memory_space<hbm>>) target(%dma_start3A_2097 : memref<8x4096xf32, #tpu.memory_space<vmem>>) target_semaphore(%arg10 : memref<!tpu.dma_semaphore, #tpu.memory_space<semaphore_mem>>)
      } else {
      }
      %eq3A_1715 = arith.constant 2 : i32
      %eq3A_1716 = arith.cmpi eq, %select_n3A_1671, %eq3A_1715 : i32
      %add3A_1717 = arith.constant 1 : i32
      %add3A_1718 = arith.addi %select_n3A_1671, %add3A_1717 : i32
      %jit3A_1719 = arith.constant 0 : i32
      %select_n3A_1720 = arith.select %eq3A_1716, %jit3A_1719, %add3A_1718 : i32
      %select_n3A_1721 = arith.select %ne3A_1711, %select_n3A_1720, %select_n3A_1671 : i32
      %mul3A_1722 = arith.constant 16 : i32
      %mul3A_1723 = arith.muli %scan3A_1236, %mul3A_1722 : i32
      %add3A_1724 = arith.constant 9 : i32
      %add3A_1725 = arith.addi %mul3A_1723, %add3A_1724 : i32
      %and3A_1726 = arith.constant 7 : i32
      %and3A_1727 = arith.andi %squeeze3A_1708, %and3A_1726 : i32
      %add3A_1728 = arith.addi %mul3A_2, %add3A_1725 : i32
      %dma_start3A_1729 = arith.constant 0 : i32
      %dma_start3A_1730 = tpu.memref_slice %arg8[%select_n3A_1721, %and3A_1727, %dma_start3A_1729] : memref<3x8x4096xf32, #tpu.memory_space<vmem>> -> memref<1x1x4096xf32, #tpu.memory_space<vmem>>
      %dma_start3A_1731 = tpu.memref_squeeze %dma_start3A_1730 : memref<1x1x4096xf32, #tpu.memory_space<vmem>> -> memref<4096xf32, #tpu.memory_space<vmem>>
      %dma_start3A_1732 = arith.constant 0 : i32
      %dma_start3A_1733 = tpu.memref_slice %arg4[%add3A_1728, %dma_start3A_1732] : memref<8192x4096xf32, #tpu.memory_space<hbm>> -> memref<1x4096xf32, #tpu.memory_space<hbm>>
      %dma_start3A_1734 = tpu.memref_squeeze %dma_start3A_1733 : memref<1x4096xf32, #tpu.memory_space<hbm>> -> memref<4096xf32, #tpu.memory_space<hbm>>
      %dma_start3A_1735 = arith.constant 0 : i32
      %dma_start3A_1736 = tpu.memref_slice %arg4[%add3A_1728, %dma_start3A_1735] : memref<8192x4096xf32, #tpu.memory_space<hbm>> -> memref<1x4096xf32, #tpu.memory_space<hbm>>
      %dma_start3A_1737 = tpu.memref_squeeze %dma_start3A_1736 : memref<1x4096xf32, #tpu.memory_space<hbm>> -> memref<4096xf32, #tpu.memory_space<hbm>>
      %dma_start3A_1738 = arith.constant 0 : i32
      %dma_start3A_1739 = tpu.memref_slice %arg8[%select_n3A_1721, %and3A_1727, %dma_start3A_1738] : memref<3x8x4096xf32, #tpu.memory_space<vmem>> -> memref<1x1x4096xf32, #tpu.memory_space<vmem>>
      %dma_start3A_1740 = tpu.memref_squeeze %dma_start3A_1739 : memref<1x1x4096xf32, #tpu.memory_space<vmem>> -> memref<4096xf32, #tpu.memory_space<vmem>>
      tpu.enqueue_dma source(%dma_start3A_1740 : memref<4096xf32, #tpu.memory_space<vmem>>) target(%dma_start3A_1737 : memref<4096xf32, #tpu.memory_space<hbm>>) target_semaphore(%arg11 : memref<!tpu.dma_semaphore, #tpu.memory_space<semaphore_mem>>)
      %add3A_1741 = arith.constant 0 : i32
      %add3A_1742 = arith.addi %mul3A_2, %add3A_1741 : i32
      %dma_wait3A_1743 = arith.constant 0 : i32
      %dma_wait3A_1744 = arith.constant 0 : i32
      %dma_wait3A_1745 = arith.constant 0 : i32
      %dma_wait3A_1746 = tpu.memref_slice %arg8[%dma_wait3A_1743, %dma_wait3A_1744, %dma_wait3A_1745] : memref<3x8x4096xf32, #tpu.memory_space<vmem>> -> memref<1x1x4096xf32, #tpu.memory_space<vmem>>
      %dma_wait3A_1747 = tpu.memref_squeeze %dma_wait3A_1746 : memref<1x1x4096xf32, #tpu.memory_space<vmem>> -> memref<4096xf32, #tpu.memory_space<vmem>>
      %dma_wait3A_1748 = arith.constant 0 : i32
      %dma_wait3A_1749 = tpu.memref_slice %arg4[%add3A_1742, %dma_wait3A_1748] : memref<8192x4096xf32, #tpu.memory_space<hbm>> -> memref<1x4096xf32, #tpu.memory_space<hbm>>
      %dma_wait3A_1750 = tpu.memref_squeeze %dma_wait3A_1749 : memref<1x4096xf32, #tpu.memory_space<hbm>> -> memref<4096xf32, #tpu.memory_space<hbm>>
      %dma_wait3A_1751 = arith.constant 0 : i32
      %dma_wait3A_1752 = tpu.memref_slice %arg4[%add3A_1742, %dma_wait3A_1751] : memref<8192x4096xf32, #tpu.memory_space<hbm>> -> memref<1x4096xf32, #tpu.memory_space<hbm>>
      %dma_wait3A_1753 = tpu.memref_squeeze %dma_wait3A_1752 : memref<1x4096xf32, #tpu.memory_space<hbm>> -> memref<4096xf32, #tpu.memory_space<hbm>>
      %dma_wait3A_1754 = arith.constant 0 : i32
      %dma_wait3A_1755 = tpu.memref_slice %arg8[%dma_wait3A_1743, %dma_wait3A_1744, %dma_wait3A_1754] : memref<3x8x4096xf32, #tpu.memory_space<vmem>> -> memref<1x1x4096xf32, #tpu.memory_space<vmem>>
      %dma_wait3A_1756 = tpu.memref_squeeze %dma_wait3A_1755 : memref<1x1x4096xf32, #tpu.memory_space<vmem>> -> memref<4096xf32, #tpu.memory_space<vmem>>
      tpu.wait_dma2 semaphore(%arg11 : memref<!tpu.dma_semaphore, #tpu.memory_space<semaphore_mem>>) src(%dma_wait3A_1756 : memref<4096xf32, #tpu.memory_space<vmem>>) dst(%dma_wait3A_1753 : memref<4096xf32, #tpu.memory_space<hbm>>)
      %slice3A_1757 = vector.extract_strided_slice %max3A_1256 {offsets = [10], sizes = [1], strides = [1]} : vector<16xi32> to vector<1xi32>
      %squeeze3A_1758 = vector.extract %slice3A_1757[0] : i32 from vector<1xi32>
      %shift_right_logical3A_1759 = arith.constant 3 : i32
      %shift_right_logical3A_1760 = arith.shrui %squeeze3A_1758, %shift_right_logical3A_1759 : i32
      %ne3A_1761 = arith.cmpi ne, %shift_right_logical3A_1760, %shift_right_logical3A_1710 : i32
      %convert_element_type3A_1762 = arith.extui %ne3A_1761 : i1 to i32
      %cond3A_1763 = arith.constant 0 : i32
      %cond3A_1764 = arith.cmpi ne, %convert_element_type3A_1762, %cond3A_1763 : i32
      scf.if %cond3A_1764 {
        %min3A_2060 = arith.constant 0 : i32
        %min3A_2061 = arith.constant 1023 : i32
        %min3A_2062 = arith.minsi %min3A_2060, %min3A_2061 : i32
        %mul3A_2063 = arith.constant 8 : i32
        %mul3A_2064 = arith.muli %min3A_2062, %mul3A_2063 : i32
        %rem3A_2065 = arith.constant 0 : i32
        %rem3A_2066 = arith.constant 3 : i32
        %rem3A_2067 = arith.remsi %rem3A_2065, %rem3A_2066 : i32
        %dma_wait3A_2068 = arith.constant 0 : i32
        %dma_wait3A_2069 = arith.constant 0 : i32
        %dma_wait3A_2070 = tpu.memref_slice %arg8[%rem3A_2067, %dma_wait3A_2068, %dma_wait3A_2069] : memref<3x8x4096xf32, #tpu.memory_space<vmem>> -> memref<1x8x4096xf32, #tpu.memory_space<vmem>>
        %dma_wait3A_2071 = tpu.memref_squeeze %dma_wait3A_2070 : memref<1x8x4096xf32, #tpu.memory_space<vmem>> -> memref<8x4096xf32, #tpu.memory_space<vmem>>
        %dma_wait3A_2072 = arith.constant 0 : i32
        %dma_wait3A_2073 = tpu.memref_slice %arg3[%mul3A_2064, %dma_wait3A_2072] : memref<8192x4096xf32, #tpu.memory_space<hbm>> -> memref<8x4096xf32, #tpu.memory_space<hbm>>
        %dma_wait3A_2074 = arith.constant 0 : i32
        %dma_wait3A_2075 = arith.constant 0 : i32
        %dma_wait3A_2076 = tpu.memref_slice %arg8[%rem3A_2067, %dma_wait3A_2074, %dma_wait3A_2075] : memref<3x8x4096xf32, #tpu.memory_space<vmem>> -> memref<1x8x4096xf32, #tpu.memory_space<vmem>>
        %dma_wait3A_2077 = tpu.memref_squeeze %dma_wait3A_2076 : memref<1x8x4096xf32, #tpu.memory_space<vmem>> -> memref<8x4096xf32, #tpu.memory_space<vmem>>
        %dma_wait3A_2078 = arith.constant 0 : i32
        %dma_wait3A_2079 = tpu.memref_slice %arg3[%mul3A_2064, %dma_wait3A_2078] : memref<8192x4096xf32, #tpu.memory_space<hbm>> -> memref<8x4096xf32, #tpu.memory_space<hbm>>
        tpu.wait_dma2 semaphore(%arg10 : memref<!tpu.dma_semaphore, #tpu.memory_space<semaphore_mem>>) src(%dma_wait3A_2079 : memref<8x4096xf32, #tpu.memory_space<hbm>>) dst(%dma_wait3A_2077 : memref<8x4096xf32, #tpu.memory_space<vmem>>)
        %add3A_2080 = arith.constant 1 : i32
        %add3A_2081 = arith.addi %shift_right_logical3A_1760, %add3A_2080 : i32
        %min3A_2082 = arith.constant 1023 : i32
        %min3A_2083 = arith.minsi %add3A_2081, %min3A_2082 : i32
        %mul3A_2084 = arith.constant 8 : i32
        %mul3A_2085 = arith.muli %min3A_2083, %mul3A_2084 : i32
        %rem3A_2086 = arith.constant 3 : i32
        %rem3A_2087 = arith.remsi %add3A_2081, %rem3A_2086 : i32
        %dma_start3A_2088 = arith.constant 0 : i32
        %dma_start3A_2089 = arith.constant 0 : i32
        %dma_start3A_2090 = tpu.memref_slice %arg8[%rem3A_2087, %dma_start3A_2088, %dma_start3A_2089] : memref<3x8x4096xf32, #tpu.memory_space<vmem>> -> memref<1x8x4096xf32, #tpu.memory_space<vmem>>
        %dma_start3A_2091 = tpu.memref_squeeze %dma_start3A_2090 : memref<1x8x4096xf32, #tpu.memory_space<vmem>> -> memref<8x4096xf32, #tpu.memory_space<vmem>>
        %dma_start3A_2092 = arith.constant 0 : i32
        %dma_start3A_2093 = tpu.memref_slice %arg3[%mul3A_2085, %dma_start3A_2092] : memref<8192x4096xf32, #tpu.memory_space<hbm>> -> memref<8x4096xf32, #tpu.memory_space<hbm>>
        %dma_start3A_2094 = arith.constant 0 : i32
        %dma_start3A_2095 = arith.constant 0 : i32
        %dma_start3A_2096 = tpu.memref_slice %arg8[%rem3A_2087, %dma_start3A_2094, %dma_start3A_2095] : memref<3x8x4096xf32, #tpu.memory_space<vmem>> -> memref<1x8x4096xf32, #tpu.memory_space<vmem>>
        %dma_start3A_2097 = tpu.memref_squeeze %dma_start3A_2096 : memref<1x8x4096xf32, #tpu.memory_space<vmem>> -> memref<8x4096xf32, #tpu.memory_space<vmem>>
        %dma_start3A_2098 = arith.constant 0 : i32
        %dma_start3A_2099 = tpu.memref_slice %arg3[%mul3A_2085, %dma_start3A_2098] : memref<8192x4096xf32, #tpu.memory_space<hbm>> -> memref<8x4096xf32, #tpu.memory_space<hbm>>
        tpu.enqueue_dma source(%dma_start3A_2099 : memref<8x4096xf32, #tpu.memory_space<hbm>>) target(%dma_start3A_2097 : memref<8x4096xf32, #tpu.memory_space<vmem>>) target_semaphore(%arg10 : memref<!tpu.dma_semaphore, #tpu.memory_space<semaphore_mem>>)
      } else {
      }
      %eq3A_1765 = arith.constant 2 : i32
      %eq3A_1766 = arith.cmpi eq, %select_n3A_1721, %eq3A_1765 : i32
      %add3A_1767 = arith.constant 1 : i32
      %add3A_1768 = arith.addi %select_n3A_1721, %add3A_1767 : i32
      %jit3A_1769 = arith.constant 0 : i32
      %select_n3A_1770 = arith.select %eq3A_1766, %jit3A_1769, %add3A_1768 : i32
      %select_n3A_1771 = arith.select %ne3A_1761, %select_n3A_1770, %select_n3A_1721 : i32
      %mul3A_1772 = arith.constant 16 : i32
      %mul3A_1773 = arith.muli %scan3A_1236, %mul3A_1772 : i32
      %add3A_1774 = arith.constant 10 : i32
      %add3A_1775 = arith.addi %mul3A_1773, %add3A_1774 : i32
      %and3A_1776 = arith.constant 7 : i32
      %and3A_1777 = arith.andi %squeeze3A_1758, %and3A_1776 : i32
      %add3A_1778 = arith.addi %mul3A_2, %add3A_1775 : i32
      %dma_start3A_1779 = arith.constant 0 : i32
      %dma_start3A_1780 = tpu.memref_slice %arg8[%select_n3A_1771, %and3A_1777, %dma_start3A_1779] : memref<3x8x4096xf32, #tpu.memory_space<vmem>> -> memref<1x1x4096xf32, #tpu.memory_space<vmem>>
      %dma_start3A_1781 = tpu.memref_squeeze %dma_start3A_1780 : memref<1x1x4096xf32, #tpu.memory_space<vmem>> -> memref<4096xf32, #tpu.memory_space<vmem>>
      %dma_start3A_1782 = arith.constant 0 : i32
      %dma_start3A_1783 = tpu.memref_slice %arg4[%add3A_1778, %dma_start3A_1782] : memref<8192x4096xf32, #tpu.memory_space<hbm>> -> memref<1x4096xf32, #tpu.memory_space<hbm>>
      %dma_start3A_1784 = tpu.memref_squeeze %dma_start3A_1783 : memref<1x4096xf32, #tpu.memory_space<hbm>> -> memref<4096xf32, #tpu.memory_space<hbm>>
      %dma_start3A_1785 = arith.constant 0 : i32
      %dma_start3A_1786 = tpu.memref_slice %arg4[%add3A_1778, %dma_start3A_1785] : memref<8192x4096xf32, #tpu.memory_space<hbm>> -> memref<1x4096xf32, #tpu.memory_space<hbm>>
      %dma_start3A_1787 = tpu.memref_squeeze %dma_start3A_1786 : memref<1x4096xf32, #tpu.memory_space<hbm>> -> memref<4096xf32, #tpu.memory_space<hbm>>
      %dma_start3A_1788 = arith.constant 0 : i32
      %dma_start3A_1789 = tpu.memref_slice %arg8[%select_n3A_1771, %and3A_1777, %dma_start3A_1788] : memref<3x8x4096xf32, #tpu.memory_space<vmem>> -> memref<1x1x4096xf32, #tpu.memory_space<vmem>>
      %dma_start3A_1790 = tpu.memref_squeeze %dma_start3A_1789 : memref<1x1x4096xf32, #tpu.memory_space<vmem>> -> memref<4096xf32, #tpu.memory_space<vmem>>
      tpu.enqueue_dma source(%dma_start3A_1790 : memref<4096xf32, #tpu.memory_space<vmem>>) target(%dma_start3A_1787 : memref<4096xf32, #tpu.memory_space<hbm>>) target_semaphore(%arg11 : memref<!tpu.dma_semaphore, #tpu.memory_space<semaphore_mem>>)
      %add3A_1791 = arith.constant 0 : i32
      %add3A_1792 = arith.addi %mul3A_2, %add3A_1791 : i32
      %dma_wait3A_1793 = arith.constant 0 : i32
      %dma_wait3A_1794 = arith.constant 0 : i32
      %dma_wait3A_1795 = arith.constant 0 : i32
      %dma_wait3A_1796 = tpu.memref_slice %arg8[%dma_wait3A_1793, %dma_wait3A_1794, %dma_wait3A_1795] : memref<3x8x4096xf32, #tpu.memory_space<vmem>> -> memref<1x1x4096xf32, #tpu.memory_space<vmem>>
      %dma_wait3A_1797 = tpu.memref_squeeze %dma_wait3A_1796 : memref<1x1x4096xf32, #tpu.memory_space<vmem>> -> memref<4096xf32, #tpu.memory_space<vmem>>
      %dma_wait3A_1798 = arith.constant 0 : i32
      %dma_wait3A_1799 = tpu.memref_slice %arg4[%add3A_1792, %dma_wait3A_1798] : memref<8192x4096xf32, #tpu.memory_space<hbm>> -> memref<1x4096xf32, #tpu.memory_space<hbm>>
      %dma_wait3A_1800 = tpu.memref_squeeze %dma_wait3A_1799 : memref<1x4096xf32, #tpu.memory_space<hbm>> -> memref<4096xf32, #tpu.memory_space<hbm>>
      %dma_wait3A_1801 = arith.constant 0 : i32
      %dma_wait3A_1802 = tpu.memref_slice %arg4[%add3A_1792, %dma_wait3A_1801] : memref<8192x4096xf32, #tpu.memory_space<hbm>> -> memref<1x4096xf32, #tpu.memory_space<hbm>>
      %dma_wait3A_1803 = tpu.memref_squeeze %dma_wait3A_1802 : memref<1x4096xf32, #tpu.memory_space<hbm>> -> memref<4096xf32, #tpu.memory_space<hbm>>
      %dma_wait3A_1804 = arith.constant 0 : i32
      %dma_wait3A_1805 = tpu.memref_slice %arg8[%dma_wait3A_1793, %dma_wait3A_1794, %dma_wait3A_1804] : memref<3x8x4096xf32, #tpu.memory_space<vmem>> -> memref<1x1x4096xf32, #tpu.memory_space<vmem>>
      %dma_wait3A_1806 = tpu.memref_squeeze %dma_wait3A_1805 : memref<1x1x4096xf32, #tpu.memory_space<vmem>> -> memref<4096xf32, #tpu.memory_space<vmem>>
      tpu.wait_dma2 semaphore(%arg11 : memref<!tpu.dma_semaphore, #tpu.memory_space<semaphore_mem>>) src(%dma_wait3A_1806 : memref<4096xf32, #tpu.memory_space<vmem>>) dst(%dma_wait3A_1803 : memref<4096xf32, #tpu.memory_space<hbm>>)
      %slice3A_1807 = vector.extract_strided_slice %max3A_1256 {offsets = [11], sizes = [1], strides = [1]} : vector<16xi32> to vector<1xi32>
      %squeeze3A_1808 = vector.extract %slice3A_1807[0] : i32 from vector<1xi32>
      %shift_right_logical3A_1809 = arith.constant 3 : i32
      %shift_right_logical3A_1810 = arith.shrui %squeeze3A_1808, %shift_right_logical3A_1809 : i32
      %ne3A_1811 = arith.cmpi ne, %shift_right_logical3A_1810, %shift_right_logical3A_1760 : i32
      %convert_element_type3A_1812 = arith.extui %ne3A_1811 : i1 to i32
      %cond3A_1813 = arith.constant 0 : i32
      %cond3A_1814 = arith.cmpi ne, %convert_element_type3A_1812, %cond3A_1813 : i32
      scf.if %cond3A_1814 {
        %min3A_2060 = arith.constant 0 : i32
        %min3A_2061 = arith.constant 1023 : i32
        %min3A_2062 = arith.minsi %min3A_2060, %min3A_2061 : i32
        %mul3A_2063 = arith.constant 8 : i32
        %mul3A_2064 = arith.muli %min3A_2062, %mul3A_2063 : i32
        %rem3A_2065 = arith.constant 0 : i32
        %rem3A_2066 = arith.constant 3 : i32
        %rem3A_2067 = arith.remsi %rem3A_2065, %rem3A_2066 : i32
        %dma_wait3A_2068 = arith.constant 0 : i32
        %dma_wait3A_2069 = arith.constant 0 : i32
        %dma_wait3A_2070 = tpu.memref_slice %arg8[%rem3A_2067, %dma_wait3A_2068, %dma_wait3A_2069] : memref<3x8x4096xf32, #tpu.memory_space<vmem>> -> memref<1x8x4096xf32, #tpu.memory_space<vmem>>
        %dma_wait3A_2071 = tpu.memref_squeeze %dma_wait3A_2070 : memref<1x8x4096xf32, #tpu.memory_space<vmem>> -> memref<8x4096xf32, #tpu.memory_space<vmem>>
        %dma_wait3A_2072 = arith.constant 0 : i32
        %dma_wait3A_2073 = tpu.memref_slice %arg3[%mul3A_2064, %dma_wait3A_2072] : memref<8192x4096xf32, #tpu.memory_space<hbm>> -> memref<8x4096xf32, #tpu.memory_space<hbm>>
        %dma_wait3A_2074 = arith.constant 0 : i32
        %dma_wait3A_2075 = arith.constant 0 : i32
        %dma_wait3A_2076 = tpu.memref_slice %arg8[%rem3A_2067, %dma_wait3A_2074, %dma_wait3A_2075] : memref<3x8x4096xf32, #tpu.memory_space<vmem>> -> memref<1x8x4096xf32, #tpu.memory_space<vmem>>
        %dma_wait3A_2077 = tpu.memref_squeeze %dma_wait3A_2076 : memref<1x8x4096xf32, #tpu.memory_space<vmem>> -> memref<8x4096xf32, #tpu.memory_space<vmem>>
        %dma_wait3A_2078 = arith.constant 0 : i32
        %dma_wait3A_2079 = tpu.memref_slice %arg3[%mul3A_2064, %dma_wait3A_2078] : memref<8192x4096xf32, #tpu.memory_space<hbm>> -> memref<8x4096xf32, #tpu.memory_space<hbm>>
        tpu.wait_dma2 semaphore(%arg10 : memref<!tpu.dma_semaphore, #tpu.memory_space<semaphore_mem>>) src(%dma_wait3A_2079 : memref<8x4096xf32, #tpu.memory_space<hbm>>) dst(%dma_wait3A_2077 : memref<8x4096xf32, #tpu.memory_space<vmem>>)
        %add3A_2080 = arith.constant 1 : i32
        %add3A_2081 = arith.addi %shift_right_logical3A_1810, %add3A_2080 : i32
        %min3A_2082 = arith.constant 1023 : i32
        %min3A_2083 = arith.minsi %add3A_2081, %min3A_2082 : i32
        %mul3A_2084 = arith.constant 8 : i32
        %mul3A_2085 = arith.muli %min3A_2083, %mul3A_2084 : i32
        %rem3A_2086 = arith.constant 3 : i32
        %rem3A_2087 = arith.remsi %add3A_2081, %rem3A_2086 : i32
        %dma_start3A_2088 = arith.constant 0 : i32
        %dma_start3A_2089 = arith.constant 0 : i32
        %dma_start3A_2090 = tpu.memref_slice %arg8[%rem3A_2087, %dma_start3A_2088, %dma_start3A_2089] : memref<3x8x4096xf32, #tpu.memory_space<vmem>> -> memref<1x8x4096xf32, #tpu.memory_space<vmem>>
        %dma_start3A_2091 = tpu.memref_squeeze %dma_start3A_2090 : memref<1x8x4096xf32, #tpu.memory_space<vmem>> -> memref<8x4096xf32, #tpu.memory_space<vmem>>
        %dma_start3A_2092 = arith.constant 0 : i32
        %dma_start3A_2093 = tpu.memref_slice %arg3[%mul3A_2085, %dma_start3A_2092] : memref<8192x4096xf32, #tpu.memory_space<hbm>> -> memref<8x4096xf32, #tpu.memory_space<hbm>>
        %dma_start3A_2094 = arith.constant 0 : i32
        %dma_start3A_2095 = arith.constant 0 : i32
        %dma_start3A_2096 = tpu.memref_slice %arg8[%rem3A_2087, %dma_start3A_2094, %dma_start3A_2095] : memref<3x8x4096xf32, #tpu.memory_space<vmem>> -> memref<1x8x4096xf32, #tpu.memory_space<vmem>>
        %dma_start3A_2097 = tpu.memref_squeeze %dma_start3A_2096 : memref<1x8x4096xf32, #tpu.memory_space<vmem>> -> memref<8x4096xf32, #tpu.memory_space<vmem>>
        %dma_start3A_2098 = arith.constant 0 : i32
        %dma_start3A_2099 = tpu.memref_slice %arg3[%mul3A_2085, %dma_start3A_2098] : memref<8192x4096xf32, #tpu.memory_space<hbm>> -> memref<8x4096xf32, #tpu.memory_space<hbm>>
        tpu.enqueue_dma source(%dma_start3A_2099 : memref<8x4096xf32, #tpu.memory_space<hbm>>) target(%dma_start3A_2097 : memref<8x4096xf32, #tpu.memory_space<vmem>>) target_semaphore(%arg10 : memref<!tpu.dma_semaphore, #tpu.memory_space<semaphore_mem>>)
      } else {
      }
      %eq3A_1815 = arith.constant 2 : i32
      %eq3A_1816 = arith.cmpi eq, %select_n3A_1771, %eq3A_1815 : i32
      %add3A_1817 = arith.constant 1 : i32
      %add3A_1818 = arith.addi %select_n3A_1771, %add3A_1817 : i32
      %jit3A_1819 = arith.constant 0 : i32
      %select_n3A_1820 = arith.select %eq3A_1816, %jit3A_1819, %add3A_1818 : i32
      %select_n3A_1821 = arith.select %ne3A_1811, %select_n3A_1820, %select_n3A_1771 : i32
      %mul3A_1822 = arith.constant 16 : i32
      %mul3A_1823 = arith.muli %scan3A_1236, %mul3A_1822 : i32
      %add3A_1824 = arith.constant 11 : i32
      %add3A_1825 = arith.addi %mul3A_1823, %add3A_1824 : i32
      %and3A_1826 = arith.constant 7 : i32
      %and3A_1827 = arith.andi %squeeze3A_1808, %and3A_1826 : i32
      %add3A_1828 = arith.addi %mul3A_2, %add3A_1825 : i32
      %dma_start3A_1829 = arith.constant 0 : i32
      %dma_start3A_1830 = tpu.memref_slice %arg8[%select_n3A_1821, %and3A_1827, %dma_start3A_1829] : memref<3x8x4096xf32, #tpu.memory_space<vmem>> -> memref<1x1x4096xf32, #tpu.memory_space<vmem>>
      %dma_start3A_1831 = tpu.memref_squeeze %dma_start3A_1830 : memref<1x1x4096xf32, #tpu.memory_space<vmem>> -> memref<4096xf32, #tpu.memory_space<vmem>>
      %dma_start3A_1832 = arith.constant 0 : i32
      %dma_start3A_1833 = tpu.memref_slice %arg4[%add3A_1828, %dma_start3A_1832] : memref<8192x4096xf32, #tpu.memory_space<hbm>> -> memref<1x4096xf32, #tpu.memory_space<hbm>>
      %dma_start3A_1834 = tpu.memref_squeeze %dma_start3A_1833 : memref<1x4096xf32, #tpu.memory_space<hbm>> -> memref<4096xf32, #tpu.memory_space<hbm>>
      %dma_start3A_1835 = arith.constant 0 : i32
      %dma_start3A_1836 = tpu.memref_slice %arg4[%add3A_1828, %dma_start3A_1835] : memref<8192x4096xf32, #tpu.memory_space<hbm>> -> memref<1x4096xf32, #tpu.memory_space<hbm>>
      %dma_start3A_1837 = tpu.memref_squeeze %dma_start3A_1836 : memref<1x4096xf32, #tpu.memory_space<hbm>> -> memref<4096xf32, #tpu.memory_space<hbm>>
      %dma_start3A_1838 = arith.constant 0 : i32
      %dma_start3A_1839 = tpu.memref_slice %arg8[%select_n3A_1821, %and3A_1827, %dma_start3A_1838] : memref<3x8x4096xf32, #tpu.memory_space<vmem>> -> memref<1x1x4096xf32, #tpu.memory_space<vmem>>
      %dma_start3A_1840 = tpu.memref_squeeze %dma_start3A_1839 : memref<1x1x4096xf32, #tpu.memory_space<vmem>> -> memref<4096xf32, #tpu.memory_space<vmem>>
      tpu.enqueue_dma source(%dma_start3A_1840 : memref<4096xf32, #tpu.memory_space<vmem>>) target(%dma_start3A_1837 : memref<4096xf32, #tpu.memory_space<hbm>>) target_semaphore(%arg11 : memref<!tpu.dma_semaphore, #tpu.memory_space<semaphore_mem>>)
      %add3A_1841 = arith.constant 0 : i32
      %add3A_1842 = arith.addi %mul3A_2, %add3A_1841 : i32
      %dma_wait3A_1843 = arith.constant 0 : i32
      %dma_wait3A_1844 = arith.constant 0 : i32
      %dma_wait3A_1845 = arith.constant 0 : i32
      %dma_wait3A_1846 = tpu.memref_slice %arg8[%dma_wait3A_1843, %dma_wait3A_1844, %dma_wait3A_1845] : memref<3x8x4096xf32, #tpu.memory_space<vmem>> -> memref<1x1x4096xf32, #tpu.memory_space<vmem>>
      %dma_wait3A_1847 = tpu.memref_squeeze %dma_wait3A_1846 : memref<1x1x4096xf32, #tpu.memory_space<vmem>> -> memref<4096xf32, #tpu.memory_space<vmem>>
      %dma_wait3A_1848 = arith.constant 0 : i32
      %dma_wait3A_1849 = tpu.memref_slice %arg4[%add3A_1842, %dma_wait3A_1848] : memref<8192x4096xf32, #tpu.memory_space<hbm>> -> memref<1x4096xf32, #tpu.memory_space<hbm>>
      %dma_wait3A_1850 = tpu.memref_squeeze %dma_wait3A_1849 : memref<1x4096xf32, #tpu.memory_space<hbm>> -> memref<4096xf32, #tpu.memory_space<hbm>>
      %dma_wait3A_1851 = arith.constant 0 : i32
      %dma_wait3A_1852 = tpu.memref_slice %arg4[%add3A_1842, %dma_wait3A_1851] : memref<8192x4096xf32, #tpu.memory_space<hbm>> -> memref<1x4096xf32, #tpu.memory_space<hbm>>
      %dma_wait3A_1853 = tpu.memref_squeeze %dma_wait3A_1852 : memref<1x4096xf32, #tpu.memory_space<hbm>> -> memref<4096xf32, #tpu.memory_space<hbm>>
      %dma_wait3A_1854 = arith.constant 0 : i32
      %dma_wait3A_1855 = tpu.memref_slice %arg8[%dma_wait3A_1843, %dma_wait3A_1844, %dma_wait3A_1854] : memref<3x8x4096xf32, #tpu.memory_space<vmem>> -> memref<1x1x4096xf32, #tpu.memory_space<vmem>>
      %dma_wait3A_1856 = tpu.memref_squeeze %dma_wait3A_1855 : memref<1x1x4096xf32, #tpu.memory_space<vmem>> -> memref<4096xf32, #tpu.memory_space<vmem>>
      tpu.wait_dma2 semaphore(%arg11 : memref<!tpu.dma_semaphore, #tpu.memory_space<semaphore_mem>>) src(%dma_wait3A_1856 : memref<4096xf32, #tpu.memory_space<vmem>>) dst(%dma_wait3A_1853 : memref<4096xf32, #tpu.memory_space<hbm>>)
      %slice3A_1857 = vector.extract_strided_slice %max3A_1256 {offsets = [12], sizes = [1], strides = [1]} : vector<16xi32> to vector<1xi32>
      %squeeze3A_1858 = vector.extract %slice3A_1857[0] : i32 from vector<1xi32>
      %shift_right_logical3A_1859 = arith.constant 3 : i32
      %shift_right_logical3A_1860 = arith.shrui %squeeze3A_1858, %shift_right_logical3A_1859 : i32
      %ne3A_1861 = arith.cmpi ne, %shift_right_logical3A_1860, %shift_right_logical3A_1810 : i32
      %convert_element_type3A_1862 = arith.extui %ne3A_1861 : i1 to i32
      %cond3A_1863 = arith.constant 0 : i32
      %cond3A_1864 = arith.cmpi ne, %convert_element_type3A_1862, %cond3A_1863 : i32
      scf.if %cond3A_1864 {
        %min3A_2060 = arith.constant 0 : i32
        %min3A_2061 = arith.constant 1023 : i32
        %min3A_2062 = arith.minsi %min3A_2060, %min3A_2061 : i32
        %mul3A_2063 = arith.constant 8 : i32
        %mul3A_2064 = arith.muli %min3A_2062, %mul3A_2063 : i32
        %rem3A_2065 = arith.constant 0 : i32
        %rem3A_2066 = arith.constant 3 : i32
        %rem3A_2067 = arith.remsi %rem3A_2065, %rem3A_2066 : i32
        %dma_wait3A_2068 = arith.constant 0 : i32
        %dma_wait3A_2069 = arith.constant 0 : i32
        %dma_wait3A_2070 = tpu.memref_slice %arg8[%rem3A_2067, %dma_wait3A_2068, %dma_wait3A_2069] : memref<3x8x4096xf32, #tpu.memory_space<vmem>> -> memref<1x8x4096xf32, #tpu.memory_space<vmem>>
        %dma_wait3A_2071 = tpu.memref_squeeze %dma_wait3A_2070 : memref<1x8x4096xf32, #tpu.memory_space<vmem>> -> memref<8x4096xf32, #tpu.memory_space<vmem>>
        %dma_wait3A_2072 = arith.constant 0 : i32
        %dma_wait3A_2073 = tpu.memref_slice %arg3[%mul3A_2064, %dma_wait3A_2072] : memref<8192x4096xf32, #tpu.memory_space<hbm>> -> memref<8x4096xf32, #tpu.memory_space<hbm>>
        %dma_wait3A_2074 = arith.constant 0 : i32
        %dma_wait3A_2075 = arith.constant 0 : i32
        %dma_wait3A_2076 = tpu.memref_slice %arg8[%rem3A_2067, %dma_wait3A_2074, %dma_wait3A_2075] : memref<3x8x4096xf32, #tpu.memory_space<vmem>> -> memref<1x8x4096xf32, #tpu.memory_space<vmem>>
        %dma_wait3A_2077 = tpu.memref_squeeze %dma_wait3A_2076 : memref<1x8x4096xf32, #tpu.memory_space<vmem>> -> memref<8x4096xf32, #tpu.memory_space<vmem>>
        %dma_wait3A_2078 = arith.constant 0 : i32
        %dma_wait3A_2079 = tpu.memref_slice %arg3[%mul3A_2064, %dma_wait3A_2078] : memref<8192x4096xf32, #tpu.memory_space<hbm>> -> memref<8x4096xf32, #tpu.memory_space<hbm>>
        tpu.wait_dma2 semaphore(%arg10 : memref<!tpu.dma_semaphore, #tpu.memory_space<semaphore_mem>>) src(%dma_wait3A_2079 : memref<8x4096xf32, #tpu.memory_space<hbm>>) dst(%dma_wait3A_2077 : memref<8x4096xf32, #tpu.memory_space<vmem>>)
        %add3A_2080 = arith.constant 1 : i32
        %add3A_2081 = arith.addi %shift_right_logical3A_1860, %add3A_2080 : i32
        %min3A_2082 = arith.constant 1023 : i32
        %min3A_2083 = arith.minsi %add3A_2081, %min3A_2082 : i32
        %mul3A_2084 = arith.constant 8 : i32
        %mul3A_2085 = arith.muli %min3A_2083, %mul3A_2084 : i32
        %rem3A_2086 = arith.constant 3 : i32
        %rem3A_2087 = arith.remsi %add3A_2081, %rem3A_2086 : i32
        %dma_start3A_2088 = arith.constant 0 : i32
        %dma_start3A_2089 = arith.constant 0 : i32
        %dma_start3A_2090 = tpu.memref_slice %arg8[%rem3A_2087, %dma_start3A_2088, %dma_start3A_2089] : memref<3x8x4096xf32, #tpu.memory_space<vmem>> -> memref<1x8x4096xf32, #tpu.memory_space<vmem>>
        %dma_start3A_2091 = tpu.memref_squeeze %dma_start3A_2090 : memref<1x8x4096xf32, #tpu.memory_space<vmem>> -> memref<8x4096xf32, #tpu.memory_space<vmem>>
        %dma_start3A_2092 = arith.constant 0 : i32
        %dma_start3A_2093 = tpu.memref_slice %arg3[%mul3A_2085, %dma_start3A_2092] : memref<8192x4096xf32, #tpu.memory_space<hbm>> -> memref<8x4096xf32, #tpu.memory_space<hbm>>
        %dma_start3A_2094 = arith.constant 0 : i32
        %dma_start3A_2095 = arith.constant 0 : i32
        %dma_start3A_2096 = tpu.memref_slice %arg8[%rem3A_2087, %dma_start3A_2094, %dma_start3A_2095] : memref<3x8x4096xf32, #tpu.memory_space<vmem>> -> memref<1x8x4096xf32, #tpu.memory_space<vmem>>
        %dma_start3A_2097 = tpu.memref_squeeze %dma_start3A_2096 : memref<1x8x4096xf32, #tpu.memory_space<vmem>> -> memref<8x4096xf32, #tpu.memory_space<vmem>>
        %dma_start3A_2098 = arith.constant 0 : i32
        %dma_start3A_2099 = tpu.memref_slice %arg3[%mul3A_2085, %dma_start3A_2098] : memref<8192x4096xf32, #tpu.memory_space<hbm>> -> memref<8x4096xf32, #tpu.memory_space<hbm>>
        tpu.enqueue_dma source(%dma_start3A_2099 : memref<8x4096xf32, #tpu.memory_space<hbm>>) target(%dma_start3A_2097 : memref<8x4096xf32, #tpu.memory_space<vmem>>) target_semaphore(%arg10 : memref<!tpu.dma_semaphore, #tpu.memory_space<semaphore_mem>>)
      } else {
      }
      %eq3A_1865 = arith.constant 2 : i32
      %eq3A_1866 = arith.cmpi eq, %select_n3A_1821, %eq3A_1865 : i32
      %add3A_1867 = arith.constant 1 : i32
      %add3A_1868 = arith.addi %select_n3A_1821, %add3A_1867 : i32
      %jit3A_1869 = arith.constant 0 : i32
      %select_n3A_1870 = arith.select %eq3A_1866, %jit3A_1869, %add3A_1868 : i32
      %select_n3A_1871 = arith.select %ne3A_1861, %select_n3A_1870, %select_n3A_1821 : i32
      %mul3A_1872 = arith.constant 16 : i32
      %mul3A_1873 = arith.muli %scan3A_1236, %mul3A_1872 : i32
      %add3A_1874 = arith.constant 12 : i32
      %add3A_1875 = arith.addi %mul3A_1873, %add3A_1874 : i32
      %and3A_1876 = arith.constant 7 : i32
      %and3A_1877 = arith.andi %squeeze3A_1858, %and3A_1876 : i32
      %add3A_1878 = arith.addi %mul3A_2, %add3A_1875 : i32
      %dma_start3A_1879 = arith.constant 0 : i32
      %dma_start3A_1880 = tpu.memref_slice %arg8[%select_n3A_1871, %and3A_1877, %dma_start3A_1879] : memref<3x8x4096xf32, #tpu.memory_space<vmem>> -> memref<1x1x4096xf32, #tpu.memory_space<vmem>>
      %dma_start3A_1881 = tpu.memref_squeeze %dma_start3A_1880 : memref<1x1x4096xf32, #tpu.memory_space<vmem>> -> memref<4096xf32, #tpu.memory_space<vmem>>
      %dma_start3A_1882 = arith.constant 0 : i32
      %dma_start3A_1883 = tpu.memref_slice %arg4[%add3A_1878, %dma_start3A_1882] : memref<8192x4096xf32, #tpu.memory_space<hbm>> -> memref<1x4096xf32, #tpu.memory_space<hbm>>
      %dma_start3A_1884 = tpu.memref_squeeze %dma_start3A_1883 : memref<1x4096xf32, #tpu.memory_space<hbm>> -> memref<4096xf32, #tpu.memory_space<hbm>>
      %dma_start3A_1885 = arith.constant 0 : i32
      %dma_start3A_1886 = tpu.memref_slice %arg4[%add3A_1878, %dma_start3A_1885] : memref<8192x4096xf32, #tpu.memory_space<hbm>> -> memref<1x4096xf32, #tpu.memory_space<hbm>>
      %dma_start3A_1887 = tpu.memref_squeeze %dma_start3A_1886 : memref<1x4096xf32, #tpu.memory_space<hbm>> -> memref<4096xf32, #tpu.memory_space<hbm>>
      %dma_start3A_1888 = arith.constant 0 : i32
      %dma_start3A_1889 = tpu.memref_slice %arg8[%select_n3A_1871, %and3A_1877, %dma_start3A_1888] : memref<3x8x4096xf32, #tpu.memory_space<vmem>> -> memref<1x1x4096xf32, #tpu.memory_space<vmem>>
      %dma_start3A_1890 = tpu.memref_squeeze %dma_start3A_1889 : memref<1x1x4096xf32, #tpu.memory_space<vmem>> -> memref<4096xf32, #tpu.memory_space<vmem>>
      tpu.enqueue_dma source(%dma_start3A_1890 : memref<4096xf32, #tpu.memory_space<vmem>>) target(%dma_start3A_1887 : memref<4096xf32, #tpu.memory_space<hbm>>) target_semaphore(%arg11 : memref<!tpu.dma_semaphore, #tpu.memory_space<semaphore_mem>>)
      %add3A_1891 = arith.constant 0 : i32
      %add3A_1892 = arith.addi %mul3A_2, %add3A_1891 : i32
      %dma_wait3A_1893 = arith.constant 0 : i32
      %dma_wait3A_1894 = arith.constant 0 : i32
      %dma_wait3A_1895 = arith.constant 0 : i32
      %dma_wait3A_1896 = tpu.memref_slice %arg8[%dma_wait3A_1893, %dma_wait3A_1894, %dma_wait3A_1895] : memref<3x8x4096xf32, #tpu.memory_space<vmem>> -> memref<1x1x4096xf32, #tpu.memory_space<vmem>>
      %dma_wait3A_1897 = tpu.memref_squeeze %dma_wait3A_1896 : memref<1x1x4096xf32, #tpu.memory_space<vmem>> -> memref<4096xf32, #tpu.memory_space<vmem>>
      %dma_wait3A_1898 = arith.constant 0 : i32
      %dma_wait3A_1899 = tpu.memref_slice %arg4[%add3A_1892, %dma_wait3A_1898] : memref<8192x4096xf32, #tpu.memory_space<hbm>> -> memref<1x4096xf32, #tpu.memory_space<hbm>>
      %dma_wait3A_1900 = tpu.memref_squeeze %dma_wait3A_1899 : memref<1x4096xf32, #tpu.memory_space<hbm>> -> memref<4096xf32, #tpu.memory_space<hbm>>
      %dma_wait3A_1901 = arith.constant 0 : i32
      %dma_wait3A_1902 = tpu.memref_slice %arg4[%add3A_1892, %dma_wait3A_1901] : memref<8192x4096xf32, #tpu.memory_space<hbm>> -> memref<1x4096xf32, #tpu.memory_space<hbm>>
      %dma_wait3A_1903 = tpu.memref_squeeze %dma_wait3A_1902 : memref<1x4096xf32, #tpu.memory_space<hbm>> -> memref<4096xf32, #tpu.memory_space<hbm>>
      %dma_wait3A_1904 = arith.constant 0 : i32
      %dma_wait3A_1905 = tpu.memref_slice %arg8[%dma_wait3A_1893, %dma_wait3A_1894, %dma_wait3A_1904] : memref<3x8x4096xf32, #tpu.memory_space<vmem>> -> memref<1x1x4096xf32, #tpu.memory_space<vmem>>
      %dma_wait3A_1906 = tpu.memref_squeeze %dma_wait3A_1905 : memref<1x1x4096xf32, #tpu.memory_space<vmem>> -> memref<4096xf32, #tpu.memory_space<vmem>>
      tpu.wait_dma2 semaphore(%arg11 : memref<!tpu.dma_semaphore, #tpu.memory_space<semaphore_mem>>) src(%dma_wait3A_1906 : memref<4096xf32, #tpu.memory_space<vmem>>) dst(%dma_wait3A_1903 : memref<4096xf32, #tpu.memory_space<hbm>>)
      %slice3A_1907 = vector.extract_strided_slice %max3A_1256 {offsets = [13], sizes = [1], strides = [1]} : vector<16xi32> to vector<1xi32>
      %squeeze3A_1908 = vector.extract %slice3A_1907[0] : i32 from vector<1xi32>
      %shift_right_logical3A_1909 = arith.constant 3 : i32
      %shift_right_logical3A_1910 = arith.shrui %squeeze3A_1908, %shift_right_logical3A_1909 : i32
      %ne3A_1911 = arith.cmpi ne, %shift_right_logical3A_1910, %shift_right_logical3A_1860 : i32
      %convert_element_type3A_1912 = arith.extui %ne3A_1911 : i1 to i32
      %cond3A_1913 = arith.constant 0 : i32
      %cond3A_1914 = arith.cmpi ne, %convert_element_type3A_1912, %cond3A_1913 : i32
      scf.if %cond3A_1914 {
        %min3A_2060 = arith.constant 0 : i32
        %min3A_2061 = arith.constant 1023 : i32
        %min3A_2062 = arith.minsi %min3A_2060, %min3A_2061 : i32
        %mul3A_2063 = arith.constant 8 : i32
        %mul3A_2064 = arith.muli %min3A_2062, %mul3A_2063 : i32
        %rem3A_2065 = arith.constant 0 : i32
        %rem3A_2066 = arith.constant 3 : i32
        %rem3A_2067 = arith.remsi %rem3A_2065, %rem3A_2066 : i32
        %dma_wait3A_2068 = arith.constant 0 : i32
        %dma_wait3A_2069 = arith.constant 0 : i32
        %dma_wait3A_2070 = tpu.memref_slice %arg8[%rem3A_2067, %dma_wait3A_2068, %dma_wait3A_2069] : memref<3x8x4096xf32, #tpu.memory_space<vmem>> -> memref<1x8x4096xf32, #tpu.memory_space<vmem>>
        %dma_wait3A_2071 = tpu.memref_squeeze %dma_wait3A_2070 : memref<1x8x4096xf32, #tpu.memory_space<vmem>> -> memref<8x4096xf32, #tpu.memory_space<vmem>>
        %dma_wait3A_2072 = arith.constant 0 : i32
        %dma_wait3A_2073 = tpu.memref_slice %arg3[%mul3A_2064, %dma_wait3A_2072] : memref<8192x4096xf32, #tpu.memory_space<hbm>> -> memref<8x4096xf32, #tpu.memory_space<hbm>>
        %dma_wait3A_2074 = arith.constant 0 : i32
        %dma_wait3A_2075 = arith.constant 0 : i32
        %dma_wait3A_2076 = tpu.memref_slice %arg8[%rem3A_2067, %dma_wait3A_2074, %dma_wait3A_2075] : memref<3x8x4096xf32, #tpu.memory_space<vmem>> -> memref<1x8x4096xf32, #tpu.memory_space<vmem>>
        %dma_wait3A_2077 = tpu.memref_squeeze %dma_wait3A_2076 : memref<1x8x4096xf32, #tpu.memory_space<vmem>> -> memref<8x4096xf32, #tpu.memory_space<vmem>>
        %dma_wait3A_2078 = arith.constant 0 : i32
        %dma_wait3A_2079 = tpu.memref_slice %arg3[%mul3A_2064, %dma_wait3A_2078] : memref<8192x4096xf32, #tpu.memory_space<hbm>> -> memref<8x4096xf32, #tpu.memory_space<hbm>>
        tpu.wait_dma2 semaphore(%arg10 : memref<!tpu.dma_semaphore, #tpu.memory_space<semaphore_mem>>) src(%dma_wait3A_2079 : memref<8x4096xf32, #tpu.memory_space<hbm>>) dst(%dma_wait3A_2077 : memref<8x4096xf32, #tpu.memory_space<vmem>>)
        %add3A_2080 = arith.constant 1 : i32
        %add3A_2081 = arith.addi %shift_right_logical3A_1910, %add3A_2080 : i32
        %min3A_2082 = arith.constant 1023 : i32
        %min3A_2083 = arith.minsi %add3A_2081, %min3A_2082 : i32
        %mul3A_2084 = arith.constant 8 : i32
        %mul3A_2085 = arith.muli %min3A_2083, %mul3A_2084 : i32
        %rem3A_2086 = arith.constant 3 : i32
        %rem3A_2087 = arith.remsi %add3A_2081, %rem3A_2086 : i32
        %dma_start3A_2088 = arith.constant 0 : i32
        %dma_start3A_2089 = arith.constant 0 : i32
        %dma_start3A_2090 = tpu.memref_slice %arg8[%rem3A_2087, %dma_start3A_2088, %dma_start3A_2089] : memref<3x8x4096xf32, #tpu.memory_space<vmem>> -> memref<1x8x4096xf32, #tpu.memory_space<vmem>>
        %dma_start3A_2091 = tpu.memref_squeeze %dma_start3A_2090 : memref<1x8x4096xf32, #tpu.memory_space<vmem>> -> memref<8x4096xf32, #tpu.memory_space<vmem>>
        %dma_start3A_2092 = arith.constant 0 : i32
        %dma_start3A_2093 = tpu.memref_slice %arg3[%mul3A_2085, %dma_start3A_2092] : memref<8192x4096xf32, #tpu.memory_space<hbm>> -> memref<8x4096xf32, #tpu.memory_space<hbm>>
        %dma_start3A_2094 = arith.constant 0 : i32
        %dma_start3A_2095 = arith.constant 0 : i32
        %dma_start3A_2096 = tpu.memref_slice %arg8[%rem3A_2087, %dma_start3A_2094, %dma_start3A_2095] : memref<3x8x4096xf32, #tpu.memory_space<vmem>> -> memref<1x8x4096xf32, #tpu.memory_space<vmem>>
        %dma_start3A_2097 = tpu.memref_squeeze %dma_start3A_2096 : memref<1x8x4096xf32, #tpu.memory_space<vmem>> -> memref<8x4096xf32, #tpu.memory_space<vmem>>
        %dma_start3A_2098 = arith.constant 0 : i32
        %dma_start3A_2099 = tpu.memref_slice %arg3[%mul3A_2085, %dma_start3A_2098] : memref<8192x4096xf32, #tpu.memory_space<hbm>> -> memref<8x4096xf32, #tpu.memory_space<hbm>>
        tpu.enqueue_dma source(%dma_start3A_2099 : memref<8x4096xf32, #tpu.memory_space<hbm>>) target(%dma_start3A_2097 : memref<8x4096xf32, #tpu.memory_space<vmem>>) target_semaphore(%arg10 : memref<!tpu.dma_semaphore, #tpu.memory_space<semaphore_mem>>)
      } else {
      }
      %eq3A_1915 = arith.constant 2 : i32
      %eq3A_1916 = arith.cmpi eq, %select_n3A_1871, %eq3A_1915 : i32
      %add3A_1917 = arith.constant 1 : i32
      %add3A_1918 = arith.addi %select_n3A_1871, %add3A_1917 : i32
      %jit3A_1919 = arith.constant 0 : i32
      %select_n3A_1920 = arith.select %eq3A_1916, %jit3A_1919, %add3A_1918 : i32
      %select_n3A_1921 = arith.select %ne3A_1911, %select_n3A_1920, %select_n3A_1871 : i32
      %mul3A_1922 = arith.constant 16 : i32
      %mul3A_1923 = arith.muli %scan3A_1236, %mul3A_1922 : i32
      %add3A_1924 = arith.constant 13 : i32
      %add3A_1925 = arith.addi %mul3A_1923, %add3A_1924 : i32
      %and3A_1926 = arith.constant 7 : i32
      %and3A_1927 = arith.andi %squeeze3A_1908, %and3A_1926 : i32
      %add3A_1928 = arith.addi %mul3A_2, %add3A_1925 : i32
      %dma_start3A_1929 = arith.constant 0 : i32
      %dma_start3A_1930 = tpu.memref_slice %arg8[%select_n3A_1921, %and3A_1927, %dma_start3A_1929] : memref<3x8x4096xf32, #tpu.memory_space<vmem>> -> memref<1x1x4096xf32, #tpu.memory_space<vmem>>
      %dma_start3A_1931 = tpu.memref_squeeze %dma_start3A_1930 : memref<1x1x4096xf32, #tpu.memory_space<vmem>> -> memref<4096xf32, #tpu.memory_space<vmem>>
      %dma_start3A_1932 = arith.constant 0 : i32
      %dma_start3A_1933 = tpu.memref_slice %arg4[%add3A_1928, %dma_start3A_1932] : memref<8192x4096xf32, #tpu.memory_space<hbm>> -> memref<1x4096xf32, #tpu.memory_space<hbm>>
      %dma_start3A_1934 = tpu.memref_squeeze %dma_start3A_1933 : memref<1x4096xf32, #tpu.memory_space<hbm>> -> memref<4096xf32, #tpu.memory_space<hbm>>
      %dma_start3A_1935 = arith.constant 0 : i32
      %dma_start3A_1936 = tpu.memref_slice %arg4[%add3A_1928, %dma_start3A_1935] : memref<8192x4096xf32, #tpu.memory_space<hbm>> -> memref<1x4096xf32, #tpu.memory_space<hbm>>
      %dma_start3A_1937 = tpu.memref_squeeze %dma_start3A_1936 : memref<1x4096xf32, #tpu.memory_space<hbm>> -> memref<4096xf32, #tpu.memory_space<hbm>>
      %dma_start3A_1938 = arith.constant 0 : i32
      %dma_start3A_1939 = tpu.memref_slice %arg8[%select_n3A_1921, %and3A_1927, %dma_start3A_1938] : memref<3x8x4096xf32, #tpu.memory_space<vmem>> -> memref<1x1x4096xf32, #tpu.memory_space<vmem>>
      %dma_start3A_1940 = tpu.memref_squeeze %dma_start3A_1939 : memref<1x1x4096xf32, #tpu.memory_space<vmem>> -> memref<4096xf32, #tpu.memory_space<vmem>>
      tpu.enqueue_dma source(%dma_start3A_1940 : memref<4096xf32, #tpu.memory_space<vmem>>) target(%dma_start3A_1937 : memref<4096xf32, #tpu.memory_space<hbm>>) target_semaphore(%arg11 : memref<!tpu.dma_semaphore, #tpu.memory_space<semaphore_mem>>)
      %add3A_1941 = arith.constant 0 : i32
      %add3A_1942 = arith.addi %mul3A_2, %add3A_1941 : i32
      %dma_wait3A_1943 = arith.constant 0 : i32
      %dma_wait3A_1944 = arith.constant 0 : i32
      %dma_wait3A_1945 = arith.constant 0 : i32
      %dma_wait3A_1946 = tpu.memref_slice %arg8[%dma_wait3A_1943, %dma_wait3A_1944, %dma_wait3A_1945] : memref<3x8x4096xf32, #tpu.memory_space<vmem>> -> memref<1x1x4096xf32, #tpu.memory_space<vmem>>
      %dma_wait3A_1947 = tpu.memref_squeeze %dma_wait3A_1946 : memref<1x1x4096xf32, #tpu.memory_space<vmem>> -> memref<4096xf32, #tpu.memory_space<vmem>>
      %dma_wait3A_1948 = arith.constant 0 : i32
      %dma_wait3A_1949 = tpu.memref_slice %arg4[%add3A_1942, %dma_wait3A_1948] : memref<8192x4096xf32, #tpu.memory_space<hbm>> -> memref<1x4096xf32, #tpu.memory_space<hbm>>
      %dma_wait3A_1950 = tpu.memref_squeeze %dma_wait3A_1949 : memref<1x4096xf32, #tpu.memory_space<hbm>> -> memref<4096xf32, #tpu.memory_space<hbm>>
      %dma_wait3A_1951 = arith.constant 0 : i32
      %dma_wait3A_1952 = tpu.memref_slice %arg4[%add3A_1942, %dma_wait3A_1951] : memref<8192x4096xf32, #tpu.memory_space<hbm>> -> memref<1x4096xf32, #tpu.memory_space<hbm>>
      %dma_wait3A_1953 = tpu.memref_squeeze %dma_wait3A_1952 : memref<1x4096xf32, #tpu.memory_space<hbm>> -> memref<4096xf32, #tpu.memory_space<hbm>>
      %dma_wait3A_1954 = arith.constant 0 : i32
      %dma_wait3A_1955 = tpu.memref_slice %arg8[%dma_wait3A_1943, %dma_wait3A_1944, %dma_wait3A_1954] : memref<3x8x4096xf32, #tpu.memory_space<vmem>> -> memref<1x1x4096xf32, #tpu.memory_space<vmem>>
      %dma_wait3A_1956 = tpu.memref_squeeze %dma_wait3A_1955 : memref<1x1x4096xf32, #tpu.memory_space<vmem>> -> memref<4096xf32, #tpu.memory_space<vmem>>
      tpu.wait_dma2 semaphore(%arg11 : memref<!tpu.dma_semaphore, #tpu.memory_space<semaphore_mem>>) src(%dma_wait3A_1956 : memref<4096xf32, #tpu.memory_space<vmem>>) dst(%dma_wait3A_1953 : memref<4096xf32, #tpu.memory_space<hbm>>)
      %slice3A_1957 = vector.extract_strided_slice %max3A_1256 {offsets = [14], sizes = [1], strides = [1]} : vector<16xi32> to vector<1xi32>
      %squeeze3A_1958 = vector.extract %slice3A_1957[0] : i32 from vector<1xi32>
      %shift_right_logical3A_1959 = arith.constant 3 : i32
      %shift_right_logical3A_1960 = arith.shrui %squeeze3A_1958, %shift_right_logical3A_1959 : i32
      %ne3A_1961 = arith.cmpi ne, %shift_right_logical3A_1960, %shift_right_logical3A_1910 : i32
      %convert_element_type3A_1962 = arith.extui %ne3A_1961 : i1 to i32
      %cond3A_1963 = arith.constant 0 : i32
      %cond3A_1964 = arith.cmpi ne, %convert_element_type3A_1962, %cond3A_1963 : i32
      scf.if %cond3A_1964 {
        %min3A_2060 = arith.constant 0 : i32
        %min3A_2061 = arith.constant 1023 : i32
        %min3A_2062 = arith.minsi %min3A_2060, %min3A_2061 : i32
        %mul3A_2063 = arith.constant 8 : i32
        %mul3A_2064 = arith.muli %min3A_2062, %mul3A_2063 : i32
        %rem3A_2065 = arith.constant 0 : i32
        %rem3A_2066 = arith.constant 3 : i32
        %rem3A_2067 = arith.remsi %rem3A_2065, %rem3A_2066 : i32
        %dma_wait3A_2068 = arith.constant 0 : i32
        %dma_wait3A_2069 = arith.constant 0 : i32
        %dma_wait3A_2070 = tpu.memref_slice %arg8[%rem3A_2067, %dma_wait3A_2068, %dma_wait3A_2069] : memref<3x8x4096xf32, #tpu.memory_space<vmem>> -> memref<1x8x4096xf32, #tpu.memory_space<vmem>>
        %dma_wait3A_2071 = tpu.memref_squeeze %dma_wait3A_2070 : memref<1x8x4096xf32, #tpu.memory_space<vmem>> -> memref<8x4096xf32, #tpu.memory_space<vmem>>
        %dma_wait3A_2072 = arith.constant 0 : i32
        %dma_wait3A_2073 = tpu.memref_slice %arg3[%mul3A_2064, %dma_wait3A_2072] : memref<8192x4096xf32, #tpu.memory_space<hbm>> -> memref<8x4096xf32, #tpu.memory_space<hbm>>
        %dma_wait3A_2074 = arith.constant 0 : i32
        %dma_wait3A_2075 = arith.constant 0 : i32
        %dma_wait3A_2076 = tpu.memref_slice %arg8[%rem3A_2067, %dma_wait3A_2074, %dma_wait3A_2075] : memref<3x8x4096xf32, #tpu.memory_space<vmem>> -> memref<1x8x4096xf32, #tpu.memory_space<vmem>>
        %dma_wait3A_2077 = tpu.memref_squeeze %dma_wait3A_2076 : memref<1x8x4096xf32, #tpu.memory_space<vmem>> -> memref<8x4096xf32, #tpu.memory_space<vmem>>
        %dma_wait3A_2078 = arith.constant 0 : i32
        %dma_wait3A_2079 = tpu.memref_slice %arg3[%mul3A_2064, %dma_wait3A_2078] : memref<8192x4096xf32, #tpu.memory_space<hbm>> -> memref<8x4096xf32, #tpu.memory_space<hbm>>
        tpu.wait_dma2 semaphore(%arg10 : memref<!tpu.dma_semaphore, #tpu.memory_space<semaphore_mem>>) src(%dma_wait3A_2079 : memref<8x4096xf32, #tpu.memory_space<hbm>>) dst(%dma_wait3A_2077 : memref<8x4096xf32, #tpu.memory_space<vmem>>)
        %add3A_2080 = arith.constant 1 : i32
        %add3A_2081 = arith.addi %shift_right_logical3A_1960, %add3A_2080 : i32
        %min3A_2082 = arith.constant 1023 : i32
        %min3A_2083 = arith.minsi %add3A_2081, %min3A_2082 : i32
        %mul3A_2084 = arith.constant 8 : i32
        %mul3A_2085 = arith.muli %min3A_2083, %mul3A_2084 : i32
        %rem3A_2086 = arith.constant 3 : i32
        %rem3A_2087 = arith.remsi %add3A_2081, %rem3A_2086 : i32
        %dma_start3A_2088 = arith.constant 0 : i32
        %dma_start3A_2089 = arith.constant 0 : i32
        %dma_start3A_2090 = tpu.memref_slice %arg8[%rem3A_2087, %dma_start3A_2088, %dma_start3A_2089] : memref<3x8x4096xf32, #tpu.memory_space<vmem>> -> memref<1x8x4096xf32, #tpu.memory_space<vmem>>
        %dma_start3A_2091 = tpu.memref_squeeze %dma_start3A_2090 : memref<1x8x4096xf32, #tpu.memory_space<vmem>> -> memref<8x4096xf32, #tpu.memory_space<vmem>>
        %dma_start3A_2092 = arith.constant 0 : i32
        %dma_start3A_2093 = tpu.memref_slice %arg3[%mul3A_2085, %dma_start3A_2092] : memref<8192x4096xf32, #tpu.memory_space<hbm>> -> memref<8x4096xf32, #tpu.memory_space<hbm>>
        %dma_start3A_2094 = arith.constant 0 : i32
        %dma_start3A_2095 = arith.constant 0 : i32
        %dma_start3A_2096 = tpu.memref_slice %arg8[%rem3A_2087, %dma_start3A_2094, %dma_start3A_2095] : memref<3x8x4096xf32, #tpu.memory_space<vmem>> -> memref<1x8x4096xf32, #tpu.memory_space<vmem>>
        %dma_start3A_2097 = tpu.memref_squeeze %dma_start3A_2096 : memref<1x8x4096xf32, #tpu.memory_space<vmem>> -> memref<8x4096xf32, #tpu.memory_space<vmem>>
        %dma_start3A_2098 = arith.constant 0 : i32
        %dma_start3A_2099 = tpu.memref_slice %arg3[%mul3A_2085, %dma_start3A_2098] : memref<8192x4096xf32, #tpu.memory_space<hbm>> -> memref<8x4096xf32, #tpu.memory_space<hbm>>
        tpu.enqueue_dma source(%dma_start3A_2099 : memref<8x4096xf32, #tpu.memory_space<hbm>>) target(%dma_start3A_2097 : memref<8x4096xf32, #tpu.memory_space<vmem>>) target_semaphore(%arg10 : memref<!tpu.dma_semaphore, #tpu.memory_space<semaphore_mem>>)
      } else {
      }
      %eq3A_1965 = arith.constant 2 : i32
      %eq3A_1966 = arith.cmpi eq, %select_n3A_1921, %eq3A_1965 : i32
      %add3A_1967 = arith.constant 1 : i32
      %add3A_1968 = arith.addi %select_n3A_1921, %add3A_1967 : i32
      %jit3A_1969 = arith.constant 0 : i32
      %select_n3A_1970 = arith.select %eq3A_1966, %jit3A_1969, %add3A_1968 : i32
      %select_n3A_1971 = arith.select %ne3A_1961, %select_n3A_1970, %select_n3A_1921 : i32
      %mul3A_1972 = arith.constant 16 : i32
      %mul3A_1973 = arith.muli %scan3A_1236, %mul3A_1972 : i32
      %add3A_1974 = arith.constant 14 : i32
      %add3A_1975 = arith.addi %mul3A_1973, %add3A_1974 : i32
      %and3A_1976 = arith.constant 7 : i32
      %and3A_1977 = arith.andi %squeeze3A_1958, %and3A_1976 : i32
      %add3A_1978 = arith.addi %mul3A_2, %add3A_1975 : i32
      %dma_start3A_1979 = arith.constant 0 : i32
      %dma_start3A_1980 = tpu.memref_slice %arg8[%select_n3A_1971, %and3A_1977, %dma_start3A_1979] : memref<3x8x4096xf32, #tpu.memory_space<vmem>> -> memref<1x1x4096xf32, #tpu.memory_space<vmem>>
      %dma_start3A_1981 = tpu.memref_squeeze %dma_start3A_1980 : memref<1x1x4096xf32, #tpu.memory_space<vmem>> -> memref<4096xf32, #tpu.memory_space<vmem>>
      %dma_start3A_1982 = arith.constant 0 : i32
      %dma_start3A_1983 = tpu.memref_slice %arg4[%add3A_1978, %dma_start3A_1982] : memref<8192x4096xf32, #tpu.memory_space<hbm>> -> memref<1x4096xf32, #tpu.memory_space<hbm>>
      %dma_start3A_1984 = tpu.memref_squeeze %dma_start3A_1983 : memref<1x4096xf32, #tpu.memory_space<hbm>> -> memref<4096xf32, #tpu.memory_space<hbm>>
      %dma_start3A_1985 = arith.constant 0 : i32
      %dma_start3A_1986 = tpu.memref_slice %arg4[%add3A_1978, %dma_start3A_1985] : memref<8192x4096xf32, #tpu.memory_space<hbm>> -> memref<1x4096xf32, #tpu.memory_space<hbm>>
      %dma_start3A_1987 = tpu.memref_squeeze %dma_start3A_1986 : memref<1x4096xf32, #tpu.memory_space<hbm>> -> memref<4096xf32, #tpu.memory_space<hbm>>
      %dma_start3A_1988 = arith.constant 0 : i32
      %dma_start3A_1989 = tpu.memref_slice %arg8[%select_n3A_1971, %and3A_1977, %dma_start3A_1988] : memref<3x8x4096xf32, #tpu.memory_space<vmem>> -> memref<1x1x4096xf32, #tpu.memory_space<vmem>>
      %dma_start3A_1990 = tpu.memref_squeeze %dma_start3A_1989 : memref<1x1x4096xf32, #tpu.memory_space<vmem>> -> memref<4096xf32, #tpu.memory_space<vmem>>
      tpu.enqueue_dma source(%dma_start3A_1990 : memref<4096xf32, #tpu.memory_space<vmem>>) target(%dma_start3A_1987 : memref<4096xf32, #tpu.memory_space<hbm>>) target_semaphore(%arg11 : memref<!tpu.dma_semaphore, #tpu.memory_space<semaphore_mem>>)
      %add3A_1991 = arith.constant 0 : i32
      %add3A_1992 = arith.addi %mul3A_2, %add3A_1991 : i32
      %dma_wait3A_1993 = arith.constant 0 : i32
      %dma_wait3A_1994 = arith.constant 0 : i32
      %dma_wait3A_1995 = arith.constant 0 : i32
      %dma_wait3A_1996 = tpu.memref_slice %arg8[%dma_wait3A_1993, %dma_wait3A_1994, %dma_wait3A_1995] : memref<3x8x4096xf32, #tpu.memory_space<vmem>> -> memref<1x1x4096xf32, #tpu.memory_space<vmem>>
      %dma_wait3A_1997 = tpu.memref_squeeze %dma_wait3A_1996 : memref<1x1x4096xf32, #tpu.memory_space<vmem>> -> memref<4096xf32, #tpu.memory_space<vmem>>
      %dma_wait3A_1998 = arith.constant 0 : i32
      %dma_wait3A_1999 = tpu.memref_slice %arg4[%add3A_1992, %dma_wait3A_1998] : memref<8192x4096xf32, #tpu.memory_space<hbm>> -> memref<1x4096xf32, #tpu.memory_space<hbm>>
      %dma_wait3A_2000 = tpu.memref_squeeze %dma_wait3A_1999 : memref<1x4096xf32, #tpu.memory_space<hbm>> -> memref<4096xf32, #tpu.memory_space<hbm>>
      %dma_wait3A_2001 = arith.constant 0 : i32
      %dma_wait3A_2002 = tpu.memref_slice %arg4[%add3A_1992, %dma_wait3A_2001] : memref<8192x4096xf32, #tpu.memory_space<hbm>> -> memref<1x4096xf32, #tpu.memory_space<hbm>>
      %dma_wait3A_2003 = tpu.memref_squeeze %dma_wait3A_2002 : memref<1x4096xf32, #tpu.memory_space<hbm>> -> memref<4096xf32, #tpu.memory_space<hbm>>
      %dma_wait3A_2004 = arith.constant 0 : i32
      %dma_wait3A_2005 = tpu.memref_slice %arg8[%dma_wait3A_1993, %dma_wait3A_1994, %dma_wait3A_2004] : memref<3x8x4096xf32, #tpu.memory_space<vmem>> -> memref<1x1x4096xf32, #tpu.memory_space<vmem>>
      %dma_wait3A_2006 = tpu.memref_squeeze %dma_wait3A_2005 : memref<1x1x4096xf32, #tpu.memory_space<vmem>> -> memref<4096xf32, #tpu.memory_space<vmem>>
      tpu.wait_dma2 semaphore(%arg11 : memref<!tpu.dma_semaphore, #tpu.memory_space<semaphore_mem>>) src(%dma_wait3A_2006 : memref<4096xf32, #tpu.memory_space<vmem>>) dst(%dma_wait3A_2003 : memref<4096xf32, #tpu.memory_space<hbm>>)
      %slice3A_2007 = vector.extract_strided_slice %max3A_1256 {offsets = [15], sizes = [1], strides = [1]} : vector<16xi32> to vector<1xi32>
      %squeeze3A_2008 = vector.extract %slice3A_2007[0] : i32 from vector<1xi32>
      %shift_right_logical3A_2009 = arith.constant 3 : i32
      %shift_right_logical3A_2010 = arith.shrui %squeeze3A_2008, %shift_right_logical3A_2009 : i32
      %ne3A_2011 = arith.cmpi ne, %shift_right_logical3A_2010, %shift_right_logical3A_1960 : i32
      %convert_element_type3A_2012 = arith.extui %ne3A_2011 : i1 to i32
      %cond3A_2013 = arith.constant 0 : i32
      %cond3A_2014 = arith.cmpi ne, %convert_element_type3A_2012, %cond3A_2013 : i32
      scf.if %cond3A_2014 {
        %min3A_2060 = arith.constant 0 : i32
        %min3A_2061 = arith.constant 1023 : i32
        %min3A_2062 = arith.minsi %min3A_2060, %min3A_2061 : i32
        %mul3A_2063 = arith.constant 8 : i32
        %mul3A_2064 = arith.muli %min3A_2062, %mul3A_2063 : i32
        %rem3A_2065 = arith.constant 0 : i32
        %rem3A_2066 = arith.constant 3 : i32
        %rem3A_2067 = arith.remsi %rem3A_2065, %rem3A_2066 : i32
        %dma_wait3A_2068 = arith.constant 0 : i32
        %dma_wait3A_2069 = arith.constant 0 : i32
        %dma_wait3A_2070 = tpu.memref_slice %arg8[%rem3A_2067, %dma_wait3A_2068, %dma_wait3A_2069] : memref<3x8x4096xf32, #tpu.memory_space<vmem>> -> memref<1x8x4096xf32, #tpu.memory_space<vmem>>
        %dma_wait3A_2071 = tpu.memref_squeeze %dma_wait3A_2070 : memref<1x8x4096xf32, #tpu.memory_space<vmem>> -> memref<8x4096xf32, #tpu.memory_space<vmem>>
        %dma_wait3A_2072 = arith.constant 0 : i32
        %dma_wait3A_2073 = tpu.memref_slice %arg3[%mul3A_2064, %dma_wait3A_2072] : memref<8192x4096xf32, #tpu.memory_space<hbm>> -> memref<8x4096xf32, #tpu.memory_space<hbm>>
        %dma_wait3A_2074 = arith.constant 0 : i32
        %dma_wait3A_2075 = arith.constant 0 : i32
        %dma_wait3A_2076 = tpu.memref_slice %arg8[%rem3A_2067, %dma_wait3A_2074, %dma_wait3A_2075] : memref<3x8x4096xf32, #tpu.memory_space<vmem>> -> memref<1x8x4096xf32, #tpu.memory_space<vmem>>
        %dma_wait3A_2077 = tpu.memref_squeeze %dma_wait3A_2076 : memref<1x8x4096xf32, #tpu.memory_space<vmem>> -> memref<8x4096xf32, #tpu.memory_space<vmem>>
        %dma_wait3A_2078 = arith.constant 0 : i32
        %dma_wait3A_2079 = tpu.memref_slice %arg3[%mul3A_2064, %dma_wait3A_2078] : memref<8192x4096xf32, #tpu.memory_space<hbm>> -> memref<8x4096xf32, #tpu.memory_space<hbm>>
        tpu.wait_dma2 semaphore(%arg10 : memref<!tpu.dma_semaphore, #tpu.memory_space<semaphore_mem>>) src(%dma_wait3A_2079 : memref<8x4096xf32, #tpu.memory_space<hbm>>) dst(%dma_wait3A_2077 : memref<8x4096xf32, #tpu.memory_space<vmem>>)
        %add3A_2080 = arith.constant 1 : i32
        %add3A_2081 = arith.addi %shift_right_logical3A_2010, %add3A_2080 : i32
        %min3A_2082 = arith.constant 1023 : i32
        %min3A_2083 = arith.minsi %add3A_2081, %min3A_2082 : i32
        %mul3A_2084 = arith.constant 8 : i32
        %mul3A_2085 = arith.muli %min3A_2083, %mul3A_2084 : i32
        %rem3A_2086 = arith.constant 3 : i32
        %rem3A_2087 = arith.remsi %add3A_2081, %rem3A_2086 : i32
        %dma_start3A_2088 = arith.constant 0 : i32
        %dma_start3A_2089 = arith.constant 0 : i32
        %dma_start3A_2090 = tpu.memref_slice %arg8[%rem3A_2087, %dma_start3A_2088, %dma_start3A_2089] : memref<3x8x4096xf32, #tpu.memory_space<vmem>> -> memref<1x8x4096xf32, #tpu.memory_space<vmem>>
        %dma_start3A_2091 = tpu.memref_squeeze %dma_start3A_2090 : memref<1x8x4096xf32, #tpu.memory_space<vmem>> -> memref<8x4096xf32, #tpu.memory_space<vmem>>
        %dma_start3A_2092 = arith.constant 0 : i32
        %dma_start3A_2093 = tpu.memref_slice %arg3[%mul3A_2085, %dma_start3A_2092] : memref<8192x4096xf32, #tpu.memory_space<hbm>> -> memref<8x4096xf32, #tpu.memory_space<hbm>>
        %dma_start3A_2094 = arith.constant 0 : i32
        %dma_start3A_2095 = arith.constant 0 : i32
        %dma_start3A_2096 = tpu.memref_slice %arg8[%rem3A_2087, %dma_start3A_2094, %dma_start3A_2095] : memref<3x8x4096xf32, #tpu.memory_space<vmem>> -> memref<1x8x4096xf32, #tpu.memory_space<vmem>>
        %dma_start3A_2097 = tpu.memref_squeeze %dma_start3A_2096 : memref<1x8x4096xf32, #tpu.memory_space<vmem>> -> memref<8x4096xf32, #tpu.memory_space<vmem>>
        %dma_start3A_2098 = arith.constant 0 : i32
        %dma_start3A_2099 = tpu.memref_slice %arg3[%mul3A_2085, %dma_start3A_2098] : memref<8192x4096xf32, #tpu.memory_space<hbm>> -> memref<8x4096xf32, #tpu.memory_space<hbm>>
        tpu.enqueue_dma source(%dma_start3A_2099 : memref<8x4096xf32, #tpu.memory_space<hbm>>) target(%dma_start3A_2097 : memref<8x4096xf32, #tpu.memory_space<vmem>>) target_semaphore(%arg10 : memref<!tpu.dma_semaphore, #tpu.memory_space<semaphore_mem>>)
      } else {
      }
      %eq3A_2015 = arith.constant 2 : i32
      %eq3A_2016 = arith.cmpi eq, %select_n3A_1971, %eq3A_2015 : i32
      %add3A_2017 = arith.constant 1 : i32
      %add3A_2018 = arith.addi %select_n3A_1971, %add3A_2017 : i32
      %jit3A_2019 = arith.constant 0 : i32
      %select_n3A_2020 = arith.select %eq3A_2016, %jit3A_2019, %add3A_2018 : i32
      %select_n3A_2021 = arith.select %ne3A_2011, %select_n3A_2020, %select_n3A_1971 : i32
      %mul3A_2022 = arith.constant 16 : i32
      %mul3A_2023 = arith.muli %scan3A_1236, %mul3A_2022 : i32
      %add3A_2024 = arith.constant 15 : i32
      %add3A_2025 = arith.addi %mul3A_2023, %add3A_2024 : i32
      %and3A_2026 = arith.constant 7 : i32
      %and3A_2027 = arith.andi %squeeze3A_2008, %and3A_2026 : i32
      %add3A_2028 = arith.addi %mul3A_2, %add3A_2025 : i32
      %dma_start3A_2029 = arith.constant 0 : i32
      %dma_start3A_2030 = tpu.memref_slice %arg8[%select_n3A_2021, %and3A_2027, %dma_start3A_2029] : memref<3x8x4096xf32, #tpu.memory_space<vmem>> -> memref<1x1x4096xf32, #tpu.memory_space<vmem>>
      %dma_start3A_2031 = tpu.memref_squeeze %dma_start3A_2030 : memref<1x1x4096xf32, #tpu.memory_space<vmem>> -> memref<4096xf32, #tpu.memory_space<vmem>>
      %dma_start3A_2032 = arith.constant 0 : i32
      %dma_start3A_2033 = tpu.memref_slice %arg4[%add3A_2028, %dma_start3A_2032] : memref<8192x4096xf32, #tpu.memory_space<hbm>> -> memref<1x4096xf32, #tpu.memory_space<hbm>>
      %dma_start3A_2034 = tpu.memref_squeeze %dma_start3A_2033 : memref<1x4096xf32, #tpu.memory_space<hbm>> -> memref<4096xf32, #tpu.memory_space<hbm>>
      %dma_start3A_2035 = arith.constant 0 : i32
      %dma_start3A_2036 = tpu.memref_slice %arg4[%add3A_2028, %dma_start3A_2035] : memref<8192x4096xf32, #tpu.memory_space<hbm>> -> memref<1x4096xf32, #tpu.memory_space<hbm>>
      %dma_start3A_2037 = tpu.memref_squeeze %dma_start3A_2036 : memref<1x4096xf32, #tpu.memory_space<hbm>> -> memref<4096xf32, #tpu.memory_space<hbm>>
      %dma_start3A_2038 = arith.constant 0 : i32
      %dma_start3A_2039 = tpu.memref_slice %arg8[%select_n3A_2021, %and3A_2027, %dma_start3A_2038] : memref<3x8x4096xf32, #tpu.memory_space<vmem>> -> memref<1x1x4096xf32, #tpu.memory_space<vmem>>
      %dma_start3A_2040 = tpu.memref_squeeze %dma_start3A_2039 : memref<1x1x4096xf32, #tpu.memory_space<vmem>> -> memref<4096xf32, #tpu.memory_space<vmem>>
      tpu.enqueue_dma source(%dma_start3A_2040 : memref<4096xf32, #tpu.memory_space<vmem>>) target(%dma_start3A_2037 : memref<4096xf32, #tpu.memory_space<hbm>>) target_semaphore(%arg11 : memref<!tpu.dma_semaphore, #tpu.memory_space<semaphore_mem>>)
      %add3A_2041 = arith.constant 0 : i32
      %add3A_2042 = arith.addi %mul3A_2, %add3A_2041 : i32
      %dma_wait3A_2043 = arith.constant 0 : i32
      %dma_wait3A_2044 = arith.constant 0 : i32
      %dma_wait3A_2045 = arith.constant 0 : i32
      %dma_wait3A_2046 = tpu.memref_slice %arg8[%dma_wait3A_2043, %dma_wait3A_2044, %dma_wait3A_2045] : memref<3x8x4096xf32, #tpu.memory_space<vmem>> -> memref<1x1x4096xf32, #tpu.memory_space<vmem>>
      %dma_wait3A_2047 = tpu.memref_squeeze %dma_wait3A_2046 : memref<1x1x4096xf32, #tpu.memory_space<vmem>> -> memref<4096xf32, #tpu.memory_space<vmem>>
      %dma_wait3A_2048 = arith.constant 0 : i32
      %dma_wait3A_2049 = tpu.memref_slice %arg4[%add3A_2042, %dma_wait3A_2048] : memref<8192x4096xf32, #tpu.memory_space<hbm>> -> memref<1x4096xf32, #tpu.memory_space<hbm>>
      %dma_wait3A_2050 = tpu.memref_squeeze %dma_wait3A_2049 : memref<1x4096xf32, #tpu.memory_space<hbm>> -> memref<4096xf32, #tpu.memory_space<hbm>>
      %dma_wait3A_2051 = arith.constant 0 : i32
      %dma_wait3A_2052 = tpu.memref_slice %arg4[%add3A_2042, %dma_wait3A_2051] : memref<8192x4096xf32, #tpu.memory_space<hbm>> -> memref<1x4096xf32, #tpu.memory_space<hbm>>
      %dma_wait3A_2053 = tpu.memref_squeeze %dma_wait3A_2052 : memref<1x4096xf32, #tpu.memory_space<hbm>> -> memref<4096xf32, #tpu.memory_space<hbm>>
      %dma_wait3A_2054 = arith.constant 0 : i32
      %dma_wait3A_2055 = tpu.memref_slice %arg8[%dma_wait3A_2043, %dma_wait3A_2044, %dma_wait3A_2054] : memref<3x8x4096xf32, #tpu.memory_space<vmem>> -> memref<1x1x4096xf32, #tpu.memory_space<vmem>>
      %dma_wait3A_2056 = tpu.memref_squeeze %dma_wait3A_2055 : memref<1x1x4096xf32, #tpu.memory_space<vmem>> -> memref<4096xf32, #tpu.memory_space<vmem>>
      tpu.wait_dma2 semaphore(%arg11 : memref<!tpu.dma_semaphore, #tpu.memory_space<semaphore_mem>>) src(%dma_wait3A_2056 : memref<4096xf32, #tpu.memory_space<vmem>>) dst(%dma_wait3A_2053 : memref<4096xf32, #tpu.memory_space<hbm>>)
      %slice3A_2057 = vector.extract_strided_slice %masked_cumsum3A_1249 {offsets = [15], sizes = [1], strides = [1]} : vector<16xi32> to vector<1xi32>
      %squeeze3A_2058 = vector.extract %slice3A_2057[0] : i32 from vector<1xi32>
      %add3A_2059 = arith.addi %scan3A_1237, %squeeze3A_2058 : i32
      scf.yield %add3A_2059, %shift_right_logical3A_2010, %select_n3A_2021 : i32, i32, i32
    }
    %scan3A_1087 = arith.constant 15 : i32
    %add3A_1088 = arith.constant 0 : i32
    %add3A_1089 = arith.addi %mul3A_2, %add3A_1088 : i32
    %dma_wait3A_1090 = arith.constant 0 : i32
    %dma_wait3A_1091 = arith.constant 0 : i32
    %dma_wait3A_1092 = arith.constant 0 : i32
    %dma_wait3A_1093 = tpu.memref_slice %arg8[%dma_wait3A_1090, %dma_wait3A_1091, %dma_wait3A_1092] : memref<3x8x4096xf32, #tpu.memory_space<vmem>> -> memref<1x1x4096xf32, #tpu.memory_space<vmem>>
    %dma_wait3A_1094 = tpu.memref_squeeze %dma_wait3A_1093 : memref<1x1x4096xf32, #tpu.memory_space<vmem>> -> memref<4096xf32, #tpu.memory_space<vmem>>
    %dma_wait3A_1095 = arith.constant 0 : i32
    %dma_wait3A_1096 = tpu.memref_slice %arg4[%add3A_1089, %dma_wait3A_1095] : memref<8192x4096xf32, #tpu.memory_space<hbm>> -> memref<1x4096xf32, #tpu.memory_space<hbm>>
    %dma_wait3A_1097 = tpu.memref_squeeze %dma_wait3A_1096 : memref<1x4096xf32, #tpu.memory_space<hbm>> -> memref<4096xf32, #tpu.memory_space<hbm>>
    %dma_wait3A_1098 = arith.constant 0 : i32
    %dma_wait3A_1099 = tpu.memref_slice %arg4[%add3A_1089, %dma_wait3A_1098] : memref<8192x4096xf32, #tpu.memory_space<hbm>> -> memref<1x4096xf32, #tpu.memory_space<hbm>>
    %dma_wait3A_1100 = tpu.memref_squeeze %dma_wait3A_1099 : memref<1x4096xf32, #tpu.memory_space<hbm>> -> memref<4096xf32, #tpu.memory_space<hbm>>
    %dma_wait3A_1101 = arith.constant 0 : i32
    %dma_wait3A_1102 = tpu.memref_slice %arg8[%dma_wait3A_1090, %dma_wait3A_1091, %dma_wait3A_1101] : memref<3x8x4096xf32, #tpu.memory_space<vmem>> -> memref<1x1x4096xf32, #tpu.memory_space<vmem>>
    %dma_wait3A_1103 = tpu.memref_squeeze %dma_wait3A_1102 : memref<1x1x4096xf32, #tpu.memory_space<vmem>> -> memref<4096xf32, #tpu.memory_space<vmem>>
    tpu.wait_dma2 semaphore(%arg11 : memref<!tpu.dma_semaphore, #tpu.memory_space<semaphore_mem>>) src(%dma_wait3A_1103 : memref<4096xf32, #tpu.memory_space<vmem>>) dst(%dma_wait3A_1100 : memref<4096xf32, #tpu.memory_space<hbm>>)
    %add3A_1104 = arith.constant 0 : i32
    %add3A_1105 = arith.addi %mul3A_2, %add3A_1104 : i32
    %dma_wait3A_1106 = arith.constant 0 : i32
    %dma_wait3A_1107 = arith.constant 0 : i32
    %dma_wait3A_1108 = arith.constant 0 : i32
    %dma_wait3A_1109 = tpu.memref_slice %arg8[%dma_wait3A_1106, %dma_wait3A_1107, %dma_wait3A_1108] : memref<3x8x4096xf32, #tpu.memory_space<vmem>> -> memref<1x1x4096xf32, #tpu.memory_space<vmem>>
    %dma_wait3A_1110 = tpu.memref_squeeze %dma_wait3A_1109 : memref<1x1x4096xf32, #tpu.memory_space<vmem>> -> memref<4096xf32, #tpu.memory_space<vmem>>
    %dma_wait3A_1111 = arith.constant 0 : i32
    %dma_wait3A_1112 = tpu.memref_slice %arg4[%add3A_1105, %dma_wait3A_1111] : memref<8192x4096xf32, #tpu.memory_space<hbm>> -> memref<1x4096xf32, #tpu.memory_space<hbm>>
    %dma_wait3A_1113 = tpu.memref_squeeze %dma_wait3A_1112 : memref<1x4096xf32, #tpu.memory_space<hbm>> -> memref<4096xf32, #tpu.memory_space<hbm>>
    %dma_wait3A_1114 = arith.constant 0 : i32
    %dma_wait3A_1115 = tpu.memref_slice %arg4[%add3A_1105, %dma_wait3A_1114] : memref<8192x4096xf32, #tpu.memory_space<hbm>> -> memref<1x4096xf32, #tpu.memory_space<hbm>>
    %dma_wait3A_1116 = tpu.memref_squeeze %dma_wait3A_1115 : memref<1x4096xf32, #tpu.memory_space<hbm>> -> memref<4096xf32, #tpu.memory_space<hbm>>
    %dma_wait3A_1117 = arith.constant 0 : i32
    %dma_wait3A_1118 = tpu.memref_slice %arg8[%dma_wait3A_1106, %dma_wait3A_1107, %dma_wait3A_1117] : memref<3x8x4096xf32, #tpu.memory_space<vmem>> -> memref<1x1x4096xf32, #tpu.memory_space<vmem>>
    %dma_wait3A_1119 = tpu.memref_squeeze %dma_wait3A_1118 : memref<1x1x4096xf32, #tpu.memory_space<vmem>> -> memref<4096xf32, #tpu.memory_space<vmem>>
    tpu.wait_dma2 semaphore(%arg11 : memref<!tpu.dma_semaphore, #tpu.memory_space<semaphore_mem>>) src(%dma_wait3A_1119 : memref<4096xf32, #tpu.memory_space<vmem>>) dst(%dma_wait3A_1116 : memref<4096xf32, #tpu.memory_space<hbm>>)
    %add3A_1120 = arith.constant 0 : i32
    %add3A_1121 = arith.addi %mul3A_2, %add3A_1120 : i32
    %dma_wait3A_1122 = arith.constant 0 : i32
    %dma_wait3A_1123 = arith.constant 0 : i32
    %dma_wait3A_1124 = arith.constant 0 : i32
    %dma_wait3A_1125 = tpu.memref_slice %arg8[%dma_wait3A_1122, %dma_wait3A_1123, %dma_wait3A_1124] : memref<3x8x4096xf32, #tpu.memory_space<vmem>> -> memref<1x1x4096xf32, #tpu.memory_space<vmem>>
    %dma_wait3A_1126 = tpu.memref_squeeze %dma_wait3A_1125 : memref<1x1x4096xf32, #tpu.memory_space<vmem>> -> memref<4096xf32, #tpu.memory_space<vmem>>
    %dma_wait3A_1127 = arith.constant 0 : i32
    %dma_wait3A_1128 = tpu.memref_slice %arg4[%add3A_1121, %dma_wait3A_1127] : memref<8192x4096xf32, #tpu.memory_space<hbm>> -> memref<1x4096xf32, #tpu.memory_space<hbm>>
    %dma_wait3A_1129 = tpu.memref_squeeze %dma_wait3A_1128 : memref<1x4096xf32, #tpu.memory_space<hbm>> -> memref<4096xf32, #tpu.memory_space<hbm>>
    %dma_wait3A_1130 = arith.constant 0 : i32
    %dma_wait3A_1131 = tpu.memref_slice %arg4[%add3A_1121, %dma_wait3A_1130] : memref<8192x4096xf32, #tpu.memory_space<hbm>> -> memref<1x4096xf32, #tpu.memory_space<hbm>>
    %dma_wait3A_1132 = tpu.memref_squeeze %dma_wait3A_1131 : memref<1x4096xf32, #tpu.memory_space<hbm>> -> memref<4096xf32, #tpu.memory_space<hbm>>
    %dma_wait3A_1133 = arith.constant 0 : i32
    %dma_wait3A_1134 = tpu.memref_slice %arg8[%dma_wait3A_1122, %dma_wait3A_1123, %dma_wait3A_1133] : memref<3x8x4096xf32, #tpu.memory_space<vmem>> -> memref<1x1x4096xf32, #tpu.memory_space<vmem>>
    %dma_wait3A_1135 = tpu.memref_squeeze %dma_wait3A_1134 : memref<1x1x4096xf32, #tpu.memory_space<vmem>> -> memref<4096xf32, #tpu.memory_space<vmem>>
    tpu.wait_dma2 semaphore(%arg11 : memref<!tpu.dma_semaphore, #tpu.memory_space<semaphore_mem>>) src(%dma_wait3A_1135 : memref<4096xf32, #tpu.memory_space<vmem>>) dst(%dma_wait3A_1132 : memref<4096xf32, #tpu.memory_space<hbm>>)
    %add3A_1136 = arith.constant 0 : i32
    %add3A_1137 = arith.addi %mul3A_2, %add3A_1136 : i32
    %dma_wait3A_1138 = arith.constant 0 : i32
    %dma_wait3A_1139 = arith.constant 0 : i32
    %dma_wait3A_1140 = arith.constant 0 : i32
    %dma_wait3A_1141 = tpu.memref_slice %arg8[%dma_wait3A_1138, %dma_wait3A_1139, %dma_wait3A_1140] : memref<3x8x4096xf32, #tpu.memory_space<vmem>> -> memref<1x1x4096xf32, #tpu.memory_space<vmem>>
    %dma_wait3A_1142 = tpu.memref_squeeze %dma_wait3A_1141 : memref<1x1x4096xf32, #tpu.memory_space<vmem>> -> memref<4096xf32, #tpu.memory_space<vmem>>
    %dma_wait3A_1143 = arith.constant 0 : i32
    %dma_wait3A_1144 = tpu.memref_slice %arg4[%add3A_1137, %dma_wait3A_1143] : memref<8192x4096xf32, #tpu.memory_space<hbm>> -> memref<1x4096xf32, #tpu.memory_space<hbm>>
    %dma_wait3A_1145 = tpu.memref_squeeze %dma_wait3A_1144 : memref<1x4096xf32, #tpu.memory_space<hbm>> -> memref<4096xf32, #tpu.memory_space<hbm>>
    %dma_wait3A_1146 = arith.constant 0 : i32
    %dma_wait3A_1147 = tpu.memref_slice %arg4[%add3A_1137, %dma_wait3A_1146] : memref<8192x4096xf32, #tpu.memory_space<hbm>> -> memref<1x4096xf32, #tpu.memory_space<hbm>>
    %dma_wait3A_1148 = tpu.memref_squeeze %dma_wait3A_1147 : memref<1x4096xf32, #tpu.memory_space<hbm>> -> memref<4096xf32, #tpu.memory_space<hbm>>
    %dma_wait3A_1149 = arith.constant 0 : i32
    %dma_wait3A_1150 = tpu.memref_slice %arg8[%dma_wait3A_1138, %dma_wait3A_1139, %dma_wait3A_1149] : memref<3x8x4096xf32, #tpu.memory_space<vmem>> -> memref<1x1x4096xf32, #tpu.memory_space<vmem>>
    %dma_wait3A_1151 = tpu.memref_squeeze %dma_wait3A_1150 : memref<1x1x4096xf32, #tpu.memory_space<vmem>> -> memref<4096xf32, #tpu.memory_space<vmem>>
    tpu.wait_dma2 semaphore(%arg11 : memref<!tpu.dma_semaphore, #tpu.memory_space<semaphore_mem>>) src(%dma_wait3A_1151 : memref<4096xf32, #tpu.memory_space<vmem>>) dst(%dma_wait3A_1148 : memref<4096xf32, #tpu.memory_space<hbm>>)
    %add3A_1152 = arith.constant 0 : i32
    %add3A_1153 = arith.addi %mul3A_2, %add3A_1152 : i32
    %dma_wait3A_1154 = arith.constant 0 : i32
    %dma_wait3A_1155 = arith.constant 0 : i32
    %dma_wait3A_1156 = arith.constant 0 : i32
    %dma_wait3A_1157 = tpu.memref_slice %arg8[%dma_wait3A_1154, %dma_wait3A_1155, %dma_wait3A_1156] : memref<3x8x4096xf32, #tpu.memory_space<vmem>> -> memref<1x1x4096xf32, #tpu.memory_space<vmem>>
    %dma_wait3A_1158 = tpu.memref_squeeze %dma_wait3A_1157 : memref<1x1x4096xf32, #tpu.memory_space<vmem>> -> memref<4096xf32, #tpu.memory_space<vmem>>
    %dma_wait3A_1159 = arith.constant 0 : i32
    %dma_wait3A_1160 = tpu.memref_slice %arg4[%add3A_1153, %dma_wait3A_1159] : memref<8192x4096xf32, #tpu.memory_space<hbm>> -> memref<1x4096xf32, #tpu.memory_space<hbm>>
    %dma_wait3A_1161 = tpu.memref_squeeze %dma_wait3A_1160 : memref<1x4096xf32, #tpu.memory_space<hbm>> -> memref<4096xf32, #tpu.memory_space<hbm>>
    %dma_wait3A_1162 = arith.constant 0 : i32
    %dma_wait3A_1163 = tpu.memref_slice %arg4[%add3A_1153, %dma_wait3A_1162] : memref<8192x4096xf32, #tpu.memory_space<hbm>> -> memref<1x4096xf32, #tpu.memory_space<hbm>>
    %dma_wait3A_1164 = tpu.memref_squeeze %dma_wait3A_1163 : memref<1x4096xf32, #tpu.memory_space<hbm>> -> memref<4096xf32, #tpu.memory_space<hbm>>
    %dma_wait3A_1165 = arith.constant 0 : i32
    %dma_wait3A_1166 = tpu.memref_slice %arg8[%dma_wait3A_1154, %dma_wait3A_1155, %dma_wait3A_1165] : memref<3x8x4096xf32, #tpu.memory_space<vmem>> -> memref<1x1x4096xf32, #tpu.memory_space<vmem>>
    %dma_wait3A_1167 = tpu.memref_squeeze %dma_wait3A_1166 : memref<1x1x4096xf32, #tpu.memory_space<vmem>> -> memref<4096xf32, #tpu.memory_space<vmem>>
    tpu.wait_dma2 semaphore(%arg11 : memref<!tpu.dma_semaphore, #tpu.memory_space<semaphore_mem>>) src(%dma_wait3A_1167 : memref<4096xf32, #tpu.memory_space<vmem>>) dst(%dma_wait3A_1164 : memref<4096xf32, #tpu.memory_space<hbm>>)
    %add3A_1168 = arith.constant 0 : i32
    %add3A_1169 = arith.addi %mul3A_2, %add3A_1168 : i32
    %dma_wait3A_1170 = arith.constant 0 : i32
    %dma_wait3A_1171 = arith.constant 0 : i32
    %dma_wait3A_1172 = arith.constant 0 : i32
    %dma_wait3A_1173 = tpu.memref_slice %arg8[%dma_wait3A_1170, %dma_wait3A_1171, %dma_wait3A_1172] : memref<3x8x4096xf32, #tpu.memory_space<vmem>> -> memref<1x1x4096xf32, #tpu.memory_space<vmem>>
    %dma_wait3A_1174 = tpu.memref_squeeze %dma_wait3A_1173 : memref<1x1x4096xf32, #tpu.memory_space<vmem>> -> memref<4096xf32, #tpu.memory_space<vmem>>
    %dma_wait3A_1175 = arith.constant 0 : i32
    %dma_wait3A_1176 = tpu.memref_slice %arg4[%add3A_1169, %dma_wait3A_1175] : memref<8192x4096xf32, #tpu.memory_space<hbm>> -> memref<1x4096xf32, #tpu.memory_space<hbm>>
    %dma_wait3A_1177 = tpu.memref_squeeze %dma_wait3A_1176 : memref<1x4096xf32, #tpu.memory_space<hbm>> -> memref<4096xf32, #tpu.memory_space<hbm>>
    %dma_wait3A_1178 = arith.constant 0 : i32
    %dma_wait3A_1179 = tpu.memref_slice %arg4[%add3A_1169, %dma_wait3A_1178] : memref<8192x4096xf32, #tpu.memory_space<hbm>> -> memref<1x4096xf32, #tpu.memory_space<hbm>>
    %dma_wait3A_1180 = tpu.memref_squeeze %dma_wait3A_1179 : memref<1x4096xf32, #tpu.memory_space<hbm>> -> memref<4096xf32, #tpu.memory_space<hbm>>
    %dma_wait3A_1181 = arith.constant 0 : i32
    %dma_wait3A_1182 = tpu.memref_slice %arg8[%dma_wait3A_1170, %dma_wait3A_1171, %dma_wait3A_1181] : memref<3x8x4096xf32, #tpu.memory_space<vmem>> -> memref<1x1x4096xf32, #tpu.memory_space<vmem>>
    %dma_wait3A_1183 = tpu.memref_squeeze %dma_wait3A_1182 : memref<1x1x4096xf32, #tpu.memory_space<vmem>> -> memref<4096xf32, #tpu.memory_space<vmem>>
    tpu.wait_dma2 semaphore(%arg11 : memref<!tpu.dma_semaphore, #tpu.memory_space<semaphore_mem>>) src(%dma_wait3A_1183 : memref<4096xf32, #tpu.memory_space<vmem>>) dst(%dma_wait3A_1180 : memref<4096xf32, #tpu.memory_space<hbm>>)
    %add3A_1184 = arith.constant 0 : i32
    %add3A_1185 = arith.addi %mul3A_2, %add3A_1184 : i32
    %dma_wait3A_1186 = arith.constant 0 : i32
    %dma_wait3A_1187 = arith.constant 0 : i32
    %dma_wait3A_1188 = arith.constant 0 : i32
    %dma_wait3A_1189 = tpu.memref_slice %arg8[%dma_wait3A_1186, %dma_wait3A_1187, %dma_wait3A_1188] : memref<3x8x4096xf32, #tpu.memory_space<vmem>> -> memref<1x1x4096xf32, #tpu.memory_space<vmem>>
    %dma_wait3A_1190 = tpu.memref_squeeze %dma_wait3A_1189 : memref<1x1x4096xf32, #tpu.memory_space<vmem>> -> memref<4096xf32, #tpu.memory_space<vmem>>
    %dma_wait3A_1191 = arith.constant 0 : i32
    %dma_wait3A_1192 = tpu.memref_slice %arg4[%add3A_1185, %dma_wait3A_1191] : memref<8192x4096xf32, #tpu.memory_space<hbm>> -> memref<1x4096xf32, #tpu.memory_space<hbm>>
    %dma_wait3A_1193 = tpu.memref_squeeze %dma_wait3A_1192 : memref<1x4096xf32, #tpu.memory_space<hbm>> -> memref<4096xf32, #tpu.memory_space<hbm>>
    %dma_wait3A_1194 = arith.constant 0 : i32
    %dma_wait3A_1195 = tpu.memref_slice %arg4[%add3A_1185, %dma_wait3A_1194] : memref<8192x4096xf32, #tpu.memory_space<hbm>> -> memref<1x4096xf32, #tpu.memory_space<hbm>>
    %dma_wait3A_1196 = tpu.memref_squeeze %dma_wait3A_1195 : memref<1x4096xf32, #tpu.memory_space<hbm>> -> memref<4096xf32, #tpu.memory_space<hbm>>
    %dma_wait3A_1197 = arith.constant 0 : i32
    %dma_wait3A_1198 = tpu.memref_slice %arg8[%dma_wait3A_1186, %dma_wait3A_1187, %dma_wait3A_1197] : memref<3x8x4096xf32, #tpu.memory_space<vmem>> -> memref<1x1x4096xf32, #tpu.memory_space<vmem>>
    %dma_wait3A_1199 = tpu.memref_squeeze %dma_wait3A_1198 : memref<1x1x4096xf32, #tpu.memory_space<vmem>> -> memref<4096xf32, #tpu.memory_space<vmem>>
    tpu.wait_dma2 semaphore(%arg11 : memref<!tpu.dma_semaphore, #tpu.memory_space<semaphore_mem>>) src(%dma_wait3A_1199 : memref<4096xf32, #tpu.memory_space<vmem>>) dst(%dma_wait3A_1196 : memref<4096xf32, #tpu.memory_space<hbm>>)
    %add3A_1200 = arith.constant 0 : i32
    %add3A_1201 = arith.addi %mul3A_2, %add3A_1200 : i32
    %dma_wait3A_1202 = arith.constant 0 : i32
    %dma_wait3A_1203 = arith.constant 0 : i32
    %dma_wait3A_1204 = arith.constant 0 : i32
    %dma_wait3A_1205 = tpu.memref_slice %arg8[%dma_wait3A_1202, %dma_wait3A_1203, %dma_wait3A_1204] : memref<3x8x4096xf32, #tpu.memory_space<vmem>> -> memref<1x1x4096xf32, #tpu.memory_space<vmem>>
    %dma_wait3A_1206 = tpu.memref_squeeze %dma_wait3A_1205 : memref<1x1x4096xf32, #tpu.memory_space<vmem>> -> memref<4096xf32, #tpu.memory_space<vmem>>
    %dma_wait3A_1207 = arith.constant 0 : i32
    %dma_wait3A_1208 = tpu.memref_slice %arg4[%add3A_1201, %dma_wait3A_1207] : memref<8192x4096xf32, #tpu.memory_space<hbm>> -> memref<1x4096xf32, #tpu.memory_space<hbm>>
    %dma_wait3A_1209 = tpu.memref_squeeze %dma_wait3A_1208 : memref<1x4096xf32, #tpu.memory_space<hbm>> -> memref<4096xf32, #tpu.memory_space<hbm>>
    %dma_wait3A_1210 = arith.constant 0 : i32
    %dma_wait3A_1211 = tpu.memref_slice %arg4[%add3A_1201, %dma_wait3A_1210] : memref<8192x4096xf32, #tpu.memory_space<hbm>> -> memref<1x4096xf32, #tpu.memory_space<hbm>>
    %dma_wait3A_1212 = tpu.memref_squeeze %dma_wait3A_1211 : memref<1x4096xf32, #tpu.memory_space<hbm>> -> memref<4096xf32, #tpu.memory_space<hbm>>
    %dma_wait3A_1213 = arith.constant 0 : i32
    %dma_wait3A_1214 = tpu.memref_slice %arg8[%dma_wait3A_1202, %dma_wait3A_1203, %dma_wait3A_1213] : memref<3x8x4096xf32, #tpu.memory_space<vmem>> -> memref<1x1x4096xf32, #tpu.memory_space<vmem>>
    %dma_wait3A_1215 = tpu.memref_squeeze %dma_wait3A_1214 : memref<1x1x4096xf32, #tpu.memory_space<vmem>> -> memref<4096xf32, #tpu.memory_space<vmem>>
    tpu.wait_dma2 semaphore(%arg11 : memref<!tpu.dma_semaphore, #tpu.memory_space<semaphore_mem>>) src(%dma_wait3A_1215 : memref<4096xf32, #tpu.memory_space<vmem>>) dst(%dma_wait3A_1212 : memref<4096xf32, #tpu.memory_space<hbm>>)
    %min3A_1216 = arith.constant 0 : i32
    %min3A_1217 = arith.constant 1023 : i32
    %min3A_1218 = arith.minsi %min3A_1216, %min3A_1217 : i32
    %mul3A_1219 = arith.constant 8 : i32
    %mul3A_1220 = arith.muli %min3A_1218, %mul3A_1219 : i32
    %rem3A_1221 = arith.constant 0 : i32
    %rem3A_1222 = arith.constant 3 : i32
    %rem3A_1223 = arith.remsi %rem3A_1221, %rem3A_1222 : i32
    %dma_wait3A_1224 = arith.constant 0 : i32
    %dma_wait3A_1225 = arith.constant 0 : i32
    %dma_wait3A_1226 = tpu.memref_slice %arg8[%rem3A_1223, %dma_wait3A_1224, %dma_wait3A_1225] : memref<3x8x4096xf32, #tpu.memory_space<vmem>> -> memref<1x8x4096xf32, #tpu.memory_space<vmem>>
    %dma_wait3A_1227 = tpu.memref_squeeze %dma_wait3A_1226 : memref<1x8x4096xf32, #tpu.memory_space<vmem>> -> memref<8x4096xf32, #tpu.memory_space<vmem>>
    %dma_wait3A_1228 = arith.constant 0 : i32
    %dma_wait3A_1229 = tpu.memref_slice %arg3[%mul3A_1220, %dma_wait3A_1228] : memref<8192x4096xf32, #tpu.memory_space<hbm>> -> memref<8x4096xf32, #tpu.memory_space<hbm>>
    %dma_wait3A_1230 = arith.constant 0 : i32
    %dma_wait3A_1231 = arith.constant 0 : i32
    %dma_wait3A_1232 = tpu.memref_slice %arg8[%rem3A_1223, %dma_wait3A_1230, %dma_wait3A_1231] : memref<3x8x4096xf32, #tpu.memory_space<vmem>> -> memref<1x8x4096xf32, #tpu.memory_space<vmem>>
    %dma_wait3A_1233 = tpu.memref_squeeze %dma_wait3A_1232 : memref<1x8x4096xf32, #tpu.memory_space<vmem>> -> memref<8x4096xf32, #tpu.memory_space<vmem>>
    %dma_wait3A_1234 = arith.constant 0 : i32
    %dma_wait3A_1235 = tpu.memref_slice %arg3[%mul3A_1220, %dma_wait3A_1234] : memref<8192x4096xf32, #tpu.memory_space<hbm>> -> memref<8x4096xf32, #tpu.memory_space<hbm>>
    tpu.wait_dma2 semaphore(%arg10 : memref<!tpu.dma_semaphore, #tpu.memory_space<semaphore_mem>>) src(%dma_wait3A_1235 : memref<8x4096xf32, #tpu.memory_space<hbm>>) dst(%dma_wait3A_1233 : memref<8x4096xf32, #tpu.memory_space<vmem>>)
    return
  }
}

</mosaic_0001>

<sc_bundles>
// kernel: kernel.3.cloned.1.call-start
scs
__scs_entry_jumppad:
0x0: {  	(pc) =	sbr.rel $0x88, $3  }
0x1: {  	(tag) =	ssettag $0x0;
	lr =	simm.s32 $0x1  }
0x2: {  	[smem:$0x3F9F] =	sst lr;
	_ =	strace $0xD0000000  }
0x3: {  	_ = 	snop  }
0x4: {  	_ = 	snop  }
0x5: {  	_ = 	snop  }
0x6: {  	_ = 	snop  }
0x7: {  	_ = 	snop  }
__scs_overlays_trampoline_lowered:
0x8: {  	[smem:$0x3FAE] =	sst s0  }
0x9: {  	[smem:$0x3FAF] =	sst s1  }
0xa: {  	[smem:$0x3FB0] =	sst s2  }
0xb: {  	[smem:$0x3FB1] =	sst s3  }
0xc: {  	[smem:$0x3FB2] =	sst s4  }
0xd: {  	[smem:$0x3FB3] =	sst s5  }
0xe: {  	[smem:$0x3FB4] =	sst s6  }
0xf: {  	[smem:$0x3FB5] =	sst s7  }
0x10: {  	[smem:$0x3FB6] =	sst s8  }
0x11: {  	[smem:$0x3FB7] =	sst s9;
	s0 =	simm.s32 @!p0 $0x0  }
0x12: {  	s1 =	sld [smem:$0x3F9D];
	s0 =	simm.s32 @p0 $0x1  }
0x13: {  	[smem:$0x3FB8] =	sst s0;
	s0 =	simm.s32 @!p1 $0x0  }
0x14: {  	s2 =	sld [smem:$0x3F9C];
	s0 =	simm.s32 @p1 $0x1  }
0x15: {  	[smem:$0x3FB9] =	sst s0;
	s0 =	simm.s32 @!p2 $0x0  }
0x16: {  	s3 =	sld [smem:$0x3FDB];
	s0 =	simm.s32 @p2 $0x1  }
0x17: {  	s4 =	simm.s32 $0x1BF5;
	[smem:$0x3FBB] =	sst s0  }
0x18: {  	s0 =	sld [smem:$0x3F9E];
	_ =	swait.ge [sflag:s4], $0x0  }
0x19: {  	s7 =	sld [smem:$0x3F9F]  }
0x1a: {  	s8 =	sadd.s32 $0xFFFFE003, lr  }
0x1b: {  	s9 =	sadd.s32 $0xFFFFFEF7, lr;
	s5 =	simm.s32 $0xFFFFFFFF;
	p2 =	slt.u32 s8, $0xFFFFF086  }
0x1c: {  	p1 =	slt.u32 s9, $0xF7A;
	s5 =	simm.s32 @!p2 $0x0  }
0x1d: {  	s5 =	simm.s32 @p1 $0x1;
	p0 =	seq.s32 s7, s2  }
0x1e: {  	s7 =	smul.u32 @!p0 $0xF7A, s2;
	p2 =	seq.s32 @!p0 s5, $0x0  }
0x1f: {  	s9 =	smul.u32 $0xF7A, s1;
	s8 =	simm.s32 @!p0 $0x1BF5;
	p2 =	por !p2, p0  }
0x20: {  	[sflag:s8] =	ssyncset.s32 @!p0 $0xFFFFF086;
	s6 =	sadd.s32 @!p0 s3, s7;
	s7 =	simm.s32 @!p0 $0x108  }
0x21: {  	s3 =	sadd.s32 s3, s9;
	s6 =	sadd.s32 @!p0 $0x88, s6;
	s7 =	simm.s32 @p2 $0x1082  }
0x22: {  	[simem:s7], [sflag:s8] =	dma.local @!p0 [hbm:s6], $0xF7A  }
0x23: {  	s9 =	sor.u32 $0xD0000000, s2;
	s6 =	simm.s32 $0x108;
	_ =	swait.ge @!p0 [sflag:s8], $0x0  }
0x24: {  	s3 =	sadd.s32 $0x88, s3;
	s6 =	simm.s32 @!p1 $0x1082;
	[sflag:s4] =	ssyncset.s32 $0xFFFFF086  }
0x25: {  	[simem:s6], [sflag:s4] =	dma.local [hbm:s3], $0xF7A  }
0x26: {  	[smem:$0x3F9F] =	sst s1;
	(tag) =	ssettag s2;
	_ =	strace s9  }
0x27: {  	s1 =	sld [smem:$0x3FAF]  }
0x28: {  	s2 =	sld [smem:$0x3FB0]  }
0x29: {  	s4 =	sld [smem:$0x3FB2]  }
0x2a: {  	p0 =	seq.s32 s5, $0x0;
	s5 =	sld [smem:$0x3FB3]  }
0x2b: {  	s6 =	sld [smem:$0x3FB4]  }
0x2c: {  	s7 =	sld [smem:$0x3FB5]  }
0x2d: {  	s3 =	simm.s32 $0x108;
	s8 =	sld [smem:$0x3FB6]  }
0x2e: {  	s3 =	simm.s32 @!p0 $0x1082;
	s9 =	sld [smem:$0x3FB7]  }
0x2f: {  	lr =	sadd.s32 s0, s3;
	s0 =	sld [smem:$0x3FAE]  }
0x30: {  	s3 =	sld [smem:$0x3FB1]  }
0x31: {  	[smem:$0x3FBA] =	sst s10  }
0x32: {  	s10 =	sld [smem:$0x3FB8];
	_ =	sdelay $0x3  }
0x33: {  	p0 =	seq.s32 s10, $0x1;
	s10 =	sld [smem:$0x3FBA];
	_ =	sdelay $0x3  }
0x34: {  	[smem:$0x3FBA] =	sst s10  }
0x35: {  	s10 =	sld [smem:$0x3FB9];
	_ =	sdelay $0x3  }
0x36: {  	p1 =	seq.s32 s10, $0x1;
	s10 =	sld [smem:$0x3FBA];
	_ =	sdelay $0x3  }
0x37: {  	[smem:$0x3FBA] =	sst s10  }
0x38: {  	s10 =	sld [smem:$0x3FBB]  }
0x39: {  	_ = 	snop;
	(pc) =	sbr.ind lr, $3  }
0x3a: {  	_ = 	snop  }
0x3b: {  	_ = 	snop  }
0x3c: {  	p2 =	seq.s32 s10, $0x1;
	s10 =	sld [smem:$0x3FBA]  }
0x3d: {  	_ =	shalt  }
0x3e: {  	_ =	shalt  }
0x3f: {  	_ =	shalt  }
0x40: {  	_ =	shalt  }
0x41: {  	_ =	shalt  }
0x42: {  	_ =	shalt  }
0x43: {  	_ =	shalt  }
0x44: {  	_ =	shalt  }
0x45: {  	_ =	shalt  }
0x46: {  	_ =	shalt  }
0x47: {  	_ =	shalt  }
0x48: {  	_ =	shalt  }
0x49: {  	_ =	shalt  }
0x4a: {  	_ =	shalt  }
0x4b: {  	_ =	shalt  }
0x4c: {  	_ =	shalt  }
0x4d: {  	_ =	shalt  }
0x4e: {  	_ =	shalt  }
0x4f: {  	_ =	shalt  }
0x50: {  	_ =	shalt  }
0x51: {  	_ =	shalt  }
0x52: {  	_ =	shalt  }
0x53: {  	_ =	shalt  }
0x54: {  	_ =	shalt  }
0x55: {  	_ =	shalt  }
0x56: {  	_ =	shalt  }
0x57: {  	_ =	shalt  }
0x58: {  	_ =	shalt  }
0x59: {  	_ =	shalt  }
0x5a: {  	_ =	shalt  }
0x5b: {  	_ =	shalt  }
0x5c: {  	_ =	shalt  }
0x5d: {  	_ =	shalt  }
0x5e: {  	_ =	shalt  }
0x5f: {  	_ =	shalt  }
0x60: {  	_ =	shalt  }
0x61: {  	_ =	shalt  }
0x62: {  	_ =	shalt  }
0x63: {  	_ =	shalt  }
0x64: {  	_ =	shalt  }
0x65: {  	_ =	shalt  }
0x66: {  	_ =	shalt  }
0x67: {  	_ =	shalt  }
0x68: {  	_ =	shalt  }
0x69: {  	_ =	shalt  }
0x6a: {  	_ =	shalt  }
0x6b: {  	_ =	shalt  }
0x6c: {  	_ =	shalt  }
0x6d: {  	_ =	shalt  }
0x6e: {  	_ =	shalt  }
0x6f: {  	_ =	shalt  }
0x70: {  	_ =	shalt  }
0x71: {  	_ =	shalt  }
0x72: {  	_ =	shalt  }
0x73: {  	_ =	shalt  }
0x74: {  	_ =	shalt  }
0x75: {  	_ =	shalt  }
0x76: {  	_ =	shalt  }
0x77: {  	_ =	shalt  }
0x78: {  	_ =	shalt  }
0x79: {  	_ =	shalt  }
0x7a: {  	_ =	shalt  }
0x7b: {  	_ =	shalt  }
0x7c: {  	_ =	shalt  }
0x7d: {  	_ =	shalt  }
0x7e: {  	_ =	shalt  }
0x7f: {  	_ =	shalt  }
0x80: {  	_ =	shalt  }
0x81: {  	_ =	shalt  }
0x82: {  	_ =	shalt  }
0x83: {  	_ =	shalt  }
0x84: {  	_ =	shalt  }
0x85: {  	_ =	shalt  }
0x86: {  	_ =	shalt  }
0x87: {  	_ =	shalt  }
.Lfunc_end0:
.L_simem_size_0:
called_computation_lowered:
.L_overlay_start_0:
0x88: {  	s2 =	sld [smem:$0x3FD9]  }
0x89: {  	s3 =	sld [smem:$0x3FFE];
	_ =	sdelay $0x1  }
0x8a: {  	s1 =	srdreg.scid  }
0x8b: {  	s0 =	sand.u32 $0x1, s1  }
0x8c: {  	s18 =	sshll.u32 s0, $0xA;
	s2 =	sadd.s32 s3, s2  }
0x8d: {  	s2 =	sadd.s32 s2, s18  }
0x8e: {  	[smem:$0x3FC6] =	sst s2  }
0x8f: {  	_ = 	snop  }
0x90: {  	s2 =	sld [smem:$0x3FC9]  }
0x91: {  	s19 =	sld [smem:$0x3FC8]  }
0x92: {  	s4 =	sld [smem:$0x3FD0];
	(tm) =	ssettm $0x1  }
0x93: {  	s5 =	sld [smem:$0x3FFB];
	_ =	sdelay $0x3  }
0x94: {  	_ =	strace s5  }
0x95: {  	s5 =	sld [smem:$0x3FFC];
	_ =	sdelay $0x3  }
0x96: {  	_ =	strace s5  }
0x97: {  	s5 =	sld [smem:$0x3FFD];
	_ =	sdelay $0x3  }
0x98: {  	_ =	strace s5  }
0x99: {  	_ =	strace $0x8FFFFFFF  }
0x9a: {  	s20 =	sld [smem:$0x3FDB];
	_ =	sdelay $0x1  }
0x9b: {  	s6 =	simm.s32 $_scs_section_size  }
0x9c: {  	s7 =	simm.s32 $_size__tile_overlayer_lowered;
	s8 =	simm.s32 $_tile_overlayer_lowered  }
0x9d: {  	s23 =	simm.s32 $0x1BFF;
	s22 =	sshll.u32 s8, $0x1;
	s5 =	sadd.s32 s6, s20  }
0x9e: {  	s9 =	simm.s32 $0x0;
	s21 =	sshll.u32 s7, $0x1;
	s7 =	sadd.s32 s22, s5  }
0x9f: {  	[timem:s9], [sflag:s23] =	dma.local [hbm:s7], s21  }
0xa0: {  	_ =	swait.ge [sflag:s23], s21  }
0xa1: {  	s6 =	ssub.s32 $0x0, s21;
	[sflag:s23] =	ssyncset.done $0x0  }
0xa2: {  	[sflag:s23] =	ssyncadd.s32 s6;
	_ =	sdelay $0x1  }
0xa3: {  	s24 =	simm.s32 $0x1B8B  }
0xa4: {  	_ =	swait.ge [sflag:s24], $0x1  }
0xa5: {  	[sflag:s24] =	ssyncset.done $0x0  }
0xa6: {  	s25 =	simm.s32 $0x1B8E;
	[sflag:s24] =	ssyncadd.s32 $0xFFFFFFFF  }
0xa7: {  	s26 =	simm.s32 $execute0_lowered;
	[smem:$0x3FD2] =	sst s25  }
0xa8: {  	s6 =	sshll.u32 s26, $0x1;
	_ =	strace $0x80000046;
	[dreg:$0x1] =	wrdreg $0xFFFFFFFF  }
0xa9: {  	s28 =	simm.s32 $_size_execute0_lowered;
	s5 =	sadd.s32 s5, s6;
	[dreg:$0x0] =	wrdreg $0x0  }
0xaa: {  	s6 =	sshll.u32 s28, $0x1;
	[dreg:$0x2] =	wrdreg s5  }
0xab: {  	[dreg:$0x3] =	wrdreg s6  }
0xac: {  	[dreg:$0x4] =	wrdreg $0xC0  }
0xad: {  	_ =	task [dreg:s9], $0x5FFFF  }
0xae: {  	[dreg:$0x1] =	wrdreg $0xFFFFFFFF  }
0xaf: {  	[dreg:$0x0] =	wrdreg $0x60  }
0xb0: {  	[dreg:$0x2] =	wrdreg s2  }
0xb1: {  	[dreg:$0x3] =	wrdreg s19  }
0xb2: {  	[dreg:$0x4] =	wrdreg s4  }
0xb3: {  	[dreg:$0x5] =	wrdreg $0x184800  }
0xb4: {  	[dreg:$0x6] =	wrdreg $0x9  }
0xb5: {  	_ =	task.clear_ibuf [dreg:s9], $0x7FFFF;
	_ =	strace $0x90000046  }
0xb6: {  	s29 =	simm.s32 $0x9;
	_ =	strace $0x80000048  }
0xb7: {  	_ =	swait.ge [sflag:s29], $0x1  }
0xb8: {  	[sflag:s29] =	ssyncadd.s32 $0xFFFFFFFF  }
0xb9: {  	_ =	strace $0x90000048  }
0xba: {  	_ =	sfence  }
0xbb: {  	s30 =	sld [smem:$0x0];
	_ =	sdelay $0x2  }
0xbc: {  	s31 =	sshll.u32 s1, $0xD;
	s1 =	sshrl.u32 s1, $0x2  }
0xbd: {  	s3 =	sand.u32 $0x4000, s31;
	s1 =	sadd.s32 s1, s30  }
0xbe: {  	s0 =	sor.u32 s3, s0;
	s1 =	sshll.u32 s1, $0x11  }
0xbf: {  	s0 =	sor.u32 s1, s0  }
0xc0: {  	s0 =	sadd.s32 $0x8F2B, s0  }
0xc1: {  	[sflag:s0] =	ssyncadd.remote.s32 $0x1  }
0xc2: {  	_ =	sfence.sel $0xFFFF  }
0xc3: {  	[dreg:$0x0] =	wrdreg $0xFFFFFFFF;
	(pc) =	sbr.abs _section_cstart, $3  }
0xc4: {  	[dreg:$0x1] =	wrdreg $0xFFFFFFFF  }
0xc5: {  	_ =	task.clear_ibuf [dreg:s9], $0x2FFFF;
	_ =	strace $0x9FFFFFFF  }
0xc6: {  	(tm) =	ssettm $0x7FFFFFFF  }
0xc7: {  	_ =	shalt  }
tec
execute0_lowered:
.L_overlay_start_1:
0x0: {  	(tag) =	ssettag $0x1  }
0x1: {  	s0 =	rddreg [dreg:$0x0]  }
0x2: {  	s1 =	rddreg [dreg:$0x1]  }
0x3: {  	s22 =	rddreg [dreg:$0x2]  }
0x4: {  	s9 =	rddreg [dreg:$0x3];
	s2 =	srdreg.scid;
	s5 =	simm.s32 $0x0  }
0x5: {  	s8 =	stileid.u32;
	s2 =	sand.u32 $0x1, s2;
	[smem:$0x7FF] =	sst s5  }
0x6: {  	s7 =	sor.u32 $0x10, s8;
	s11 =	sadd.s32 $0x20, s22;
	s12 =	sadd.s32 $0x30, s22  }
0x7: {  	s3 =	ssub.s32 $0x2, s2;
	s6 =	sshll.u32 s2, $0x4;
	_ =	strace $0x80000047  }
0x8: {  	s10 =	sshll.u32 s2, $0x8;
	p0 =	seq.s32 s2, $0x0;
	s4 =	sshrl.u32 s3, $0x1  }
0x9: {  	s2 =	simm.s32 @!p0 $0x0;
	s3 =	ssub.s32 s3, s4;
	s4 =	sor.u32 s8, s6  }
0xa: {  	s23 =	sshll.u32 s7, $0x5;
	s2 =	simm.s32 @p0 $0x1;
	p0 =	seq.s32 s4, $0x1F  }
0xb: {  	s25 =	sshll.u32 s7, $0x4;
	[dreg:$0xc] =	wrdreg s11;
	s7 =	simm.s32 @!p0 $0x0  }
0xc: {  	[dreg:$0xd] =	wrdreg s12;
	s7 =	simm.s32 @p0 $0x1;
	p0 =	sgt.u32 s4, $0x1D  }
0xd: {  	s15 =	sadd.s32 $0x40, s22;
	[smem:$0x7E5] =	sst s7;
	s7 =	simm.s32 @!p0 $0x0  }
0xe: {  	[dreg:$0xe] =	wrdreg s15;
	s7 =	simm.s32 @p0 $0x1;
	p0 =	sgt.u32 s4, $0x1C  }
0xf: {  	s16 =	sadd.s32 $0x50, s22;
	[smem:$0x7E6] =	sst s7;
	s7 =	simm.s32 @!p0 $0x0  }
0x10: {  	[dreg:$0xf] =	wrdreg s16;
	s7 =	simm.s32 @p0 $0x1;
	p0 =	sgt.u32 s4, $0x1B  }
0x11: {  	s17 =	sadd.s32 $0x60, s22;
	[smem:$0x7E7] =	sst s7;
	s7 =	simm.s32 @!p0 $0x0  }
0x12: {  	[dreg:$0x10] =	wrdreg s17;
	s7 =	simm.s32 @p0 $0x1;
	p0 =	sgt.u32 s4, $0x1A  }
0x13: {  	s28 =	simm.s32 $0x2;
	[smem:$0x7E8] =	sst s7;
	s7 =	simm.s32 @!p0 $0x0  }
0x14: {  	[dreg:$0xb] =	wrdreg s10;
	s7 =	simm.s32 @p0 $0x1;
	p0 =	sgt.u32 s4, $0x19  }
0x15: {  	s21 =	sshll.u32 s8, $0x5;
	[smem:$0x7E9] =	sst s7;
	s7 =	simm.s32 @!p0 $0x0  }
0x16: {  	s8 =	sshll.u32 s8, $0x4;
	s7 =	simm.s32 @p0 $0x1;
	p0 =	sgt.u32 s4, $0x18  }
0x17: {  	s6 =	sshll.u32 s4, $0x8;
	[smem:$0x7EA] =	sst s7;
	s7 =	simm.s32 @!p0 $0x0  }
0x18: {  	s24 =	sadd.s32 s8, s9;
	s7 =	simm.s32 @p0 $0x1;
	p0 =	sgt.u32 s4, $0x17  }
0x19: {  	s26 =	sshll.u32 s4, $0x11;
	[smem:$0x7EB] =	sst s7;
	s7 =	simm.s32 @!p0 $0x0  }
0x1a: {  	[smem:$0x7E4] =	sst s2;
	s7 =	simm.s32 @p0 $0x1;
	p0 =	sgt.u32 s4, $0x16  }
0x1b: {  	p5 =	sgt.u32 s4, $0x4;
	[smem:$0x7EC] =	sst s7;
	s7 =	simm.s32 @!p0 $0x0  }
0x1c: {  	p6 =	sgt.u32 s4, $0x3;
	s7 =	simm.s32 @p0 $0x1;
	p0 =	sgt.u32 s4, $0x15  }
0x1d: {  	p1 =	sgt.u32 s4, $0x1;
	[smem:$0x7ED] =	sst s7;
	s7 =	simm.s32 @!p0 $0x0  }
0x1e: {  	[dreg:$0x5] =	wrdreg s6;
	s7 =	simm.s32 @p0 $0x1;
	p0 =	sgt.u32 s4, $0x14  }
0x1f: {  	p2 =	seq.s32 s4, $0x0;
	[smem:$0x7EE] =	sst s7;
	s7 =	simm.s32 @!p0 $0x0  }
0x20: {  	s6 =	sadd.s32 s0, s21;
	s7 =	simm.s32 @p0 $0x1;
	p0 =	sgt.u32 s4, $0x13  }
0x21: {  	s0 =	sadd.s32 s0, s23;
	[smem:$0x7EF] =	sst s7;
	s7 =	simm.s32 @!p0 $0x0  }
0x22: {  	[dreg:$0x8] =	wrdreg s24;
	s7 =	simm.s32 @p0 $0x1;
	p0 =	sgt.u32 s4, $0x12  }
0x23: {  	s13 =	sadd.s32 s22, s26;
	[smem:$0x7F0] =	sst s7;
	s7 =	simm.s32 @!p0 $0x0  }
0x24: {  	s18 =	sadd.s32 s26, s11;
	s7 =	simm.s32 @p0 $0x1;
	p0 =	sgt.u32 s4, $0x11  }
0x25: {  	s19 =	sadd.s32 s26, s12;
	[smem:$0x7F1] =	sst s7;
	s7 =	simm.s32 @!p0 $0x0  }
0x26: {  	s20 =	sadd.s32 s26, s15;
	s7 =	simm.s32 @p0 $0x1;
	p0 =	sgt.u32 s4, $0x10  }
0x27: {  	s23 =	sadd.s32 s26, s16;
	[smem:$0x7F2] =	sst s7;
	s7 =	simm.s32 @!p0 $0x0  }
0x28: {  	[dreg:$0x6] =	wrdreg s6;
	s7 =	simm.s32 @p0 $0x1;
	p0 =	sgt.u32 s4, $0xE  }
0x29: {  	s24 =	sadd.s32 s26, s17;
	[smem:$0x7F3] =	sst s7;
	s7 =	simm.s32 @!p0 $0x0  }
0x2a: {  	[dreg:$0x7] =	wrdreg s0;
	s7 =	simm.s32 @p0 $0x1;
	p0 =	sgt.u32 s4, $0xD  }
0x2b: {  	s21 =	sadd.s32 $0x70, s22;
	[smem:$0x7F4] =	sst s7;
	s7 =	simm.s32 @!p0 $0x0  }
0x2c: {  	s0 =	sadd.s32 s25, s9;
	s7 =	simm.s32 @p0 $0x1;
	p0 =	sgt.u32 s4, $0xC  }
0x2d: {  	s9 =	sadd.s32 $0x10, s22;
	[smem:$0x7F5] =	sst s7;
	s7 =	simm.s32 @!p0 $0x0  }
0x2e: {  	[dreg:$0x11] =	wrdreg s21;
	s7 =	simm.s32 @p0 $0x1;
	p0 =	sgt.u32 s4, $0xB  }
0x2f: {  	s25 =	smax.u32 s3, $0x1;
	[smem:$0x7F6] =	sst s7;
	s7 =	simm.s32 @!p0 $0x0  }
0x30: {  	s29 =	sadd.s32 $0x1000, s13;
	s7 =	simm.s32 @p0 $0x1;
	p0 =	sgt.u32 s4, $0xA  }
0x31: {  	s30 =	sadd.s32 $0x1010, s13;
	[smem:$0x7F7] =	sst s7;
	s7 =	simm.s32 @!p0 $0x0  }
0x32: {  	s31 =	sadd.s32 $0x1020, s13;
	s7 =	simm.s32 @p0 $0x1;
	p0 =	sgt.u32 s4, $0x9  }
0x33: {  	s3 =	sadd.s32 $0x1050, s13;
	[smem:$0x7F8] =	sst s7;
	s7 =	simm.s32 @!p0 $0x0  }
0x34: {  	[dreg:$0x9] =	wrdreg s0;
	s7 =	simm.s32 @p0 $0x1;
	p0 =	sgt.u32 s4, $0x8  }
0x35: {  	s8 =	sadd.s32 $0x1070, s13;
	[smem:$0x7F9] =	sst s7;
	s7 =	simm.s32 @!p0 $0x0  }
0x36: {  	[dreg:$0xa] =	wrdreg s9;
	s7 =	simm.s32 @p0 $0x1;
	p0 =	sgt.u32 s4, $0x7  }
0x37: {  	s6 =	simm.s32 $0x0;
	[smem:$0x7FA] =	sst s7;
	s7 =	simm.s32 @!p0 $0x0  }
0x38: {  	s14 =	sadd.s32 s26, s9;
	s7 =	simm.s32 @p0 $0x1;
	p0 =	sgt.u32 s4, $0x6  }
0x39: {  	s26 =	sadd.s32 s26, s21;
	[smem:$0x7FB] =	sst s7;
	s7 =	simm.s32 @!p0 $0x0  }
0x3a: {  	[dreg:$0x12] =	wrdreg s25;
	s7 =	simm.s32 @p0 $0x1;
	p0 =	sgt.u32 s4, $0x5  }
0x3b: {  	s0 =	sadd.s32 $0x1030, s13;
	[smem:$0x7FC] =	sst s7;
	s7 =	simm.s32 @!p0 $0x0  }
0x3c: {  	s21 =	simm.s32 $0x1;
	s7 =	simm.s32 @p0 $0x1;
	p0 =	sgt.u32 s4, $0x2  }
0x3d: {  	s4 =	sadd.s32 $0x1040, s13;
	[smem:$0x7FD] =	sst s7;
	s7 =	sadd.s32 $0x1060, s13  }
.LBB2_1:
0x3e: {  	[dreg:$0x13] =	wrdreg s6  }
0x3f: {  	s2 =	rddreg [dreg:$0x6];
	s17 =	simm.s32 $0x3  }
0x40: {  	[tilespmem:s5], [sflag:$0x3] =	stream.linear.gather [hbm4b:s2+s5], $0x100, $0x38;
	[tilespmem:$0x184A0] =	vst v63  }
0x41: {  	_ =	swait.ge [sflag:s17], $0x100  }
0x42: {  	[sflag:s17] =	ssyncset.done $0x0  }
0x43: {  	s9 =	simm.s32 $0x100;
	s25 =	rddreg [dreg:$0x7];
	[sflag:s17] =	ssyncadd.s32 $0xFFFFFF00  }
0x44: {  	[tilespmem:s9], [sflag:$0x3] =	stream.linear.gather [hbm4b:s25+s5], $0x100, $0x38;
	[tilespmem:$0x184A0] =	vst v63  }
0x45: {  	_ =	swait.ge [sflag:s17], $0x100  }
0x46: {  	[sflag:s17] =	ssyncset.done $0x0  }
0x47: {  	[sflag:s17] =	ssyncadd.s32 $0xFFFFFF00  }
0x48: {  	v0 =	vld [tilespmem:$0x0]  }
0x49: {  	v1 =	vld [tilespmem:$0x10]  }
0x4a: {  	v2 =	vld [tilespmem:$0x20]  }
0x4b: {  	v3 =	vld [tilespmem:$0x30]  }
0x4c: {  	v4 =	vld [tilespmem:$0x40]  }
0x4d: {  	v5 =	vld [tilespmem:$0x50]  }
0x4e: {  	v6 =	vld [tilespmem:$0x60]  }
0x4f: {  	v7 =	vld [tilespmem:$0x70]  }
0x50: {  	v8 =	vld [tilespmem:$0x80]  }
0x51: {  	v9 =	vld [tilespmem:$0x90]  }
0x52: {  	v10 =	vld [tilespmem:$0xA0]  }
0x53: {  	v11 =	vld [tilespmem:$0xB0]  }
0x54: {  	v12 =	vld [tilespmem:$0xC0]  }
0x55: {  	v13 =	vld [tilespmem:$0xD0]  }
0x56: {  	v14 =	vld [tilespmem:$0xE0]  }
0x57: {  	v15 =	vld [tilespmem:$0xF0]  }
0x58: {  	v16 =	vld [tilespmem:$0x100]  }
0x59: {  	v17 =	vld [tilespmem:$0x110]  }
0x5a: {  	v18 =	vld [tilespmem:$0x120]  }
0x5b: {  	v19 =	vld [tilespmem:$0x130]  }
0x5c: {  	v20 =	vld [tilespmem:$0x140]  }
0x5d: {  	v0 =	vadd.s32 v0, v1;
	v1 =	vld [tilespmem:$0x150]  }
0x5e: {  	v41 =	vld [tilespmem:$0x160];
	v0 =	vadd.s32 v2, v0;
	v2 =	vadd.s32 v16, v17  }
0x5f: {  	v0 =	vadd.s32 v3, v0;
	v2 =	vadd.s32 v18, v2;
	v3 =	vld [tilespmem:$0x170]  }
0x60: {  	v42 =	vld [tilespmem:$0x180];
	v0 =	vadd.s32 v4, v0;
	v2 =	vadd.s32 v19, v2  }
0x61: {  	v43 =	vld [tilespmem:$0x190];
	v0 =	vadd.s32 v5, v0;
	v2 =	vadd.s32 v20, v2  }
0x62: {  	v0 =	vadd.s32 v6, v0;
	v1 =	vadd.s32 v1, v2;
	v2 =	vld [tilespmem:$0x1A0]  }
0x63: {  	v44 =	vld [tilespmem:$0x1B0];
	v0 =	vadd.s32 v7, v0;
	v1 =	vadd.s32 v41, v1  }
0x64: {  	v0 =	vadd.s32 v8, v0;
	v1 =	vadd.s32 v3, v1;
	v3 =	vld [tilespmem:$0x1C0]  }
0x65: {  	v45 =	vld [tilespmem:$0x1D0];
	v0 =	vadd.s32 v9, v0;
	v1 =	vadd.s32 v42, v1  }
0x66: {  	v46 =	vld [tilespmem:$0x1E0];
	v0 =	vadd.s32 v10, v0;
	v1 =	vadd.s32 v43, v1  }
0x67: {  	v0 =	vadd.s32 v11, v0;
	v1 =	vadd.s32 v2, v1;
	v2 =	vld [tilespmem:$0x1F0]  }
0x68: {  	v0 =	vadd.s32 v12, v0;
	v1 =	vadd.s32 v44, v1  }
0x69: {  	v0 =	vadd.s32 v13, v0;
	v1 =	vadd.s32 v3, v1  }
0x6a: {  	v0 =	vadd.s32 v14, v0;
	v1 =	vadd.s32 v45, v1  }
0x6b: {  	v0 =	vadd.s32 v15, v0;
	v1 =	vadd.s32 v46, v1  }
0x6c: {  	(xrf0) =	vadd.scan.msk.s32 $0xffff, v0;
	v0 =	vadd.s32 v2, v1  }
0x6d: {  	(xrf0) =	vadd.scan.msk.s32 $0xffff, v0;
	_ =	sdelay $0x4  }
0x6e: {  	v0, _, _ =	vpop (xrf0)  }
0x6f: {  	v0 =	vbroadcast v0, $0xF;
	v1, _, _ =	vpop (xrf0)  }
0x70: {  	v1 =	vbroadcast v1, $0xF  }
0x71: {  	[tilespmem:$0x200] =	vst v0  }
0x72: {  	s10 =	simm.s32 $0x200;
	s9 =	rddreg [dreg:$0x8];
	[tilespmem:$0x210] =	vst v1  }
0x73: {  	[spmem:s9] =	stream.linear.scatter [tilespmem:s10], [sflag:$0x3], $0x10, $0x38;
	[tilespmem:$0x184A0] =	vst v63  }
0x74: {  	_ =	swait.ge [sflag:s17], $0x10  }
0x75: {  	[sflag:s17] =	ssyncset.done $0x0  }
0x76: {  	s12 =	simm.s32 $0x210;
	s11 =	rddreg [dreg:$0x9];
	[sflag:s17] =	ssyncadd.s32 $0xFFFFFFF0  }
0x77: {  	[spmem:s11] =	stream.linear.scatter [tilespmem:s12], [sflag:$0x3], $0x10, $0x38;
	[tilespmem:$0x184A0] =	vst v63  }
0x78: {  	_ =	swait.ge [sflag:s17], $0x10  }
0x79: {  	[sflag:s17] =	ssyncset.done $0x0  }
0x7a: {  	[sflag:s17] =	ssyncadd.s32 $0xFFFFFFF0  }
0x7b: {  	[bflag:$0x0] =	sbarrier.arrive $0xFFFF  }
0x7c: {  	s16 =	simm.s32 $0x280;
	s15 =	rddreg [dreg:$0x3]  }
0x7d: {  	[tilespmem:s16], [sflag:$0x3] =	stream.linear.gather [spmem:s15], $0x200, $0x38;
	[tilespmem:$0x184A0] =	vst v63  }
0x7e: {  	_ =	swait.ge [sflag:s17], $0x200  }
0x7f: {  	[sflag:s17] =	ssyncset.done $0x0  }
0x80: {  	[sflag:s17] =	ssyncadd.s32 $0xFFFFFE00  }
0x81: {  	v0 =	vld [tilespmem:$0x280]  }
0x82: {  	v1 =	vld [tilespmem:$0x290]  }
0x83: {  	v2 =	vld [tilespmem:$0x2A0]  }
0x84: {  	v3 =	vld [tilespmem:$0x2B0]  }
0x85: {  	v47 =	vld [tilespmem:$0x2C0]  }
0x86: {  	v48 =	vld [tilespmem:$0x2D0]  }
0x87: {  	s17 =	sld [smem:$0x7FD];
	v49 =	vld [tilespmem:$0x2E0];
	v0 =	vpsel p2, $0x0, v0;
	v1 =	vpsel !p1, $0x0, v1  }
0x88: {  	s25 =	sld [smem:$0x7FC];
	v0 =	vadd.s32 v0, v1;
	v1 =	vpsel !p0, $0x0, v2;
	v2 =	vld [tilespmem:$0x2F0]  }
0x89: {  	s6 =	sld [smem:$0x7FB];
	v0 =	vadd.s32 v1, v0;
	v1 =	vpsel !p6, $0x0, v3;
	v3 =	vld [tilespmem:$0x300]  }
0x8a: {  	s9 =	sld [smem:$0x7FA];
	v50 =	vld [tilespmem:$0x310];
	p3 =	seq.s32 s17, $0x1;
	v0 =	vadd.s32 v1, v0;
	v1 =	vpsel !p5, $0x0, v47  }
0x8b: {  	s10 =	sld [smem:$0x7F9];
	v51 =	vld [tilespmem:$0x320];
	p4 =	seq.s32 s25, $0x1;
	v0 =	vadd.s32 v1, v0;
	v1 =	vpsel !p3, $0x0, v48  }
0x8c: {  	s11 =	sld [smem:$0x7F8];
	v52 =	vld [tilespmem:$0x330];
	v0 =	vadd.s32 v1, v0;
	v1 =	vpsel !p4, $0x0, v49;
	p4 =	seq.s32 s6, $0x1  }
0x8d: {  	s12 =	sld [smem:$0x7F7];
	v0 =	vadd.s32 v1, v0;
	v1 =	vpsel !p4, $0x0, v2;
	v2 =	vld [tilespmem:$0x340];
	p4 =	seq.s32 s9, $0x1  }
0x8e: {  	s15 =	sld [smem:$0x7F6];
	v0 =	vadd.s32 v1, v0;
	v1 =	vpsel !p4, $0x0, v3;
	v3 =	vld [tilespmem:$0x350];
	p4 =	seq.s32 s10, $0x1  }
0x8f: {  	s16 =	sld [smem:$0x7F5];
	v53 =	vld [tilespmem:$0x360];
	v0 =	vadd.s32 v1, v0;
	v1 =	vpsel !p4, $0x0, v50;
	p4 =	seq.s32 s11, $0x1  }
0x90: {  	v54 =	vld [tilespmem:$0x370];
	s17 =	sld [smem:$0x7F4];
	v0 =	vadd.s32 v1, v0;
	v1 =	vpsel !p4, $0x0, v51;
	p4 =	seq.s32 s12, $0x1  }
0x91: {  	v55 =	vld [tilespmem:$0x380];
	s25 =	sld [smem:$0x7E4];
	v0 =	vadd.s32 v1, v0;
	v1 =	vpsel !p4, $0x0, v52;
	p4 =	seq.s32 s15, $0x1  }
0x92: {  	s6 =	sld [smem:$0x7F3];
	v0 =	vadd.s32 v1, v0;
	v1 =	vpsel !p4, $0x0, v2;
	v2 =	vld [tilespmem:$0x390];
	p4 =	seq.s32 s16, $0x1  }
0x93: {  	s9 =	sld [smem:$0x7F2];
	v0 =	vadd.s32 v1, v0;
	v1 =	vpsel !p4, $0x0, v3;
	v3 =	vld [tilespmem:$0x3A0];
	p4 =	seq.s32 s17, $0x1  }
0x94: {  	v56 =	vld [tilespmem:$0x3B0];
	s10 =	sld [smem:$0x7F1];
	v0 =	vadd.s32 v1, v0;
	v1 =	vpsel !p4, $0x0, v53;
	p4 =	seq.s32 s25, $0x1  }
0x95: {  	v57 =	vld [tilespmem:$0x3C0];
	s11 =	sld [smem:$0x7F0];
	v0 =	vadd.s32 v1, v0;
	v1 =	vpsel p4, $0x0, v54;
	p4 =	seq.s32 s6, $0x1  }
0x96: {  	v58 =	vld [tilespmem:$0x3D0];
	s12 =	sld [smem:$0x7EF];
	v0 =	vadd.s32 v1, v0;
	v1 =	vpsel !p4, $0x0, v55;
	p4 =	seq.s32 s9, $0x1  }
0x97: {  	s15 =	sld [smem:$0x7EE];
	v0 =	vadd.s32 v1, v0;
	v1 =	vpsel !p4, $0x0, v2;
	v2 =	vld [tilespmem:$0x3E0];
	p4 =	seq.s32 s10, $0x1  }
0x98: {  	s16 =	sld [smem:$0x7ED];
	v0 =	vadd.s32 v1, v0;
	v1 =	vpsel !p4, $0x0, v3;
	v3 =	vld [tilespmem:$0x3F0];
	p4 =	seq.s32 s11, $0x1  }
0x99: {  	v59 =	vld [tilespmem:$0x400];
	s17 =	sld [smem:$0x7EC];
	v0 =	vadd.s32 v1, v0;
	v1 =	vpsel !p4, $0x0, v56;
	p4 =	seq.s32 s12, $0x1  }
0x9a: {  	v60 =	vld [tilespmem:$0x410];
	s25 =	sld [smem:$0x7EB];
	v0 =	vadd.s32 v1, v0;
	v1 =	vpsel !p4, $0x0, v57;
	p4 =	seq.s32 s15, $0x1  }
0x9b: {  	v61 =	vld [tilespmem:$0x420];
	s6 =	sld [smem:$0x7EA];
	v0 =	vadd.s32 v1, v0;
	v1 =	vpsel !p4, $0x0, v58;
	p4 =	seq.s32 s16, $0x1  }
0x9c: {  	s9 =	sld [smem:$0x7E9];
	v0 =	vadd.s32 v1, v0;
	v1 =	vpsel !p4, $0x0, v2;
	v2 =	vld [tilespmem:$0x430];
	p4 =	seq.s32 s17, $0x1  }
0x9d: {  	s10 =	sld [smem:$0x7E8];
	v0 =	vadd.s32 v1, v0;
	v1 =	vpsel !p4, $0x0, v3;
	v3 =	vld [tilespmem:$0x440];
	p4 =	seq.s32 s25, $0x1  }
0x9e: {  	v62 =	vld [tilespmem:$0x450];
	s11 =	sld [smem:$0x7E7];
	v0 =	vadd.s32 v1, v0;
	v1 =	vpsel !p4, $0x0, v59;
	p4 =	seq.s32 s6, $0x1  }
0x9f: {  	v63 =	vld [tilespmem:$0x460];
	s12 =	sld [smem:$0x7E6];
	v0 =	vadd.s32 v1, v0;
	v1 =	vpsel !p4, $0x0, v60;
	p4 =	seq.s32 s9, $0x1  }
0xa0: {  	s15 =	sld [smem:$0x7E5];
	v0 =	vadd.s32 v1, v0;
	v1 =	vpsel !p4, $0x0, v61;
	p4 =	seq.s32 s10, $0x1  }
0xa1: {  	s17 =	rddreg [dreg:$0xb];
	v0 =	vadd.s32 v1, v0;
	v1 =	vpsel !p4, $0x0, v2;
	p4 =	seq.s32 s11, $0x1  }
0xa2: {  	v2 =	vld [tilespmem:s17+$0x0];
	v0 =	vadd.s32 v1, v0;
	v1 =	vpsel !p4, $0x0, v3;
	p4 =	seq.s32 s12, $0x1  }
0xa3: {  	v0 =	vadd.s32 v1, v0;
	v1 =	vpsel !p4, $0x0, v62;
	p4 =	seq.s32 s15, $0x1  }
0xa4: {  	v0 =	vadd.s32 v1, v0;
	v1 =	vpsel !p4, $0x0, v63  }
0xa5: {  	v0 =	vadd.s32 v1, v0  }
0xa6: {  	(v2sf) =	vpush v0, $0x0  }
0xa7: {  	(v2sf) =	vpush v2, $0x0;
	_ =	sdelay $0xd  }
0xa8: {  	s9 =	spop (v2sf)  }
0xa9: {  	s16 =	spop (v2sf);
	s25 =	sadd.s32 $0xFFFFFFFF, s9  }
0xaa: {  	s2 =	sadd.s32 s16, s25  }
0xab: {  	p3 =	sgt.s32 s2, $0x0  }
0xac: {  	s2 =	simm.s32 @!p3 $0x0  }
0xad: {  	s2 =	sshrl.u32 s2, $0x3  }
0xae: {  	s10 =	smulhi.u32 $0x55555556, s2;
	_ =	sdelay $0x1  }
0xaf: {  	s10 =	smul.u32 $0x3, s10  }
0xb0: {  	s11 =	sadd.s32 $0x1, s2  }
0xb1: {  	s12 =	smin.u32 s2, $0x3FF;
	s15 =	smulhi.u32 $0x55555556, s11;
	s10 =	ssub.s32 s2, s10  }
0xb2: {  	s12 =	sshll.u32 s12, $0xC;
	s16 =	sshll.u32 s10, $0xF  }
0xb3: {  	s12 =	sadd.s32 s1, s12;
	s15 =	smul.u32 $0x3, s15;
	s16 =	sor.u32 $0x480, s16  }
0xb4: {  	[tilespmem:s16], [sflag:$0x1] =	stream.linear.gather [hbm4b:s12+s5], $0x8000, $0x38;
	[tilespmem:$0x184A0] =	vst v63  }
0xb5: {  	s16 =	smin.u32 s11, $0x3FF;
	s11 =	ssub.s32 s11, s15  }
0xb6: {  	s12 =	sshll.u32 s16, $0xC;
	s11 =	sshll.u32 s11, $0xF  }
0xb7: {  	s11 =	sor.u32 $0x480, s11;
	s12 =	sadd.s32 s1, s12  }
0xb8: {  	[tilespmem:s11], [sflag:$0x1] =	stream.linear.gather [hbm4b:s12+s5], $0x8000, $0x38;
	[tilespmem:$0x184A0] =	vst v63  }
0xb9: {  	_ =	swait.ge [sflag:s21], $0x8000  }
0xba: {  	[sflag:s21] =	ssyncset.done $0x0  }
0xbb: {  	[sflag:s21] =	ssyncadd.s32 $0xFFFF8000  }
0xbc: {  	v0 =	vld [tilespmem:s17+$0x0];
	_ =	sdelay $0x4  }
0xbd: {  	(xrf0) =	vadd.scan.msk.s32 $0xffff, v0;
	_ =	sdelay $0x5  }
0xbe: {  	v0, _, _ =	vpop (xrf0)  }
0xbf: {  	v1 =	vadd.s32 s25, v0  }
0xc0: {  	vm0 =	vgt.s32 v1, $0x0  }
0xc1: {  	v1 =	vnsel vm0, $0x0, v1  }
0xc2: {  	(v2sf) =	vpush v1, $0x0;
	_ =	sdelay $0xe  }
0xc3: {  	s17 =	spop (v2sf)  }
0xc4: {  	s6 =	sshrl.u32 s17, $0x3  }
0xc5: {  	p3 =	seq.s32 s6, s2  }
0xc6: {  	s12 =	sadd.s32 @!p3 $0x1, s6  }
0xc7: {  	s15 =	simm.s32 @!p3 $0x1;
	s2 =	smulhi.u32 @!p3 $0x55555556, s12  }
0xc8: {  	_ =	swait.ge @!p3 [sflag:s15], $0x8000  }
0xc9: {  	p4 =	seq.s32 s10, $0x2;
	[sflag:s15] =	ssyncset.done @!p3 $0x0;
	s16 =	smul.u32 @!p3 $0x3, s2  }
0xca: {  	s21 =	sshll.u32 s17, $0x7;
	s2 =	sadd.s32 $0x1, s10;
	[sflag:s15] =	ssyncadd.s32 @!p3 $0xFFFF8000  }
0xcb: {  	s2 =	simm.s32 @p4 $0x0;
	s16 =	ssub.s32 @!p3 s12, s16;
	s12 =	smin.u32 @!p3 s12, $0x3FF  }
0xcc: {  	s2 =	smov.u32 @p3 s10;
	s10 =	sand.u32 $0x380, s21;
	s12 =	sshll.u32 @!p3 s12, $0xC  }
0xcd: {  	s15 =	sshll.u32 @!p3 s16, $0xF;
	s16 =	simm.s32 @!p3 $0x0;
	s25 =	sshll.u32 s2, $0x11  }
0xce: {  	s15 =	sor.u32 @!p3 $0x480, s15;
	s12 =	sadd.s32 @!p3 s1, s12;
	s11 =	sshra.s32 s25, $0x2  }
0xcf: {  	[tilespmem:s15], [sflag:$0x1] =	stream.linear.gather @!p3 [hbm4b:s12+s16], $0x8000, $0x38;
	[tilespmem:$0x184A0] =	vst v63  }
0xd0: {  	s10 =	sor.u32 s10, s11  }
0xd1: {  	s11 =	sadd.s32 $0x480, s10  }
0xd2: {  	s15 =	sadd.s32 $0x0, s13;
	s10 =	simm.s32 $0x80;
	s12 =	sadd.s32 $0x400, s11  }
.LBB2_2:
0xd3: {  	[hbm4b:s15+s5] =	stream.linear.scatter [tilespmem:s11], [sflag:$0x2], $0x80, $0x38;
	[tilespmem:$0x184A0] =	vst v63  }
0xd4: {  	s15 =	smov.u32 s10;
	s11 =	smov.u32 s12;
	p3 =	sne.s32 s10, $0xF80  }
.Ltmp0:
0xd5: {  	s10 =	sadd.s32 $0x80, s10;
	(pc) =	sbr.rel @p3 .LBB2_2-.Ltmp0, $2  }
0xd6: {  	_ =	sdelay $0x2  }
0xd7: {  	s12 =	sadd.s32 $0x400, s12;
	s15 =	sadd.s32 s15, s13  }
0xd8: {  	(v2sf) =	vpush v1, $0x1;
	_ =	sdelay $0xe  }
0xd9: {  	s12 =	spop (v2sf)  }
0xda: {  	s10 =	sshrl.u32 s12, $0x3  }
0xdb: {  	p3 =	seq.s32 s10, s6  }
0xdc: {  	s6 =	sadd.s32 @!p3 $0x1, s10  }
0xdd: {  	s16 =	smulhi.u32 @!p3 $0x55555556, s6  }
0xde: {  	[hbm4b:s15+s5] =	stream.linear.scatter [tilespmem:s11], [sflag:$0x2], $0x80, $0x38;
	[tilespmem:$0x184A0] =	vst v63  }
0xdf: {  	s11 =	simm.s32 @!p3 $0x1;
	s15 =	smul.u32 @!p3 $0x3, s16  }
0xe0: {  	_ =	swait.ge @!p3 [sflag:s11], $0x8000  }
0xe1: {  	[sflag:s11] =	ssyncset.done @!p3 $0x0;
	s15 =	ssub.s32 @!p3 s6, s15;
	s6 =	smin.u32 @!p3 s6, $0x3FF  }
0xe2: {  	[sflag:s11] =	ssyncadd.s32 @!p3 $0xFFFF8000;
	s6 =	sshll.u32 @!p3 s6, $0xC;
	s11 =	sshll.u32 @!p3 s15, $0xF  }
0xe3: {  	s15 =	simm.s32 @!p3 $0x0;
	s11 =	sor.u32 @!p3 $0x480, s11;
	s6 =	sadd.s32 @!p3 s1, s6  }
0xe4: {  	[tilespmem:s11], [sflag:$0x1] =	stream.linear.gather @!p3 [hbm4b:s6+s15], $0x8000, $0x38;
	[tilespmem:$0x184A0] =	vst v63  }
0xe5: {  	p4 =	seq.s32 s2, $0x2;
	s6 =	sadd.s32 $0x1, s2  }
0xe6: {  	s6 =	simm.s32 @p4 $0x0  }
0xe7: {  	s6 =	smov.u32 @p3 s2  }
0xe8: {  	s21 =	sshll.u32 s12, $0x7;
	s25 =	sshll.u32 s6, $0x11  }
0xe9: {  	s2 =	sand.u32 $0x380, s21;
	s11 =	sshra.s32 s25, $0x2  }
0xea: {  	s2 =	sor.u32 s2, s11  }
0xeb: {  	s2 =	sadd.s32 $0x480, s2  }
0xec: {  	s15 =	sadd.s32 $0x0, s14;
	s11 =	simm.s32 $0x80;
	s12 =	sadd.s32 $0x400, s2  }
.LBB2_4:
0xed: {  	[hbm4b:s15+s5] =	stream.linear.scatter [tilespmem:s2], [sflag:$0x2], $0x80, $0x38;
	[tilespmem:$0x184A0] =	vst v63  }
0xee: {  	s15 =	smov.u32 s11;
	s2 =	smov.u32 s12;
	p3 =	sne.s32 s11, $0xF80  }
.Ltmp1:
0xef: {  	s11 =	sadd.s32 $0x80, s11;
	(pc) =	sbr.rel @p3 .LBB2_4-.Ltmp1, $2  }
0xf0: {  	_ =	sdelay $0x2  }
0xf1: {  	s12 =	sadd.s32 $0x400, s12;
	s15 =	sadd.s32 s15, s14  }
0xf2: {  	(v2sf) =	vpush v1, $0x2;
	_ =	sdelay $0xe  }
0xf3: {  	s12 =	spop (v2sf)  }
0xf4: {  	s11 =	sshrl.u32 s12, $0x3  }
0xf5: {  	p3 =	seq.s32 s11, s10  }
0xf6: {  	s10 =	sadd.s32 @!p3 $0x1, s11  }
0xf7: {  	s16 =	smulhi.u32 @!p3 $0x55555556, s10  }
0xf8: {  	[hbm4b:s15+s5] =	stream.linear.scatter [tilespmem:s2], [sflag:$0x2], $0x80, $0x38;
	[tilespmem:$0x184A0] =	vst v63  }
0xf9: {  	s2 =	simm.s32 @!p3 $0x1;
	s15 =	smul.u32 @!p3 $0x3, s16  }
0xfa: {  	_ =	swait.ge @!p3 [sflag:s2], $0x8000  }
0xfb: {  	[sflag:s2] =	ssyncset.done @!p3 $0x0;
	s15 =	ssub.s32 @!p3 s10, s15;
	s10 =	smin.u32 @!p3 s10, $0x3FF  }
0xfc: {  	[sflag:s2] =	ssyncadd.s32 @!p3 $0xFFFF8000;
	s2 =	sshll.u32 @!p3 s10, $0xC;
	s10 =	sshll.u32 @!p3 s15, $0xF  }
0xfd: {  	s15 =	simm.s32 @!p3 $0x0;
	s10 =	sor.u32 @!p3 $0x480, s10;
	s2 =	sadd.s32 @!p3 s1, s2  }
0xfe: {  	[tilespmem:s10], [sflag:$0x1] =	stream.linear.gather @!p3 [hbm4b:s2+s15], $0x8000, $0x38;
	[tilespmem:$0x184A0] =	vst v63  }
0xff: {  	p4 =	seq.s32 s6, $0x2;
	s2 =	sadd.s32 $0x1, s6  }
0x100: {  	s2 =	simm.s32 @p4 $0x0  }
0x101: {  	s2 =	smov.u32 @p3 s6  }
0x102: {  	s21 =	sshll.u32 s12, $0x7;
	s25 =	sshll.u32 s2, $0x11  }
0x103: {  	s6 =	sand.u32 $0x380, s21;
	s10 =	sshra.s32 s25, $0x2  }
0x104: {  	s6 =	sor.u32 s6, s10  }
0x105: {  	s6 =	sadd.s32 $0x480, s6  }
0x106: {  	s15 =	sadd.s32 $0x0, s18;
	s10 =	simm.s32 $0x80;
	s12 =	sadd.s32 $0x400, s6  }
.LBB2_6:
0x107: {  	[hbm4b:s15+s5] =	stream.linear.scatter [tilespmem:s6], [sflag:$0x2], $0x80, $0x38;
	[tilespmem:$0x184A0] =	vst v63  }
0x108: {  	s15 =	smov.u32 s10;
	s6 =	smov.u32 s12;
	p3 =	sne.s32 s10, $0xF80  }
.Ltmp2:
0x109: {  	s10 =	sadd.s32 $0x80, s10;
	(pc) =	sbr.rel @p3 .LBB2_6-.Ltmp2, $2  }
0x10a: {  	_ =	sdelay $0x2  }
0x10b: {  	s12 =	sadd.s32 $0x400, s12;
	s15 =	sadd.s32 s15, s18  }
0x10c: {  	(v2sf) =	vpush v1, $0x3;
	_ =	sdelay $0xe  }
0x10d: {  	s12 =	spop (v2sf)  }
0x10e: {  	s10 =	sshrl.u32 s12, $0x3  }
0x10f: {  	p3 =	seq.s32 s10, s11  }
0x110: {  	s11 =	sadd.s32 @!p3 $0x1, s10  }
0x111: {  	s16 =	smulhi.u32 @!p3 $0x55555556, s11  }
0x112: {  	[hbm4b:s15+s5] =	stream.linear.scatter [tilespmem:s6], [sflag:$0x2], $0x80, $0x38;
	[tilespmem:$0x184A0] =	vst v63  }
0x113: {  	s6 =	simm.s32 @!p3 $0x1;
	s15 =	smul.u32 @!p3 $0x3, s16  }
0x114: {  	_ =	swait.ge @!p3 [sflag:s6], $0x8000  }
0x115: {  	[sflag:s6] =	ssyncset.done @!p3 $0x0;
	s15 =	ssub.s32 @!p3 s11, s15;
	s11 =	smin.u32 @!p3 s11, $0x3FF  }
0x116: {  	[sflag:s6] =	ssyncadd.s32 @!p3 $0xFFFF8000;
	s6 =	sshll.u32 @!p3 s11, $0xC;
	s11 =	sshll.u32 @!p3 s15, $0xF  }
0x117: {  	s15 =	simm.s32 @!p3 $0x0;
	s11 =	sor.u32 @!p3 $0x480, s11;
	s6 =	sadd.s32 @!p3 s1, s6  }
0x118: {  	[tilespmem:s11], [sflag:$0x1] =	stream.linear.gather @!p3 [hbm4b:s6+s15], $0x8000, $0x38;
	[tilespmem:$0x184A0] =	vst v63  }
0x119: {  	p4 =	seq.s32 s2, $0x2;
	s6 =	sadd.s32 $0x1, s2  }
0x11a: {  	s6 =	simm.s32 @p4 $0x0  }
0x11b: {  	s6 =	smov.u32 @p3 s2  }
0x11c: {  	s21 =	sshll.u32 s12, $0x7;
	s25 =	sshll.u32 s6, $0x11  }
0x11d: {  	s2 =	sand.u32 $0x380, s21;
	s11 =	sshra.s32 s25, $0x2  }
0x11e: {  	s2 =	sor.u32 s2, s11  }
0x11f: {  	s2 =	sadd.s32 $0x480, s2  }
0x120: {  	s15 =	sadd.s32 $0x0, s19;
	s11 =	simm.s32 $0x80;
	s12 =	sadd.s32 $0x400, s2  }
.LBB2_8:
0x121: {  	[hbm4b:s15+s5] =	stream.linear.scatter [tilespmem:s2], [sflag:$0x2], $0x80, $0x38;
	[tilespmem:$0x184A0] =	vst v63  }
0x122: {  	s15 =	smov.u32 s11;
	s2 =	smov.u32 s12;
	p3 =	sne.s32 s11, $0xF80  }
.Ltmp3:
0x123: {  	s11 =	sadd.s32 $0x80, s11;
	(pc) =	sbr.rel @p3 .LBB2_8-.Ltmp3, $2  }
0x124: {  	_ =	sdelay $0x2  }
0x125: {  	s12 =	sadd.s32 $0x400, s12;
	s15 =	sadd.s32 s15, s19  }
0x126: {  	(v2sf) =	vpush v1, $0x4;
	_ =	sdelay $0xe  }
0x127: {  	s12 =	spop (v2sf)  }
0x128: {  	s11 =	sshrl.u32 s12, $0x3  }
0x129: {  	p3 =	seq.s32 s11, s10  }
0x12a: {  	s10 =	sadd.s32 @!p3 $0x1, s11  }
0x12b: {  	s16 =	smulhi.u32 @!p3 $0x55555556, s10  }
0x12c: {  	[hbm4b:s15+s5] =	stream.linear.scatter [tilespmem:s2], [sflag:$0x2], $0x80, $0x38;
	[tilespmem:$0x184A0] =	vst v63  }
0x12d: {  	s2 =	simm.s32 @!p3 $0x1;
	s15 =	smul.u32 @!p3 $0x3, s16  }
0x12e: {  	_ =	swait.ge @!p3 [sflag:s2], $0x8000  }
0x12f: {  	[sflag:s2] =	ssyncset.done @!p3 $0x0;
	s15 =	ssub.s32 @!p3 s10, s15;
	s10 =	smin.u32 @!p3 s10, $0x3FF  }
0x130: {  	[sflag:s2] =	ssyncadd.s32 @!p3 $0xFFFF8000;
	s2 =	sshll.u32 @!p3 s10, $0xC;
	s10 =	sshll.u32 @!p3 s15, $0xF  }
0x131: {  	s15 =	simm.s32 @!p3 $0x0;
	s10 =	sor.u32 @!p3 $0x480, s10;
	s2 =	sadd.s32 @!p3 s1, s2  }
0x132: {  	[tilespmem:s10], [sflag:$0x1] =	stream.linear.gather @!p3 [hbm4b:s2+s15], $0x8000, $0x38;
	[tilespmem:$0x184A0] =	vst v63  }
0x133: {  	p4 =	seq.s32 s6, $0x2;
	s2 =	sadd.s32 $0x1, s6  }
0x134: {  	s2 =	simm.s32 @p4 $0x0  }
0x135: {  	s2 =	smov.u32 @p3 s6  }
0x136: {  	s21 =	sshll.u32 s12, $0x7;
	s25 =	sshll.u32 s2, $0x11  }
0x137: {  	s6 =	sand.u32 $0x380, s21;
	s10 =	sshra.s32 s25, $0x2  }
0x138: {  	s6 =	sor.u32 s6, s10  }
0x139: {  	s6 =	sadd.s32 $0x480, s6  }
0x13a: {  	s15 =	sadd.s32 $0x0, s20;
	s10 =	simm.s32 $0x80;
	s12 =	sadd.s32 $0x400, s6  }
.LBB2_10:
0x13b: {  	[hbm4b:s15+s5] =	stream.linear.scatter [tilespmem:s6], [sflag:$0x2], $0x80, $0x38;
	[tilespmem:$0x184A0] =	vst v63  }
0x13c: {  	s15 =	smov.u32 s10;
	s6 =	smov.u32 s12;
	p3 =	sne.s32 s10, $0xF80  }
.Ltmp4:
0x13d: {  	s10 =	sadd.s32 $0x80, s10;
	(pc) =	sbr.rel @p3 .LBB2_10-.Ltmp4, $2  }
0x13e: {  	_ =	sdelay $0x2  }
0x13f: {  	s12 =	sadd.s32 $0x400, s12;
	s15 =	sadd.s32 s15, s20  }
0x140: {  	(v2sf) =	vpush v1, $0x5;
	_ =	sdelay $0xe  }
0x141: {  	s12 =	spop (v2sf)  }
0x142: {  	s10 =	sshrl.u32 s12, $0x3  }
0x143: {  	p3 =	seq.s32 s10, s11  }
0x144: {  	s11 =	sadd.s32 @!p3 $0x1, s10  }
0x145: {  	s16 =	smulhi.u32 @!p3 $0x55555556, s11  }
0x146: {  	[hbm4b:s15+s5] =	stream.linear.scatter [tilespmem:s6], [sflag:$0x2], $0x80, $0x38;
	[tilespmem:$0x184A0] =	vst v63  }
0x147: {  	s6 =	simm.s32 @!p3 $0x1;
	s15 =	smul.u32 @!p3 $0x3, s16  }
0x148: {  	_ =	swait.ge @!p3 [sflag:s6], $0x8000  }
0x149: {  	[sflag:s6] =	ssyncset.done @!p3 $0x0;
	s15 =	ssub.s32 @!p3 s11, s15;
	s11 =	smin.u32 @!p3 s11, $0x3FF  }
0x14a: {  	[sflag:s6] =	ssyncadd.s32 @!p3 $0xFFFF8000;
	s6 =	sshll.u32 @!p3 s11, $0xC;
	s11 =	sshll.u32 @!p3 s15, $0xF  }
0x14b: {  	s15 =	simm.s32 @!p3 $0x0;
	s11 =	sor.u32 @!p3 $0x480, s11;
	s6 =	sadd.s32 @!p3 s1, s6  }
0x14c: {  	[tilespmem:s11], [sflag:$0x1] =	stream.linear.gather @!p3 [hbm4b:s6+s15], $0x8000, $0x38;
	[tilespmem:$0x184A0] =	vst v63  }
0x14d: {  	p4 =	seq.s32 s2, $0x2;
	s6 =	sadd.s32 $0x1, s2  }
0x14e: {  	s6 =	simm.s32 @p4 $0x0  }
0x14f: {  	s6 =	smov.u32 @p3 s2  }
0x150: {  	s21 =	sshll.u32 s12, $0x7;
	s25 =	sshll.u32 s6, $0x11  }
0x151: {  	s2 =	sand.u32 $0x380, s21;
	s11 =	sshra.s32 s25, $0x2  }
0x152: {  	s2 =	sor.u32 s2, s11  }
0x153: {  	s2 =	sadd.s32 $0x480, s2  }
0x154: {  	s15 =	sadd.s32 $0x0, s23;
	s11 =	simm.s32 $0x80;
	s12 =	sadd.s32 $0x400, s2  }
.LBB2_12:
0x155: {  	[hbm4b:s15+s5] =	stream.linear.scatter [tilespmem:s2], [sflag:$0x2], $0x80, $0x38;
	[tilespmem:$0x184A0] =	vst v63  }
0x156: {  	s15 =	smov.u32 s11;
	s2 =	smov.u32 s12;
	p3 =	sne.s32 s11, $0xF80  }
.Ltmp5:
0x157: {  	s11 =	sadd.s32 $0x80, s11;
	(pc) =	sbr.rel @p3 .LBB2_12-.Ltmp5, $2  }
0x158: {  	_ =	sdelay $0x2  }
0x159: {  	s12 =	sadd.s32 $0x400, s12;
	s15 =	sadd.s32 s15, s23  }
0x15a: {  	(v2sf) =	vpush v1, $0x6;
	_ =	sdelay $0xe  }
0x15b: {  	s12 =	spop (v2sf)  }
0x15c: {  	s11 =	sshrl.u32 s12, $0x3  }
0x15d: {  	p3 =	seq.s32 s11, s10  }
0x15e: {  	s10 =	sadd.s32 @!p3 $0x1, s11  }
0x15f: {  	s16 =	smulhi.u32 @!p3 $0x55555556, s10  }
0x160: {  	[hbm4b:s15+s5] =	stream.linear.scatter [tilespmem:s2], [sflag:$0x2], $0x80, $0x38;
	[tilespmem:$0x184A0] =	vst v63  }
0x161: {  	s2 =	simm.s32 @!p3 $0x1;
	s15 =	smul.u32 @!p3 $0x3, s16  }
0x162: {  	_ =	swait.ge @!p3 [sflag:s2], $0x8000  }
0x163: {  	[sflag:s2] =	ssyncset.done @!p3 $0x0;
	s15 =	ssub.s32 @!p3 s10, s15;
	s10 =	smin.u32 @!p3 s10, $0x3FF  }
0x164: {  	[sflag:s2] =	ssyncadd.s32 @!p3 $0xFFFF8000;
	s2 =	sshll.u32 @!p3 s10, $0xC;
	s10 =	sshll.u32 @!p3 s15, $0xF  }
0x165: {  	s15 =	simm.s32 @!p3 $0x0;
	s10 =	sor.u32 @!p3 $0x480, s10;
	s2 =	sadd.s32 @!p3 s1, s2  }
0x166: {  	[tilespmem:s10], [sflag:$0x1] =	stream.linear.gather @!p3 [hbm4b:s2+s15], $0x8000, $0x38;
	[tilespmem:$0x184A0] =	vst v63  }
0x167: {  	p4 =	seq.s32 s6, $0x2;
	s2 =	sadd.s32 $0x1, s6  }
0x168: {  	s2 =	simm.s32 @p4 $0x0  }
0x169: {  	s2 =	smov.u32 @p3 s6  }
0x16a: {  	s21 =	sshll.u32 s12, $0x7;
	s25 =	sshll.u32 s2, $0x11  }
0x16b: {  	s6 =	sand.u32 $0x380, s21;
	s10 =	sshra.s32 s25, $0x2  }
0x16c: {  	s6 =	sor.u32 s6, s10  }
0x16d: {  	s6 =	sadd.s32 $0x480, s6  }
0x16e: {  	s15 =	sadd.s32 $0x0, s24;
	s10 =	simm.s32 $0x80;
	s12 =	sadd.s32 $0x400, s6  }
.LBB2_14:
0x16f: {  	[hbm4b:s15+s5] =	stream.linear.scatter [tilespmem:s6], [sflag:$0x2], $0x80, $0x38;
	[tilespmem:$0x184A0] =	vst v63  }
0x170: {  	s15 =	smov.u32 s10;
	s6 =	smov.u32 s12;
	p3 =	sne.s32 s10, $0xF80  }
.Ltmp6:
0x171: {  	s10 =	sadd.s32 $0x80, s10;
	(pc) =	sbr.rel @p3 .LBB2_14-.Ltmp6, $2  }
0x172: {  	_ =	sdelay $0x2  }
0x173: {  	s12 =	sadd.s32 $0x400, s12;
	s15 =	sadd.s32 s15, s24  }
0x174: {  	(v2sf) =	vpush v1, $0x7;
	_ =	sdelay $0xe  }
0x175: {  	s16 =	spop (v2sf)  }
0x176: {  	s12 =	sshrl.u32 s16, $0x3  }
0x177: {  	p3 =	seq.s32 s12, s11  }
0x178: {  	s10 =	sadd.s32 @!p3 $0x1, s12  }
0x179: {  	s11 =	smulhi.u32 @!p3 $0x55555556, s10  }
0x17a: {  	[hbm4b:s15+s5] =	stream.linear.scatter [tilespmem:s6], [sflag:$0x2], $0x80, $0x38;
	[tilespmem:$0x184A0] =	vst v63  }
0x17b: {  	s6 =	simm.s32 @!p3 $0x1;
	s11 =	smul.u32 @!p3 $0x3, s11  }
0x17c: {  	_ =	swait.ge @!p3 [sflag:s6], $0x8000  }
0x17d: {  	[sflag:s6] =	ssyncset.done @!p3 $0x0;
	s11 =	ssub.s32 @!p3 s10, s11;
	s10 =	smin.u32 @!p3 s10, $0x3FF  }
0x17e: {  	[sflag:s6] =	ssyncadd.s32 @!p3 $0xFFFF8000;
	s6 =	sshll.u32 @!p3 s10, $0xC;
	s10 =	sshll.u32 @!p3 s11, $0xF  }
0x17f: {  	s11 =	simm.s32 @!p3 $0x0;
	s10 =	sor.u32 @!p3 $0x480, s10;
	s6 =	sadd.s32 @!p3 s1, s6  }
0x180: {  	[tilespmem:s10], [sflag:$0x1] =	stream.linear.gather @!p3 [hbm4b:s6+s11], $0x8000, $0x38;
	[tilespmem:$0x184A0] =	vst v63  }
0x181: {  	p4 =	seq.s32 s2, $0x2;
	s10 =	sadd.s32 $0x1, s2  }
0x182: {  	s10 =	simm.s32 @p4 $0x0  }
0x183: {  	s10 =	smov.u32 @p3 s2  }
0x184: {  	s21 =	sshll.u32 s16, $0x7;
	s25 =	sshll.u32 s10, $0x11  }
0x185: {  	s2 =	sand.u32 $0x380, s21;
	s6 =	sshra.s32 s25, $0x2  }
0x186: {  	s2 =	sor.u32 s2, s6  }
0x187: {  	s2 =	sadd.s32 $0x480, s2  }
0x188: {  	s15 =	sadd.s32 $0x0, s26;
	s6 =	simm.s32 $0x80;
	s11 =	sadd.s32 $0x400, s2  }
.LBB2_16:
0x189: {  	[hbm4b:s15+s5] =	stream.linear.scatter [tilespmem:s2], [sflag:$0x2], $0x80, $0x38;
	[tilespmem:$0x184A0] =	vst v63  }
0x18a: {  	s15 =	smov.u32 s6;
	s2 =	smov.u32 s11;
	p3 =	sne.s32 s6, $0xF80  }
.Ltmp7:
0x18b: {  	s6 =	sadd.s32 $0x80, s6;
	(pc) =	sbr.rel @p3 .LBB2_16-.Ltmp7, $2  }
0x18c: {  	_ =	sdelay $0x2  }
0x18d: {  	s11 =	sadd.s32 $0x400, s11;
	s15 =	sadd.s32 s15, s26  }
0x18e: {  	(v2sf) =	vpush v1, $0x8;
	_ =	sdelay $0xe  }
0x18f: {  	s11 =	spop (v2sf)  }
0x190: {  	s6 =	sshrl.u32 s11, $0x3  }
0x191: {  	p3 =	seq.s32 s6, s12  }
0x192: {  	s12 =	sadd.s32 @!p3 $0x1, s6  }
0x193: {  	s16 =	smulhi.u32 @!p3 $0x55555556, s12  }
0x194: {  	[hbm4b:s15+s5] =	stream.linear.scatter [tilespmem:s2], [sflag:$0x2], $0x80, $0x38;
	[tilespmem:$0x184A0] =	vst v63  }
0x195: {  	s2 =	simm.s32 @!p3 $0x1;
	s15 =	smul.u32 @!p3 $0x3, s16  }
0x196: {  	_ =	swait.ge @!p3 [sflag:s2], $0x8000  }
0x197: {  	[sflag:s2] =	ssyncset.done @!p3 $0x0;
	s15 =	ssub.s32 @!p3 s12, s15;
	s12 =	smin.u32 @!p3 s12, $0x3FF  }
0x198: {  	[sflag:s2] =	ssyncadd.s32 @!p3 $0xFFFF8000;
	s2 =	sshll.u32 @!p3 s12, $0xC;
	s12 =	sshll.u32 @!p3 s15, $0xF  }
0x199: {  	s15 =	simm.s32 @!p3 $0x0;
	s12 =	sor.u32 @!p3 $0x480, s12;
	s2 =	sadd.s32 @!p3 s1, s2  }
0x19a: {  	[tilespmem:s12], [sflag:$0x1] =	stream.linear.gather @!p3 [hbm4b:s2+s15], $0x8000, $0x38;
	[tilespmem:$0x184A0] =	vst v63  }
0x19b: {  	p4 =	seq.s32 s10, $0x2;
	s2 =	sadd.s32 $0x1, s10  }
0x19c: {  	s2 =	simm.s32 @p4 $0x0  }
0x19d: {  	s2 =	smov.u32 @p3 s10  }
0x19e: {  	s21 =	sshll.u32 s11, $0x7;
	s25 =	sshll.u32 s2, $0x11  }
0x19f: {  	s10 =	sand.u32 $0x380, s21;
	s11 =	sshra.s32 s25, $0x2  }
0x1a0: {  	s10 =	sor.u32 s10, s11  }
0x1a1: {  	s10 =	sadd.s32 $0x480, s10  }
0x1a2: {  	s15 =	sadd.s32 $0x0, s29;
	s11 =	simm.s32 $0x80;
	s12 =	sadd.s32 $0x400, s10  }
.LBB2_18:
0x1a3: {  	[hbm4b:s15+s5] =	stream.linear.scatter [tilespmem:s10], [sflag:$0x2], $0x80, $0x38;
	[tilespmem:$0x184A0] =	vst v63  }
0x1a4: {  	s15 =	smov.u32 s11;
	s10 =	smov.u32 s12;
	p3 =	sne.s32 s11, $0xF80  }
.Ltmp8:
0x1a5: {  	s11 =	sadd.s32 $0x80, s11;
	(pc) =	sbr.rel @p3 .LBB2_18-.Ltmp8, $2  }
0x1a6: {  	_ =	sdelay $0x2  }
0x1a7: {  	s12 =	sadd.s32 $0x400, s12;
	s15 =	sadd.s32 s15, s29  }
0x1a8: {  	[hbm4b:s15+s5] =	stream.linear.scatter [tilespmem:s10], [sflag:$0x2], $0x80, $0x38;
	[tilespmem:$0x184A0] =	vst v63  }
0x1a9: {  	_ =	swait.ge [sflag:s28], $0x1000  }
0x1aa: {  	(v2sf) =	vpush v1, $0x9;
	_ =	sdelay $0xe  }
0x1ab: {  	s11 =	spop (v2sf)  }
0x1ac: {  	s10 =	sshrl.u32 s11, $0x3  }
0x1ad: {  	p3 =	seq.s32 s10, s6  }
0x1ae: {  	s6 =	sadd.s32 @!p3 $0x1, s10  }
0x1af: {  	s12 =	smulhi.u32 @!p3 $0x55555556, s6  }
0x1b0: {  	[sflag:s28] =	ssyncset.done $0x0  }
0x1b1: {  	[sflag:s28] =	ssyncadd.s32 $0xFFFFF000;
	s15 =	simm.s32 @!p3 $0x1;
	s12 =	smul.u32 @!p3 $0x3, s12  }
0x1b2: {  	_ =	swait.ge @!p3 [sflag:s15], $0x8000  }
0x1b3: {  	[sflag:s15] =	ssyncset.done @!p3 $0x0;
	s12 =	ssub.s32 @!p3 s6, s12;
	s6 =	smin.u32 @!p3 s6, $0x3FF  }
0x1b4: {  	[sflag:s15] =	ssyncadd.s32 @!p3 $0xFFFF8000;
	s6 =	sshll.u32 @!p3 s6, $0xC;
	s12 =	sshll.u32 @!p3 s12, $0xF  }
0x1b5: {  	s15 =	simm.s32 @!p3 $0x0;
	s12 =	sor.u32 @!p3 $0x480, s12;
	s6 =	sadd.s32 @!p3 s1, s6  }
0x1b6: {  	[tilespmem:s12], [sflag:$0x1] =	stream.linear.gather @!p3 [hbm4b:s6+s15], $0x8000, $0x38;
	[tilespmem:$0x184A0] =	vst v63  }
0x1b7: {  	p4 =	seq.s32 s2, $0x2;
	s6 =	sadd.s32 $0x1, s2  }
0x1b8: {  	s6 =	simm.s32 @p4 $0x0  }
0x1b9: {  	s6 =	smov.u32 @p3 s2  }
0x1ba: {  	s21 =	sshll.u32 s11, $0x7;
	s25 =	sshll.u32 s6, $0x11  }
0x1bb: {  	s2 =	sand.u32 $0x380, s21;
	s11 =	sshra.s32 s25, $0x2  }
0x1bc: {  	s2 =	sor.u32 s2, s11  }
0x1bd: {  	s2 =	sadd.s32 $0x480, s2  }
0x1be: {  	s15 =	sadd.s32 $0x0, s30;
	s11 =	simm.s32 $0x80;
	s12 =	sadd.s32 $0x400, s2  }
.LBB2_20:
0x1bf: {  	[hbm4b:s15+s5] =	stream.linear.scatter [tilespmem:s2], [sflag:$0x2], $0x80, $0x38;
	[tilespmem:$0x184A0] =	vst v63  }
0x1c0: {  	s15 =	smov.u32 s11;
	s2 =	smov.u32 s12;
	p3 =	sne.s32 s11, $0xF80  }
.Ltmp9:
0x1c1: {  	s11 =	sadd.s32 $0x80, s11;
	(pc) =	sbr.rel @p3 .LBB2_20-.Ltmp9, $2  }
0x1c2: {  	_ =	sdelay $0x2  }
0x1c3: {  	s12 =	sadd.s32 $0x400, s12;
	s15 =	sadd.s32 s15, s30  }
0x1c4: {  	[hbm4b:s15+s5] =	stream.linear.scatter [tilespmem:s2], [sflag:$0x2], $0x80, $0x38;
	[tilespmem:$0x184A0] =	vst v63  }
0x1c5: {  	_ =	swait.ge [sflag:s28], $0x1000  }
0x1c6: {  	(v2sf) =	vpush v1, $0xA;
	_ =	sdelay $0xe  }
0x1c7: {  	s12 =	spop (v2sf)  }
0x1c8: {  	s11 =	sshrl.u32 s12, $0x3  }
0x1c9: {  	p3 =	seq.s32 s11, s10  }
0x1ca: {  	s2 =	sadd.s32 @!p3 $0x1, s11  }
0x1cb: {  	s10 =	smulhi.u32 @!p3 $0x55555556, s2  }
0x1cc: {  	[sflag:s28] =	ssyncset.done $0x0  }
0x1cd: {  	[sflag:s28] =	ssyncadd.s32 $0xFFFFF000;
	s15 =	simm.s32 @!p3 $0x1;
	s10 =	smul.u32 @!p3 $0x3, s10  }
0x1ce: {  	_ =	swait.ge @!p3 [sflag:s15], $0x8000  }
0x1cf: {  	[sflag:s15] =	ssyncset.done @!p3 $0x0;
	s10 =	ssub.s32 @!p3 s2, s10;
	s2 =	smin.u32 @!p3 s2, $0x3FF  }
0x1d0: {  	[sflag:s15] =	ssyncadd.s32 @!p3 $0xFFFF8000;
	s2 =	sshll.u32 @!p3 s2, $0xC;
	s10 =	sshll.u32 @!p3 s10, $0xF  }
0x1d1: {  	s15 =	simm.s32 @!p3 $0x0;
	s10 =	sor.u32 @!p3 $0x480, s10;
	s2 =	sadd.s32 @!p3 s1, s2  }
0x1d2: {  	[tilespmem:s10], [sflag:$0x1] =	stream.linear.gather @!p3 [hbm4b:s2+s15], $0x8000, $0x38;
	[tilespmem:$0x184A0] =	vst v63  }
0x1d3: {  	p4 =	seq.s32 s6, $0x2;
	s2 =	sadd.s32 $0x1, s6  }
0x1d4: {  	s2 =	simm.s32 @p4 $0x0  }
0x1d5: {  	s2 =	smov.u32 @p3 s6  }
0x1d6: {  	s21 =	sshll.u32 s12, $0x7;
	s25 =	sshll.u32 s2, $0x11  }
0x1d7: {  	s6 =	sand.u32 $0x380, s21;
	s10 =	sshra.s32 s25, $0x2  }
0x1d8: {  	s6 =	sor.u32 s6, s10  }
0x1d9: {  	s6 =	sadd.s32 $0x480, s6  }
0x1da: {  	s15 =	sadd.s32 $0x0, s31;
	s10 =	simm.s32 $0x80;
	s12 =	sadd.s32 $0x400, s6  }
.LBB2_22:
0x1db: {  	[hbm4b:s15+s5] =	stream.linear.scatter [tilespmem:s6], [sflag:$0x2], $0x80, $0x38;
	[tilespmem:$0x184A0] =	vst v63  }
0x1dc: {  	s15 =	smov.u32 s10;
	s6 =	smov.u32 s12;
	p3 =	sne.s32 s10, $0xF80  }
.Ltmp10:
0x1dd: {  	s10 =	sadd.s32 $0x80, s10;
	(pc) =	sbr.rel @p3 .LBB2_22-.Ltmp10, $2  }
0x1de: {  	_ =	sdelay $0x2  }
0x1df: {  	s12 =	sadd.s32 $0x400, s12;
	s15 =	sadd.s32 s15, s31  }
0x1e0: {  	[hbm4b:s15+s5] =	stream.linear.scatter [tilespmem:s6], [sflag:$0x2], $0x80, $0x38;
	[tilespmem:$0x184A0] =	vst v63  }
0x1e1: {  	_ =	swait.ge [sflag:s28], $0x1000  }
0x1e2: {  	(v2sf) =	vpush v1, $0xB;
	_ =	sdelay $0xe  }
0x1e3: {  	s12 =	spop (v2sf)  }
0x1e4: {  	s10 =	sshrl.u32 s12, $0x3  }
0x1e5: {  	p3 =	seq.s32 s10, s11  }
0x1e6: {  	s6 =	sadd.s32 @!p3 $0x1, s10  }
0x1e7: {  	s11 =	smulhi.u32 @!p3 $0x55555556, s6  }
0x1e8: {  	[sflag:s28] =	ssyncset.done $0x0  }
0x1e9: {  	[sflag:s28] =	ssyncadd.s32 $0xFFFFF000;
	s15 =	simm.s32 @!p3 $0x1;
	s11 =	smul.u32 @!p3 $0x3, s11  }
0x1ea: {  	_ =	swait.ge @!p3 [sflag:s15], $0x8000  }
0x1eb: {  	[sflag:s15] =	ssyncset.done @!p3 $0x0;
	s11 =	ssub.s32 @!p3 s6, s11;
	s6 =	smin.u32 @!p3 s6, $0x3FF  }
0x1ec: {  	[sflag:s15] =	ssyncadd.s32 @!p3 $0xFFFF8000;
	s6 =	sshll.u32 @!p3 s6, $0xC;
	s11 =	sshll.u32 @!p3 s11, $0xF  }
0x1ed: {  	s15 =	simm.s32 @!p3 $0x0;
	s11 =	sor.u32 @!p3 $0x480, s11;
	s6 =	sadd.s32 @!p3 s1, s6  }
0x1ee: {  	[tilespmem:s11], [sflag:$0x1] =	stream.linear.gather @!p3 [hbm4b:s6+s15], $0x8000, $0x38;
	[tilespmem:$0x184A0] =	vst v63  }
0x1ef: {  	p4 =	seq.s32 s2, $0x2;
	s6 =	sadd.s32 $0x1, s2  }
0x1f0: {  	s6 =	simm.s32 @p4 $0x0  }
0x1f1: {  	s6 =	smov.u32 @p3 s2  }
0x1f2: {  	s21 =	sshll.u32 s12, $0x7;
	s25 =	sshll.u32 s6, $0x11  }
0x1f3: {  	s2 =	sand.u32 $0x380, s21;
	s11 =	sshra.s32 s25, $0x2  }
0x1f4: {  	s2 =	sor.u32 s2, s11  }
0x1f5: {  	s2 =	sadd.s32 $0x480, s2  }
0x1f6: {  	s15 =	sadd.s32 $0x0, s0;
	s11 =	simm.s32 $0x80;
	s12 =	sadd.s32 $0x400, s2  }
.LBB2_24:
0x1f7: {  	[hbm4b:s15+s5] =	stream.linear.scatter [tilespmem:s2], [sflag:$0x2], $0x80, $0x38;
	[tilespmem:$0x184A0] =	vst v63  }
0x1f8: {  	s15 =	smov.u32 s11;
	s2 =	smov.u32 s12;
	p3 =	sne.s32 s11, $0xF80  }
.Ltmp11:
0x1f9: {  	s11 =	sadd.s32 $0x80, s11;
	(pc) =	sbr.rel @p3 .LBB2_24-.Ltmp11, $2  }
0x1fa: {  	_ =	sdelay $0x2  }
0x1fb: {  	s12 =	sadd.s32 $0x400, s12;
	s15 =	sadd.s32 s15, s0  }
0x1fc: {  	[hbm4b:s15+s5] =	stream.linear.scatter [tilespmem:s2], [sflag:$0x2], $0x80, $0x38;
	[tilespmem:$0x184A0] =	vst v63  }
0x1fd: {  	_ =	swait.ge [sflag:s28], $0x1000  }
0x1fe: {  	(v2sf) =	vpush v1, $0xC;
	_ =	sdelay $0xe  }
0x1ff: {  	s12 =	spop (v2sf)  }
0x200: {  	s11 =	sshrl.u32 s12, $0x3  }
0x201: {  	p3 =	seq.s32 s11, s10  }
0x202: {  	s2 =	sadd.s32 @!p3 $0x1, s11  }
0x203: {  	s10 =	smulhi.u32 @!p3 $0x55555556, s2  }
0x204: {  	[sflag:s28] =	ssyncset.done $0x0  }
0x205: {  	[sflag:s28] =	ssyncadd.s32 $0xFFFFF000;
	s15 =	simm.s32 @!p3 $0x1;
	s10 =	smul.u32 @!p3 $0x3, s10  }
0x206: {  	_ =	swait.ge @!p3 [sflag:s15], $0x8000  }
0x207: {  	[sflag:s15] =	ssyncset.done @!p3 $0x0;
	s10 =	ssub.s32 @!p3 s2, s10;
	s2 =	smin.u32 @!p3 s2, $0x3FF  }
0x208: {  	[sflag:s15] =	ssyncadd.s32 @!p3 $0xFFFF8000;
	s2 =	sshll.u32 @!p3 s2, $0xC;
	s10 =	sshll.u32 @!p3 s10, $0xF  }
0x209: {  	s15 =	simm.s32 @!p3 $0x0;
	s10 =	sor.u32 @!p3 $0x480, s10;
	s2 =	sadd.s32 @!p3 s1, s2  }
0x20a: {  	[tilespmem:s10], [sflag:$0x1] =	stream.linear.gather @!p3 [hbm4b:s2+s15], $0x8000, $0x38;
	[tilespmem:$0x184A0] =	vst v63  }
0x20b: {  	p4 =	seq.s32 s6, $0x2;
	s2 =	sadd.s32 $0x1, s6  }
0x20c: {  	s2 =	simm.s32 @p4 $0x0  }
0x20d: {  	s2 =	smov.u32 @p3 s6  }
0x20e: {  	s21 =	sshll.u32 s12, $0x7;
	s25 =	sshll.u32 s2, $0x11  }
0x20f: {  	s6 =	sand.u32 $0x380, s21;
	s10 =	sshra.s32 s25, $0x2  }
0x210: {  	s6 =	sor.u32 s6, s10  }
0x211: {  	s6 =	sadd.s32 $0x480, s6  }
0x212: {  	s15 =	sadd.s32 $0x0, s4;
	s10 =	simm.s32 $0x80;
	s12 =	sadd.s32 $0x400, s6  }
.LBB2_26:
0x213: {  	[hbm4b:s15+s5] =	stream.linear.scatter [tilespmem:s6], [sflag:$0x2], $0x80, $0x38;
	[tilespmem:$0x184A0] =	vst v63  }
0x214: {  	s15 =	smov.u32 s10;
	s6 =	smov.u32 s12;
	p3 =	sne.s32 s10, $0xF80  }
.Ltmp12:
0x215: {  	s10 =	sadd.s32 $0x80, s10;
	(pc) =	sbr.rel @p3 .LBB2_26-.Ltmp12, $2  }
0x216: {  	_ =	sdelay $0x2  }
0x217: {  	s12 =	sadd.s32 $0x400, s12;
	s15 =	sadd.s32 s15, s4  }
0x218: {  	[hbm4b:s15+s5] =	stream.linear.scatter [tilespmem:s6], [sflag:$0x2], $0x80, $0x38;
	[tilespmem:$0x184A0] =	vst v63  }
0x219: {  	_ =	swait.ge [sflag:s28], $0x1000  }
0x21a: {  	(v2sf) =	vpush v1, $0xD;
	_ =	sdelay $0xe  }
0x21b: {  	s12 =	spop (v2sf)  }
0x21c: {  	s10 =	sshrl.u32 s12, $0x3  }
0x21d: {  	p3 =	seq.s32 s10, s11  }
0x21e: {  	s6 =	sadd.s32 @!p3 $0x1, s10  }
0x21f: {  	s11 =	smulhi.u32 @!p3 $0x55555556, s6  }
0x220: {  	[sflag:s28] =	ssyncset.done $0x0  }
0x221: {  	[sflag:s28] =	ssyncadd.s32 $0xFFFFF000;
	s15 =	simm.s32 @!p3 $0x1;
	s11 =	smul.u32 @!p3 $0x3, s11  }
0x222: {  	_ =	swait.ge @!p3 [sflag:s15], $0x8000  }
0x223: {  	[sflag:s15] =	ssyncset.done @!p3 $0x0;
	s11 =	ssub.s32 @!p3 s6, s11;
	s6 =	smin.u32 @!p3 s6, $0x3FF  }
0x224: {  	[sflag:s15] =	ssyncadd.s32 @!p3 $0xFFFF8000;
	s6 =	sshll.u32 @!p3 s6, $0xC;
	s11 =	sshll.u32 @!p3 s11, $0xF  }
0x225: {  	s15 =	simm.s32 @!p3 $0x0;
	s11 =	sor.u32 @!p3 $0x480, s11;
	s6 =	sadd.s32 @!p3 s1, s6  }
0x226: {  	[tilespmem:s11], [sflag:$0x1] =	stream.linear.gather @!p3 [hbm4b:s6+s15], $0x8000, $0x38;
	[tilespmem:$0x184A0] =	vst v63  }
0x227: {  	p4 =	seq.s32 s2, $0x2;
	s6 =	sadd.s32 $0x1, s2  }
0x228: {  	s6 =	simm.s32 @p4 $0x0  }
0x229: {  	s6 =	smov.u32 @p3 s2  }
0x22a: {  	s21 =	sshll.u32 s12, $0x7;
	s25 =	sshll.u32 s6, $0x11  }
0x22b: {  	s2 =	sand.u32 $0x380, s21;
	s11 =	sshra.s32 s25, $0x2  }
0x22c: {  	s2 =	sor.u32 s2, s11  }
0x22d: {  	s2 =	sadd.s32 $0x480, s2  }
0x22e: {  	s15 =	sadd.s32 $0x0, s3;
	s11 =	simm.s32 $0x80;
	s12 =	sadd.s32 $0x400, s2  }
.LBB2_28:
0x22f: {  	[hbm4b:s15+s5] =	stream.linear.scatter [tilespmem:s2], [sflag:$0x2], $0x80, $0x38;
	[tilespmem:$0x184A0] =	vst v63  }
0x230: {  	s15 =	smov.u32 s11;
	s2 =	smov.u32 s12;
	p3 =	sne.s32 s11, $0xF80  }
.Ltmp13:
0x231: {  	s11 =	sadd.s32 $0x80, s11;
	(pc) =	sbr.rel @p3 .LBB2_28-.Ltmp13, $2  }
0x232: {  	_ =	sdelay $0x2  }
0x233: {  	s12 =	sadd.s32 $0x400, s12;
	s15 =	sadd.s32 s15, s3  }
0x234: {  	[hbm4b:s15+s5] =	stream.linear.scatter [tilespmem:s2], [sflag:$0x2], $0x80, $0x38;
	[tilespmem:$0x184A0] =	vst v63  }
0x235: {  	_ =	swait.ge [sflag:s28], $0x1000  }
0x236: {  	(v2sf) =	vpush v1, $0xE;
	_ =	sdelay $0xe  }
0x237: {  	s12 =	spop (v2sf)  }
0x238: {  	s11 =	sshrl.u32 s12, $0x3  }
0x239: {  	p3 =	seq.s32 s11, s10  }
0x23a: {  	s2 =	sadd.s32 @!p3 $0x1, s11  }
0x23b: {  	s10 =	smulhi.u32 @!p3 $0x55555556, s2  }
0x23c: {  	[sflag:s28] =	ssyncset.done $0x0  }
0x23d: {  	[sflag:s28] =	ssyncadd.s32 $0xFFFFF000;
	s15 =	simm.s32 @!p3 $0x1;
	s10 =	smul.u32 @!p3 $0x3, s10  }
0x23e: {  	_ =	swait.ge @!p3 [sflag:s15], $0x8000  }
0x23f: {  	[sflag:s15] =	ssyncset.done @!p3 $0x0;
	s10 =	ssub.s32 @!p3 s2, s10;
	s2 =	smin.u32 @!p3 s2, $0x3FF  }
0x240: {  	[sflag:s15] =	ssyncadd.s32 @!p3 $0xFFFF8000;
	s2 =	sshll.u32 @!p3 s2, $0xC;
	s10 =	sshll.u32 @!p3 s10, $0xF  }
0x241: {  	s15 =	simm.s32 @!p3 $0x0;
	s10 =	sor.u32 @!p3 $0x480, s10;
	s2 =	sadd.s32 @!p3 s1, s2  }
0x242: {  	[tilespmem:s10], [sflag:$0x1] =	stream.linear.gather @!p3 [hbm4b:s2+s15], $0x8000, $0x38;
	[tilespmem:$0x184A0] =	vst v63  }
0x243: {  	p4 =	seq.s32 s6, $0x2;
	s2 =	sadd.s32 $0x1, s6  }
0x244: {  	s2 =	simm.s32 @p4 $0x0  }
0x245: {  	s2 =	smov.u32 @p3 s6  }
0x246: {  	s21 =	sshll.u32 s12, $0x7;
	s25 =	sshll.u32 s2, $0x11  }
0x247: {  	s6 =	sand.u32 $0x380, s21;
	s10 =	sshra.s32 s25, $0x2  }
0x248: {  	s6 =	sor.u32 s6, s10  }
0x249: {  	s6 =	sadd.s32 $0x480, s6  }
0x24a: {  	s15 =	sadd.s32 $0x0, s7;
	s10 =	simm.s32 $0x80;
	s12 =	sadd.s32 $0x400, s6  }
.LBB2_30:
0x24b: {  	[hbm4b:s15+s5] =	stream.linear.scatter [tilespmem:s6], [sflag:$0x2], $0x80, $0x38;
	[tilespmem:$0x184A0] =	vst v63  }
0x24c: {  	s15 =	smov.u32 s10;
	s6 =	smov.u32 s12;
	p3 =	sne.s32 s10, $0xF80  }
.Ltmp14:
0x24d: {  	s10 =	sadd.s32 $0x80, s10;
	(pc) =	sbr.rel @p3 .LBB2_30-.Ltmp14, $2  }
0x24e: {  	_ =	sdelay $0x2  }
0x24f: {  	s12 =	sadd.s32 $0x400, s12;
	s15 =	sadd.s32 s15, s7  }
0x250: {  	[hbm4b:s15+s5] =	stream.linear.scatter [tilespmem:s6], [sflag:$0x2], $0x80, $0x38;
	[tilespmem:$0x184A0] =	vst v63  }
0x251: {  	_ =	swait.ge [sflag:s28], $0x1000  }
0x252: {  	(v2sf) =	vpush v1, $0xF;
	_ =	sdelay $0xe  }
0x253: {  	s10 =	spop (v2sf)  }
0x254: {  	s12 =	sshrl.u32 s10, $0x3  }
0x255: {  	p3 =	seq.s32 s12, s11  }
0x256: {  	s6 =	sadd.s32 @!p3 $0x1, s12  }
0x257: {  	s11 =	smulhi.u32 @!p3 $0x55555556, s6  }
0x258: {  	[sflag:s28] =	ssyncset.done $0x0  }
0x259: {  	[sflag:s28] =	ssyncadd.s32 $0xFFFFF000;
	s15 =	simm.s32 @!p3 $0x1;
	s11 =	smul.u32 @!p3 $0x3, s11  }
0x25a: {  	_ =	swait.ge @!p3 [sflag:s15], $0x8000  }
0x25b: {  	[sflag:s15] =	ssyncset.done @!p3 $0x0;
	s11 =	ssub.s32 @!p3 s6, s11;
	s6 =	smin.u32 @!p3 s6, $0x3FF  }
0x25c: {  	[sflag:s15] =	ssyncadd.s32 @!p3 $0xFFFF8000;
	s6 =	sshll.u32 @!p3 s6, $0xC;
	s11 =	sshll.u32 @!p3 s11, $0xF  }
0x25d: {  	s15 =	simm.s32 @!p3 $0x0;
	s11 =	sor.u32 @!p3 $0x480, s11;
	s6 =	sadd.s32 @!p3 s1, s6  }
0x25e: {  	[tilespmem:s11], [sflag:$0x1] =	stream.linear.gather @!p3 [hbm4b:s6+s15], $0x8000, $0x38;
	[tilespmem:$0x184A0] =	vst v63  }
0x25f: {  	p4 =	seq.s32 s2, $0x2;
	s6 =	sadd.s32 $0x1, s2  }
0x260: {  	s6 =	simm.s32 @p4 $0x0  }
0x261: {  	s6 =	smov.u32 @p3 s2  }
0x262: {  	s21 =	sshll.u32 s10, $0x7;
	s25 =	sshll.u32 s6, $0x11  }
0x263: {  	s2 =	sand.u32 $0x380, s21;
	s10 =	sshra.s32 s25, $0x2  }
0x264: {  	s2 =	sor.u32 s2, s10  }
0x265: {  	s2 =	sadd.s32 $0x480, s2  }
0x266: {  	s15 =	sadd.s32 $0x0, s8;
	s10 =	simm.s32 $0x80;
	s11 =	sadd.s32 $0x400, s2  }
.LBB2_32:
0x267: {  	[hbm4b:s15+s5] =	stream.linear.scatter [tilespmem:s2], [sflag:$0x2], $0x80, $0x38;
	[tilespmem:$0x184A0] =	vst v63  }
0x268: {  	s15 =	smov.u32 s10;
	s2 =	smov.u32 s11;
	p3 =	sne.s32 s10, $0xF80  }
.Ltmp15:
0x269: {  	s10 =	sadd.s32 $0x80, s10;
	(pc) =	sbr.rel @p3 .LBB2_32-.Ltmp15, $2  }
0x26a: {  	_ =	sdelay $0x2  }
0x26b: {  	s11 =	sadd.s32 $0x400, s11;
	s15 =	sadd.s32 s15, s8  }
0x26c: {  	[hbm4b:s15+s5] =	stream.linear.scatter [tilespmem:s2], [sflag:$0x2], $0x80, $0x38;
	[tilespmem:$0x184A0] =	vst v63  }
0x26d: {  	_ =	swait.ge [sflag:s28], $0x1000  }
0x26e: {  	(v2sf) =	vpush v0, $0xF;
	_ =	sdelay $0xe  }
0x26f: {  	[sflag:s28] =	ssyncset.done $0x0;
	s25 =	spop (v2sf)  }
0x270: {  	[sflag:s28] =	ssyncadd.s32 $0xFFFFF000;
	s10 =	sadd.s32 s9, s25;
	s9 =	simm.s32 $0x1  }
.LBB2_34:
0x271: {  	s2 =	sshll.u32 s9, $0x4  }
0x272: {  	s16 =	rddreg [dreg:$0xb];
	s11 =	sand.u32 $0x80, s2  }
0x273: {  	s15 =	sand.u32 $0x70, s2;
	s11 =	sadd.s32 s11, s16  }
0x274: {  	s11 =	sadd.s32 s15, s11  }
0x275: {  	v0 =	vld [tilespmem:s11+$0x0];
	_ =	sdelay $0x4  }
0x276: {  	(xrf0) =	vadd.scan.msk.s32 $0xffff, v0;
	_ =	sdelay $0x5  }
0x277: {  	s21 =	sadd.s32 $0xFFFFFFFF, s10;
	v0, _, _ =	vpop (xrf0)  }
0x278: {  	v1 =	vadd.s32 s21, v0  }
0x279: {  	vm0 =	vgt.s32 v1, $0x0  }
0x27a: {  	v1 =	vnsel vm0, $0x0, v1  }
0x27b: {  	(v2sf) =	vpush v1, $0x0;
	_ =	sdelay $0xe  }
0x27c: {  	s25 =	spop (v2sf)  }
0x27d: {  	s15 =	sshrl.u32 s25, $0x3  }
0x27e: {  	p3 =	seq.s32 s15, s12  }
0x27f: {  	s11 =	sadd.s32 @!p3 $0x1, s15  }
0x280: {  	s12 =	smulhi.u32 @!p3 $0x55555556, s11;
	_ =	sdelay $0x1  }
0x281: {  	s17 =	simm.s32 @!p3 $0x1;
	s12 =	smul.u32 @!p3 $0x3, s12  }
0x282: {  	_ =	swait.ge @!p3 [sflag:s17], $0x8000  }
0x283: {  	s21 =	smin.u32 @!p3 s11, $0x3FF;
	[sflag:s17] =	ssyncset.done @!p3 $0x0;
	s11 =	ssub.s32 @!p3 s11, s12  }
0x284: {  	[sflag:s17] =	ssyncadd.s32 @!p3 $0xFFFF8000;
	s12 =	sshll.u32 @!p3 s21, $0xC;
	s11 =	sshll.u32 @!p3 s11, $0xF  }
0x285: {  	s17 =	simm.s32 @!p3 $0x0;
	s12 =	sadd.s32 @!p3 s1, s12;
	s11 =	sor.u32 @!p3 $0x480, s11  }
0x286: {  	[tilespmem:s11], [sflag:$0x1] =	stream.linear.gather @!p3 [hbm4b:s12+s17], $0x8000, $0x38;
	[tilespmem:$0x184A0] =	vst v63  }
0x287: {  	p4 =	seq.s32 s6, $0x2;
	s11 =	sadd.s32 $0x1, s6  }
0x288: {  	s11 =	simm.s32 @p4 $0x0  }
0x289: {  	s12 =	rddreg [dreg:$0x5];
	s11 =	smov.u32 @p3 s6  }
0x28a: {  	s17 =	sshll.u32 s25, $0x7;
	s6 =	sadd.s32 s12, s2;
	s21 =	sshll.u32 s11, $0x11  }
0x28b: {  	s25 =	sand.u32 $0x380, s17;
	s6 =	sshll.u32 s6, $0x9;
	s16 =	sshra.s32 s21, $0x2  }
0x28c: {  	s12 =	sand.u32 $0x1FFFE000, s6;
	s16 =	sor.u32 s25, s16  }
0x28d: {  	s17 =	simm.s32 $0x80;
	s6 =	sadd.s32 s22, s12;
	s16 =	sadd.s32 $0x480, s16  }
0x28e: {  	s25 =	smov.u32 s22;
	s22 =	sadd.s32 $0x0, s6;
	s21 =	sadd.s32 $0x400, s16  }
.LBB2_35:
0x28f: {  	[hbm4b:s22+s5] =	stream.linear.scatter [tilespmem:s16], [sflag:$0x2], $0x80, $0x38;
	[tilespmem:$0x184A0] =	vst v63  }
0x290: {  	s22 =	smov.u32 s17;
	s16 =	smov.u32 s21;
	p3 =	sne.s32 s17, $0xF80  }
.Ltmp16:
0x291: {  	s17 =	sadd.s32 $0x80, s17;
	(pc) =	sbr.rel @p3 .LBB2_35-.Ltmp16, $2  }
0x292: {  	_ =	sdelay $0x2  }
0x293: {  	s21 =	sadd.s32 $0x400, s21;
	s22 =	sadd.s32 s22, s6  }
0x294: {  	[hbm4b:s22+s5] =	stream.linear.scatter [tilespmem:s16], [sflag:$0x2], $0x80, $0x38;
	[tilespmem:$0x184A0] =	vst v63  }
0x295: {  	_ =	swait.ge [sflag:s28], $0x1000  }
0x296: {  	(v2sf) =	vpush v1, $0x1;
	_ =	sdelay $0xe  }
0x297: {  	s17 =	spop (v2sf)  }
0x298: {  	s16 =	sshrl.u32 s17, $0x3  }
0x299: {  	p3 =	seq.s32 s16, s15  }
0x29a: {  	s6 =	sadd.s32 @!p3 $0x1, s16  }
0x29b: {  	s15 =	smulhi.u32 @!p3 $0x55555556, s6  }
0x29c: {  	[sflag:s28] =	ssyncset.done $0x0  }
0x29d: {  	[sflag:s28] =	ssyncadd.s32 $0xFFFFF000;
	s21 =	simm.s32 @!p3 $0x1;
	s15 =	smul.u32 @!p3 $0x3, s15  }
0x29e: {  	_ =	swait.ge @!p3 [sflag:s21], $0x8000  }
0x29f: {  	s22 =	smin.u32 @!p3 s6, $0x3FF;
	[sflag:s21] =	ssyncset.done @!p3 $0x0;
	s6 =	ssub.s32 @!p3 s6, s15  }
0x2a0: {  	[sflag:s21] =	ssyncadd.s32 @!p3 $0xFFFF8000;
	s15 =	sshll.u32 @!p3 s22, $0xC;
	s6 =	sshll.u32 @!p3 s6, $0xF  }
0x2a1: {  	s21 =	simm.s32 @!p3 $0x0;
	s15 =	sadd.s32 @!p3 s1, s15;
	s6 =	sor.u32 @!p3 $0x480, s6  }
0x2a2: {  	[tilespmem:s6], [sflag:$0x1] =	stream.linear.gather @!p3 [hbm4b:s15+s21], $0x8000, $0x38;
	[tilespmem:$0x184A0] =	vst v63  }
0x2a3: {  	p4 =	seq.s32 s11, $0x2;
	s6 =	sadd.s32 $0x1, s11  }
0x2a4: {  	s6 =	simm.s32 @p4 $0x0  }
0x2a5: {  	s6 =	smov.u32 @p3 s11  }
0x2a6: {  	s17 =	sshll.u32 s17, $0x7;
	s21 =	sshll.u32 s6, $0x11  }
0x2a7: {  	s11 =	sand.u32 $0x380, s17;
	s15 =	sshra.s32 s21, $0x2  }
0x2a8: {  	s22 =	rddreg [dreg:$0xa];
	s15 =	sor.u32 s11, s15  }
0x2a9: {  	s11 =	sadd.s32 s12, s22;
	s15 =	sadd.s32 $0x480, s15  }
0x2aa: {  	s17 =	simm.s32 $0x80;
	s22 =	sadd.s32 $0x0, s11;
	s21 =	sadd.s32 $0x400, s15  }
.LBB2_37:
0x2ab: {  	[hbm4b:s22+s5] =	stream.linear.scatter [tilespmem:s15], [sflag:$0x2], $0x80, $0x38;
	[tilespmem:$0x184A0] =	vst v63  }
0x2ac: {  	s22 =	smov.u32 s17;
	s15 =	smov.u32 s21;
	p3 =	sne.s32 s17, $0xF80  }
.Ltmp17:
0x2ad: {  	s17 =	sadd.s32 $0x80, s17;
	(pc) =	sbr.rel @p3 .LBB2_37-.Ltmp17, $2  }
0x2ae: {  	_ =	sdelay $0x2  }
0x2af: {  	s21 =	sadd.s32 $0x400, s21;
	s22 =	sadd.s32 s22, s11  }
0x2b0: {  	[hbm4b:s22+s5] =	stream.linear.scatter [tilespmem:s15], [sflag:$0x2], $0x80, $0x38;
	[tilespmem:$0x184A0] =	vst v63  }
0x2b1: {  	_ =	swait.ge [sflag:s28], $0x1000  }
0x2b2: {  	(v2sf) =	vpush v1, $0x2;
	_ =	sdelay $0xe  }
0x2b3: {  	s17 =	spop (v2sf)  }
0x2b4: {  	s15 =	sshrl.u32 s17, $0x3  }
0x2b5: {  	p3 =	seq.s32 s15, s16  }
0x2b6: {  	s11 =	sadd.s32 @!p3 $0x1, s15  }
0x2b7: {  	s16 =	smulhi.u32 @!p3 $0x55555556, s11  }
0x2b8: {  	[sflag:s28] =	ssyncset.done $0x0  }
0x2b9: {  	[sflag:s28] =	ssyncadd.s32 $0xFFFFF000;
	s21 =	simm.s32 @!p3 $0x1;
	s16 =	smul.u32 @!p3 $0x3, s16  }
0x2ba: {  	_ =	swait.ge @!p3 [sflag:s21], $0x8000  }
0x2bb: {  	s22 =	smin.u32 @!p3 s11, $0x3FF;
	[sflag:s21] =	ssyncset.done @!p3 $0x0;
	s11 =	ssub.s32 @!p3 s11, s16  }
0x2bc: {  	[sflag:s21] =	ssyncadd.s32 @!p3 $0xFFFF8000;
	s16 =	sshll.u32 @!p3 s22, $0xC;
	s11 =	sshll.u32 @!p3 s11, $0xF  }
0x2bd: {  	s21 =	simm.s32 @!p3 $0x0;
	s16 =	sadd.s32 @!p3 s1, s16;
	s11 =	sor.u32 @!p3 $0x480, s11  }
0x2be: {  	[tilespmem:s11], [sflag:$0x1] =	stream.linear.gather @!p3 [hbm4b:s16+s21], $0x8000, $0x38;
	[tilespmem:$0x184A0] =	vst v63  }
0x2bf: {  	p4 =	seq.s32 s6, $0x2;
	s11 =	sadd.s32 $0x1, s6  }
0x2c0: {  	s11 =	simm.s32 @p4 $0x0  }
0x2c1: {  	s11 =	smov.u32 @p3 s6  }
0x2c2: {  	s17 =	sshll.u32 s17, $0x7;
	s21 =	sshll.u32 s11, $0x11  }
0x2c3: {  	s6 =	sand.u32 $0x380, s17;
	s16 =	sshra.s32 s21, $0x2  }
0x2c4: {  	s22 =	rddreg [dreg:$0xc];
	s16 =	sor.u32 s6, s16  }
0x2c5: {  	s6 =	sadd.s32 s12, s22;
	s16 =	sadd.s32 $0x480, s16  }
0x2c6: {  	s17 =	simm.s32 $0x80;
	s22 =	sadd.s32 $0x0, s6;
	s21 =	sadd.s32 $0x400, s16  }
.LBB2_39:
0x2c7: {  	[hbm4b:s22+s5] =	stream.linear.scatter [tilespmem:s16], [sflag:$0x2], $0x80, $0x38;
	[tilespmem:$0x184A0] =	vst v63  }
0x2c8: {  	s22 =	smov.u32 s17;
	s16 =	smov.u32 s21;
	p3 =	sne.s32 s17, $0xF80  }
.Ltmp18:
0x2c9: {  	s17 =	sadd.s32 $0x80, s17;
	(pc) =	sbr.rel @p3 .LBB2_39-.Ltmp18, $2  }
0x2ca: {  	_ =	sdelay $0x2  }
0x2cb: {  	s21 =	sadd.s32 $0x400, s21;
	s22 =	sadd.s32 s22, s6  }
0x2cc: {  	[hbm4b:s22+s5] =	stream.linear.scatter [tilespmem:s16], [sflag:$0x2], $0x80, $0x38;
	[tilespmem:$0x184A0] =	vst v63  }
0x2cd: {  	_ =	swait.ge [sflag:s28], $0x1000  }
0x2ce: {  	(v2sf) =	vpush v1, $0x3;
	_ =	sdelay $0xe  }
0x2cf: {  	s17 =	spop (v2sf)  }
0x2d0: {  	s16 =	sshrl.u32 s17, $0x3  }
0x2d1: {  	p3 =	seq.s32 s16, s15  }
0x2d2: {  	s6 =	sadd.s32 @!p3 $0x1, s16  }
0x2d3: {  	s15 =	smulhi.u32 @!p3 $0x55555556, s6  }
0x2d4: {  	[sflag:s28] =	ssyncset.done $0x0  }
0x2d5: {  	[sflag:s28] =	ssyncadd.s32 $0xFFFFF000;
	s21 =	simm.s32 @!p3 $0x1;
	s15 =	smul.u32 @!p3 $0x3, s15  }
0x2d6: {  	_ =	swait.ge @!p3 [sflag:s21], $0x8000  }
0x2d7: {  	s22 =	smin.u32 @!p3 s6, $0x3FF;
	[sflag:s21] =	ssyncset.done @!p3 $0x0;
	s6 =	ssub.s32 @!p3 s6, s15  }
0x2d8: {  	[sflag:s21] =	ssyncadd.s32 @!p3 $0xFFFF8000;
	s15 =	sshll.u32 @!p3 s22, $0xC;
	s6 =	sshll.u32 @!p3 s6, $0xF  }
0x2d9: {  	s21 =	simm.s32 @!p3 $0x0;
	s15 =	sadd.s32 @!p3 s1, s15;
	s6 =	sor.u32 @!p3 $0x480, s6  }
0x2da: {  	[tilespmem:s6], [sflag:$0x1] =	stream.linear.gather @!p3 [hbm4b:s15+s21], $0x8000, $0x38;
	[tilespmem:$0x184A0] =	vst v63  }
0x2db: {  	p4 =	seq.s32 s11, $0x2;
	s6 =	sadd.s32 $0x1, s11  }
0x2dc: {  	s6 =	simm.s32 @p4 $0x0  }
0x2dd: {  	s6 =	smov.u32 @p3 s11  }
0x2de: {  	s17 =	sshll.u32 s17, $0x7;
	s21 =	sshll.u32 s6, $0x11  }
0x2df: {  	s11 =	sand.u32 $0x380, s17;
	s15 =	sshra.s32 s21, $0x2  }
0x2e0: {  	s22 =	rddreg [dreg:$0xd];
	s15 =	sor.u32 s11, s15  }
0x2e1: {  	s11 =	sadd.s32 s12, s22;
	s15 =	sadd.s32 $0x480, s15  }
0x2e2: {  	s17 =	simm.s32 $0x80;
	s22 =	sadd.s32 $0x0, s11;
	s21 =	sadd.s32 $0x400, s15  }
.LBB2_41:
0x2e3: {  	[hbm4b:s22+s5] =	stream.linear.scatter [tilespmem:s15], [sflag:$0x2], $0x80, $0x38;
	[tilespmem:$0x184A0] =	vst v63  }
0x2e4: {  	s22 =	smov.u32 s17;
	s15 =	smov.u32 s21;
	p3 =	sne.s32 s17, $0xF80  }
.Ltmp19:
0x2e5: {  	s17 =	sadd.s32 $0x80, s17;
	(pc) =	sbr.rel @p3 .LBB2_41-.Ltmp19, $2  }
0x2e6: {  	_ =	sdelay $0x2  }
0x2e7: {  	s21 =	sadd.s32 $0x400, s21;
	s22 =	sadd.s32 s22, s11  }
0x2e8: {  	[hbm4b:s22+s5] =	stream.linear.scatter [tilespmem:s15], [sflag:$0x2], $0x80, $0x38;
	[tilespmem:$0x184A0] =	vst v63  }
0x2e9: {  	_ =	swait.ge [sflag:s28], $0x1000  }
0x2ea: {  	(v2sf) =	vpush v1, $0x4;
	_ =	sdelay $0xe  }
0x2eb: {  	s17 =	spop (v2sf)  }
0x2ec: {  	s15 =	sshrl.u32 s17, $0x3  }
0x2ed: {  	p3 =	seq.s32 s15, s16  }
0x2ee: {  	s11 =	sadd.s32 @!p3 $0x1, s15  }
0x2ef: {  	s16 =	smulhi.u32 @!p3 $0x55555556, s11  }
0x2f0: {  	[sflag:s28] =	ssyncset.done $0x0  }
0x2f1: {  	[sflag:s28] =	ssyncadd.s32 $0xFFFFF000;
	s21 =	simm.s32 @!p3 $0x1;
	s16 =	smul.u32 @!p3 $0x3, s16  }
0x2f2: {  	_ =	swait.ge @!p3 [sflag:s21], $0x8000  }
0x2f3: {  	s22 =	smin.u32 @!p3 s11, $0x3FF;
	[sflag:s21] =	ssyncset.done @!p3 $0x0;
	s11 =	ssub.s32 @!p3 s11, s16  }
0x2f4: {  	[sflag:s21] =	ssyncadd.s32 @!p3 $0xFFFF8000;
	s16 =	sshll.u32 @!p3 s22, $0xC;
	s11 =	sshll.u32 @!p3 s11, $0xF  }
0x2f5: {  	s21 =	simm.s32 @!p3 $0x0;
	s16 =	sadd.s32 @!p3 s1, s16;
	s11 =	sor.u32 @!p3 $0x480, s11  }
0x2f6: {  	[tilespmem:s11], [sflag:$0x1] =	stream.linear.gather @!p3 [hbm4b:s16+s21], $0x8000, $0x38;
	[tilespmem:$0x184A0] =	vst v63  }
0x2f7: {  	p4 =	seq.s32 s6, $0x2;
	s11 =	sadd.s32 $0x1, s6  }
0x2f8: {  	s11 =	simm.s32 @p4 $0x0  }
0x2f9: {  	s11 =	smov.u32 @p3 s6  }
0x2fa: {  	s17 =	sshll.u32 s17, $0x7;
	s21 =	sshll.u32 s11, $0x11  }
0x2fb: {  	s6 =	sand.u32 $0x380, s17;
	s16 =	sshra.s32 s21, $0x2  }
0x2fc: {  	s22 =	rddreg [dreg:$0xe];
	s16 =	sor.u32 s6, s16  }
0x2fd: {  	s6 =	sadd.s32 s12, s22;
	s16 =	sadd.s32 $0x480, s16  }
0x2fe: {  	s17 =	simm.s32 $0x80;
	s22 =	sadd.s32 $0x0, s6;
	s21 =	sadd.s32 $0x400, s16  }
.LBB2_43:
0x2ff: {  	[hbm4b:s22+s5] =	stream.linear.scatter [tilespmem:s16], [sflag:$0x2], $0x80, $0x38;
	[tilespmem:$0x184A0] =	vst v63  }
0x300: {  	s22 =	smov.u32 s17;
	s16 =	smov.u32 s21;
	p3 =	sne.s32 s17, $0xF80  }
.Ltmp20:
0x301: {  	s17 =	sadd.s32 $0x80, s17;
	(pc) =	sbr.rel @p3 .LBB2_43-.Ltmp20, $2  }
0x302: {  	_ =	sdelay $0x2  }
0x303: {  	s21 =	sadd.s32 $0x400, s21;
	s22 =	sadd.s32 s22, s6  }
0x304: {  	[hbm4b:s22+s5] =	stream.linear.scatter [tilespmem:s16], [sflag:$0x2], $0x80, $0x38;
	[tilespmem:$0x184A0] =	vst v63  }
0x305: {  	_ =	swait.ge [sflag:s28], $0x1000  }
0x306: {  	(v2sf) =	vpush v1, $0x5;
	_ =	sdelay $0xe  }
0x307: {  	s17 =	spop (v2sf)  }
0x308: {  	s16 =	sshrl.u32 s17, $0x3  }
0x309: {  	p3 =	seq.s32 s16, s15  }
0x30a: {  	s6 =	sadd.s32 @!p3 $0x1, s16  }
0x30b: {  	s15 =	smulhi.u32 @!p3 $0x55555556, s6  }
0x30c: {  	[sflag:s28] =	ssyncset.done $0x0  }
0x30d: {  	[sflag:s28] =	ssyncadd.s32 $0xFFFFF000;
	s21 =	simm.s32 @!p3 $0x1;
	s15 =	smul.u32 @!p3 $0x3, s15  }
0x30e: {  	_ =	swait.ge @!p3 [sflag:s21], $0x8000  }
0x30f: {  	s22 =	smin.u32 @!p3 s6, $0x3FF;
	[sflag:s21] =	ssyncset.done @!p3 $0x0;
	s6 =	ssub.s32 @!p3 s6, s15  }
0x310: {  	[sflag:s21] =	ssyncadd.s32 @!p3 $0xFFFF8000;
	s15 =	sshll.u32 @!p3 s22, $0xC;
	s6 =	sshll.u32 @!p3 s6, $0xF  }
0x311: {  	s21 =	simm.s32 @!p3 $0x0;
	s15 =	sadd.s32 @!p3 s1, s15;
	s6 =	sor.u32 @!p3 $0x480, s6  }
0x312: {  	[tilespmem:s6], [sflag:$0x1] =	stream.linear.gather @!p3 [hbm4b:s15+s21], $0x8000, $0x38;
	[tilespmem:$0x184A0] =	vst v63  }
0x313: {  	p4 =	seq.s32 s11, $0x2;
	s6 =	sadd.s32 $0x1, s11  }
0x314: {  	s6 =	simm.s32 @p4 $0x0  }
0x315: {  	s6 =	smov.u32 @p3 s11  }
0x316: {  	s17 =	sshll.u32 s17, $0x7;
	s21 =	sshll.u32 s6, $0x11  }
0x317: {  	s11 =	sand.u32 $0x380, s17;
	s15 =	sshra.s32 s21, $0x2  }
0x318: {  	s22 =	rddreg [dreg:$0xf];
	s15 =	sor.u32 s11, s15  }
0x319: {  	s11 =	sadd.s32 s12, s22;
	s15 =	sadd.s32 $0x480, s15  }
0x31a: {  	s17 =	simm.s32 $0x80;
	s22 =	sadd.s32 $0x0, s11;
	s21 =	sadd.s32 $0x400, s15  }
.LBB2_45:
0x31b: {  	[hbm4b:s22+s5] =	stream.linear.scatter [tilespmem:s15], [sflag:$0x2], $0x80, $0x38;
	[tilespmem:$0x184A0] =	vst v63  }
0x31c: {  	s22 =	smov.u32 s17;
	s15 =	smov.u32 s21;
	p3 =	sne.s32 s17, $0xF80  }
.Ltmp21:
0x31d: {  	s17 =	sadd.s32 $0x80, s17;
	(pc) =	sbr.rel @p3 .LBB2_45-.Ltmp21, $2  }
0x31e: {  	_ =	sdelay $0x2  }
0x31f: {  	s21 =	sadd.s32 $0x400, s21;
	s22 =	sadd.s32 s22, s11  }
0x320: {  	[hbm4b:s22+s5] =	stream.linear.scatter [tilespmem:s15], [sflag:$0x2], $0x80, $0x38;
	[tilespmem:$0x184A0] =	vst v63  }
0x321: {  	_ =	swait.ge [sflag:s28], $0x1000  }
0x322: {  	(v2sf) =	vpush v1, $0x6;
	_ =	sdelay $0xe  }
0x323: {  	s17 =	spop (v2sf)  }
0x324: {  	s15 =	sshrl.u32 s17, $0x3  }
0x325: {  	p3 =	seq.s32 s15, s16  }
0x326: {  	s11 =	sadd.s32 @!p3 $0x1, s15  }
0x327: {  	s16 =	smulhi.u32 @!p3 $0x55555556, s11  }
0x328: {  	[sflag:s28] =	ssyncset.done $0x0  }
0x329: {  	[sflag:s28] =	ssyncadd.s32 $0xFFFFF000;
	s21 =	simm.s32 @!p3 $0x1;
	s16 =	smul.u32 @!p3 $0x3, s16  }
0x32a: {  	_ =	swait.ge @!p3 [sflag:s21], $0x8000  }
0x32b: {  	s22 =	smin.u32 @!p3 s11, $0x3FF;
	[sflag:s21] =	ssyncset.done @!p3 $0x0;
	s11 =	ssub.s32 @!p3 s11, s16  }
0x32c: {  	[sflag:s21] =	ssyncadd.s32 @!p3 $0xFFFF8000;
	s16 =	sshll.u32 @!p3 s22, $0xC;
	s11 =	sshll.u32 @!p3 s11, $0xF  }
0x32d: {  	s21 =	simm.s32 @!p3 $0x0;
	s16 =	sadd.s32 @!p3 s1, s16;
	s11 =	sor.u32 @!p3 $0x480, s11  }
0x32e: {  	[tilespmem:s11], [sflag:$0x1] =	stream.linear.gather @!p3 [hbm4b:s16+s21], $0x8000, $0x38;
	[tilespmem:$0x184A0] =	vst v63  }
0x32f: {  	p4 =	seq.s32 s6, $0x2;
	s11 =	sadd.s32 $0x1, s6  }
0x330: {  	s11 =	simm.s32 @p4 $0x0  }
0x331: {  	s11 =	smov.u32 @p3 s6  }
0x332: {  	s17 =	sshll.u32 s17, $0x7;
	s21 =	sshll.u32 s11, $0x11  }
0x333: {  	s6 =	sand.u32 $0x380, s17;
	s16 =	sshra.s32 s21, $0x2  }
0x334: {  	s22 =	rddreg [dreg:$0x10];
	s16 =	sor.u32 s6, s16  }
0x335: {  	s6 =	sadd.s32 s12, s22;
	s16 =	sadd.s32 $0x480, s16  }
0x336: {  	s17 =	simm.s32 $0x80;
	s22 =	sadd.s32 $0x0, s6;
	s21 =	sadd.s32 $0x400, s16  }
.LBB2_47:
0x337: {  	[hbm4b:s22+s5] =	stream.linear.scatter [tilespmem:s16], [sflag:$0x2], $0x80, $0x38;
	[tilespmem:$0x184A0] =	vst v63  }
0x338: {  	s22 =	smov.u32 s17;
	s16 =	smov.u32 s21;
	p3 =	sne.s32 s17, $0xF80  }
.Ltmp22:
0x339: {  	s17 =	sadd.s32 $0x80, s17;
	(pc) =	sbr.rel @p3 .LBB2_47-.Ltmp22, $2  }
0x33a: {  	_ =	sdelay $0x2  }
0x33b: {  	s21 =	sadd.s32 $0x400, s21;
	s22 =	sadd.s32 s22, s6  }
0x33c: {  	[hbm4b:s22+s5] =	stream.linear.scatter [tilespmem:s16], [sflag:$0x2], $0x80, $0x38;
	[tilespmem:$0x184A0] =	vst v63  }
0x33d: {  	_ =	swait.ge [sflag:s28], $0x1000  }
0x33e: {  	(v2sf) =	vpush v1, $0x7;
	_ =	sdelay $0xe  }
0x33f: {  	s22 =	spop (v2sf)  }
0x340: {  	s6 =	sshrl.u32 s22, $0x3  }
0x341: {  	p3 =	seq.s32 s6, s15  }
0x342: {  	s15 =	sadd.s32 @!p3 $0x1, s6  }
0x343: {  	s17 =	smulhi.u32 @!p3 $0x55555556, s15  }
0x344: {  	[sflag:s28] =	ssyncset.done $0x0  }
0x345: {  	[sflag:s28] =	ssyncadd.s32 $0xFFFFF000;
	s21 =	simm.s32 @!p3 $0x1;
	s17 =	smul.u32 @!p3 $0x3, s17  }
0x346: {  	_ =	swait.ge @!p3 [sflag:s21], $0x8000  }
0x347: {  	[sflag:s21] =	ssyncset.done @!p3 $0x0;
	s17 =	ssub.s32 @!p3 s15, s17;
	s15 =	smin.u32 @!p3 s15, $0x3FF  }
0x348: {  	[sflag:s21] =	ssyncadd.s32 @!p3 $0xFFFF8000;
	s15 =	sshll.u32 @!p3 s15, $0xC;
	s17 =	sshll.u32 @!p3 s17, $0xF  }
0x349: {  	s21 =	simm.s32 @!p3 $0x0;
	s17 =	sor.u32 @!p3 $0x480, s17;
	s15 =	sadd.s32 @!p3 s1, s15  }
0x34a: {  	[tilespmem:s17], [sflag:$0x1] =	stream.linear.gather @!p3 [hbm4b:s15+s21], $0x8000, $0x38;
	[tilespmem:$0x184A0] =	vst v63  }
0x34b: {  	p4 =	seq.s32 s11, $0x2;
	s15 =	sadd.s32 $0x1, s11  }
0x34c: {  	s15 =	simm.s32 @p4 $0x0  }
0x34d: {  	s15 =	smov.u32 @p3 s11  }
0x34e: {  	s17 =	sshll.u32 s22, $0x7;
	s21 =	sshll.u32 s15, $0x11  }
0x34f: {  	s11 =	sand.u32 $0x380, s17;
	s16 =	sshra.s32 s21, $0x2  }
0x350: {  	s22 =	rddreg [dreg:$0x11];
	s16 =	sor.u32 s11, s16  }
0x351: {  	s11 =	sadd.s32 s12, s22;
	s12 =	sadd.s32 $0x480, s16  }
0x352: {  	s16 =	simm.s32 $0x80;
	s21 =	sadd.s32 $0x0, s11;
	s17 =	sadd.s32 $0x400, s12  }
.LBB2_49:
0x353: {  	[hbm4b:s21+s5] =	stream.linear.scatter [tilespmem:s12], [sflag:$0x2], $0x80, $0x38;
	[tilespmem:$0x184A0] =	vst v63  }
0x354: {  	s21 =	smov.u32 s16;
	s12 =	smov.u32 s17;
	p3 =	sne.s32 s16, $0xF80  }
.Ltmp23:
0x355: {  	s16 =	sadd.s32 $0x80, s16;
	(pc) =	sbr.rel @p3 .LBB2_49-.Ltmp23, $2  }
0x356: {  	_ =	sdelay $0x2  }
0x357: {  	s17 =	sadd.s32 $0x400, s17;
	s21 =	sadd.s32 s21, s11  }
0x358: {  	[hbm4b:s21+s5] =	stream.linear.scatter [tilespmem:s12], [sflag:$0x2], $0x80, $0x38;
	[tilespmem:$0x184A0] =	vst v63  }
0x359: {  	_ =	swait.ge [sflag:s28], $0x1000  }
0x35a: {  	(v2sf) =	vpush v1, $0x8;
	_ =	sdelay $0xe  }
0x35b: {  	s22 =	spop (v2sf)  }
0x35c: {  	s11 =	sshrl.u32 s22, $0x3  }
0x35d: {  	p3 =	seq.s32 s11, s6  }
0x35e: {  	s6 =	sadd.s32 @!p3 $0x1, s11  }
0x35f: {  	s16 =	smulhi.u32 @!p3 $0x55555556, s6  }
0x360: {  	[sflag:s28] =	ssyncset.done $0x0  }
0x361: {  	[sflag:s28] =	ssyncadd.s32 $0xFFFFF000;
	s17 =	simm.s32 @!p3 $0x1;
	s16 =	smul.u32 @!p3 $0x3, s16  }
0x362: {  	_ =	swait.ge @!p3 [sflag:s17], $0x8000  }
0x363: {  	s21 =	smin.u32 @!p3 s6, $0x3FF;
	[sflag:s17] =	ssyncset.done @!p3 $0x0;
	s6 =	ssub.s32 @!p3 s6, s16  }
0x364: {  	[sflag:s17] =	ssyncadd.s32 @!p3 $0xFFFF8000;
	s16 =	sshll.u32 @!p3 s21, $0xC;
	s6 =	sshll.u32 @!p3 s6, $0xF  }
0x365: {  	s17 =	simm.s32 @!p3 $0x0;
	s16 =	sadd.s32 @!p3 s1, s16;
	s6 =	sor.u32 @!p3 $0x480, s6  }
0x366: {  	[tilespmem:s6], [sflag:$0x1] =	stream.linear.gather @!p3 [hbm4b:s16+s17], $0x8000, $0x38;
	[tilespmem:$0x184A0] =	vst v63  }
0x367: {  	p4 =	seq.s32 s15, $0x2;
	s6 =	sadd.s32 $0x1, s15  }
0x368: {  	s21 =	rddreg [dreg:$0x5];
	s6 =	simm.s32 @p4 $0x0  }
0x369: {  	s2 =	sadd.s32 s2, s21;
	s6 =	smov.u32 @p3 s15  }
0x36a: {  	s12 =	sshll.u32 s22, $0x7;
	s2 =	sshll.u32 s2, $0x9;
	s22 =	sshll.u32 s6, $0x11  }
0x36b: {  	s12 =	sand.u32 $0x380, s12;
	s2 =	sadd.s32 $0x1000, s2;
	s15 =	sshra.s32 s22, $0x2  }
0x36c: {  	s2 =	sand.u32 $0x1FFFF000, s2;
	s15 =	sor.u32 s12, s15  }
0x36d: {  	s16 =	simm.s32 $0x80;
	s12 =	sadd.s32 s25, s2;
	s15 =	sadd.s32 $0x480, s15  }
0x36e: {  	s22 =	smov.u32 s25;
	s21 =	sadd.s32 $0x0, s12;
	s17 =	sadd.s32 $0x400, s15  }
.LBB2_51:
0x36f: {  	[hbm4b:s21+s5] =	stream.linear.scatter [tilespmem:s15], [sflag:$0x2], $0x80, $0x38;
	[tilespmem:$0x184A0] =	vst v63  }
0x370: {  	s21 =	smov.u32 s16;
	s15 =	smov.u32 s17;
	p3 =	sne.s32 s16, $0xF80  }
.Ltmp24:
0x371: {  	s16 =	sadd.s32 $0x80, s16;
	(pc) =	sbr.rel @p3 .LBB2_51-.Ltmp24, $2  }
0x372: {  	_ =	sdelay $0x2  }
0x373: {  	s17 =	sadd.s32 $0x400, s17;
	s21 =	sadd.s32 s21, s12  }
0x374: {  	[hbm4b:s21+s5] =	stream.linear.scatter [tilespmem:s15], [sflag:$0x2], $0x80, $0x38;
	[tilespmem:$0x184A0] =	vst v63  }
0x375: {  	_ =	swait.ge [sflag:s28], $0x1000  }
0x376: {  	(v2sf) =	vpush v1, $0x9;
	_ =	sdelay $0xe  }
0x377: {  	s25 =	spop (v2sf)  }
0x378: {  	s12 =	sshrl.u32 s25, $0x3  }
0x379: {  	p3 =	seq.s32 s12, s11  }
0x37a: {  	s11 =	sadd.s32 @!p3 $0x1, s12  }
0x37b: {  	s16 =	smulhi.u32 @!p3 $0x55555556, s11  }
0x37c: {  	[sflag:s28] =	ssyncset.done $0x0  }
0x37d: {  	[sflag:s28] =	ssyncadd.s32 $0xFFFFF000;
	s17 =	simm.s32 @!p3 $0x1;
	s16 =	smul.u32 @!p3 $0x3, s16  }
0x37e: {  	_ =	swait.ge @!p3 [sflag:s17], $0x8000  }
0x37f: {  	s21 =	smin.u32 @!p3 s11, $0x3FF;
	[sflag:s17] =	ssyncset.done @!p3 $0x0;
	s11 =	ssub.s32 @!p3 s11, s16  }
0x380: {  	[sflag:s17] =	ssyncadd.s32 @!p3 $0xFFFF8000;
	s16 =	sshll.u32 @!p3 s21, $0xC;
	s11 =	sshll.u32 @!p3 s11, $0xF  }
0x381: {  	s17 =	simm.s32 @!p3 $0x0;
	s16 =	sadd.s32 @!p3 s1, s16;
	s11 =	sor.u32 @!p3 $0x480, s11  }
0x382: {  	[tilespmem:s11], [sflag:$0x1] =	stream.linear.gather @!p3 [hbm4b:s16+s17], $0x8000, $0x38;
	[tilespmem:$0x184A0] =	vst v63  }
0x383: {  	p4 =	seq.s32 s6, $0x2;
	s11 =	sadd.s32 $0x1, s6  }
0x384: {  	s11 =	simm.s32 @p4 $0x0  }
0x385: {  	s11 =	smov.u32 @p3 s6  }
0x386: {  	s17 =	sshll.u32 s25, $0x7;
	s21 =	sshll.u32 s11, $0x11  }
0x387: {  	s6 =	sand.u32 $0x380, s17;
	s15 =	sshra.s32 s21, $0x2  }
0x388: {  	s25 =	rddreg [dreg:$0xa];
	s15 =	sor.u32 s6, s15  }
0x389: {  	s6 =	sadd.s32 s2, s25;
	s15 =	sadd.s32 $0x480, s15  }
0x38a: {  	s16 =	simm.s32 $0x80;
	s21 =	sadd.s32 $0x0, s6;
	s17 =	sadd.s32 $0x400, s15  }
.LBB2_53:
0x38b: {  	[hbm4b:s21+s5] =	stream.linear.scatter [tilespmem:s15], [sflag:$0x2], $0x80, $0x38;
	[tilespmem:$0x184A0] =	vst v63  }
0x38c: {  	s21 =	smov.u32 s16;
	s15 =	smov.u32 s17;
	p3 =	sne.s32 s16, $0xF80  }
.Ltmp25:
0x38d: {  	s16 =	sadd.s32 $0x80, s16;
	(pc) =	sbr.rel @p3 .LBB2_53-.Ltmp25, $2  }
0x38e: {  	_ =	sdelay $0x2  }
0x38f: {  	s17 =	sadd.s32 $0x400, s17;
	s21 =	sadd.s32 s21, s6  }
0x390: {  	[hbm4b:s21+s5] =	stream.linear.scatter [tilespmem:s15], [sflag:$0x2], $0x80, $0x38;
	[tilespmem:$0x184A0] =	vst v63  }
0x391: {  	_ =	swait.ge [sflag:s28], $0x1000  }
0x392: {  	(v2sf) =	vpush v1, $0xA;
	_ =	sdelay $0xe  }
0x393: {  	s16 =	spop (v2sf)  }
0x394: {  	s15 =	sshrl.u32 s16, $0x3  }
0x395: {  	p3 =	seq.s32 s15, s12  }
0x396: {  	s6 =	sadd.s32 @!p3 $0x1, s15  }
0x397: {  	s12 =	smulhi.u32 @!p3 $0x55555556, s6  }
0x398: {  	[sflag:s28] =	ssyncset.done $0x0  }
0x399: {  	[sflag:s28] =	ssyncadd.s32 $0xFFFFF000;
	s17 =	simm.s32 @!p3 $0x1;
	s12 =	smul.u32 @!p3 $0x3, s12  }
0x39a: {  	_ =	swait.ge @!p3 [sflag:s17], $0x8000  }
0x39b: {  	s21 =	smin.u32 @!p3 s6, $0x3FF;
	[sflag:s17] =	ssyncset.done @!p3 $0x0;
	s6 =	ssub.s32 @!p3 s6, s12  }
0x39c: {  	[sflag:s17] =	ssyncadd.s32 @!p3 $0xFFFF8000;
	s12 =	sshll.u32 @!p3 s21, $0xC;
	s6 =	sshll.u32 @!p3 s6, $0xF  }
0x39d: {  	s17 =	simm.s32 @!p3 $0x0;
	s12 =	sadd.s32 @!p3 s1, s12;
	s6 =	sor.u32 @!p3 $0x480, s6  }
0x39e: {  	[tilespmem:s6], [sflag:$0x1] =	stream.linear.gather @!p3 [hbm4b:s12+s17], $0x8000, $0x38;
	[tilespmem:$0x184A0] =	vst v63  }
0x39f: {  	p4 =	seq.s32 s11, $0x2;
	s6 =	sadd.s32 $0x1, s11  }
0x3a0: {  	s6 =	simm.s32 @p4 $0x0  }
0x3a1: {  	s6 =	smov.u32 @p3 s11  }
0x3a2: {  	s17 =	sshll.u32 s16, $0x7;
	s21 =	sshll.u32 s6, $0x11  }
0x3a3: {  	s11 =	sand.u32 $0x380, s17;
	s12 =	sshra.s32 s21, $0x2  }
0x3a4: {  	s25 =	rddreg [dreg:$0xc];
	s12 =	sor.u32 s11, s12  }
0x3a5: {  	s11 =	sadd.s32 s2, s25;
	s12 =	sadd.s32 $0x480, s12  }
0x3a6: {  	s16 =	simm.s32 $0x80;
	s21 =	sadd.s32 $0x0, s11;
	s17 =	sadd.s32 $0x400, s12  }
.LBB2_55:
0x3a7: {  	[hbm4b:s21+s5] =	stream.linear.scatter [tilespmem:s12], [sflag:$0x2], $0x80, $0x38;
	[tilespmem:$0x184A0] =	vst v63  }
0x3a8: {  	s21 =	smov.u32 s16;
	s12 =	smov.u32 s17;
	p3 =	sne.s32 s16, $0xF80  }
.Ltmp26:
0x3a9: {  	s16 =	sadd.s32 $0x80, s16;
	(pc) =	sbr.rel @p3 .LBB2_55-.Ltmp26, $2  }
0x3aa: {  	_ =	sdelay $0x2  }
0x3ab: {  	s17 =	sadd.s32 $0x400, s17;
	s21 =	sadd.s32 s21, s11  }
0x3ac: {  	[hbm4b:s21+s5] =	stream.linear.scatter [tilespmem:s12], [sflag:$0x2], $0x80, $0x38;
	[tilespmem:$0x184A0] =	vst v63  }
0x3ad: {  	_ =	swait.ge [sflag:s28], $0x1000  }
0x3ae: {  	(v2sf) =	vpush v1, $0xB;
	_ =	sdelay $0xe  }
0x3af: {  	s16 =	spop (v2sf)  }
0x3b0: {  	s12 =	sshrl.u32 s16, $0x3  }
0x3b1: {  	p3 =	seq.s32 s12, s15  }
0x3b2: {  	s11 =	sadd.s32 @!p3 $0x1, s12  }
0x3b3: {  	s15 =	smulhi.u32 @!p3 $0x55555556, s11  }
0x3b4: {  	[sflag:s28] =	ssyncset.done $0x0  }
0x3b5: {  	[sflag:s28] =	ssyncadd.s32 $0xFFFFF000;
	s17 =	simm.s32 @!p3 $0x1;
	s15 =	smul.u32 @!p3 $0x3, s15  }
0x3b6: {  	_ =	swait.ge @!p3 [sflag:s17], $0x8000  }
0x3b7: {  	s21 =	smin.u32 @!p3 s11, $0x3FF;
	[sflag:s17] =	ssyncset.done @!p3 $0x0;
	s11 =	ssub.s32 @!p3 s11, s15  }
0x3b8: {  	[sflag:s17] =	ssyncadd.s32 @!p3 $0xFFFF8000;
	s15 =	sshll.u32 @!p3 s21, $0xC;
	s11 =	sshll.u32 @!p3 s11, $0xF  }
0x3b9: {  	s17 =	simm.s32 @!p3 $0x0;
	s15 =	sadd.s32 @!p3 s1, s15;
	s11 =	sor.u32 @!p3 $0x480, s11  }
0x3ba: {  	[tilespmem:s11], [sflag:$0x1] =	stream.linear.gather @!p3 [hbm4b:s15+s17], $0x8000, $0x38;
	[tilespmem:$0x184A0] =	vst v63  }
0x3bb: {  	p4 =	seq.s32 s6, $0x2;
	s11 =	sadd.s32 $0x1, s6  }
0x3bc: {  	s11 =	simm.s32 @p4 $0x0  }
0x3bd: {  	s11 =	smov.u32 @p3 s6  }
0x3be: {  	s17 =	sshll.u32 s16, $0x7;
	s21 =	sshll.u32 s11, $0x11  }
0x3bf: {  	s6 =	sand.u32 $0x380, s17;
	s15 =	sshra.s32 s21, $0x2  }
0x3c0: {  	s25 =	rddreg [dreg:$0xd];
	s15 =	sor.u32 s6, s15  }
0x3c1: {  	s6 =	sadd.s32 s2, s25;
	s15 =	sadd.s32 $0x480, s15  }
0x3c2: {  	s16 =	simm.s32 $0x80;
	s21 =	sadd.s32 $0x0, s6;
	s17 =	sadd.s32 $0x400, s15  }
.LBB2_57:
0x3c3: {  	[hbm4b:s21+s5] =	stream.linear.scatter [tilespmem:s15], [sflag:$0x2], $0x80, $0x38;
	[tilespmem:$0x184A0] =	vst v63  }
0x3c4: {  	s21 =	smov.u32 s16;
	s15 =	smov.u32 s17;
	p3 =	sne.s32 s16, $0xF80  }
.Ltmp27:
0x3c5: {  	s16 =	sadd.s32 $0x80, s16;
	(pc) =	sbr.rel @p3 .LBB2_57-.Ltmp27, $2  }
0x3c6: {  	_ =	sdelay $0x2  }
0x3c7: {  	s17 =	sadd.s32 $0x400, s17;
	s21 =	sadd.s32 s21, s6  }
0x3c8: {  	[hbm4b:s21+s5] =	stream.linear.scatter [tilespmem:s15], [sflag:$0x2], $0x80, $0x38;
	[tilespmem:$0x184A0] =	vst v63  }
0x3c9: {  	_ =	swait.ge [sflag:s28], $0x1000  }
0x3ca: {  	(v2sf) =	vpush v1, $0xC;
	_ =	sdelay $0xe  }
0x3cb: {  	s16 =	spop (v2sf)  }
0x3cc: {  	s15 =	sshrl.u32 s16, $0x3  }
0x3cd: {  	p3 =	seq.s32 s15, s12  }
0x3ce: {  	s6 =	sadd.s32 @!p3 $0x1, s15  }
0x3cf: {  	s12 =	smulhi.u32 @!p3 $0x55555556, s6  }
0x3d0: {  	[sflag:s28] =	ssyncset.done $0x0  }
0x3d1: {  	[sflag:s28] =	ssyncadd.s32 $0xFFFFF000;
	s17 =	simm.s32 @!p3 $0x1;
	s12 =	smul.u32 @!p3 $0x3, s12  }
0x3d2: {  	_ =	swait.ge @!p3 [sflag:s17], $0x8000  }
0x3d3: {  	s21 =	smin.u32 @!p3 s6, $0x3FF;
	[sflag:s17] =	ssyncset.done @!p3 $0x0;
	s6 =	ssub.s32 @!p3 s6, s12  }
0x3d4: {  	[sflag:s17] =	ssyncadd.s32 @!p3 $0xFFFF8000;
	s12 =	sshll.u32 @!p3 s21, $0xC;
	s6 =	sshll.u32 @!p3 s6, $0xF  }
0x3d5: {  	s17 =	simm.s32 @!p3 $0x0;
	s12 =	sadd.s32 @!p3 s1, s12;
	s6 =	sor.u32 @!p3 $0x480, s6  }
0x3d6: {  	[tilespmem:s6], [sflag:$0x1] =	stream.linear.gather @!p3 [hbm4b:s12+s17], $0x8000, $0x38;
	[tilespmem:$0x184A0] =	vst v63  }
0x3d7: {  	p4 =	seq.s32 s11, $0x2;
	s6 =	sadd.s32 $0x1, s11  }
0x3d8: {  	s6 =	simm.s32 @p4 $0x0  }
0x3d9: {  	s6 =	smov.u32 @p3 s11  }
0x3da: {  	s17 =	sshll.u32 s16, $0x7;
	s21 =	sshll.u32 s6, $0x11  }
0x3db: {  	s11 =	sand.u32 $0x380, s17;
	s12 =	sshra.s32 s21, $0x2  }
0x3dc: {  	s25 =	rddreg [dreg:$0xe];
	s12 =	sor.u32 s11, s12  }
0x3dd: {  	s11 =	sadd.s32 s2, s25;
	s12 =	sadd.s32 $0x480, s12  }
0x3de: {  	s16 =	simm.s32 $0x80;
	s21 =	sadd.s32 $0x0, s11;
	s17 =	sadd.s32 $0x400, s12  }
.LBB2_59:
0x3df: {  	[hbm4b:s21+s5] =	stream.linear.scatter [tilespmem:s12], [sflag:$0x2], $0x80, $0x38;
	[tilespmem:$0x184A0] =	vst v63  }
0x3e0: {  	s21 =	smov.u32 s16;
	s12 =	smov.u32 s17;
	p3 =	sne.s32 s16, $0xF80  }
.Ltmp28:
0x3e1: {  	s16 =	sadd.s32 $0x80, s16;
	(pc) =	sbr.rel @p3 .LBB2_59-.Ltmp28, $2  }
0x3e2: {  	_ =	sdelay $0x2  }
0x3e3: {  	s17 =	sadd.s32 $0x400, s17;
	s21 =	sadd.s32 s21, s11  }
0x3e4: {  	[hbm4b:s21+s5] =	stream.linear.scatter [tilespmem:s12], [sflag:$0x2], $0x80, $0x38;
	[tilespmem:$0x184A0] =	vst v63  }
0x3e5: {  	_ =	swait.ge [sflag:s28], $0x1000  }
0x3e6: {  	(v2sf) =	vpush v1, $0xD;
	_ =	sdelay $0xe  }
0x3e7: {  	s16 =	spop (v2sf)  }
0x3e8: {  	s12 =	sshrl.u32 s16, $0x3  }
0x3e9: {  	p3 =	seq.s32 s12, s15  }
0x3ea: {  	s11 =	sadd.s32 @!p3 $0x1, s12  }
0x3eb: {  	s15 =	smulhi.u32 @!p3 $0x55555556, s11  }
0x3ec: {  	[sflag:s28] =	ssyncset.done $0x0  }
0x3ed: {  	[sflag:s28] =	ssyncadd.s32 $0xFFFFF000;
	s17 =	simm.s32 @!p3 $0x1;
	s15 =	smul.u32 @!p3 $0x3, s15  }
0x3ee: {  	_ =	swait.ge @!p3 [sflag:s17], $0x8000  }
0x3ef: {  	s21 =	smin.u32 @!p3 s11, $0x3FF;
	[sflag:s17] =	ssyncset.done @!p3 $0x0;
	s11 =	ssub.s32 @!p3 s11, s15  }
0x3f0: {  	[sflag:s17] =	ssyncadd.s32 @!p3 $0xFFFF8000;
	s15 =	sshll.u32 @!p3 s21, $0xC;
	s11 =	sshll.u32 @!p3 s11, $0xF  }
0x3f1: {  	s17 =	simm.s32 @!p3 $0x0;
	s15 =	sadd.s32 @!p3 s1, s15;
	s11 =	sor.u32 @!p3 $0x480, s11  }
0x3f2: {  	[tilespmem:s11], [sflag:$0x1] =	stream.linear.gather @!p3 [hbm4b:s15+s17], $0x8000, $0x38;
	[tilespmem:$0x184A0] =	vst v63  }
0x3f3: {  	p4 =	seq.s32 s6, $0x2;
	s11 =	sadd.s32 $0x1, s6  }
0x3f4: {  	s11 =	simm.s32 @p4 $0x0  }
0x3f5: {  	s11 =	smov.u32 @p3 s6  }
0x3f6: {  	s17 =	sshll.u32 s16, $0x7;
	s21 =	sshll.u32 s11, $0x11  }
0x3f7: {  	s6 =	sand.u32 $0x380, s17;
	s15 =	sshra.s32 s21, $0x2  }
0x3f8: {  	s25 =	rddreg [dreg:$0xf];
	s15 =	sor.u32 s6, s15  }
0x3f9: {  	s6 =	sadd.s32 s2, s25;
	s15 =	sadd.s32 $0x480, s15  }
0x3fa: {  	s16 =	simm.s32 $0x80;
	s21 =	sadd.s32 $0x0, s6;
	s17 =	sadd.s32 $0x400, s15  }
.LBB2_61:
0x3fb: {  	[hbm4b:s21+s5] =	stream.linear.scatter [tilespmem:s15], [sflag:$0x2], $0x80, $0x38;
	[tilespmem:$0x184A0] =	vst v63  }
0x3fc: {  	s21 =	smov.u32 s16;
	s15 =	smov.u32 s17;
	p3 =	sne.s32 s16, $0xF80  }
.Ltmp29:
0x3fd: {  	s16 =	sadd.s32 $0x80, s16;
	(pc) =	sbr.rel @p3 .LBB2_61-.Ltmp29, $2  }
0x3fe: {  	_ =	sdelay $0x2  }
0x3ff: {  	s17 =	sadd.s32 $0x400, s17;
	s21 =	sadd.s32 s21, s6  }
0x400: {  	[hbm4b:s21+s5] =	stream.linear.scatter [tilespmem:s15], [sflag:$0x2], $0x80, $0x38;
	[tilespmem:$0x184A0] =	vst v63  }
0x401: {  	_ =	swait.ge [sflag:s28], $0x1000  }
0x402: {  	(v2sf) =	vpush v1, $0xE;
	_ =	sdelay $0xe  }
0x403: {  	s16 =	spop (v2sf)  }
0x404: {  	s6 =	sshrl.u32 s16, $0x3  }
0x405: {  	p3 =	seq.s32 s6, s12  }
0x406: {  	s12 =	sadd.s32 @!p3 $0x1, s6  }
0x407: {  	s15 =	smulhi.u32 @!p3 $0x55555556, s12  }
0x408: {  	[sflag:s28] =	ssyncset.done $0x0  }
0x409: {  	[sflag:s28] =	ssyncadd.s32 $0xFFFFF000;
	s17 =	simm.s32 @!p3 $0x1;
	s15 =	smul.u32 @!p3 $0x3, s15  }
0x40a: {  	_ =	swait.ge @!p3 [sflag:s17], $0x8000  }
0x40b: {  	s21 =	smin.u32 @!p3 s12, $0x3FF;
	[sflag:s17] =	ssyncset.done @!p3 $0x0;
	s12 =	ssub.s32 @!p3 s12, s15  }
0x40c: {  	[sflag:s17] =	ssyncadd.s32 @!p3 $0xFFFF8000;
	s15 =	sshll.u32 @!p3 s21, $0xC;
	s12 =	sshll.u32 @!p3 s12, $0xF  }
0x40d: {  	s17 =	simm.s32 @!p3 $0x0;
	s15 =	sadd.s32 @!p3 s1, s15;
	s12 =	sor.u32 @!p3 $0x480, s12  }
0x40e: {  	[tilespmem:s12], [sflag:$0x1] =	stream.linear.gather @!p3 [hbm4b:s15+s17], $0x8000, $0x38;
	[tilespmem:$0x184A0] =	vst v63  }
0x40f: {  	p4 =	seq.s32 s11, $0x2;
	s15 =	sadd.s32 $0x1, s11  }
0x410: {  	s15 =	simm.s32 @p4 $0x0  }
0x411: {  	s15 =	smov.u32 @p3 s11  }
0x412: {  	s17 =	sshll.u32 s16, $0x7;
	s21 =	sshll.u32 s15, $0x11  }
0x413: {  	s11 =	sand.u32 $0x380, s17;
	s12 =	sshra.s32 s21, $0x2  }
0x414: {  	s25 =	rddreg [dreg:$0x10];
	s12 =	sor.u32 s11, s12  }
0x415: {  	s11 =	sadd.s32 s2, s25;
	s12 =	sadd.s32 $0x480, s12  }
0x416: {  	s16 =	simm.s32 $0x80;
	s21 =	sadd.s32 $0x0, s11;
	s17 =	sadd.s32 $0x400, s12  }
.LBB2_63:
0x417: {  	[hbm4b:s21+s5] =	stream.linear.scatter [tilespmem:s12], [sflag:$0x2], $0x80, $0x38;
	[tilespmem:$0x184A0] =	vst v63  }
0x418: {  	s21 =	smov.u32 s16;
	s12 =	smov.u32 s17;
	p3 =	sne.s32 s16, $0xF80  }
.Ltmp30:
0x419: {  	s16 =	sadd.s32 $0x80, s16;
	(pc) =	sbr.rel @p3 .LBB2_63-.Ltmp30, $2  }
0x41a: {  	_ =	sdelay $0x2  }
0x41b: {  	s17 =	sadd.s32 $0x400, s17;
	s21 =	sadd.s32 s21, s11  }
0x41c: {  	[hbm4b:s21+s5] =	stream.linear.scatter [tilespmem:s12], [sflag:$0x2], $0x80, $0x38;
	[tilespmem:$0x184A0] =	vst v63  }
0x41d: {  	_ =	swait.ge [sflag:s28], $0x1000  }
0x41e: {  	(v2sf) =	vpush v1, $0xF;
	_ =	sdelay $0xe  }
0x41f: {  	s11 =	spop (v2sf)  }
0x420: {  	s12 =	sshrl.u32 s11, $0x3  }
0x421: {  	p3 =	seq.s32 s12, s6  }
0x422: {  	s6 =	sadd.s32 @!p3 $0x1, s12  }
0x423: {  	s16 =	smulhi.u32 @!p3 $0x55555556, s6  }
0x424: {  	[sflag:s28] =	ssyncset.done $0x0  }
0x425: {  	[sflag:s28] =	ssyncadd.s32 $0xFFFFF000;
	s17 =	simm.s32 @!p3 $0x1;
	s16 =	smul.u32 @!p3 $0x3, s16  }
0x426: {  	_ =	swait.ge @!p3 [sflag:s17], $0x8000  }
0x427: {  	[sflag:s17] =	ssyncset.done @!p3 $0x0;
	s16 =	ssub.s32 @!p3 s6, s16;
	s6 =	smin.u32 @!p3 s6, $0x3FF  }
0x428: {  	[sflag:s17] =	ssyncadd.s32 @!p3 $0xFFFF8000;
	s6 =	sshll.u32 @!p3 s6, $0xC;
	s16 =	sshll.u32 @!p3 s16, $0xF  }
0x429: {  	s17 =	simm.s32 @!p3 $0x0;
	s16 =	sor.u32 @!p3 $0x480, s16;
	s6 =	sadd.s32 @!p3 s1, s6  }
0x42a: {  	[tilespmem:s16], [sflag:$0x1] =	stream.linear.gather @!p3 [hbm4b:s6+s17], $0x8000, $0x38;
	[tilespmem:$0x184A0] =	vst v63  }
0x42b: {  	p4 =	seq.s32 s15, $0x2;
	s6 =	sadd.s32 $0x1, s15  }
0x42c: {  	s6 =	simm.s32 @p4 $0x0  }
0x42d: {  	s6 =	smov.u32 @p3 s15  }
0x42e: {  	s11 =	sshll.u32 s11, $0x7;
	s15 =	sshll.u32 s6, $0x11  }
0x42f: {  	s11 =	sand.u32 $0x380, s11;
	s15 =	sshra.s32 s15, $0x2  }
0x430: {  	s25 =	rddreg [dreg:$0x11];
	s11 =	sor.u32 s11, s15  }
0x431: {  	s2 =	sadd.s32 s2, s25;
	s11 =	sadd.s32 $0x480, s11  }
0x432: {  	s17 =	sadd.s32 $0x0, s2;
	s15 =	simm.s32 $0x80;
	s16 =	sadd.s32 $0x400, s11  }
.LBB2_65:
0x433: {  	[hbm4b:s17+s5] =	stream.linear.scatter [tilespmem:s11], [sflag:$0x2], $0x80, $0x38;
	[tilespmem:$0x184A0] =	vst v63  }
0x434: {  	s17 =	smov.u32 s15;
	s11 =	smov.u32 s16;
	p3 =	sne.s32 s15, $0xF80  }
.Ltmp31:
0x435: {  	s15 =	sadd.s32 $0x80, s15;
	(pc) =	sbr.rel @p3 .LBB2_65-.Ltmp31, $2  }
0x436: {  	_ =	sdelay $0x2  }
0x437: {  	s16 =	sadd.s32 $0x400, s16;
	s17 =	sadd.s32 s17, s2  }
0x438: {  	[hbm4b:s17+s5] =	stream.linear.scatter [tilespmem:s11], [sflag:$0x2], $0x80, $0x38;
	[tilespmem:$0x184A0] =	vst v63  }
0x439: {  	_ =	swait.ge [sflag:s28], $0x1000  }
0x43a: {  	(v2sf) =	vpush v0, $0xF;
	_ =	sdelay $0x9  }
0x43b: {  	s9 =	sadd.s32 $0x1, s9  }
0x43c: {  	p3 =	sne.s32 s9, $0x10  }
.Ltmp32:
0x43d: {  	_ = 	snop;
	(pc) =	sbr.rel @p3 .LBB2_34-.Ltmp32, $3  }
0x43e: {  	_ =	sdelay $0x1  }
0x43f: {  	[sflag:s28] =	ssyncset.done $0x0;
	s2 =	spop (v2sf)  }
0x440: {  	[sflag:s28] =	ssyncadd.s32 $0xFFFFF000;
	s10 =	sadd.s32 s10, s2  }
0x441: {  	_ =	swait.ge [sflag:s28], $0x1000  }
0x442: {  	[sflag:s28] =	ssyncset.done $0x0  }
0x443: {  	[sflag:s28] =	ssyncadd.s32 $0xFFFFF000  }
0x444: {  	_ =	swait.ge [sflag:s28], $0x1000  }
0x445: {  	[sflag:s28] =	ssyncset.done $0x0  }
0x446: {  	[sflag:s28] =	ssyncadd.s32 $0xFFFFF000  }
0x447: {  	_ =	swait.ge [sflag:s28], $0x1000  }
0x448: {  	[sflag:s28] =	ssyncset.done $0x0  }
0x449: {  	[sflag:s28] =	ssyncadd.s32 $0xFFFFF000  }
0x44a: {  	_ =	swait.ge [sflag:s28], $0x1000  }
0x44b: {  	[sflag:s28] =	ssyncset.done $0x0  }
0x44c: {  	[sflag:s28] =	ssyncadd.s32 $0xFFFFF000  }
0x44d: {  	_ =	swait.ge [sflag:s28], $0x1000  }
0x44e: {  	[sflag:s28] =	ssyncset.done $0x0  }
0x44f: {  	[sflag:s28] =	ssyncadd.s32 $0xFFFFF000  }
0x450: {  	_ =	swait.ge [sflag:s28], $0x1000  }
0x451: {  	[sflag:s28] =	ssyncset.done $0x0  }
0x452: {  	[sflag:s28] =	ssyncadd.s32 $0xFFFFF000  }
0x453: {  	_ =	swait.ge [sflag:s28], $0x1000  }
0x454: {  	[sflag:s28] =	ssyncset.done $0x0  }
0x455: {  	[sflag:s28] =	ssyncadd.s32 $0xFFFFF000  }
0x456: {  	_ =	swait.ge [sflag:s28], $0x1000  }
0x457: {  	[sflag:s28] =	ssyncset.done $0x0  }
0x458: {  	s21 =	simm.s32 $0x1;
	[sflag:s28] =	ssyncadd.s32 $0xFFFFF000  }
0x459: {  	_ =	swait.ge [sflag:s21], $0x8000  }
0x45a: {  	s6 =	rddreg [dreg:$0x13]  }
0x45b: {  	s2 =	rddreg [dreg:$0x12];
	s6 =	sadd.s32 $0x1, s6  }
0x45c: {  	p3 =	sne.s32 s6, s2  }
.Ltmp33:
0x45d: {  	_ = 	snop;
	(pc) =	sbr.rel @p3 .LBB2_1-.Ltmp33, $3  }
0x45e: {  	_ =	sdelay $0x1  }
0x45f: {  	[sflag:s21] =	ssyncset.done $0x0  }
0x460: {  	[sflag:s21] =	ssyncadd.s32 $0xFFFF8000  }
0x461: {  	_ =	sfence.sel $0x180000  }
0x462: {  	[bflag:$0x0] =	sbarrier.arrive $0xFFFF  }
0x463: {  	_ =	strace $0x90000047  }
0x464: {  	s0 =	stileid.u32;
	[bflag:$0x2] =	sbarrier.arrive $0xFFFF  }
0x465: {  	p0 =	sne.s32 s0, $0x0;
	s0 =	rddreg [dreg:$0x4]  }
0x466: {  	s0 =	sadd.s32 @!p0 $0x100000, s0  }
0x467: {  	[sflag:s0] =	ssyncadd.tile.s32 @!p0 $0x1;
	_ =	shalt  }
.Lfunc_end2:
_tile_overlayer_lowered:
.L_overlay_start_2:
0x468: {  	(tag) =	ssettag $0x2  }
0x469: {  	s0 =	rddreg [dreg:$0x0];
	s2 =	stileid.u32  }
0x46a: {  	s1 =	rddreg [dreg:$0x1];
	p0 =	sne.s32 s2, $0x0  }
0x46b: {  	s3 =	rddreg [dreg:$0x2];
	[bflag:$0x3] =	sbarrier.arrive $0xFFFF;
	s2 =	simm.s32 @!p0 $0x1C03  }
0x46c: {  	[timem:s3], [sflag:s2] =	dma.local @!p0 [hbm:s0], s1  }
0x46d: {  	s0 =	simm.s32 @!p0 $0x3  }
0x46e: {  	_ =	swait.ge @!p0 [sflag:s0], s1  }
0x46f: {  	s1 =	ssub.s32 @!p0 $0x0, s1;
	[sflag:s0] =	ssyncset.done @!p0 $0x0  }
0x470: {  	[sflag:s0] =	ssyncadd.s32 @!p0 s1  }
0x471: {  	[bflag:$0x3] =	sbarrier.arrive $0xFFFF  }
0x472: {  	_ =	shalt  }

</sc_bundles>
